<compile_context>
chip_gen: v7x
topology: tpu7x:2x2x1
jax: 0.10.2.dev20260603
libtpu: 0.0.44.dev20260713+nightly
codegen_flags: <defaults>
</compile_context>

<pallas_src>
import jax
import jax.numpy as jnp
from jax import lax
from jax.experimental import pallas as pl
from jax.experimental.pallas import tpu as pltpu
from jax.experimental.pallas import tpu_sc as plsc

N_NODES = 10000
N_EDGES = 320000
D_FEAT = 128

NC = 2
NS = 16
NW = NC * NS
L = 16

E_PER_W = N_EDGES // NW
CHUNK = 80
N_CHUNKS = E_PER_W // CHUNK
GROUPS = CHUNK // L
D_WORDS = D_FEAT // 2
W_UNROLL = 16
NB = 4


def _edge_scores_body(x_hbm, src_hbm, dst_hbm, out_hbm,
                      idxu_all, idxv_all, xs, *bufs):
    hu = bufs[0:NB]
    hv = bufs[NB:2 * NB]
    outb = bufs[2 * NB:3 * NB]
    sem_u = bufs[3 * NB:4 * NB]
    sem_v = bufs[4 * NB:5 * NB]
    sem_o = bufs[5 * NB:6 * NB]

    wid = lax.axis_index("s") * NC + lax.axis_index("c")
    w_base = wid * E_PER_W
    lane = lax.broadcasted_iota(jnp.int32, (L,), 0)

    pltpu.async_copy(src_hbm.at[pl.ds(w_base, E_PER_W)], idxu_all, sem_u[0])
    pltpu.async_copy(dst_hbm.at[pl.ds(w_base, E_PER_W)], idxv_all, sem_v[0])
    sid = lax.axis_index("s")
    rows = N_NODES // NS
    pltpu.sync_copy(x_hbm.at[pl.ds(sid * rows, rows)],
                    xs.at[pl.ds(sid * rows, rows)])
    pltpu.make_async_copy(
        src_hbm.at[pl.ds(w_base, E_PER_W)], idxu_all, sem_u[0]).wait()
    pltpu.make_async_copy(
        dst_hbm.at[pl.ds(w_base, E_PER_W)], idxv_all, sem_v[0]).wait()
    plsc.subcore_barrier()

    def issue(ci, b):
        off = ci * CHUNK
        pltpu.async_copy(
            xs.at[idxu_all.at[pl.ds(off, CHUNK)]], hu[b], sem_u[b])
        pltpu.async_copy(
            xs.at[idxv_all.at[pl.ds(off, CHUNK)]], hv[b], sem_v[b])

    def wait_gathers(b):
        pltpu.make_async_copy(
            xs.at[idxu_all.at[pl.ds(0, CHUNK)]], hu[b], sem_u[b]).wait()
        pltpu.make_async_copy(
            xs.at[idxv_all.at[pl.ds(0, CHUNK)]], hv[b], sem_v[b]).wait()

    def start_out(ci, b):
        base = w_base + ci * CHUNK
        pltpu.async_copy(outb[b], out_hbm.at[pl.ds(base, CHUNK)], sem_o[b])

    def wait_out(ci, b):
        base = w_base + ci * CHUNK
        pltpu.make_async_copy(
            outb[b], out_hbm.at[pl.ds(base, CHUNK)], sem_o[b]).wait()

    def compute(b):
        hub, hvb, outbb = hu[b], hv[b], outb[b]
        hi_mask = jnp.full((L,), -65536, jnp.int32)

        def group_body(g, c2):
            e0 = g * L
            e_vec = e0 + lane

            def w_block(wb, accs):
                acc0, acc1 = accs
                for dw in range(W_UNROLL):
                    w = wb * W_UNROLL + dw
                    w_vec = jnp.bitwise_and(lane + w, D_WORDS - 1)
                    cu = plsc.load_gather(hub, [e_vec, w_vec])
                    cv = plsc.load_gather(hvb, [e_vec, w_vec])
                    p = plsc.bitcast(cu, jnp.bfloat16) * plsc.bitcast(cv, jnp.bfloat16)
                    pw = plsc.bitcast(p, jnp.int32)
                    f_hi = plsc.bitcast(pw & hi_mask, jnp.float32)
                    f_lo = plsc.bitcast(lax.shift_left(pw, 16), jnp.float32)
                    acc0 = acc0 + f_hi
                    acc1 = acc1 + f_lo
                return acc0, acc1

            zero = jnp.zeros((L,), jnp.float32)
            acc0, acc1 = lax.fori_loop(
                0, D_WORDS // W_UNROLL, w_block, (zero, zero), unroll=False)
            score = acc0 + acc1
            outbb[pl.ds(e0, L)] = 1.0 / (1.0 + jnp.exp(-score))
            return c2

        lax.fori_loop(0, GROUPS, group_body, 0, unroll=False)

    for b in range(NB - 1):
        issue(b, b)

    def quad_body(i, carry):
        ci0 = NB * i
        for b in range(NB):
            ci = ci0 + b

            @pl.when(ci + NB - 1 <= N_CHUNKS - 1)
            def _():
                issue(ci + NB - 1, (b + NB - 1) % NB)

            wait_gathers(b)

            @pl.when(ci >= NB)
            def _():
                wait_out(ci - NB, b)

            compute(b)
            start_out(ci, b)
        return carry

    lax.fori_loop(0, (N_CHUNKS - 1) // NB, quad_body, 0, unroll=False)

    last = N_CHUNKS - 1
    lb = last % NB
    wait_gathers(lb)
    wait_out(last - NB, lb)
    compute(lb)
    start_out(last, lb)
    for ci in range(last - NB + 1, last + 1):
        wait_out(ci, ci % NB)


@jax.jit
def _edge_scores(x, src, dst):
    mesh = plsc.VectorSubcoreMesh(core_axis_name="c", subcore_axis_name="s")
    fn = pl.kernel(
        _edge_scores_body,
        mesh=mesh,
        compiler_params=pltpu.CompilerParams(
            needs_layout_passes=False, use_tc_tiling_on_sc=False),
        out_type=jax.ShapeDtypeStruct((N_EDGES,), jnp.float32),
        scratch_types=[
            pltpu.VMEM((E_PER_W,), jnp.int32),
            pltpu.VMEM((E_PER_W,), jnp.int32),
            pltpu.VMEM_SHARED((N_NODES, D_WORDS), jnp.int32),
            *[pltpu.VMEM((CHUNK, D_WORDS), jnp.int32) for _ in range(2 * NB)],
            *[pltpu.VMEM((CHUNK,), jnp.float32) for _ in range(NB)],
            *[pltpu.SemaphoreType.DMA for _ in range(3 * NB)],
        ],
    )
    return fn(x, src, dst)


def kernel(x, edge_index):
    src = edge_index[0]
    dst = edge_index[1]
    xw = lax.bitcast_convert_type(
        x.astype(jnp.bfloat16).reshape(N_NODES, D_WORDS, 2), jnp.int32)
    return _edge_scores(xw, src, dst)

# --- scband reference (transcript-rebuilt; emitter-appended) ---
"""Pipeline reference for scband-edge-predictor-30399778521307 (READ-ONLY COPY).

The authoritative reference and input builder live on the scoring server;
editing this copy changes nothing except your own understanding.
"""

import jax, jax.numpy as jnp
import numpy as np

N_NODES = 10000
N_EDGES = 320000
D_FEAT = 128


def setup_inputs(seed: int = 0) -> dict:
    key = jax.random.key(seed)
    k1, k2 = jax.random.split(key)
    x = jax.random.normal(k1, (N_NODES, D_FEAT), dtype=jnp.float32)
    edge_index = jax.random.randint(k2, (2, N_EDGES), 0, N_NODES, dtype=jnp.int32)
    return {"x": x, "edge_index": edge_index}


def reference(x, edge_index):
    # DGL u_dot_v('h','h','score'): for each edge (u, v), score = <h_u, h_v>.
    # Then CONTRASTIVE loss_type applies sigmoid activation, and the
    # forward takes scores[:, 0] (dot product produces shape [E, 1]).
    src = edge_index[0]
    dst = edge_index[1]
    h_u = jnp.take(x, src, axis=0)   # gather src node features  [E, D]
    h_v = jnp.take(x, dst, axis=0)   # gather dst node features  [E, D]
    score = jnp.sum(h_u * h_v, axis=-1, keepdims=True)  # u_dot_v -> [E, 1]
    scores = score[:, 0]                                 # [E]
    scores = jax.nn.sigmoid(scores)                      # CONTRASTIVE activation
    return scores

if __name__ == "__main__":
    import jax
    _d = setup_inputs()
    print(jax.jit(kernel)(*tuple(_d.values())))

</pallas_src>

<mosaic_0001>
#map = affine_map<(d0, d1) -> (0, 0)>
#map1 = affine_map<(d0, d1) -> (0)>
module attributes {stable_mosaic.version = 14 : i64} {
  func.func @_edge_scores_body(%arg0: i32, %arg1: i32, %arg2: memref<10000x64xi32, #tpu.memory_space<hbm>>, %arg3: memref<320000xi32, #tpu.memory_space<hbm>>, %arg4: memref<320000xi32, #tpu.memory_space<hbm>>, %arg5: memref<320000xf32, #tpu.memory_space<hbm>>, %arg6: memref<10000xi32, #tpu.memory_space<vmem>>, %arg7: memref<10000xi32, #tpu.memory_space<vmem>>, %arg8: memref<10000x64xi32, #tpu.memory_space<vmem_shared>>, %arg9: memref<80x64xi32, #tpu.memory_space<vmem>>, %arg10: memref<80x64xi32, #tpu.memory_space<vmem>>, %arg11: memref<80x64xi32, #tpu.memory_space<vmem>>, %arg12: memref<80x64xi32, #tpu.memory_space<vmem>>, %arg13: memref<80x64xi32, #tpu.memory_space<vmem>>, %arg14: memref<80x64xi32, #tpu.memory_space<vmem>>, %arg15: memref<80x64xi32, #tpu.memory_space<vmem>>, %arg16: memref<80x64xi32, #tpu.memory_space<vmem>>, %arg17: memref<80xf32, #tpu.memory_space<vmem>>, %arg18: memref<80xf32, #tpu.memory_space<vmem>>, %arg19: memref<80xf32, #tpu.memory_space<vmem>>, %arg20: memref<80xf32, #tpu.memory_space<vmem>>, %arg21: memref<!tpu.dma_semaphore, #tpu.memory_space<semaphore_mem>>, %arg22: memref<!tpu.dma_semaphore, #tpu.memory_space<semaphore_mem>>, %arg23: memref<!tpu.dma_semaphore, #tpu.memory_space<semaphore_mem>>, %arg24: memref<!tpu.dma_semaphore, #tpu.memory_space<semaphore_mem>>, %arg25: memref<!tpu.dma_semaphore, #tpu.memory_space<semaphore_mem>>, %arg26: memref<!tpu.dma_semaphore, #tpu.memory_space<semaphore_mem>>, %arg27: memref<!tpu.dma_semaphore, #tpu.memory_space<semaphore_mem>>, %arg28: memref<!tpu.dma_semaphore, #tpu.memory_space<semaphore_mem>>, %arg29: memref<!tpu.dma_semaphore, #tpu.memory_space<semaphore_mem>>, %arg30: memref<!tpu.dma_semaphore, #tpu.memory_space<semaphore_mem>>, %arg31: memref<!tpu.dma_semaphore, #tpu.memory_space<semaphore_mem>>, %arg32: memref<!tpu.dma_semaphore, #tpu.memory_space<semaphore_mem>>) attributes {dimension_semantics = [#tpu.dimension_semantics<core_parallel>, #tpu.dimension_semantics<subcore_parallel>], iteration_bounds = array<i64: 2, 16>, scalar_prefetch = 0 : i64, scratch_operands = 27 : i64, tpu.core_type = #tpu.core_type<sc_vector_subcore>, window_params = [{transform_indices = #map}, {transform_indices = #map1}, {transform_indices = #map1}, {transform_indices = #map1}]} {
    %mul3A = arith.constant 2 : i32
    %mul3A_0 = arith.muli %arg1, %mul3A : i32
    %add3A = arith.addi %mul3A_0, %arg0 : i32
    %mul3A_1 = arith.constant 10000 : i32
    %mul3A_2 = arith.muli %add3A, %mul3A_1 : i32
    %iota3A = tpu.iota {dimensions = array<i32: 0>} : vector<16xi32>
    %dma_start3A = tpu.memref_slice %arg3[%mul3A_2] : memref<320000xi32, #tpu.memory_space<hbm>> -> memref<10000xi32, #tpu.memory_space<hbm>>
    %dma_start3A_3 = tpu.memref_slice %arg3[%mul3A_2] : memref<320000xi32, #tpu.memory_space<hbm>> -> memref<10000xi32, #tpu.memory_space<hbm>>
    tpu.enqueue_dma source(%dma_start3A_3 : memref<10000xi32, #tpu.memory_space<hbm>>) target(%arg6 : memref<10000xi32, #tpu.memory_space<vmem>>) target_semaphore(%arg21 : memref<!tpu.dma_semaphore, #tpu.memory_space<semaphore_mem>>)
    %dma_start3A_4 = tpu.memref_slice %arg4[%mul3A_2] : memref<320000xi32, #tpu.memory_space<hbm>> -> memref<10000xi32, #tpu.memory_space<hbm>>
    %dma_start3A_5 = tpu.memref_slice %arg4[%mul3A_2] : memref<320000xi32, #tpu.memory_space<hbm>> -> memref<10000xi32, #tpu.memory_space<hbm>>
    tpu.enqueue_dma source(%dma_start3A_5 : memref<10000xi32, #tpu.memory_space<hbm>>) target(%arg7 : memref<10000xi32, #tpu.memory_space<vmem>>) target_semaphore(%arg25 : memref<!tpu.dma_semaphore, #tpu.memory_space<semaphore_mem>>)
    %mul3A_6 = arith.constant 625 : i32
    %mul3A_7 = arith.muli %arg1, %mul3A_6 : i32
    %mul3A_8 = arith.constant 625 : i32
    %mul3A_9 = arith.muli %arg1, %mul3A_8 : i32
    "tpu.region"() ({
      %run_scoped3A = tpu.sem_alloc : memref<!tpu.dma_semaphore, #tpu.memory_space<semaphore_mem>>
      %dma_start3A_89 = arith.constant 0 : i32
      %dma_start3A_90 = tpu.memref_slice %arg8[%mul3A_9, %dma_start3A_89] : memref<10000x64xi32, #tpu.memory_space<vmem_shared>> -> memref<625x64xi32, #tpu.memory_space<vmem_shared>>
      %dma_start3A_91 = arith.constant 0 : i32
      %dma_start3A_92 = tpu.memref_slice %arg2[%mul3A_7, %dma_start3A_91] : memref<10000x64xi32, #tpu.memory_space<hbm>> -> memref<625x64xi32, #tpu.memory_space<hbm>>
      tpu.enqueue_dma source(%dma_start3A_92 : memref<625x64xi32, #tpu.memory_space<hbm>>) target(%dma_start3A_90 : memref<625x64xi32, #tpu.memory_space<vmem_shared>>) target_semaphore(%run_scoped3A : memref<!tpu.dma_semaphore, #tpu.memory_space<semaphore_mem>>)
      %dma_wait3A_93 = arith.constant 0 : i32
      %dma_wait3A_94 = tpu.memref_slice %arg8[%mul3A_9, %dma_wait3A_93] : memref<10000x64xi32, #tpu.memory_space<vmem_shared>> -> memref<625x64xi32, #tpu.memory_space<vmem_shared>>
      %dma_wait3A_95 = arith.constant 0 : i32
      %dma_wait3A_96 = tpu.memref_slice %arg2[%mul3A_7, %dma_wait3A_95] : memref<10000x64xi32, #tpu.memory_space<hbm>> -> memref<625x64xi32, #tpu.memory_space<hbm>>
      tpu.wait_dma2 semaphore(%run_scoped3A : memref<!tpu.dma_semaphore, #tpu.memory_space<semaphore_mem>>) src(%dma_wait3A_96 : memref<625x64xi32, #tpu.memory_space<hbm>>) dst(%dma_wait3A_94 : memref<625x64xi32, #tpu.memory_space<vmem_shared>>)
      tpu.yield
    }) : () -> ()
    %dma_wait3A = tpu.memref_slice %arg3[%mul3A_2] : memref<320000xi32, #tpu.memory_space<hbm>> -> memref<10000xi32, #tpu.memory_space<hbm>>
    %dma_wait3A_10 = tpu.memref_slice %arg3[%mul3A_2] : memref<320000xi32, #tpu.memory_space<hbm>> -> memref<10000xi32, #tpu.memory_space<hbm>>
    tpu.wait_dma2 semaphore(%arg21 : memref<!tpu.dma_semaphore, #tpu.memory_space<semaphore_mem>>) src(%dma_wait3A_10 : memref<10000xi32, #tpu.memory_space<hbm>>) dst(%arg6 : memref<10000xi32, #tpu.memory_space<vmem>>)
    %dma_wait3A_11 = tpu.memref_slice %arg4[%mul3A_2] : memref<320000xi32, #tpu.memory_space<hbm>> -> memref<10000xi32, #tpu.memory_space<hbm>>
    %dma_wait3A_12 = tpu.memref_slice %arg4[%mul3A_2] : memref<320000xi32, #tpu.memory_space<hbm>> -> memref<10000xi32, #tpu.memory_space<hbm>>
    tpu.wait_dma2 semaphore(%arg25 : memref<!tpu.dma_semaphore, #tpu.memory_space<semaphore_mem>>) src(%dma_wait3A_12 : memref<10000xi32, #tpu.memory_space<hbm>>) dst(%arg7 : memref<10000xi32, #tpu.memory_space<vmem>>)
    %barrier3A = arith.constant 0 : index
    tpu.barrier barrier_id(%barrier3A)
    %dma_start3A_13 = arith.constant 0 : i32
    %dma_start3A_14 = tpu.memref_slice %arg6[%dma_start3A_13] : memref<10000xi32, #tpu.memory_space<vmem>> -> memref<80xi32, #tpu.memory_space<vmem>>
    %dma_start3A_15 = arith.constant 0 : i32
    %dma_start3A_16 = arith.constant 0 : i32
    %dma_start3A_17 = tpu.memref_slice %arg8[%dma_start3A_15, %dma_start3A_16] : memref<10000x64xi32, #tpu.memory_space<vmem_shared>> -> memref<10000x64xi32, #tpu.memory_space<vmem_shared>>
    tpu.enqueue_indirect_dma source(%dma_start3A_17 : memref<10000x64xi32, #tpu.memory_space<vmem_shared>>) target(%arg9 : memref<80x64xi32, #tpu.memory_space<vmem>>) offsets(%dma_start3A_14 : memref<80xi32, #tpu.memory_space<vmem>>) semaphore(%arg21 : memref<!tpu.dma_semaphore, #tpu.memory_space<semaphore_mem>>)
    %dma_start3A_18 = arith.constant 0 : i32
    %dma_start3A_19 = tpu.memref_slice %arg7[%dma_start3A_18] : memref<10000xi32, #tpu.memory_space<vmem>> -> memref<80xi32, #tpu.memory_space<vmem>>
    %dma_start3A_20 = arith.constant 0 : i32
    %dma_start3A_21 = arith.constant 0 : i32
    %dma_start3A_22 = tpu.memref_slice %arg8[%dma_start3A_20, %dma_start3A_21] : memref<10000x64xi32, #tpu.memory_space<vmem_shared>> -> memref<10000x64xi32, #tpu.memory_space<vmem_shared>>
    tpu.enqueue_indirect_dma source(%dma_start3A_22 : memref<10000x64xi32, #tpu.memory_space<vmem_shared>>) target(%arg13 : memref<80x64xi32, #tpu.memory_space<vmem>>) offsets(%dma_start3A_19 : memref<80xi32, #tpu.memory_space<vmem>>) semaphore(%arg25 : memref<!tpu.dma_semaphore, #tpu.memory_space<semaphore_mem>>)
    %dma_start3A_23 = arith.constant 80 : i32
    %dma_start3A_24 = tpu.memref_slice %arg6[%dma_start3A_23] : memref<10000xi32, #tpu.memory_space<vmem>> -> memref<80xi32, #tpu.memory_space<vmem>>
    %dma_start3A_25 = arith.constant 0 : i32
    %dma_start3A_26 = arith.constant 0 : i32
    %dma_start3A_27 = tpu.memref_slice %arg8[%dma_start3A_25, %dma_start3A_26] : memref<10000x64xi32, #tpu.memory_space<vmem_shared>> -> memref<10000x64xi32, #tpu.memory_space<vmem_shared>>
    tpu.enqueue_indirect_dma source(%dma_start3A_27 : memref<10000x64xi32, #tpu.memory_space<vmem_shared>>) target(%arg10 : memref<80x64xi32, #tpu.memory_space<vmem>>) offsets(%dma_start3A_24 : memref<80xi32, #tpu.memory_space<vmem>>) semaphore(%arg22 : memref<!tpu.dma_semaphore, #tpu.memory_space<semaphore_mem>>)
    %dma_start3A_28 = arith.constant 80 : i32
    %dma_start3A_29 = tpu.memref_slice %arg7[%dma_start3A_28] : memref<10000xi32, #tpu.memory_space<vmem>> -> memref<80xi32, #tpu.memory_space<vmem>>
    %dma_start3A_30 = arith.constant 0 : i32
    %dma_start3A_31 = arith.constant 0 : i32
    %dma_start3A_32 = tpu.memref_slice %arg8[%dma_start3A_30, %dma_start3A_31] : memref<10000x64xi32, #tpu.memory_space<vmem_shared>> -> memref<10000x64xi32, #tpu.memory_space<vmem_shared>>
    tpu.enqueue_indirect_dma source(%dma_start3A_32 : memref<10000x64xi32, #tpu.memory_space<vmem_shared>>) target(%arg14 : memref<80x64xi32, #tpu.memory_space<vmem>>) offsets(%dma_start3A_29 : memref<80xi32, #tpu.memory_space<vmem>>) semaphore(%arg26 : memref<!tpu.dma_semaphore, #tpu.memory_space<semaphore_mem>>)
    %dma_start3A_33 = arith.constant 160 : i32
    %dma_start3A_34 = tpu.memref_slice %arg6[%dma_start3A_33] : memref<10000xi32, #tpu.memory_space<vmem>> -> memref<80xi32, #tpu.memory_space<vmem>>
    %dma_start3A_35 = arith.constant 0 : i32
    %dma_start3A_36 = arith.constant 0 : i32
    %dma_start3A_37 = tpu.memref_slice %arg8[%dma_start3A_35, %dma_start3A_36] : memref<10000x64xi32, #tpu.memory_space<vmem_shared>> -> memref<10000x64xi32, #tpu.memory_space<vmem_shared>>
    tpu.enqueue_indirect_dma source(%dma_start3A_37 : memref<10000x64xi32, #tpu.memory_space<vmem_shared>>) target(%arg11 : memref<80x64xi32, #tpu.memory_space<vmem>>) offsets(%dma_start3A_34 : memref<80xi32, #tpu.memory_space<vmem>>) semaphore(%arg23 : memref<!tpu.dma_semaphore, #tpu.memory_space<semaphore_mem>>)
    %dma_start3A_38 = arith.constant 160 : i32
    %dma_start3A_39 = tpu.memref_slice %arg7[%dma_start3A_38] : memref<10000xi32, #tpu.memory_space<vmem>> -> memref<80xi32, #tpu.memory_space<vmem>>
    %dma_start3A_40 = arith.constant 0 : i32
    %dma_start3A_41 = arith.constant 0 : i32
    %dma_start3A_42 = tpu.memref_slice %arg8[%dma_start3A_40, %dma_start3A_41] : memref<10000x64xi32, #tpu.memory_space<vmem_shared>> -> memref<10000x64xi32, #tpu.memory_space<vmem_shared>>
    tpu.enqueue_indirect_dma source(%dma_start3A_42 : memref<10000x64xi32, #tpu.memory_space<vmem_shared>>) target(%arg15 : memref<80x64xi32, #tpu.memory_space<vmem>>) offsets(%dma_start3A_39 : memref<80xi32, #tpu.memory_space<vmem>>) semaphore(%arg27 : memref<!tpu.dma_semaphore, #tpu.memory_space<semaphore_mem>>)
    %scan3A = arith.constant 0 : i32
    %scan3A_43 = arith.constant 0 : i32
    %scan3A_44 = arith.constant 31 : i32
    %scan3A_45 = arith.addi %scan3A_43, %scan3A_44 : i32
    %scan3A_46 = arith.constant 1 : i32
    scf.for %scan3A_89 = %scan3A_43 to %scan3A_45 step %scan3A_46  : i32 {
      %mul3A_90 = arith.constant 4 : i32
      %mul3A_91 = arith.muli %mul3A_90, %scan3A_89 : i32
      %add3A_92 = arith.constant 0 : i32
      %add3A_93 = arith.addi %mul3A_91, %add3A_92 : i32
      %add3A_94 = arith.constant 4 : i32
      %add3A_95 = arith.addi %add3A_93, %add3A_94 : i32
      %sub3A = arith.constant 1 : i32
      %sub3A_96 = arith.subi %add3A_95, %sub3A : i32
      %le3A = arith.constant 124 : i32
      %le3A_97 = arith.cmpi sle, %sub3A_96, %le3A : i32
      %convert_element_type3A = arith.extui %le3A_97 : i1 to i32
      %cond3A = arith.constant 0 : i32
      %cond3A_98 = arith.cmpi ne, %convert_element_type3A, %cond3A : i32
      scf.if %cond3A_98 {
        %add3A_243 = arith.constant 4 : i32
        %add3A_244 = arith.addi %add3A_93, %add3A_243 : i32
        %sub3A_245 = arith.constant 1 : i32
        %sub3A_246 = arith.subi %add3A_244, %sub3A_245 : i32
        %mul3A_247 = arith.constant 80 : i32
        %mul3A_248 = arith.muli %sub3A_246, %mul3A_247 : i32
        %dma_start3A_249 = tpu.memref_slice %arg6[%mul3A_248] : memref<10000xi32, #tpu.memory_space<vmem>> -> memref<80xi32, #tpu.memory_space<vmem>>
        %dma_start3A_250 = arith.constant 0 : i32
        %dma_start3A_251 = arith.constant 0 : i32
        %dma_start3A_252 = tpu.memref_slice %arg8[%dma_start3A_250, %dma_start3A_251] : memref<10000x64xi32, #tpu.memory_space<vmem_shared>> -> memref<10000x64xi32, #tpu.memory_space<vmem_shared>>
        tpu.enqueue_indirect_dma source(%dma_start3A_252 : memref<10000x64xi32, #tpu.memory_space<vmem_shared>>) target(%arg12 : memref<80x64xi32, #tpu.memory_space<vmem>>) offsets(%dma_start3A_249 : memref<80xi32, #tpu.memory_space<vmem>>) semaphore(%arg24 : memref<!tpu.dma_semaphore, #tpu.memory_space<semaphore_mem>>)
        %dma_start3A_253 = tpu.memref_slice %arg7[%mul3A_248] : memref<10000xi32, #tpu.memory_space<vmem>> -> memref<80xi32, #tpu.memory_space<vmem>>
        %dma_start3A_254 = arith.constant 0 : i32
        %dma_start3A_255 = arith.constant 0 : i32
        %dma_start3A_256 = tpu.memref_slice %arg8[%dma_start3A_254, %dma_start3A_255] : memref<10000x64xi32, #tpu.memory_space<vmem_shared>> -> memref<10000x64xi32, #tpu.memory_space<vmem_shared>>
        tpu.enqueue_indirect_dma source(%dma_start3A_256 : memref<10000x64xi32, #tpu.memory_space<vmem_shared>>) target(%arg16 : memref<80x64xi32, #tpu.memory_space<vmem>>) offsets(%dma_start3A_253 : memref<80xi32, #tpu.memory_space<vmem>>) semaphore(%arg28 : memref<!tpu.dma_semaphore, #tpu.memory_space<semaphore_mem>>)
      } else {
      }
      %dma_wait3A_99 = arith.constant 0 : i32
      %dma_wait3A_100 = tpu.memref_slice %arg6[%dma_wait3A_99] : memref<10000xi32, #tpu.memory_space<vmem>> -> memref<80xi32, #tpu.memory_space<vmem>>
      %dma_wait3A_101 = arith.constant 0 : i32
      %dma_wait3A_102 = arith.constant 0 : i32
      %dma_wait3A_103 = tpu.memref_slice %arg8[%dma_wait3A_101, %dma_wait3A_102] : memref<10000x64xi32, #tpu.memory_space<vmem_shared>> -> memref<10000x64xi32, #tpu.memory_space<vmem_shared>>
      tpu.wait_indirect_dma semaphore(%arg21 : memref<!tpu.dma_semaphore, #tpu.memory_space<semaphore_mem>>) src(%dma_wait3A_103 : memref<10000x64xi32, #tpu.memory_space<vmem_shared>>) dst(%arg9 : memref<80x64xi32, #tpu.memory_space<vmem>>)
      %dma_wait3A_104 = arith.constant 0 : i32
      %dma_wait3A_105 = tpu.memref_slice %arg7[%dma_wait3A_104] : memref<10000xi32, #tpu.memory_space<vmem>> -> memref<80xi32, #tpu.memory_space<vmem>>
      %dma_wait3A_106 = arith.constant 0 : i32
      %dma_wait3A_107 = arith.constant 0 : i32
      %dma_wait3A_108 = tpu.memref_slice %arg8[%dma_wait3A_106, %dma_wait3A_107] : memref<10000x64xi32, #tpu.memory_space<vmem_shared>> -> memref<10000x64xi32, #tpu.memory_space<vmem_shared>>
      tpu.wait_indirect_dma semaphore(%arg25 : memref<!tpu.dma_semaphore, #tpu.memory_space<semaphore_mem>>) src(%dma_wait3A_108 : memref<10000x64xi32, #tpu.memory_space<vmem_shared>>) dst(%arg13 : memref<80x64xi32, #tpu.memory_space<vmem>>)
      %ge3A = arith.constant 4 : i32
      %ge3A_109 = arith.cmpi sge, %add3A_93, %ge3A : i32
      %convert_element_type3A_110 = arith.extui %ge3A_109 : i1 to i32
      %cond3A_111 = arith.constant 0 : i32
      %cond3A_112 = arith.cmpi ne, %convert_element_type3A_110, %cond3A_111 : i32
      scf.if %cond3A_112 {
        %sub3A_243 = arith.constant 4 : i32
        %sub3A_244 = arith.subi %add3A_93, %sub3A_243 : i32
        %mul3A_245 = arith.constant 80 : i32
        %mul3A_246 = arith.muli %sub3A_244, %mul3A_245 : i32
        %add3A_247 = arith.addi %mul3A_2, %mul3A_246 : i32
        %dma_wait3A_248 = tpu.memref_slice %arg5[%add3A_247] : memref<320000xf32, #tpu.memory_space<hbm>> -> memref<80xf32, #tpu.memory_space<hbm>>
        %dma_wait3A_249 = tpu.memref_slice %arg5[%add3A_247] : memref<320000xf32, #tpu.memory_space<hbm>> -> memref<80xf32, #tpu.memory_space<hbm>>
        tpu.wait_dma2 semaphore(%arg29 : memref<!tpu.dma_semaphore, #tpu.memory_space<semaphore_mem>>) src(%arg17 : memref<80xf32, #tpu.memory_space<vmem>>) dst(%dma_wait3A_249 : memref<80xf32, #tpu.memory_space<hbm>>)
      } else {
      }
      %broadcast_in_dim3A_113 = arith.constant -65536 : i32
      %broadcast_in_dim3A_114 = vector.broadcast %broadcast_in_dim3A_113 : i32 to vector<16xi32>
      %scan3A_115 = arith.constant 0 : i32
      %scan3A_116 = arith.constant 0 : i32
      %scan3A_117 = arith.constant 5 : i32
      %scan3A_118 = arith.addi %scan3A_116, %scan3A_117 : i32
      %scan3A_119 = arith.constant 1 : i32
      scf.for %scan3A_243 = %scan3A_116 to %scan3A_118 step %scan3A_119  : i32 {
        %mul3A_244 = arith.constant 16 : i32
        %mul3A_245 = arith.muli %scan3A_243, %mul3A_244 : i32
        %add3A_246 = vector.broadcast %mul3A_245 : i32 to vector<16xi32>
        %add3A_247 = arith.addi %add3A_246, %iota3A : vector<16xi32>
        %broadcast_in_dim3A_248 = arith.constant 0.000000e+00 : f32
        %broadcast_in_dim3A_249 = vector.broadcast %broadcast_in_dim3A_248 : f32 to vector<16xf32>
        %scan3A_250 = arith.constant 0 : i32
        %scan3A_251 = arith.constant 4 : i32
        %scan3A_252 = arith.addi %scan3A_250, %scan3A_251 : i32
        %scan3A_253 = arith.constant 1 : i32
        %scan3A_254:2 = scf.for %scan3A_265 = %scan3A_250 to %scan3A_252 step %scan3A_253 iter_args(%scan3A_266 = %broadcast_in_dim3A_249, %scan3A_267 = %broadcast_in_dim3A_249) -> (vector<16xf32>, vector<16xf32>)  : i32 {
          %mul3A_268 = arith.constant 16 : i32
          %mul3A_269 = arith.muli %scan3A_265, %mul3A_268 : i32
          %add3A_270 = arith.constant 0 : i32
          %add3A_271 = arith.addi %mul3A_269, %add3A_270 : i32
          %add3A_272 = vector.broadcast %add3A_271 : i32 to vector<16xi32>
          %add3A_273 = arith.addi %iota3A, %add3A_272 : vector<16xi32>
          %and3A = arith.constant 63 : i32
          %and3A_274 = vector.broadcast %and3A : i32 to vector<16xi32>
          %and3A_275 = arith.andi %add3A_273, %and3A_274 : vector<16xi32>
          %gather3A = tpu.vector_load_idx %arg9[%add3A_247, %and3A_275] : memref<80x64xi32, #tpu.memory_space<vmem>>[vector<16xi32>, vector<16xi32>], vector<16xi32>,
          %gather3A_276 = tpu.vector_load_idx %arg13[%add3A_247, %and3A_275] : memref<80x64xi32, #tpu.memory_space<vmem>>[vector<16xi32>, vector<16xi32>], vector<16xi32>,
          %bitcast3A = vector.bitcast %gather3A : vector<16xi32> to vector<32xbf16>
          %bitcast3A_277 = vector.bitcast %gather3A_276 : vector<16xi32> to vector<32xbf16>
          %mul3A_278 = arith.mulf %bitcast3A, %bitcast3A_277 : vector<32xbf16>
          %bitcast3A_279 = vector.bitcast %mul3A_278 : vector<32xbf16> to vector<16xi32>
          %and3A_280 = arith.andi %bitcast3A_279, %broadcast_in_dim3A_114 : vector<16xi32>
          %bitcast3A_281 = vector.bitcast %and3A_280 : vector<16xi32> to vector<16xf32>
          %shift_left3A = arith.constant 16 : i32
          %shift_left3A_282 = vector.broadcast %shift_left3A : i32 to vector<16xi32>
          %shift_left3A_283 = arith.shli %bitcast3A_279, %shift_left3A_282 : vector<16xi32>
          %bitcast3A_284 = vector.bitcast %shift_left3A_283 : vector<16xi32> to vector<16xf32>
          %add3A_285 = arith.addf %scan3A_266, %bitcast3A_281 : vector<16xf32>
          %add3A_286 = arith.addf %scan3A_267, %bitcast3A_284 : vector<16xf32>
          %mul3A_287 = arith.constant 16 : i32
          %mul3A_288 = arith.muli %scan3A_265, %mul3A_287 : i32
          %add3A_289 = arith.constant 1 : i32
          %add3A_290 = arith.addi %mul3A_288, %add3A_289 : i32
          %add3A_291 = vector.broadcast %add3A_290 : i32 to vector<16xi32>
          %add3A_292 = arith.addi %iota3A, %add3A_291 : vector<16xi32>
          %and3A_293 = arith.constant 63 : i32
          %and3A_294 = vector.broadcast %and3A_293 : i32 to vector<16xi32>
          %and3A_295 = arith.andi %add3A_292, %and3A_294 : vector<16xi32>
          %gather3A_296 = tpu.vector_load_idx %arg9[%add3A_247, %and3A_295] : memref<80x64xi32, #tpu.memory_space<vmem>>[vector<16xi32>, vector<16xi32>], vector<16xi32>,
          %gather3A_297 = tpu.vector_load_idx %arg13[%add3A_247, %and3A_295] : memref<80x64xi32, #tpu.memory_space<vmem>>[vector<16xi32>, vector<16xi32>], vector<16xi32>,
          %bitcast3A_298 = vector.bitcast %gather3A_296 : vector<16xi32> to vector<32xbf16>
          %bitcast3A_299 = vector.bitcast %gather3A_297 : vector<16xi32> to vector<32xbf16>
          %mul3A_300 = arith.mulf %bitcast3A_298, %bitcast3A_299 : vector<32xbf16>
          %bitcast3A_301 = vector.bitcast %mul3A_300 : vector<32xbf16> to vector<16xi32>
          %and3A_302 = arith.andi %bitcast3A_301, %broadcast_in_dim3A_114 : vector<16xi32>
          %bitcast3A_303 = vector.bitcast %and3A_302 : vector<16xi32> to vector<16xf32>
          %shift_left3A_304 = arith.constant 16 : i32
          %shift_left3A_305 = vector.broadcast %shift_left3A_304 : i32 to vector<16xi32>
          %shift_left3A_306 = arith.shli %bitcast3A_301, %shift_left3A_305 : vector<16xi32>
          %bitcast3A_307 = vector.bitcast %shift_left3A_306 : vector<16xi32> to vector<16xf32>
          %add3A_308 = arith.addf %add3A_285, %bitcast3A_303 : vector<16xf32>
          %add3A_309 = arith.addf %add3A_286, %bitcast3A_307 : vector<16xf32>
          %mul3A_310 = arith.constant 16 : i32
          %mul3A_311 = arith.muli %scan3A_265, %mul3A_310 : i32
          %add3A_312 = arith.constant 2 : i32
          %add3A_313 = arith.addi %mul3A_311, %add3A_312 : i32
          %add3A_314 = vector.broadcast %add3A_313 : i32 to vector<16xi32>
          %add3A_315 = arith.addi %iota3A, %add3A_314 : vector<16xi32>
          %and3A_316 = arith.constant 63 : i32
          %and3A_317 = vector.broadcast %and3A_316 : i32 to vector<16xi32>
          %and3A_318 = arith.andi %add3A_315, %and3A_317 : vector<16xi32>
          %gather3A_319 = tpu.vector_load_idx %arg9[%add3A_247, %and3A_318] : memref<80x64xi32, #tpu.memory_space<vmem>>[vector<16xi32>, vector<16xi32>], vector<16xi32>,
          %gather3A_320 = tpu.vector_load_idx %arg13[%add3A_247, %and3A_318] : memref<80x64xi32, #tpu.memory_space<vmem>>[vector<16xi32>, vector<16xi32>], vector<16xi32>,
          %bitcast3A_321 = vector.bitcast %gather3A_319 : vector<16xi32> to vector<32xbf16>
          %bitcast3A_322 = vector.bitcast %gather3A_320 : vector<16xi32> to vector<32xbf16>
          %mul3A_323 = arith.mulf %bitcast3A_321, %bitcast3A_322 : vector<32xbf16>
          %bitcast3A_324 = vector.bitcast %mul3A_323 : vector<32xbf16> to vector<16xi32>
          %and3A_325 = arith.andi %bitcast3A_324, %broadcast_in_dim3A_114 : vector<16xi32>
          %bitcast3A_326 = vector.bitcast %and3A_325 : vector<16xi32> to vector<16xf32>
          %shift_left3A_327 = arith.constant 16 : i32
          %shift_left3A_328 = vector.broadcast %shift_left3A_327 : i32 to vector<16xi32>
          %shift_left3A_329 = arith.shli %bitcast3A_324, %shift_left3A_328 : vector<16xi32>
          %bitcast3A_330 = vector.bitcast %shift_left3A_329 : vector<16xi32> to vector<16xf32>
          %add3A_331 = arith.addf %add3A_308, %bitcast3A_326 : vector<16xf32>
          %add3A_332 = arith.addf %add3A_309, %bitcast3A_330 : vector<16xf32>
          %mul3A_333 = arith.constant 16 : i32
          %mul3A_334 = arith.muli %scan3A_265, %mul3A_333 : i32
          %add3A_335 = arith.constant 3 : i32
          %add3A_336 = arith.addi %mul3A_334, %add3A_335 : i32
          %add3A_337 = vector.broadcast %add3A_336 : i32 to vector<16xi32>
          %add3A_338 = arith.addi %iota3A, %add3A_337 : vector<16xi32>
          %and3A_339 = arith.constant 63 : i32
          %and3A_340 = vector.broadcast %and3A_339 : i32 to vector<16xi32>
          %and3A_341 = arith.andi %add3A_338, %and3A_340 : vector<16xi32>
          %gather3A_342 = tpu.vector_load_idx %arg9[%add3A_247, %and3A_341] : memref<80x64xi32, #tpu.memory_space<vmem>>[vector<16xi32>, vector<16xi32>], vector<16xi32>,
          %gather3A_343 = tpu.vector_load_idx %arg13[%add3A_247, %and3A_341] : memref<80x64xi32, #tpu.memory_space<vmem>>[vector<16xi32>, vector<16xi32>], vector<16xi32>,
          %bitcast3A_344 = vector.bitcast %gather3A_342 : vector<16xi32> to vector<32xbf16>
          %bitcast3A_345 = vector.bitcast %gather3A_343 : vector<16xi32> to vector<32xbf16>
          %mul3A_346 = arith.mulf %bitcast3A_344, %bitcast3A_345 : vector<32xbf16>
          %bitcast3A_347 = vector.bitcast %mul3A_346 : vector<32xbf16> to vector<16xi32>
          %and3A_348 = arith.andi %bitcast3A_347, %broadcast_in_dim3A_114 : vector<16xi32>
          %bitcast3A_349 = vector.bitcast %and3A_348 : vector<16xi32> to vector<16xf32>
          %shift_left3A_350 = arith.constant 16 : i32
          %shift_left3A_351 = vector.broadcast %shift_left3A_350 : i32 to vector<16xi32>
          %shift_left3A_352 = arith.shli %bitcast3A_347, %shift_left3A_351 : vector<16xi32>
          %bitcast3A_353 = vector.bitcast %shift_left3A_352 : vector<16xi32> to vector<16xf32>
          %add3A_354 = arith.addf %add3A_331, %bitcast3A_349 : vector<16xf32>
          %add3A_355 = arith.addf %add3A_332, %bitcast3A_353 : vector<16xf32>
          %mul3A_356 = arith.constant 16 : i32
          %mul3A_357 = arith.muli %scan3A_265, %mul3A_356 : i32
          %add3A_358 = arith.constant 4 : i32
          %add3A_359 = arith.addi %mul3A_357, %add3A_358 : i32
          %add3A_360 = vector.broadcast %add3A_359 : i32 to vector<16xi32>
          %add3A_361 = arith.addi %iota3A, %add3A_360 : vector<16xi32>
          %and3A_362 = arith.constant 63 : i32
          %and3A_363 = vector.broadcast %and3A_362 : i32 to vector<16xi32>
          %and3A_364 = arith.andi %add3A_361, %and3A_363 : vector<16xi32>
          %gather3A_365 = tpu.vector_load_idx %arg9[%add3A_247, %and3A_364] : memref<80x64xi32, #tpu.memory_space<vmem>>[vector<16xi32>, vector<16xi32>], vector<16xi32>,
          %gather3A_366 = tpu.vector_load_idx %arg13[%add3A_247, %and3A_364] : memref<80x64xi32, #tpu.memory_space<vmem>>[vector<16xi32>, vector<16xi32>], vector<16xi32>,
          %bitcast3A_367 = vector.bitcast %gather3A_365 : vector<16xi32> to vector<32xbf16>
          %bitcast3A_368 = vector.bitcast %gather3A_366 : vector<16xi32> to vector<32xbf16>
          %mul3A_369 = arith.mulf %bitcast3A_367, %bitcast3A_368 : vector<32xbf16>
          %bitcast3A_370 = vector.bitcast %mul3A_369 : vector<32xbf16> to vector<16xi32>
          %and3A_371 = arith.andi %bitcast3A_370, %broadcast_in_dim3A_114 : vector<16xi32>
          %bitcast3A_372 = vector.bitcast %and3A_371 : vector<16xi32> to vector<16xf32>
          %shift_left3A_373 = arith.constant 16 : i32
          %shift_left3A_374 = vector.broadcast %shift_left3A_373 : i32 to vector<16xi32>
          %shift_left3A_375 = arith.shli %bitcast3A_370, %shift_left3A_374 : vector<16xi32>
          %bitcast3A_376 = vector.bitcast %shift_left3A_375 : vector<16xi32> to vector<16xf32>
          %add3A_377 = arith.addf %add3A_354, %bitcast3A_372 : vector<16xf32>
          %add3A_378 = arith.addf %add3A_355, %bitcast3A_376 : vector<16xf32>
          %mul3A_379 = arith.constant 16 : i32
          %mul3A_380 = arith.muli %scan3A_265, %mul3A_379 : i32
          %add3A_381 = arith.constant 5 : i32
          %add3A_382 = arith.addi %mul3A_380, %add3A_381 : i32
          %add3A_383 = vector.broadcast %add3A_382 : i32 to vector<16xi32>
          %add3A_384 = arith.addi %iota3A, %add3A_383 : vector<16xi32>
          %and3A_385 = arith.constant 63 : i32
          %and3A_386 = vector.broadcast %and3A_385 : i32 to vector<16xi32>
          %and3A_387 = arith.andi %add3A_384, %and3A_386 : vector<16xi32>
          %gather3A_388 = tpu.vector_load_idx %arg9[%add3A_247, %and3A_387] : memref<80x64xi32, #tpu.memory_space<vmem>>[vector<16xi32>, vector<16xi32>], vector<16xi32>,
          %gather3A_389 = tpu.vector_load_idx %arg13[%add3A_247, %and3A_387] : memref<80x64xi32, #tpu.memory_space<vmem>>[vector<16xi32>, vector<16xi32>], vector<16xi32>,
          %bitcast3A_390 = vector.bitcast %gather3A_388 : vector<16xi32> to vector<32xbf16>
          %bitcast3A_391 = vector.bitcast %gather3A_389 : vector<16xi32> to vector<32xbf16>
          %mul3A_392 = arith.mulf %bitcast3A_390, %bitcast3A_391 : vector<32xbf16>
          %bitcast3A_393 = vector.bitcast %mul3A_392 : vector<32xbf16> to vector<16xi32>
          %and3A_394 = arith.andi %bitcast3A_393, %broadcast_in_dim3A_114 : vector<16xi32>
          %bitcast3A_395 = vector.bitcast %and3A_394 : vector<16xi32> to vector<16xf32>
          %shift_left3A_396 = arith.constant 16 : i32
          %shift_left3A_397 = vector.broadcast %shift_left3A_396 : i32 to vector<16xi32>
          %shift_left3A_398 = arith.shli %bitcast3A_393, %shift_left3A_397 : vector<16xi32>
          %bitcast3A_399 = vector.bitcast %shift_left3A_398 : vector<16xi32> to vector<16xf32>
          %add3A_400 = arith.addf %add3A_377, %bitcast3A_395 : vector<16xf32>
          %add3A_401 = arith.addf %add3A_378, %bitcast3A_399 : vector<16xf32>
          %mul3A_402 = arith.constant 16 : i32
          %mul3A_403 = arith.muli %scan3A_265, %mul3A_402 : i32
          %add3A_404 = arith.constant 6 : i32
          %add3A_405 = arith.addi %mul3A_403, %add3A_404 : i32
          %add3A_406 = vector.broadcast %add3A_405 : i32 to vector<16xi32>
          %add3A_407 = arith.addi %iota3A, %add3A_406 : vector<16xi32>
          %and3A_408 = arith.constant 63 : i32
          %and3A_409 = vector.broadcast %and3A_408 : i32 to vector<16xi32>
          %and3A_410 = arith.andi %add3A_407, %and3A_409 : vector<16xi32>
          %gather3A_411 = tpu.vector_load_idx %arg9[%add3A_247, %and3A_410] : memref<80x64xi32, #tpu.memory_space<vmem>>[vector<16xi32>, vector<16xi32>], vector<16xi32>,
          %gather3A_412 = tpu.vector_load_idx %arg13[%add3A_247, %and3A_410] : memref<80x64xi32, #tpu.memory_space<vmem>>[vector<16xi32>, vector<16xi32>], vector<16xi32>,
          %bitcast3A_413 = vector.bitcast %gather3A_411 : vector<16xi32> to vector<32xbf16>
          %bitcast3A_414 = vector.bitcast %gather3A_412 : vector<16xi32> to vector<32xbf16>
          %mul3A_415 = arith.mulf %bitcast3A_413, %bitcast3A_414 : vector<32xbf16>
          %bitcast3A_416 = vector.bitcast %mul3A_415 : vector<32xbf16> to vector<16xi32>
          %and3A_417 = arith.andi %bitcast3A_416, %broadcast_in_dim3A_114 : vector<16xi32>
          %bitcast3A_418 = vector.bitcast %and3A_417 : vector<16xi32> to vector<16xf32>
          %shift_left3A_419 = arith.constant 16 : i32
          %shift_left3A_420 = vector.broadcast %shift_left3A_419 : i32 to vector<16xi32>
          %shift_left3A_421 = arith.shli %bitcast3A_416, %shift_left3A_420 : vector<16xi32>
          %bitcast3A_422 = vector.bitcast %shift_left3A_421 : vector<16xi32> to vector<16xf32>
          %add3A_423 = arith.addf %add3A_400, %bitcast3A_418 : vector<16xf32>
          %add3A_424 = arith.addf %add3A_401, %bitcast3A_422 : vector<16xf32>
          %mul3A_425 = arith.constant 16 : i32
          %mul3A_426 = arith.muli %scan3A_265, %mul3A_425 : i32
          %add3A_427 = arith.constant 7 : i32
          %add3A_428 = arith.addi %mul3A_426, %add3A_427 : i32
          %add3A_429 = vector.broadcast %add3A_428 : i32 to vector<16xi32>
          %add3A_430 = arith.addi %iota3A, %add3A_429 : vector<16xi32>
          %and3A_431 = arith.constant 63 : i32
          %and3A_432 = vector.broadcast %and3A_431 : i32 to vector<16xi32>
          %and3A_433 = arith.andi %add3A_430, %and3A_432 : vector<16xi32>
          %gather3A_434 = tpu.vector_load_idx %arg9[%add3A_247, %and3A_433] : memref<80x64xi32, #tpu.memory_space<vmem>>[vector<16xi32>, vector<16xi32>], vector<16xi32>,
          %gather3A_435 = tpu.vector_load_idx %arg13[%add3A_247, %and3A_433] : memref<80x64xi32, #tpu.memory_space<vmem>>[vector<16xi32>, vector<16xi32>], vector<16xi32>,
          %bitcast3A_436 = vector.bitcast %gather3A_434 : vector<16xi32> to vector<32xbf16>
          %bitcast3A_437 = vector.bitcast %gather3A_435 : vector<16xi32> to vector<32xbf16>
          %mul3A_438 = arith.mulf %bitcast3A_436, %bitcast3A_437 : vector<32xbf16>
          %bitcast3A_439 = vector.bitcast %mul3A_438 : vector<32xbf16> to vector<16xi32>
          %and3A_440 = arith.andi %bitcast3A_439, %broadcast_in_dim3A_114 : vector<16xi32>
          %bitcast3A_441 = vector.bitcast %and3A_440 : vector<16xi32> to vector<16xf32>
          %shift_left3A_442 = arith.constant 16 : i32
          %shift_left3A_443 = vector.broadcast %shift_left3A_442 : i32 to vector<16xi32>
          %shift_left3A_444 = arith.shli %bitcast3A_439, %shift_left3A_443 : vector<16xi32>
          %bitcast3A_445 = vector.bitcast %shift_left3A_444 : vector<16xi32> to vector<16xf32>
          %add3A_446 = arith.addf %add3A_423, %bitcast3A_441 : vector<16xf32>
          %add3A_447 = arith.addf %add3A_424, %bitcast3A_445 : vector<16xf32>
          %mul3A_448 = arith.constant 16 : i32
          %mul3A_449 = arith.muli %scan3A_265, %mul3A_448 : i32
          %add3A_450 = arith.constant 8 : i32
          %add3A_451 = arith.addi %mul3A_449, %add3A_450 : i32
          %add3A_452 = vector.broadcast %add3A_451 : i32 to vector<16xi32>
          %add3A_453 = arith.addi %iota3A, %add3A_452 : vector<16xi32>
          %and3A_454 = arith.constant 63 : i32
          %and3A_455 = vector.broadcast %and3A_454 : i32 to vector<16xi32>
          %and3A_456 = arith.andi %add3A_453, %and3A_455 : vector<16xi32>
          %gather3A_457 = tpu.vector_load_idx %arg9[%add3A_247, %and3A_456] : memref<80x64xi32, #tpu.memory_space<vmem>>[vector<16xi32>, vector<16xi32>], vector<16xi32>,
          %gather3A_458 = tpu.vector_load_idx %arg13[%add3A_247, %and3A_456] : memref<80x64xi32, #tpu.memory_space<vmem>>[vector<16xi32>, vector<16xi32>], vector<16xi32>,
          %bitcast3A_459 = vector.bitcast %gather3A_457 : vector<16xi32> to vector<32xbf16>
          %bitcast3A_460 = vector.bitcast %gather3A_458 : vector<16xi32> to vector<32xbf16>
          %mul3A_461 = arith.mulf %bitcast3A_459, %bitcast3A_460 : vector<32xbf16>
          %bitcast3A_462 = vector.bitcast %mul3A_461 : vector<32xbf16> to vector<16xi32>
          %and3A_463 = arith.andi %bitcast3A_462, %broadcast_in_dim3A_114 : vector<16xi32>
          %bitcast3A_464 = vector.bitcast %and3A_463 : vector<16xi32> to vector<16xf32>
          %shift_left3A_465 = arith.constant 16 : i32
          %shift_left3A_466 = vector.broadcast %shift_left3A_465 : i32 to vector<16xi32>
          %shift_left3A_467 = arith.shli %bitcast3A_462, %shift_left3A_466 : vector<16xi32>
          %bitcast3A_468 = vector.bitcast %shift_left3A_467 : vector<16xi32> to vector<16xf32>
          %add3A_469 = arith.addf %add3A_446, %bitcast3A_464 : vector<16xf32>
          %add3A_470 = arith.addf %add3A_447, %bitcast3A_468 : vector<16xf32>
          %mul3A_471 = arith.constant 16 : i32
          %mul3A_472 = arith.muli %scan3A_265, %mul3A_471 : i32
          %add3A_473 = arith.constant 9 : i32
          %add3A_474 = arith.addi %mul3A_472, %add3A_473 : i32
          %add3A_475 = vector.broadcast %add3A_474 : i32 to vector<16xi32>
          %add3A_476 = arith.addi %iota3A, %add3A_475 : vector<16xi32>
          %and3A_477 = arith.constant 63 : i32
          %and3A_478 = vector.broadcast %and3A_477 : i32 to vector<16xi32>
          %and3A_479 = arith.andi %add3A_476, %and3A_478 : vector<16xi32>
          %gather3A_480 = tpu.vector_load_idx %arg9[%add3A_247, %and3A_479] : memref<80x64xi32, #tpu.memory_space<vmem>>[vector<16xi32>, vector<16xi32>], vector<16xi32>,
          %gather3A_481 = tpu.vector_load_idx %arg13[%add3A_247, %and3A_479] : memref<80x64xi32, #tpu.memory_space<vmem>>[vector<16xi32>, vector<16xi32>], vector<16xi32>,
          %bitcast3A_482 = vector.bitcast %gather3A_480 : vector<16xi32> to vector<32xbf16>
          %bitcast3A_483 = vector.bitcast %gather3A_481 : vector<16xi32> to vector<32xbf16>
          %mul3A_484 = arith.mulf %bitcast3A_482, %bitcast3A_483 : vector<32xbf16>
          %bitcast3A_485 = vector.bitcast %mul3A_484 : vector<32xbf16> to vector<16xi32>
          %and3A_486 = arith.andi %bitcast3A_485, %broadcast_in_dim3A_114 : vector<16xi32>
          %bitcast3A_487 = vector.bitcast %and3A_486 : vector<16xi32> to vector<16xf32>
          %shift_left3A_488 = arith.constant 16 : i32
          %shift_left3A_489 = vector.broadcast %shift_left3A_488 : i32 to vector<16xi32>
          %shift_left3A_490 = arith.shli %bitcast3A_485, %shift_left3A_489 : vector<16xi32>
          %bitcast3A_491 = vector.bitcast %shift_left3A_490 : vector<16xi32> to vector<16xf32>
          %add3A_492 = arith.addf %add3A_469, %bitcast3A_487 : vector<16xf32>
          %add3A_493 = arith.addf %add3A_470, %bitcast3A_491 : vector<16xf32>
          %mul3A_494 = arith.constant 16 : i32
          %mul3A_495 = arith.muli %scan3A_265, %mul3A_494 : i32
          %add3A_496 = arith.constant 10 : i32
          %add3A_497 = arith.addi %mul3A_495, %add3A_496 : i32
          %add3A_498 = vector.broadcast %add3A_497 : i32 to vector<16xi32>
          %add3A_499 = arith.addi %iota3A, %add3A_498 : vector<16xi32>
          %and3A_500 = arith.constant 63 : i32
          %and3A_501 = vector.broadcast %and3A_500 : i32 to vector<16xi32>
          %and3A_502 = arith.andi %add3A_499, %and3A_501 : vector<16xi32>
          %gather3A_503 = tpu.vector_load_idx %arg9[%add3A_247, %and3A_502] : memref<80x64xi32, #tpu.memory_space<vmem>>[vector<16xi32>, vector<16xi32>], vector<16xi32>,
          %gather3A_504 = tpu.vector_load_idx %arg13[%add3A_247, %and3A_502] : memref<80x64xi32, #tpu.memory_space<vmem>>[vector<16xi32>, vector<16xi32>], vector<16xi32>,
          %bitcast3A_505 = vector.bitcast %gather3A_503 : vector<16xi32> to vector<32xbf16>
          %bitcast3A_506 = vector.bitcast %gather3A_504 : vector<16xi32> to vector<32xbf16>
          %mul3A_507 = arith.mulf %bitcast3A_505, %bitcast3A_506 : vector<32xbf16>
          %bitcast3A_508 = vector.bitcast %mul3A_507 : vector<32xbf16> to vector<16xi32>
          %and3A_509 = arith.andi %bitcast3A_508, %broadcast_in_dim3A_114 : vector<16xi32>
          %bitcast3A_510 = vector.bitcast %and3A_509 : vector<16xi32> to vector<16xf32>
          %shift_left3A_511 = arith.constant 16 : i32
          %shift_left3A_512 = vector.broadcast %shift_left3A_511 : i32 to vector<16xi32>
          %shift_left3A_513 = arith.shli %bitcast3A_508, %shift_left3A_512 : vector<16xi32>
          %bitcast3A_514 = vector.bitcast %shift_left3A_513 : vector<16xi32> to vector<16xf32>
          %add3A_515 = arith.addf %add3A_492, %bitcast3A_510 : vector<16xf32>
          %add3A_516 = arith.addf %add3A_493, %bitcast3A_514 : vector<16xf32>
          %mul3A_517 = arith.constant 16 : i32
          %mul3A_518 = arith.muli %scan3A_265, %mul3A_517 : i32
          %add3A_519 = arith.constant 11 : i32
          %add3A_520 = arith.addi %mul3A_518, %add3A_519 : i32
          %add3A_521 = vector.broadcast %add3A_520 : i32 to vector<16xi32>
          %add3A_522 = arith.addi %iota3A, %add3A_521 : vector<16xi32>
          %and3A_523 = arith.constant 63 : i32
          %and3A_524 = vector.broadcast %and3A_523 : i32 to vector<16xi32>
          %and3A_525 = arith.andi %add3A_522, %and3A_524 : vector<16xi32>
          %gather3A_526 = tpu.vector_load_idx %arg9[%add3A_247, %and3A_525] : memref<80x64xi32, #tpu.memory_space<vmem>>[vector<16xi32>, vector<16xi32>], vector<16xi32>,
          %gather3A_527 = tpu.vector_load_idx %arg13[%add3A_247, %and3A_525] : memref<80x64xi32, #tpu.memory_space<vmem>>[vector<16xi32>, vector<16xi32>], vector<16xi32>,
          %bitcast3A_528 = vector.bitcast %gather3A_526 : vector<16xi32> to vector<32xbf16>
          %bitcast3A_529 = vector.bitcast %gather3A_527 : vector<16xi32> to vector<32xbf16>
          %mul3A_530 = arith.mulf %bitcast3A_528, %bitcast3A_529 : vector<32xbf16>
          %bitcast3A_531 = vector.bitcast %mul3A_530 : vector<32xbf16> to vector<16xi32>
          %and3A_532 = arith.andi %bitcast3A_531, %broadcast_in_dim3A_114 : vector<16xi32>
          %bitcast3A_533 = vector.bitcast %and3A_532 : vector<16xi32> to vector<16xf32>
          %shift_left3A_534 = arith.constant 16 : i32
          %shift_left3A_535 = vector.broadcast %shift_left3A_534 : i32 to vector<16xi32>
          %shift_left3A_536 = arith.shli %bitcast3A_531, %shift_left3A_535 : vector<16xi32>
          %bitcast3A_537 = vector.bitcast %shift_left3A_536 : vector<16xi32> to vector<16xf32>
          %add3A_538 = arith.addf %add3A_515, %bitcast3A_533 : vector<16xf32>
          %add3A_539 = arith.addf %add3A_516, %bitcast3A_537 : vector<16xf32>
          %mul3A_540 = arith.constant 16 : i32
          %mul3A_541 = arith.muli %scan3A_265, %mul3A_540 : i32
          %add3A_542 = arith.constant 12 : i32
          %add3A_543 = arith.addi %mul3A_541, %add3A_542 : i32
          %add3A_544 = vector.broadcast %add3A_543 : i32 to vector<16xi32>
          %add3A_545 = arith.addi %iota3A, %add3A_544 : vector<16xi32>
          %and3A_546 = arith.constant 63 : i32
          %and3A_547 = vector.broadcast %and3A_546 : i32 to vector<16xi32>
          %and3A_548 = arith.andi %add3A_545, %and3A_547 : vector<16xi32>
          %gather3A_549 = tpu.vector_load_idx %arg9[%add3A_247, %and3A_548] : memref<80x64xi32, #tpu.memory_space<vmem>>[vector<16xi32>, vector<16xi32>], vector<16xi32>,
          %gather3A_550 = tpu.vector_load_idx %arg13[%add3A_247, %and3A_548] : memref<80x64xi32, #tpu.memory_space<vmem>>[vector<16xi32>, vector<16xi32>], vector<16xi32>,
          %bitcast3A_551 = vector.bitcast %gather3A_549 : vector<16xi32> to vector<32xbf16>
          %bitcast3A_552 = vector.bitcast %gather3A_550 : vector<16xi32> to vector<32xbf16>
          %mul3A_553 = arith.mulf %bitcast3A_551, %bitcast3A_552 : vector<32xbf16>
          %bitcast3A_554 = vector.bitcast %mul3A_553 : vector<32xbf16> to vector<16xi32>
          %and3A_555 = arith.andi %bitcast3A_554, %broadcast_in_dim3A_114 : vector<16xi32>
          %bitcast3A_556 = vector.bitcast %and3A_555 : vector<16xi32> to vector<16xf32>
          %shift_left3A_557 = arith.constant 16 : i32
          %shift_left3A_558 = vector.broadcast %shift_left3A_557 : i32 to vector<16xi32>
          %shift_left3A_559 = arith.shli %bitcast3A_554, %shift_left3A_558 : vector<16xi32>
          %bitcast3A_560 = vector.bitcast %shift_left3A_559 : vector<16xi32> to vector<16xf32>
          %add3A_561 = arith.addf %add3A_538, %bitcast3A_556 : vector<16xf32>
          %add3A_562 = arith.addf %add3A_539, %bitcast3A_560 : vector<16xf32>
          %mul3A_563 = arith.constant 16 : i32
          %mul3A_564 = arith.muli %scan3A_265, %mul3A_563 : i32
          %add3A_565 = arith.constant 13 : i32
          %add3A_566 = arith.addi %mul3A_564, %add3A_565 : i32
          %add3A_567 = vector.broadcast %add3A_566 : i32 to vector<16xi32>
          %add3A_568 = arith.addi %iota3A, %add3A_567 : vector<16xi32>
          %and3A_569 = arith.constant 63 : i32
          %and3A_570 = vector.broadcast %and3A_569 : i32 to vector<16xi32>
          %and3A_571 = arith.andi %add3A_568, %and3A_570 : vector<16xi32>
          %gather3A_572 = tpu.vector_load_idx %arg9[%add3A_247, %and3A_571] : memref<80x64xi32, #tpu.memory_space<vmem>>[vector<16xi32>, vector<16xi32>], vector<16xi32>,
          %gather3A_573 = tpu.vector_load_idx %arg13[%add3A_247, %and3A_571] : memref<80x64xi32, #tpu.memory_space<vmem>>[vector<16xi32>, vector<16xi32>], vector<16xi32>,
          %bitcast3A_574 = vector.bitcast %gather3A_572 : vector<16xi32> to vector<32xbf16>
          %bitcast3A_575 = vector.bitcast %gather3A_573 : vector<16xi32> to vector<32xbf16>
          %mul3A_576 = arith.mulf %bitcast3A_574, %bitcast3A_575 : vector<32xbf16>
          %bitcast3A_577 = vector.bitcast %mul3A_576 : vector<32xbf16> to vector<16xi32>
          %and3A_578 = arith.andi %bitcast3A_577, %broadcast_in_dim3A_114 : vector<16xi32>
          %bitcast3A_579 = vector.bitcast %and3A_578 : vector<16xi32> to vector<16xf32>
          %shift_left3A_580 = arith.constant 16 : i32
          %shift_left3A_581 = vector.broadcast %shift_left3A_580 : i32 to vector<16xi32>
          %shift_left3A_582 = arith.shli %bitcast3A_577, %shift_left3A_581 : vector<16xi32>
          %bitcast3A_583 = vector.bitcast %shift_left3A_582 : vector<16xi32> to vector<16xf32>
          %add3A_584 = arith.addf %add3A_561, %bitcast3A_579 : vector<16xf32>
          %add3A_585 = arith.addf %add3A_562, %bitcast3A_583 : vector<16xf32>
          %mul3A_586 = arith.constant 16 : i32
          %mul3A_587 = arith.muli %scan3A_265, %mul3A_586 : i32
          %add3A_588 = arith.constant 14 : i32
          %add3A_589 = arith.addi %mul3A_587, %add3A_588 : i32
          %add3A_590 = vector.broadcast %add3A_589 : i32 to vector<16xi32>
          %add3A_591 = arith.addi %iota3A, %add3A_590 : vector<16xi32>
          %and3A_592 = arith.constant 63 : i32
          %and3A_593 = vector.broadcast %and3A_592 : i32 to vector<16xi32>
          %and3A_594 = arith.andi %add3A_591, %and3A_593 : vector<16xi32>
          %gather3A_595 = tpu.vector_load_idx %arg9[%add3A_247, %and3A_594] : memref<80x64xi32, #tpu.memory_space<vmem>>[vector<16xi32>, vector<16xi32>], vector<16xi32>,
          %gather3A_596 = tpu.vector_load_idx %arg13[%add3A_247, %and3A_594] : memref<80x64xi32, #tpu.memory_space<vmem>>[vector<16xi32>, vector<16xi32>], vector<16xi32>,
          %bitcast3A_597 = vector.bitcast %gather3A_595 : vector<16xi32> to vector<32xbf16>
          %bitcast3A_598 = vector.bitcast %gather3A_596 : vector<16xi32> to vector<32xbf16>
          %mul3A_599 = arith.mulf %bitcast3A_597, %bitcast3A_598 : vector<32xbf16>
          %bitcast3A_600 = vector.bitcast %mul3A_599 : vector<32xbf16> to vector<16xi32>
          %and3A_601 = arith.andi %bitcast3A_600, %broadcast_in_dim3A_114 : vector<16xi32>
          %bitcast3A_602 = vector.bitcast %and3A_601 : vector<16xi32> to vector<16xf32>
          %shift_left3A_603 = arith.constant 16 : i32
          %shift_left3A_604 = vector.broadcast %shift_left3A_603 : i32 to vector<16xi32>
          %shift_left3A_605 = arith.shli %bitcast3A_600, %shift_left3A_604 : vector<16xi32>
          %bitcast3A_606 = vector.bitcast %shift_left3A_605 : vector<16xi32> to vector<16xf32>
          %add3A_607 = arith.addf %add3A_584, %bitcast3A_602 : vector<16xf32>
          %add3A_608 = arith.addf %add3A_585, %bitcast3A_606 : vector<16xf32>
          %mul3A_609 = arith.constant 16 : i32
          %mul3A_610 = arith.muli %scan3A_265, %mul3A_609 : i32
          %add3A_611 = arith.constant 15 : i32
          %add3A_612 = arith.addi %mul3A_610, %add3A_611 : i32
          %add3A_613 = vector.broadcast %add3A_612 : i32 to vector<16xi32>
          %add3A_614 = arith.addi %iota3A, %add3A_613 : vector<16xi32>
          %and3A_615 = arith.constant 63 : i32
          %and3A_616 = vector.broadcast %and3A_615 : i32 to vector<16xi32>
          %and3A_617 = arith.andi %add3A_614, %and3A_616 : vector<16xi32>
          %gather3A_618 = tpu.vector_load_idx %arg9[%add3A_247, %and3A_617] : memref<80x64xi32, #tpu.memory_space<vmem>>[vector<16xi32>, vector<16xi32>], vector<16xi32>,
          %gather3A_619 = tpu.vector_load_idx %arg13[%add3A_247, %and3A_617] : memref<80x64xi32, #tpu.memory_space<vmem>>[vector<16xi32>, vector<16xi32>], vector<16xi32>,
          %bitcast3A_620 = vector.bitcast %gather3A_618 : vector<16xi32> to vector<32xbf16>
          %bitcast3A_621 = vector.bitcast %gather3A_619 : vector<16xi32> to vector<32xbf16>
          %mul3A_622 = arith.mulf %bitcast3A_620, %bitcast3A_621 : vector<32xbf16>
          %bitcast3A_623 = vector.bitcast %mul3A_622 : vector<32xbf16> to vector<16xi32>
          %and3A_624 = arith.andi %bitcast3A_623, %broadcast_in_dim3A_114 : vector<16xi32>
          %bitcast3A_625 = vector.bitcast %and3A_624 : vector<16xi32> to vector<16xf32>
          %shift_left3A_626 = arith.constant 16 : i32
          %shift_left3A_627 = vector.broadcast %shift_left3A_626 : i32 to vector<16xi32>
          %shift_left3A_628 = arith.shli %bitcast3A_623, %shift_left3A_627 : vector<16xi32>
          %bitcast3A_629 = vector.bitcast %shift_left3A_628 : vector<16xi32> to vector<16xf32>
          %add3A_630 = arith.addf %add3A_607, %bitcast3A_625 : vector<16xf32>
          %add3A_631 = arith.addf %add3A_608, %bitcast3A_629 : vector<16xf32>
          scf.yield %add3A_630, %add3A_631 : vector<16xf32>, vector<16xf32>
        }
        %scan3A_255 = arith.constant 4 : i32
        %add3A_256 = arith.addf %scan3A_254#0, %scan3A_254#1 : vector<16xf32>
        %neg3A = arith.constant 0.000000e+00 : f32
        %neg3A_257 = vector.broadcast %neg3A : f32 to vector<16xf32>
        %neg3A_258 = arith.subf %neg3A_257, %add3A_256 : vector<16xf32>
        %exp3A = math.exp %neg3A_258 : vector<16xf32>
        %add3A_259 = arith.constant 1.000000e+00 : f32
        %add3A_260 = vector.broadcast %add3A_259 : f32 to vector<16xf32>
        %add3A_261 = arith.addf %add3A_260, %exp3A : vector<16xf32>
        %div3A = arith.constant 1.000000e+00 : f32
        %div3A_262 = vector.broadcast %div3A : f32 to vector<16xf32>
        %div3A_263 = arith.divf %div3A_262, %add3A_261 : vector<16xf32>
        %swap3A = arith.index_cast %mul3A_245 : i32 to index
        %swap3A_264 = tpu.vector_load %arg17[%swap3A] {strides = array<i32>} : memref<80xf32, #tpu.memory_space<vmem>>, vector<16xf32>,
        tpu.vector_store %arg17[%swap3A], %div3A_263 {strides = array<i32>} : memref<80xf32, #tpu.memory_space<vmem>>, vector<16xf32>,
      }
      %scan3A_120 = arith.constant 5 : i32
      %mul3A_121 = arith.constant 80 : i32
      %mul3A_122 = arith.muli %add3A_93, %mul3A_121 : i32
      %add3A_123 = arith.addi %mul3A_2, %mul3A_122 : i32
      %dma_start3A_124 = tpu.memref_slice %arg5[%add3A_123] : memref<320000xf32, #tpu.memory_space<hbm>> -> memref<80xf32, #tpu.memory_space<hbm>>
      %dma_start3A_125 = tpu.memref_slice %arg5[%add3A_123] : memref<320000xf32, #tpu.memory_space<hbm>> -> memref<80xf32, #tpu.memory_space<hbm>>
      tpu.enqueue_dma source(%arg17 : memref<80xf32, #tpu.memory_space<vmem>>) target(%dma_start3A_125 : memref<80xf32, #tpu.memory_space<hbm>>) target_semaphore(%arg29 : memref<!tpu.dma_semaphore, #tpu.memory_space<semaphore_mem>>)
      %add3A_126 = arith.constant 1 : i32
      %add3A_127 = arith.addi %mul3A_91, %add3A_126 : i32
      %add3A_128 = arith.constant 4 : i32
      %add3A_129 = arith.addi %add3A_127, %add3A_128 : i32
      %sub3A_130 = arith.constant 1 : i32
      %sub3A_131 = arith.subi %add3A_129, %sub3A_130 : i32
      %le3A_132 = arith.constant 124 : i32
      %le3A_133 = arith.cmpi sle, %sub3A_131, %le3A_132 : i32
      %convert_element_type3A_134 = arith.extui %le3A_133 : i1 to i32
      %cond3A_135 = arith.constant 0 : i32
      %cond3A_136 = arith.cmpi ne, %convert_element_type3A_134, %cond3A_135 : i32
      scf.if %cond3A_136 {
        %add3A_243 = arith.constant 4 : i32
        %add3A_244 = arith.addi %add3A_127, %add3A_243 : i32
        %sub3A_245 = arith.constant 1 : i32
        %sub3A_246 = arith.subi %add3A_244, %sub3A_245 : i32
        %mul3A_247 = arith.constant 80 : i32
        %mul3A_248 = arith.muli %sub3A_246, %mul3A_247 : i32
        %dma_start3A_249 = tpu.memref_slice %arg6[%mul3A_248] : memref<10000xi32, #tpu.memory_space<vmem>> -> memref<80xi32, #tpu.memory_space<vmem>>
        %dma_start3A_250 = arith.constant 0 : i32
        %dma_start3A_251 = arith.constant 0 : i32
        %dma_start3A_252 = tpu.memref_slice %arg8[%dma_start3A_250, %dma_start3A_251] : memref<10000x64xi32, #tpu.memory_space<vmem_shared>> -> memref<10000x64xi32, #tpu.memory_space<vmem_shared>>
        tpu.enqueue_indirect_dma source(%dma_start3A_252 : memref<10000x64xi32, #tpu.memory_space<vmem_shared>>) target(%arg9 : memref<80x64xi32, #tpu.memory_space<vmem>>) offsets(%dma_start3A_249 : memref<80xi32, #tpu.memory_space<vmem>>) semaphore(%arg21 : memref<!tpu.dma_semaphore, #tpu.memory_space<semaphore_mem>>)
        %dma_start3A_253 = tpu.memref_slice %arg7[%mul3A_248] : memref<10000xi32, #tpu.memory_space<vmem>> -> memref<80xi32, #tpu.memory_space<vmem>>
        %dma_start3A_254 = arith.constant 0 : i32
        %dma_start3A_255 = arith.constant 0 : i32
        %dma_start3A_256 = tpu.memref_slice %arg8[%dma_start3A_254, %dma_start3A_255] : memref<10000x64xi32, #tpu.memory_space<vmem_shared>> -> memref<10000x64xi32, #tpu.memory_space<vmem_shared>>
        tpu.enqueue_indirect_dma source(%dma_start3A_256 : memref<10000x64xi32, #tpu.memory_space<vmem_shared>>) target(%arg13 : memref<80x64xi32, #tpu.memory_space<vmem>>) offsets(%dma_start3A_253 : memref<80xi32, #tpu.memory_space<vmem>>) semaphore(%arg25 : memref<!tpu.dma_semaphore, #tpu.memory_space<semaphore_mem>>)
      } else {
      }
      %dma_wait3A_137 = arith.constant 0 : i32
      %dma_wait3A_138 = tpu.memref_slice %arg6[%dma_wait3A_137] : memref<10000xi32, #tpu.memory_space<vmem>> -> memref<80xi32, #tpu.memory_space<vmem>>
      %dma_wait3A_139 = arith.constant 0 : i32
      %dma_wait3A_140 = arith.constant 0 : i32
      %dma_wait3A_141 = tpu.memref_slice %arg8[%dma_wait3A_139, %dma_wait3A_140] : memref<10000x64xi32, #tpu.memory_space<vmem_shared>> -> memref<10000x64xi32, #tpu.memory_space<vmem_shared>>
      tpu.wait_indirect_dma semaphore(%arg22 : memref<!tpu.dma_semaphore, #tpu.memory_space<semaphore_mem>>) src(%dma_wait3A_141 : memref<10000x64xi32, #tpu.memory_space<vmem_shared>>) dst(%arg10 : memref<80x64xi32, #tpu.memory_space<vmem>>)
      %dma_wait3A_142 = arith.constant 0 : i32
      %dma_wait3A_143 = tpu.memref_slice %arg7[%dma_wait3A_142] : memref<10000xi32, #tpu.memory_space<vmem>> -> memref<80xi32, #tpu.memory_space<vmem>>
      %dma_wait3A_144 = arith.constant 0 : i32
      %dma_wait3A_145 = arith.constant 0 : i32
      %dma_wait3A_146 = tpu.memref_slice %arg8[%dma_wait3A_144, %dma_wait3A_145] : memref<10000x64xi32, #tpu.memory_space<vmem_shared>> -> memref<10000x64xi32, #tpu.memory_space<vmem_shared>>
      tpu.wait_indirect_dma semaphore(%arg26 : memref<!tpu.dma_semaphore, #tpu.memory_space<semaphore_mem>>) src(%dma_wait3A_146 : memref<10000x64xi32, #tpu.memory_space<vmem_shared>>) dst(%arg14 : memref<80x64xi32, #tpu.memory_space<vmem>>)
      %ge3A_147 = arith.constant 4 : i32
      %ge3A_148 = arith.cmpi sge, %add3A_127, %ge3A_147 : i32
      %convert_element_type3A_149 = arith.extui %ge3A_148 : i1 to i32
      %cond3A_150 = arith.constant 0 : i32
      %cond3A_151 = arith.cmpi ne, %convert_element_type3A_149, %cond3A_150 : i32
      scf.if %cond3A_151 {
        %sub3A_243 = arith.constant 4 : i32
        %sub3A_244 = arith.subi %add3A_127, %sub3A_243 : i32
        %mul3A_245 = arith.constant 80 : i32
        %mul3A_246 = arith.muli %sub3A_244, %mul3A_245 : i32
        %add3A_247 = arith.addi %mul3A_2, %mul3A_246 : i32
        %dma_wait3A_248 = tpu.memref_slice %arg5[%add3A_247] : memref<320000xf32, #tpu.memory_space<hbm>> -> memref<80xf32, #tpu.memory_space<hbm>>
        %dma_wait3A_249 = tpu.memref_slice %arg5[%add3A_247] : memref<320000xf32, #tpu.memory_space<hbm>> -> memref<80xf32, #tpu.memory_space<hbm>>
        tpu.wait_dma2 semaphore(%arg30 : memref<!tpu.dma_semaphore, #tpu.memory_space<semaphore_mem>>) src(%arg18 : memref<80xf32, #tpu.memory_space<vmem>>) dst(%dma_wait3A_249 : memref<80xf32, #tpu.memory_space<hbm>>)
      } else {
      }
      %broadcast_in_dim3A_152 = arith.constant -65536 : i32
      %broadcast_in_dim3A_153 = vector.broadcast %broadcast_in_dim3A_152 : i32 to vector<16xi32>
      %scan3A_154 = arith.constant 0 : i32
      %scan3A_155 = arith.constant 0 : i32
      %scan3A_156 = arith.constant 5 : i32
      %scan3A_157 = arith.addi %scan3A_155, %scan3A_156 : i32
      %scan3A_158 = arith.constant 1 : i32
      scf.for %scan3A_243 = %scan3A_155 to %scan3A_157 step %scan3A_158  : i32 {
        %mul3A_244 = arith.constant 16 : i32
        %mul3A_245 = arith.muli %scan3A_243, %mul3A_244 : i32
        %add3A_246 = vector.broadcast %mul3A_245 : i32 to vector<16xi32>
        %add3A_247 = arith.addi %add3A_246, %iota3A : vector<16xi32>
        %broadcast_in_dim3A_248 = arith.constant 0.000000e+00 : f32
        %broadcast_in_dim3A_249 = vector.broadcast %broadcast_in_dim3A_248 : f32 to vector<16xf32>
        %scan3A_250 = arith.constant 0 : i32
        %scan3A_251 = arith.constant 4 : i32
        %scan3A_252 = arith.addi %scan3A_250, %scan3A_251 : i32
        %scan3A_253 = arith.constant 1 : i32
        %scan3A_254:2 = scf.for %scan3A_265 = %scan3A_250 to %scan3A_252 step %scan3A_253 iter_args(%scan3A_266 = %broadcast_in_dim3A_249, %scan3A_267 = %broadcast_in_dim3A_249) -> (vector<16xf32>, vector<16xf32>)  : i32 {
          %mul3A_268 = arith.constant 16 : i32
          %mul3A_269 = arith.muli %scan3A_265, %mul3A_268 : i32
          %add3A_270 = arith.constant 0 : i32
          %add3A_271 = arith.addi %mul3A_269, %add3A_270 : i32
          %add3A_272 = vector.broadcast %add3A_271 : i32 to vector<16xi32>
          %add3A_273 = arith.addi %iota3A, %add3A_272 : vector<16xi32>
          %and3A = arith.constant 63 : i32
          %and3A_274 = vector.broadcast %and3A : i32 to vector<16xi32>
          %and3A_275 = arith.andi %add3A_273, %and3A_274 : vector<16xi32>
          %gather3A = tpu.vector_load_idx %arg10[%add3A_247, %and3A_275] : memref<80x64xi32, #tpu.memory_space<vmem>>[vector<16xi32>, vector<16xi32>], vector<16xi32>,
          %gather3A_276 = tpu.vector_load_idx %arg14[%add3A_247, %and3A_275] : memref<80x64xi32, #tpu.memory_space<vmem>>[vector<16xi32>, vector<16xi32>], vector<16xi32>,
          %bitcast3A = vector.bitcast %gather3A : vector<16xi32> to vector<32xbf16>
          %bitcast3A_277 = vector.bitcast %gather3A_276 : vector<16xi32> to vector<32xbf16>
          %mul3A_278 = arith.mulf %bitcast3A, %bitcast3A_277 : vector<32xbf16>
          %bitcast3A_279 = vector.bitcast %mul3A_278 : vector<32xbf16> to vector<16xi32>
          %and3A_280 = arith.andi %bitcast3A_279, %broadcast_in_dim3A_153 : vector<16xi32>
          %bitcast3A_281 = vector.bitcast %and3A_280 : vector<16xi32> to vector<16xf32>
          %shift_left3A = arith.constant 16 : i32
          %shift_left3A_282 = vector.broadcast %shift_left3A : i32 to vector<16xi32>
          %shift_left3A_283 = arith.shli %bitcast3A_279, %shift_left3A_282 : vector<16xi32>
          %bitcast3A_284 = vector.bitcast %shift_left3A_283 : vector<16xi32> to vector<16xf32>
          %add3A_285 = arith.addf %scan3A_266, %bitcast3A_281 : vector<16xf32>
          %add3A_286 = arith.addf %scan3A_267, %bitcast3A_284 : vector<16xf32>
          %mul3A_287 = arith.constant 16 : i32
          %mul3A_288 = arith.muli %scan3A_265, %mul3A_287 : i32
          %add3A_289 = arith.constant 1 : i32
          %add3A_290 = arith.addi %mul3A_288, %add3A_289 : i32
          %add3A_291 = vector.broadcast %add3A_290 : i32 to vector<16xi32>
          %add3A_292 = arith.addi %iota3A, %add3A_291 : vector<16xi32>
          %and3A_293 = arith.constant 63 : i32
          %and3A_294 = vector.broadcast %and3A_293 : i32 to vector<16xi32>
          %and3A_295 = arith.andi %add3A_292, %and3A_294 : vector<16xi32>
          %gather3A_296 = tpu.vector_load_idx %arg10[%add3A_247, %and3A_295] : memref<80x64xi32, #tpu.memory_space<vmem>>[vector<16xi32>, vector<16xi32>], vector<16xi32>,
          %gather3A_297 = tpu.vector_load_idx %arg14[%add3A_247, %and3A_295] : memref<80x64xi32, #tpu.memory_space<vmem>>[vector<16xi32>, vector<16xi32>], vector<16xi32>,
          %bitcast3A_298 = vector.bitcast %gather3A_296 : vector<16xi32> to vector<32xbf16>
          %bitcast3A_299 = vector.bitcast %gather3A_297 : vector<16xi32> to vector<32xbf16>
          %mul3A_300 = arith.mulf %bitcast3A_298, %bitcast3A_299 : vector<32xbf16>
          %bitcast3A_301 = vector.bitcast %mul3A_300 : vector<32xbf16> to vector<16xi32>
          %and3A_302 = arith.andi %bitcast3A_301, %broadcast_in_dim3A_153 : vector<16xi32>
          %bitcast3A_303 = vector.bitcast %and3A_302 : vector<16xi32> to vector<16xf32>
          %shift_left3A_304 = arith.constant 16 : i32
          %shift_left3A_305 = vector.broadcast %shift_left3A_304 : i32 to vector<16xi32>
          %shift_left3A_306 = arith.shli %bitcast3A_301, %shift_left3A_305 : vector<16xi32>
          %bitcast3A_307 = vector.bitcast %shift_left3A_306 : vector<16xi32> to vector<16xf32>
          %add3A_308 = arith.addf %add3A_285, %bitcast3A_303 : vector<16xf32>
          %add3A_309 = arith.addf %add3A_286, %bitcast3A_307 : vector<16xf32>
          %mul3A_310 = arith.constant 16 : i32
          %mul3A_311 = arith.muli %scan3A_265, %mul3A_310 : i32
          %add3A_312 = arith.constant 2 : i32
          %add3A_313 = arith.addi %mul3A_311, %add3A_312 : i32
          %add3A_314 = vector.broadcast %add3A_313 : i32 to vector<16xi32>
          %add3A_315 = arith.addi %iota3A, %add3A_314 : vector<16xi32>
          %and3A_316 = arith.constant 63 : i32
          %and3A_317 = vector.broadcast %and3A_316 : i32 to vector<16xi32>
          %and3A_318 = arith.andi %add3A_315, %and3A_317 : vector<16xi32>
          %gather3A_319 = tpu.vector_load_idx %arg10[%add3A_247, %and3A_318] : memref<80x64xi32, #tpu.memory_space<vmem>>[vector<16xi32>, vector<16xi32>], vector<16xi32>,
          %gather3A_320 = tpu.vector_load_idx %arg14[%add3A_247, %and3A_318] : memref<80x64xi32, #tpu.memory_space<vmem>>[vector<16xi32>, vector<16xi32>], vector<16xi32>,
          %bitcast3A_321 = vector.bitcast %gather3A_319 : vector<16xi32> to vector<32xbf16>
          %bitcast3A_322 = vector.bitcast %gather3A_320 : vector<16xi32> to vector<32xbf16>
          %mul3A_323 = arith.mulf %bitcast3A_321, %bitcast3A_322 : vector<32xbf16>
          %bitcast3A_324 = vector.bitcast %mul3A_323 : vector<32xbf16> to vector<16xi32>
          %and3A_325 = arith.andi %bitcast3A_324, %broadcast_in_dim3A_153 : vector<16xi32>
          %bitcast3A_326 = vector.bitcast %and3A_325 : vector<16xi32> to vector<16xf32>
          %shift_left3A_327 = arith.constant 16 : i32
          %shift_left3A_328 = vector.broadcast %shift_left3A_327 : i32 to vector<16xi32>
          %shift_left3A_329 = arith.shli %bitcast3A_324, %shift_left3A_328 : vector<16xi32>
          %bitcast3A_330 = vector.bitcast %shift_left3A_329 : vector<16xi32> to vector<16xf32>
          %add3A_331 = arith.addf %add3A_308, %bitcast3A_326 : vector<16xf32>
          %add3A_332 = arith.addf %add3A_309, %bitcast3A_330 : vector<16xf32>
          %mul3A_333 = arith.constant 16 : i32
          %mul3A_334 = arith.muli %scan3A_265, %mul3A_333 : i32
          %add3A_335 = arith.constant 3 : i32
          %add3A_336 = arith.addi %mul3A_334, %add3A_335 : i32
          %add3A_337 = vector.broadcast %add3A_336 : i32 to vector<16xi32>
          %add3A_338 = arith.addi %iota3A, %add3A_337 : vector<16xi32>
          %and3A_339 = arith.constant 63 : i32
          %and3A_340 = vector.broadcast %and3A_339 : i32 to vector<16xi32>
          %and3A_341 = arith.andi %add3A_338, %and3A_340 : vector<16xi32>
          %gather3A_342 = tpu.vector_load_idx %arg10[%add3A_247, %and3A_341] : memref<80x64xi32, #tpu.memory_space<vmem>>[vector<16xi32>, vector<16xi32>], vector<16xi32>,
          %gather3A_343 = tpu.vector_load_idx %arg14[%add3A_247, %and3A_341] : memref<80x64xi32, #tpu.memory_space<vmem>>[vector<16xi32>, vector<16xi32>], vector<16xi32>,
          %bitcast3A_344 = vector.bitcast %gather3A_342 : vector<16xi32> to vector<32xbf16>
          %bitcast3A_345 = vector.bitcast %gather3A_343 : vector<16xi32> to vector<32xbf16>
          %mul3A_346 = arith.mulf %bitcast3A_344, %bitcast3A_345 : vector<32xbf16>
          %bitcast3A_347 = vector.bitcast %mul3A_346 : vector<32xbf16> to vector<16xi32>
          %and3A_348 = arith.andi %bitcast3A_347, %broadcast_in_dim3A_153 : vector<16xi32>
          %bitcast3A_349 = vector.bitcast %and3A_348 : vector<16xi32> to vector<16xf32>
          %shift_left3A_350 = arith.constant 16 : i32
          %shift_left3A_351 = vector.broadcast %shift_left3A_350 : i32 to vector<16xi32>
          %shift_left3A_352 = arith.shli %bitcast3A_347, %shift_left3A_351 : vector<16xi32>
          %bitcast3A_353 = vector.bitcast %shift_left3A_352 : vector<16xi32> to vector<16xf32>
          %add3A_354 = arith.addf %add3A_331, %bitcast3A_349 : vector<16xf32>
          %add3A_355 = arith.addf %add3A_332, %bitcast3A_353 : vector<16xf32>
          %mul3A_356 = arith.constant 16 : i32
          %mul3A_357 = arith.muli %scan3A_265, %mul3A_356 : i32
          %add3A_358 = arith.constant 4 : i32
          %add3A_359 = arith.addi %mul3A_357, %add3A_358 : i32
          %add3A_360 = vector.broadcast %add3A_359 : i32 to vector<16xi32>
          %add3A_361 = arith.addi %iota3A, %add3A_360 : vector<16xi32>
          %and3A_362 = arith.constant 63 : i32
          %and3A_363 = vector.broadcast %and3A_362 : i32 to vector<16xi32>
          %and3A_364 = arith.andi %add3A_361, %and3A_363 : vector<16xi32>
          %gather3A_365 = tpu.vector_load_idx %arg10[%add3A_247, %and3A_364] : memref<80x64xi32, #tpu.memory_space<vmem>>[vector<16xi32>, vector<16xi32>], vector<16xi32>,
          %gather3A_366 = tpu.vector_load_idx %arg14[%add3A_247, %and3A_364] : memref<80x64xi32, #tpu.memory_space<vmem>>[vector<16xi32>, vector<16xi32>], vector<16xi32>,
          %bitcast3A_367 = vector.bitcast %gather3A_365 : vector<16xi32> to vector<32xbf16>
          %bitcast3A_368 = vector.bitcast %gather3A_366 : vector<16xi32> to vector<32xbf16>
          %mul3A_369 = arith.mulf %bitcast3A_367, %bitcast3A_368 : vector<32xbf16>
          %bitcast3A_370 = vector.bitcast %mul3A_369 : vector<32xbf16> to vector<16xi32>
          %and3A_371 = arith.andi %bitcast3A_370, %broadcast_in_dim3A_153 : vector<16xi32>
          %bitcast3A_372 = vector.bitcast %and3A_371 : vector<16xi32> to vector<16xf32>
          %shift_left3A_373 = arith.constant 16 : i32
          %shift_left3A_374 = vector.broadcast %shift_left3A_373 : i32 to vector<16xi32>
          %shift_left3A_375 = arith.shli %bitcast3A_370, %shift_left3A_374 : vector<16xi32>
          %bitcast3A_376 = vector.bitcast %shift_left3A_375 : vector<16xi32> to vector<16xf32>
          %add3A_377 = arith.addf %add3A_354, %bitcast3A_372 : vector<16xf32>
          %add3A_378 = arith.addf %add3A_355, %bitcast3A_376 : vector<16xf32>
          %mul3A_379 = arith.constant 16 : i32
          %mul3A_380 = arith.muli %scan3A_265, %mul3A_379 : i32
          %add3A_381 = arith.constant 5 : i32
          %add3A_382 = arith.addi %mul3A_380, %add3A_381 : i32
          %add3A_383 = vector.broadcast %add3A_382 : i32 to vector<16xi32>
          %add3A_384 = arith.addi %iota3A, %add3A_383 : vector<16xi32>
          %and3A_385 = arith.constant 63 : i32
          %and3A_386 = vector.broadcast %and3A_385 : i32 to vector<16xi32>
          %and3A_387 = arith.andi %add3A_384, %and3A_386 : vector<16xi32>
          %gather3A_388 = tpu.vector_load_idx %arg10[%add3A_247, %and3A_387] : memref<80x64xi32, #tpu.memory_space<vmem>>[vector<16xi32>, vector<16xi32>], vector<16xi32>,
          %gather3A_389 = tpu.vector_load_idx %arg14[%add3A_247, %and3A_387] : memref<80x64xi32, #tpu.memory_space<vmem>>[vector<16xi32>, vector<16xi32>], vector<16xi32>,
          %bitcast3A_390 = vector.bitcast %gather3A_388 : vector<16xi32> to vector<32xbf16>
          %bitcast3A_391 = vector.bitcast %gather3A_389 : vector<16xi32> to vector<32xbf16>
          %mul3A_392 = arith.mulf %bitcast3A_390, %bitcast3A_391 : vector<32xbf16>
          %bitcast3A_393 = vector.bitcast %mul3A_392 : vector<32xbf16> to vector<16xi32>
          %and3A_394 = arith.andi %bitcast3A_393, %broadcast_in_dim3A_153 : vector<16xi32>
          %bitcast3A_395 = vector.bitcast %and3A_394 : vector<16xi32> to vector<16xf32>
          %shift_left3A_396 = arith.constant 16 : i32
          %shift_left3A_397 = vector.broadcast %shift_left3A_396 : i32 to vector<16xi32>
          %shift_left3A_398 = arith.shli %bitcast3A_393, %shift_left3A_397 : vector<16xi32>
          %bitcast3A_399 = vector.bitcast %shift_left3A_398 : vector<16xi32> to vector<16xf32>
          %add3A_400 = arith.addf %add3A_377, %bitcast3A_395 : vector<16xf32>
          %add3A_401 = arith.addf %add3A_378, %bitcast3A_399 : vector<16xf32>
          %mul3A_402 = arith.constant 16 : i32
          %mul3A_403 = arith.muli %scan3A_265, %mul3A_402 : i32
          %add3A_404 = arith.constant 6 : i32
          %add3A_405 = arith.addi %mul3A_403, %add3A_404 : i32
          %add3A_406 = vector.broadcast %add3A_405 : i32 to vector<16xi32>
          %add3A_407 = arith.addi %iota3A, %add3A_406 : vector<16xi32>
          %and3A_408 = arith.constant 63 : i32
          %and3A_409 = vector.broadcast %and3A_408 : i32 to vector<16xi32>
          %and3A_410 = arith.andi %add3A_407, %and3A_409 : vector<16xi32>
          %gather3A_411 = tpu.vector_load_idx %arg10[%add3A_247, %and3A_410] : memref<80x64xi32, #tpu.memory_space<vmem>>[vector<16xi32>, vector<16xi32>], vector<16xi32>,
          %gather3A_412 = tpu.vector_load_idx %arg14[%add3A_247, %and3A_410] : memref<80x64xi32, #tpu.memory_space<vmem>>[vector<16xi32>, vector<16xi32>], vector<16xi32>,
          %bitcast3A_413 = vector.bitcast %gather3A_411 : vector<16xi32> to vector<32xbf16>
          %bitcast3A_414 = vector.bitcast %gather3A_412 : vector<16xi32> to vector<32xbf16>
          %mul3A_415 = arith.mulf %bitcast3A_413, %bitcast3A_414 : vector<32xbf16>
          %bitcast3A_416 = vector.bitcast %mul3A_415 : vector<32xbf16> to vector<16xi32>
          %and3A_417 = arith.andi %bitcast3A_416, %broadcast_in_dim3A_153 : vector<16xi32>
          %bitcast3A_418 = vector.bitcast %and3A_417 : vector<16xi32> to vector<16xf32>
          %shift_left3A_419 = arith.constant 16 : i32
          %shift_left3A_420 = vector.broadcast %shift_left3A_419 : i32 to vector<16xi32>
          %shift_left3A_421 = arith.shli %bitcast3A_416, %shift_left3A_420 : vector<16xi32>
          %bitcast3A_422 = vector.bitcast %shift_left3A_421 : vector<16xi32> to vector<16xf32>
          %add3A_423 = arith.addf %add3A_400, %bitcast3A_418 : vector<16xf32>
          %add3A_424 = arith.addf %add3A_401, %bitcast3A_422 : vector<16xf32>
          %mul3A_425 = arith.constant 16 : i32
          %mul3A_426 = arith.muli %scan3A_265, %mul3A_425 : i32
          %add3A_427 = arith.constant 7 : i32
          %add3A_428 = arith.addi %mul3A_426, %add3A_427 : i32
          %add3A_429 = vector.broadcast %add3A_428 : i32 to vector<16xi32>
          %add3A_430 = arith.addi %iota3A, %add3A_429 : vector<16xi32>
          %and3A_431 = arith.constant 63 : i32
          %and3A_432 = vector.broadcast %and3A_431 : i32 to vector<16xi32>
          %and3A_433 = arith.andi %add3A_430, %and3A_432 : vector<16xi32>
          %gather3A_434 = tpu.vector_load_idx %arg10[%add3A_247, %and3A_433] : memref<80x64xi32, #tpu.memory_space<vmem>>[vector<16xi32>, vector<16xi32>], vector<16xi32>,
          %gather3A_435 = tpu.vector_load_idx %arg14[%add3A_247, %and3A_433] : memref<80x64xi32, #tpu.memory_space<vmem>>[vector<16xi32>, vector<16xi32>], vector<16xi32>,
          %bitcast3A_436 = vector.bitcast %gather3A_434 : vector<16xi32> to vector<32xbf16>
          %bitcast3A_437 = vector.bitcast %gather3A_435 : vector<16xi32> to vector<32xbf16>
          %mul3A_438 = arith.mulf %bitcast3A_436, %bitcast3A_437 : vector<32xbf16>
          %bitcast3A_439 = vector.bitcast %mul3A_438 : vector<32xbf16> to vector<16xi32>
          %and3A_440 = arith.andi %bitcast3A_439, %broadcast_in_dim3A_153 : vector<16xi32>
          %bitcast3A_441 = vector.bitcast %and3A_440 : vector<16xi32> to vector<16xf32>
          %shift_left3A_442 = arith.constant 16 : i32
          %shift_left3A_443 = vector.broadcast %shift_left3A_442 : i32 to vector<16xi32>
          %shift_left3A_444 = arith.shli %bitcast3A_439, %shift_left3A_443 : vector<16xi32>
          %bitcast3A_445 = vector.bitcast %shift_left3A_444 : vector<16xi32> to vector<16xf32>
          %add3A_446 = arith.addf %add3A_423, %bitcast3A_441 : vector<16xf32>
          %add3A_447 = arith.addf %add3A_424, %bitcast3A_445 : vector<16xf32>
          %mul3A_448 = arith.constant 16 : i32
          %mul3A_449 = arith.muli %scan3A_265, %mul3A_448 : i32
          %add3A_450 = arith.constant 8 : i32
          %add3A_451 = arith.addi %mul3A_449, %add3A_450 : i32
          %add3A_452 = vector.broadcast %add3A_451 : i32 to vector<16xi32>
          %add3A_453 = arith.addi %iota3A, %add3A_452 : vector<16xi32>
          %and3A_454 = arith.constant 63 : i32
          %and3A_455 = vector.broadcast %and3A_454 : i32 to vector<16xi32>
          %and3A_456 = arith.andi %add3A_453, %and3A_455 : vector<16xi32>
          %gather3A_457 = tpu.vector_load_idx %arg10[%add3A_247, %and3A_456] : memref<80x64xi32, #tpu.memory_space<vmem>>[vector<16xi32>, vector<16xi32>], vector<16xi32>,
          %gather3A_458 = tpu.vector_load_idx %arg14[%add3A_247, %and3A_456] : memref<80x64xi32, #tpu.memory_space<vmem>>[vector<16xi32>, vector<16xi32>], vector<16xi32>,
          %bitcast3A_459 = vector.bitcast %gather3A_457 : vector<16xi32> to vector<32xbf16>
          %bitcast3A_460 = vector.bitcast %gather3A_458 : vector<16xi32> to vector<32xbf16>
          %mul3A_461 = arith.mulf %bitcast3A_459, %bitcast3A_460 : vector<32xbf16>
          %bitcast3A_462 = vector.bitcast %mul3A_461 : vector<32xbf16> to vector<16xi32>
          %and3A_463 = arith.andi %bitcast3A_462, %broadcast_in_dim3A_153 : vector<16xi32>
          %bitcast3A_464 = vector.bitcast %and3A_463 : vector<16xi32> to vector<16xf32>
          %shift_left3A_465 = arith.constant 16 : i32
          %shift_left3A_466 = vector.broadcast %shift_left3A_465 : i32 to vector<16xi32>
          %shift_left3A_467 = arith.shli %bitcast3A_462, %shift_left3A_466 : vector<16xi32>
          %bitcast3A_468 = vector.bitcast %shift_left3A_467 : vector<16xi32> to vector<16xf32>
          %add3A_469 = arith.addf %add3A_446, %bitcast3A_464 : vector<16xf32>
          %add3A_470 = arith.addf %add3A_447, %bitcast3A_468 : vector<16xf32>
          %mul3A_471 = arith.constant 16 : i32
          %mul3A_472 = arith.muli %scan3A_265, %mul3A_471 : i32
          %add3A_473 = arith.constant 9 : i32
          %add3A_474 = arith.addi %mul3A_472, %add3A_473 : i32
          %add3A_475 = vector.broadcast %add3A_474 : i32 to vector<16xi32>
          %add3A_476 = arith.addi %iota3A, %add3A_475 : vector<16xi32>
          %and3A_477 = arith.constant 63 : i32
          %and3A_478 = vector.broadcast %and3A_477 : i32 to vector<16xi32>
          %and3A_479 = arith.andi %add3A_476, %and3A_478 : vector<16xi32>
          %gather3A_480 = tpu.vector_load_idx %arg10[%add3A_247, %and3A_479] : memref<80x64xi32, #tpu.memory_space<vmem>>[vector<16xi32>, vector<16xi32>], vector<16xi32>,
          %gather3A_481 = tpu.vector_load_idx %arg14[%add3A_247, %and3A_479] : memref<80x64xi32, #tpu.memory_space<vmem>>[vector<16xi32>, vector<16xi32>], vector<16xi32>,
          %bitcast3A_482 = vector.bitcast %gather3A_480 : vector<16xi32> to vector<32xbf16>
          %bitcast3A_483 = vector.bitcast %gather3A_481 : vector<16xi32> to vector<32xbf16>
          %mul3A_484 = arith.mulf %bitcast3A_482, %bitcast3A_483 : vector<32xbf16>
          %bitcast3A_485 = vector.bitcast %mul3A_484 : vector<32xbf16> to vector<16xi32>
          %and3A_486 = arith.andi %bitcast3A_485, %broadcast_in_dim3A_153 : vector<16xi32>
          %bitcast3A_487 = vector.bitcast %and3A_486 : vector<16xi32> to vector<16xf32>
          %shift_left3A_488 = arith.constant 16 : i32
          %shift_left3A_489 = vector.broadcast %shift_left3A_488 : i32 to vector<16xi32>
          %shift_left3A_490 = arith.shli %bitcast3A_485, %shift_left3A_489 : vector<16xi32>
          %bitcast3A_491 = vector.bitcast %shift_left3A_490 : vector<16xi32> to vector<16xf32>
          %add3A_492 = arith.addf %add3A_469, %bitcast3A_487 : vector<16xf32>
          %add3A_493 = arith.addf %add3A_470, %bitcast3A_491 : vector<16xf32>
          %mul3A_494 = arith.constant 16 : i32
          %mul3A_495 = arith.muli %scan3A_265, %mul3A_494 : i32
          %add3A_496 = arith.constant 10 : i32
          %add3A_497 = arith.addi %mul3A_495, %add3A_496 : i32
          %add3A_498 = vector.broadcast %add3A_497 : i32 to vector<16xi32>
          %add3A_499 = arith.addi %iota3A, %add3A_498 : vector<16xi32>
          %and3A_500 = arith.constant 63 : i32
          %and3A_501 = vector.broadcast %and3A_500 : i32 to vector<16xi32>
          %and3A_502 = arith.andi %add3A_499, %and3A_501 : vector<16xi32>
          %gather3A_503 = tpu.vector_load_idx %arg10[%add3A_247, %and3A_502] : memref<80x64xi32, #tpu.memory_space<vmem>>[vector<16xi32>, vector<16xi32>], vector<16xi32>,
          %gather3A_504 = tpu.vector_load_idx %arg14[%add3A_247, %and3A_502] : memref<80x64xi32, #tpu.memory_space<vmem>>[vector<16xi32>, vector<16xi32>], vector<16xi32>,
          %bitcast3A_505 = vector.bitcast %gather3A_503 : vector<16xi32> to vector<32xbf16>
          %bitcast3A_506 = vector.bitcast %gather3A_504 : vector<16xi32> to vector<32xbf16>
          %mul3A_507 = arith.mulf %bitcast3A_505, %bitcast3A_506 : vector<32xbf16>
          %bitcast3A_508 = vector.bitcast %mul3A_507 : vector<32xbf16> to vector<16xi32>
          %and3A_509 = arith.andi %bitcast3A_508, %broadcast_in_dim3A_153 : vector<16xi32>
          %bitcast3A_510 = vector.bitcast %and3A_509 : vector<16xi32> to vector<16xf32>
          %shift_left3A_511 = arith.constant 16 : i32
          %shift_left3A_512 = vector.broadcast %shift_left3A_511 : i32 to vector<16xi32>
          %shift_left3A_513 = arith.shli %bitcast3A_508, %shift_left3A_512 : vector<16xi32>
          %bitcast3A_514 = vector.bitcast %shift_left3A_513 : vector<16xi32> to vector<16xf32>
          %add3A_515 = arith.addf %add3A_492, %bitcast3A_510 : vector<16xf32>
          %add3A_516 = arith.addf %add3A_493, %bitcast3A_514 : vector<16xf32>
          %mul3A_517 = arith.constant 16 : i32
          %mul3A_518 = arith.muli %scan3A_265, %mul3A_517 : i32
          %add3A_519 = arith.constant 11 : i32
          %add3A_520 = arith.addi %mul3A_518, %add3A_519 : i32
          %add3A_521 = vector.broadcast %add3A_520 : i32 to vector<16xi32>
          %add3A_522 = arith.addi %iota3A, %add3A_521 : vector<16xi32>
          %and3A_523 = arith.constant 63 : i32
          %and3A_524 = vector.broadcast %and3A_523 : i32 to vector<16xi32>
          %and3A_525 = arith.andi %add3A_522, %and3A_524 : vector<16xi32>
          %gather3A_526 = tpu.vector_load_idx %arg10[%add3A_247, %and3A_525] : memref<80x64xi32, #tpu.memory_space<vmem>>[vector<16xi32>, vector<16xi32>], vector<16xi32>,
          %gather3A_527 = tpu.vector_load_idx %arg14[%add3A_247, %and3A_525] : memref<80x64xi32, #tpu.memory_space<vmem>>[vector<16xi32>, vector<16xi32>], vector<16xi32>,
          %bitcast3A_528 = vector.bitcast %gather3A_526 : vector<16xi32> to vector<32xbf16>
          %bitcast3A_529 = vector.bitcast %gather3A_527 : vector<16xi32> to vector<32xbf16>
          %mul3A_530 = arith.mulf %bitcast3A_528, %bitcast3A_529 : vector<32xbf16>
          %bitcast3A_531 = vector.bitcast %mul3A_530 : vector<32xbf16> to vector<16xi32>
          %and3A_532 = arith.andi %bitcast3A_531, %broadcast_in_dim3A_153 : vector<16xi32>
          %bitcast3A_533 = vector.bitcast %and3A_532 : vector<16xi32> to vector<16xf32>
          %shift_left3A_534 = arith.constant 16 : i32
          %shift_left3A_535 = vector.broadcast %shift_left3A_534 : i32 to vector<16xi32>
          %shift_left3A_536 = arith.shli %bitcast3A_531, %shift_left3A_535 : vector<16xi32>
          %bitcast3A_537 = vector.bitcast %shift_left3A_536 : vector<16xi32> to vector<16xf32>
          %add3A_538 = arith.addf %add3A_515, %bitcast3A_533 : vector<16xf32>
          %add3A_539 = arith.addf %add3A_516, %bitcast3A_537 : vector<16xf32>
          %mul3A_540 = arith.constant 16 : i32
          %mul3A_541 = arith.muli %scan3A_265, %mul3A_540 : i32
          %add3A_542 = arith.constant 12 : i32
          %add3A_543 = arith.addi %mul3A_541, %add3A_542 : i32
          %add3A_544 = vector.broadcast %add3A_543 : i32 to vector<16xi32>
          %add3A_545 = arith.addi %iota3A, %add3A_544 : vector<16xi32>
          %and3A_546 = arith.constant 63 : i32
          %and3A_547 = vector.broadcast %and3A_546 : i32 to vector<16xi32>
          %and3A_548 = arith.andi %add3A_545, %and3A_547 : vector<16xi32>
          %gather3A_549 = tpu.vector_load_idx %arg10[%add3A_247, %and3A_548] : memref<80x64xi32, #tpu.memory_space<vmem>>[vector<16xi32>, vector<16xi32>], vector<16xi32>,
          %gather3A_550 = tpu.vector_load_idx %arg14[%add3A_247, %and3A_548] : memref<80x64xi32, #tpu.memory_space<vmem>>[vector<16xi32>, vector<16xi32>], vector<16xi32>,
          %bitcast3A_551 = vector.bitcast %gather3A_549 : vector<16xi32> to vector<32xbf16>
          %bitcast3A_552 = vector.bitcast %gather3A_550 : vector<16xi32> to vector<32xbf16>
          %mul3A_553 = arith.mulf %bitcast3A_551, %bitcast3A_552 : vector<32xbf16>
          %bitcast3A_554 = vector.bitcast %mul3A_553 : vector<32xbf16> to vector<16xi32>
          %and3A_555 = arith.andi %bitcast3A_554, %broadcast_in_dim3A_153 : vector<16xi32>
          %bitcast3A_556 = vector.bitcast %and3A_555 : vector<16xi32> to vector<16xf32>
          %shift_left3A_557 = arith.constant 16 : i32
          %shift_left3A_558 = vector.broadcast %shift_left3A_557 : i32 to vector<16xi32>
          %shift_left3A_559 = arith.shli %bitcast3A_554, %shift_left3A_558 : vector<16xi32>
          %bitcast3A_560 = vector.bitcast %shift_left3A_559 : vector<16xi32> to vector<16xf32>
          %add3A_561 = arith.addf %add3A_538, %bitcast3A_556 : vector<16xf32>
          %add3A_562 = arith.addf %add3A_539, %bitcast3A_560 : vector<16xf32>
          %mul3A_563 = arith.constant 16 : i32
          %mul3A_564 = arith.muli %scan3A_265, %mul3A_563 : i32
          %add3A_565 = arith.constant 13 : i32
          %add3A_566 = arith.addi %mul3A_564, %add3A_565 : i32
          %add3A_567 = vector.broadcast %add3A_566 : i32 to vector<16xi32>
          %add3A_568 = arith.addi %iota3A, %add3A_567 : vector<16xi32>
          %and3A_569 = arith.constant 63 : i32
          %and3A_570 = vector.broadcast %and3A_569 : i32 to vector<16xi32>
          %and3A_571 = arith.andi %add3A_568, %and3A_570 : vector<16xi32>
          %gather3A_572 = tpu.vector_load_idx %arg10[%add3A_247, %and3A_571] : memref<80x64xi32, #tpu.memory_space<vmem>>[vector<16xi32>, vector<16xi32>], vector<16xi32>,
          %gather3A_573 = tpu.vector_load_idx %arg14[%add3A_247, %and3A_571] : memref<80x64xi32, #tpu.memory_space<vmem>>[vector<16xi32>, vector<16xi32>], vector<16xi32>,
          %bitcast3A_574 = vector.bitcast %gather3A_572 : vector<16xi32> to vector<32xbf16>
          %bitcast3A_575 = vector.bitcast %gather3A_573 : vector<16xi32> to vector<32xbf16>
          %mul3A_576 = arith.mulf %bitcast3A_574, %bitcast3A_575 : vector<32xbf16>
          %bitcast3A_577 = vector.bitcast %mul3A_576 : vector<32xbf16> to vector<16xi32>
          %and3A_578 = arith.andi %bitcast3A_577, %broadcast_in_dim3A_153 : vector<16xi32>
          %bitcast3A_579 = vector.bitcast %and3A_578 : vector<16xi32> to vector<16xf32>
          %shift_left3A_580 = arith.constant 16 : i32
          %shift_left3A_581 = vector.broadcast %shift_left3A_580 : i32 to vector<16xi32>
          %shift_left3A_582 = arith.shli %bitcast3A_577, %shift_left3A_581 : vector<16xi32>
          %bitcast3A_583 = vector.bitcast %shift_left3A_582 : vector<16xi32> to vector<16xf32>
          %add3A_584 = arith.addf %add3A_561, %bitcast3A_579 : vector<16xf32>
          %add3A_585 = arith.addf %add3A_562, %bitcast3A_583 : vector<16xf32>
          %mul3A_586 = arith.constant 16 : i32
          %mul3A_587 = arith.muli %scan3A_265, %mul3A_586 : i32
          %add3A_588 = arith.constant 14 : i32
          %add3A_589 = arith.addi %mul3A_587, %add3A_588 : i32
          %add3A_590 = vector.broadcast %add3A_589 : i32 to vector<16xi32>
          %add3A_591 = arith.addi %iota3A, %add3A_590 : vector<16xi32>
          %and3A_592 = arith.constant 63 : i32
          %and3A_593 = vector.broadcast %and3A_592 : i32 to vector<16xi32>
          %and3A_594 = arith.andi %add3A_591, %and3A_593 : vector<16xi32>
          %gather3A_595 = tpu.vector_load_idx %arg10[%add3A_247, %and3A_594] : memref<80x64xi32, #tpu.memory_space<vmem>>[vector<16xi32>, vector<16xi32>], vector<16xi32>,
          %gather3A_596 = tpu.vector_load_idx %arg14[%add3A_247, %and3A_594] : memref<80x64xi32, #tpu.memory_space<vmem>>[vector<16xi32>, vector<16xi32>], vector<16xi32>,
          %bitcast3A_597 = vector.bitcast %gather3A_595 : vector<16xi32> to vector<32xbf16>
          %bitcast3A_598 = vector.bitcast %gather3A_596 : vector<16xi32> to vector<32xbf16>
          %mul3A_599 = arith.mulf %bitcast3A_597, %bitcast3A_598 : vector<32xbf16>
          %bitcast3A_600 = vector.bitcast %mul3A_599 : vector<32xbf16> to vector<16xi32>
          %and3A_601 = arith.andi %bitcast3A_600, %broadcast_in_dim3A_153 : vector<16xi32>
          %bitcast3A_602 = vector.bitcast %and3A_601 : vector<16xi32> to vector<16xf32>
          %shift_left3A_603 = arith.constant 16 : i32
          %shift_left3A_604 = vector.broadcast %shift_left3A_603 : i32 to vector<16xi32>
          %shift_left3A_605 = arith.shli %bitcast3A_600, %shift_left3A_604 : vector<16xi32>
          %bitcast3A_606 = vector.bitcast %shift_left3A_605 : vector<16xi32> to vector<16xf32>
          %add3A_607 = arith.addf %add3A_584, %bitcast3A_602 : vector<16xf32>
          %add3A_608 = arith.addf %add3A_585, %bitcast3A_606 : vector<16xf32>
          %mul3A_609 = arith.constant 16 : i32
          %mul3A_610 = arith.muli %scan3A_265, %mul3A_609 : i32
          %add3A_611 = arith.constant 15 : i32
          %add3A_612 = arith.addi %mul3A_610, %add3A_611 : i32
          %add3A_613 = vector.broadcast %add3A_612 : i32 to vector<16xi32>
          %add3A_614 = arith.addi %iota3A, %add3A_613 : vector<16xi32>
          %and3A_615 = arith.constant 63 : i32
          %and3A_616 = vector.broadcast %and3A_615 : i32 to vector<16xi32>
          %and3A_617 = arith.andi %add3A_614, %and3A_616 : vector<16xi32>
          %gather3A_618 = tpu.vector_load_idx %arg10[%add3A_247, %and3A_617] : memref<80x64xi32, #tpu.memory_space<vmem>>[vector<16xi32>, vector<16xi32>], vector<16xi32>,
          %gather3A_619 = tpu.vector_load_idx %arg14[%add3A_247, %and3A_617] : memref<80x64xi32, #tpu.memory_space<vmem>>[vector<16xi32>, vector<16xi32>], vector<16xi32>,
          %bitcast3A_620 = vector.bitcast %gather3A_618 : vector<16xi32> to vector<32xbf16>
          %bitcast3A_621 = vector.bitcast %gather3A_619 : vector<16xi32> to vector<32xbf16>
          %mul3A_622 = arith.mulf %bitcast3A_620, %bitcast3A_621 : vector<32xbf16>
          %bitcast3A_623 = vector.bitcast %mul3A_622 : vector<32xbf16> to vector<16xi32>
          %and3A_624 = arith.andi %bitcast3A_623, %broadcast_in_dim3A_153 : vector<16xi32>
          %bitcast3A_625 = vector.bitcast %and3A_624 : vector<16xi32> to vector<16xf32>
          %shift_left3A_626 = arith.constant 16 : i32
          %shift_left3A_627 = vector.broadcast %shift_left3A_626 : i32 to vector<16xi32>
          %shift_left3A_628 = arith.shli %bitcast3A_623, %shift_left3A_627 : vector<16xi32>
          %bitcast3A_629 = vector.bitcast %shift_left3A_628 : vector<16xi32> to vector<16xf32>
          %add3A_630 = arith.addf %add3A_607, %bitcast3A_625 : vector<16xf32>
          %add3A_631 = arith.addf %add3A_608, %bitcast3A_629 : vector<16xf32>
          scf.yield %add3A_630, %add3A_631 : vector<16xf32>, vector<16xf32>
        }
        %scan3A_255 = arith.constant 4 : i32
        %add3A_256 = arith.addf %scan3A_254#0, %scan3A_254#1 : vector<16xf32>
        %neg3A = arith.constant 0.000000e+00 : f32
        %neg3A_257 = vector.broadcast %neg3A : f32 to vector<16xf32>
        %neg3A_258 = arith.subf %neg3A_257, %add3A_256 : vector<16xf32>
        %exp3A = math.exp %neg3A_258 : vector<16xf32>
        %add3A_259 = arith.constant 1.000000e+00 : f32
        %add3A_260 = vector.broadcast %add3A_259 : f32 to vector<16xf32>
        %add3A_261 = arith.addf %add3A_260, %exp3A : vector<16xf32>
        %div3A = arith.constant 1.000000e+00 : f32
        %div3A_262 = vector.broadcast %div3A : f32 to vector<16xf32>
        %div3A_263 = arith.divf %div3A_262, %add3A_261 : vector<16xf32>
        %swap3A = arith.index_cast %mul3A_245 : i32 to index
        %swap3A_264 = tpu.vector_load %arg18[%swap3A] {strides = array<i32>} : memref<80xf32, #tpu.memory_space<vmem>>, vector<16xf32>,
        tpu.vector_store %arg18[%swap3A], %div3A_263 {strides = array<i32>} : memref<80xf32, #tpu.memory_space<vmem>>, vector<16xf32>,
      }
      %scan3A_159 = arith.constant 5 : i32
      %mul3A_160 = arith.constant 80 : i32
      %mul3A_161 = arith.muli %add3A_127, %mul3A_160 : i32
      %add3A_162 = arith.addi %mul3A_2, %mul3A_161 : i32
      %dma_start3A_163 = tpu.memref_slice %arg5[%add3A_162] : memref<320000xf32, #tpu.memory_space<hbm>> -> memref<80xf32, #tpu.memory_space<hbm>>
      %dma_start3A_164 = tpu.memref_slice %arg5[%add3A_162] : memref<320000xf32, #tpu.memory_space<hbm>> -> memref<80xf32, #tpu.memory_space<hbm>>
      tpu.enqueue_dma source(%arg18 : memref<80xf32, #tpu.memory_space<vmem>>) target(%dma_start3A_164 : memref<80xf32, #tpu.memory_space<hbm>>) target_semaphore(%arg30 : memref<!tpu.dma_semaphore, #tpu.memory_space<semaphore_mem>>)
      %add3A_165 = arith.constant 2 : i32
      %add3A_166 = arith.addi %mul3A_91, %add3A_165 : i32
      %add3A_167 = arith.constant 4 : i32
      %add3A_168 = arith.addi %add3A_166, %add3A_167 : i32
      %sub3A_169 = arith.constant 1 : i32
      %sub3A_170 = arith.subi %add3A_168, %sub3A_169 : i32
      %le3A_171 = arith.constant 124 : i32
      %le3A_172 = arith.cmpi sle, %sub3A_170, %le3A_171 : i32
      %convert_element_type3A_173 = arith.extui %le3A_172 : i1 to i32
      %cond3A_174 = arith.constant 0 : i32
      %cond3A_175 = arith.cmpi ne, %convert_element_type3A_173, %cond3A_174 : i32
      scf.if %cond3A_175 {
        %add3A_243 = arith.constant 4 : i32
        %add3A_244 = arith.addi %add3A_166, %add3A_243 : i32
        %sub3A_245 = arith.constant 1 : i32
        %sub3A_246 = arith.subi %add3A_244, %sub3A_245 : i32
        %mul3A_247 = arith.constant 80 : i32
        %mul3A_248 = arith.muli %sub3A_246, %mul3A_247 : i32
        %dma_start3A_249 = tpu.memref_slice %arg6[%mul3A_248] : memref<10000xi32, #tpu.memory_space<vmem>> -> memref<80xi32, #tpu.memory_space<vmem>>
        %dma_start3A_250 = arith.constant 0 : i32
        %dma_start3A_251 = arith.constant 0 : i32
        %dma_start3A_252 = tpu.memref_slice %arg8[%dma_start3A_250, %dma_start3A_251] : memref<10000x64xi32, #tpu.memory_space<vmem_shared>> -> memref<10000x64xi32, #tpu.memory_space<vmem_shared>>
        tpu.enqueue_indirect_dma source(%dma_start3A_252 : memref<10000x64xi32, #tpu.memory_space<vmem_shared>>) target(%arg10 : memref<80x64xi32, #tpu.memory_space<vmem>>) offsets(%dma_start3A_249 : memref<80xi32, #tpu.memory_space<vmem>>) semaphore(%arg22 : memref<!tpu.dma_semaphore, #tpu.memory_space<semaphore_mem>>)
        %dma_start3A_253 = tpu.memref_slice %arg7[%mul3A_248] : memref<10000xi32, #tpu.memory_space<vmem>> -> memref<80xi32, #tpu.memory_space<vmem>>
        %dma_start3A_254 = arith.constant 0 : i32
        %dma_start3A_255 = arith.constant 0 : i32
        %dma_start3A_256 = tpu.memref_slice %arg8[%dma_start3A_254, %dma_start3A_255] : memref<10000x64xi32, #tpu.memory_space<vmem_shared>> -> memref<10000x64xi32, #tpu.memory_space<vmem_shared>>
        tpu.enqueue_indirect_dma source(%dma_start3A_256 : memref<10000x64xi32, #tpu.memory_space<vmem_shared>>) target(%arg14 : memref<80x64xi32, #tpu.memory_space<vmem>>) offsets(%dma_start3A_253 : memref<80xi32, #tpu.memory_space<vmem>>) semaphore(%arg26 : memref<!tpu.dma_semaphore, #tpu.memory_space<semaphore_mem>>)
      } else {
      }
      %dma_wait3A_176 = arith.constant 0 : i32
      %dma_wait3A_177 = tpu.memref_slice %arg6[%dma_wait3A_176] : memref<10000xi32, #tpu.memory_space<vmem>> -> memref<80xi32, #tpu.memory_space<vmem>>
      %dma_wait3A_178 = arith.constant 0 : i32
      %dma_wait3A_179 = arith.constant 0 : i32
      %dma_wait3A_180 = tpu.memref_slice %arg8[%dma_wait3A_178, %dma_wait3A_179] : memref<10000x64xi32, #tpu.memory_space<vmem_shared>> -> memref<10000x64xi32, #tpu.memory_space<vmem_shared>>
      tpu.wait_indirect_dma semaphore(%arg23 : memref<!tpu.dma_semaphore, #tpu.memory_space<semaphore_mem>>) src(%dma_wait3A_180 : memref<10000x64xi32, #tpu.memory_space<vmem_shared>>) dst(%arg11 : memref<80x64xi32, #tpu.memory_space<vmem>>)
      %dma_wait3A_181 = arith.constant 0 : i32
      %dma_wait3A_182 = tpu.memref_slice %arg7[%dma_wait3A_181] : memref<10000xi32, #tpu.memory_space<vmem>> -> memref<80xi32, #tpu.memory_space<vmem>>
      %dma_wait3A_183 = arith.constant 0 : i32
      %dma_wait3A_184 = arith.constant 0 : i32
      %dma_wait3A_185 = tpu.memref_slice %arg8[%dma_wait3A_183, %dma_wait3A_184] : memref<10000x64xi32, #tpu.memory_space<vmem_shared>> -> memref<10000x64xi32, #tpu.memory_space<vmem_shared>>
      tpu.wait_indirect_dma semaphore(%arg27 : memref<!tpu.dma_semaphore, #tpu.memory_space<semaphore_mem>>) src(%dma_wait3A_185 : memref<10000x64xi32, #tpu.memory_space<vmem_shared>>) dst(%arg15 : memref<80x64xi32, #tpu.memory_space<vmem>>)
      %ge3A_186 = arith.constant 4 : i32
      %ge3A_187 = arith.cmpi sge, %add3A_166, %ge3A_186 : i32
      %convert_element_type3A_188 = arith.extui %ge3A_187 : i1 to i32
      %cond3A_189 = arith.constant 0 : i32
      %cond3A_190 = arith.cmpi ne, %convert_element_type3A_188, %cond3A_189 : i32
      scf.if %cond3A_190 {
        %sub3A_243 = arith.constant 4 : i32
        %sub3A_244 = arith.subi %add3A_166, %sub3A_243 : i32
        %mul3A_245 = arith.constant 80 : i32
        %mul3A_246 = arith.muli %sub3A_244, %mul3A_245 : i32
        %add3A_247 = arith.addi %mul3A_2, %mul3A_246 : i32
        %dma_wait3A_248 = tpu.memref_slice %arg5[%add3A_247] : memref<320000xf32, #tpu.memory_space<hbm>> -> memref<80xf32, #tpu.memory_space<hbm>>
        %dma_wait3A_249 = tpu.memref_slice %arg5[%add3A_247] : memref<320000xf32, #tpu.memory_space<hbm>> -> memref<80xf32, #tpu.memory_space<hbm>>
        tpu.wait_dma2 semaphore(%arg31 : memref<!tpu.dma_semaphore, #tpu.memory_space<semaphore_mem>>) src(%arg19 : memref<80xf32, #tpu.memory_space<vmem>>) dst(%dma_wait3A_249 : memref<80xf32, #tpu.memory_space<hbm>>)
      } else {
      }
      %broadcast_in_dim3A_191 = arith.constant -65536 : i32
      %broadcast_in_dim3A_192 = vector.broadcast %broadcast_in_dim3A_191 : i32 to vector<16xi32>
      %scan3A_193 = arith.constant 0 : i32
      %scan3A_194 = arith.constant 0 : i32
      %scan3A_195 = arith.constant 5 : i32
      %scan3A_196 = arith.addi %scan3A_194, %scan3A_195 : i32
      %scan3A_197 = arith.constant 1 : i32
      scf.for %scan3A_243 = %scan3A_194 to %scan3A_196 step %scan3A_197  : i32 {
        %mul3A_244 = arith.constant 16 : i32
        %mul3A_245 = arith.muli %scan3A_243, %mul3A_244 : i32
        %add3A_246 = vector.broadcast %mul3A_245 : i32 to vector<16xi32>
        %add3A_247 = arith.addi %add3A_246, %iota3A : vector<16xi32>
        %broadcast_in_dim3A_248 = arith.constant 0.000000e+00 : f32
        %broadcast_in_dim3A_249 = vector.broadcast %broadcast_in_dim3A_248 : f32 to vector<16xf32>
        %scan3A_250 = arith.constant 0 : i32
        %scan3A_251 = arith.constant 4 : i32
        %scan3A_252 = arith.addi %scan3A_250, %scan3A_251 : i32
        %scan3A_253 = arith.constant 1 : i32
        %scan3A_254:2 = scf.for %scan3A_265 = %scan3A_250 to %scan3A_252 step %scan3A_253 iter_args(%scan3A_266 = %broadcast_in_dim3A_249, %scan3A_267 = %broadcast_in_dim3A_249) -> (vector<16xf32>, vector<16xf32>)  : i32 {
          %mul3A_268 = arith.constant 16 : i32
          %mul3A_269 = arith.muli %scan3A_265, %mul3A_268 : i32
          %add3A_270 = arith.constant 0 : i32
          %add3A_271 = arith.addi %mul3A_269, %add3A_270 : i32
          %add3A_272 = vector.broadcast %add3A_271 : i32 to vector<16xi32>
          %add3A_273 = arith.addi %iota3A, %add3A_272 : vector<16xi32>
          %and3A = arith.constant 63 : i32
          %and3A_274 = vector.broadcast %and3A : i32 to vector<16xi32>
          %and3A_275 = arith.andi %add3A_273, %and3A_274 : vector<16xi32>
          %gather3A = tpu.vector_load_idx %arg11[%add3A_247, %and3A_275] : memref<80x64xi32, #tpu.memory_space<vmem>>[vector<16xi32>, vector<16xi32>], vector<16xi32>,
          %gather3A_276 = tpu.vector_load_idx %arg15[%add3A_247, %and3A_275] : memref<80x64xi32, #tpu.memory_space<vmem>>[vector<16xi32>, vector<16xi32>], vector<16xi32>,
          %bitcast3A = vector.bitcast %gather3A : vector<16xi32> to vector<32xbf16>
          %bitcast3A_277 = vector.bitcast %gather3A_276 : vector<16xi32> to vector<32xbf16>
          %mul3A_278 = arith.mulf %bitcast3A, %bitcast3A_277 : vector<32xbf16>
          %bitcast3A_279 = vector.bitcast %mul3A_278 : vector<32xbf16> to vector<16xi32>
          %and3A_280 = arith.andi %bitcast3A_279, %broadcast_in_dim3A_192 : vector<16xi32>
          %bitcast3A_281 = vector.bitcast %and3A_280 : vector<16xi32> to vector<16xf32>
          %shift_left3A = arith.constant 16 : i32
          %shift_left3A_282 = vector.broadcast %shift_left3A : i32 to vector<16xi32>
          %shift_left3A_283 = arith.shli %bitcast3A_279, %shift_left3A_282 : vector<16xi32>
          %bitcast3A_284 = vector.bitcast %shift_left3A_283 : vector<16xi32> to vector<16xf32>
          %add3A_285 = arith.addf %scan3A_266, %bitcast3A_281 : vector<16xf32>
          %add3A_286 = arith.addf %scan3A_267, %bitcast3A_284 : vector<16xf32>
          %mul3A_287 = arith.constant 16 : i32
          %mul3A_288 = arith.muli %scan3A_265, %mul3A_287 : i32
          %add3A_289 = arith.constant 1 : i32
          %add3A_290 = arith.addi %mul3A_288, %add3A_289 : i32
          %add3A_291 = vector.broadcast %add3A_290 : i32 to vector<16xi32>
          %add3A_292 = arith.addi %iota3A, %add3A_291 : vector<16xi32>
          %and3A_293 = arith.constant 63 : i32
          %and3A_294 = vector.broadcast %and3A_293 : i32 to vector<16xi32>
          %and3A_295 = arith.andi %add3A_292, %and3A_294 : vector<16xi32>
          %gather3A_296 = tpu.vector_load_idx %arg11[%add3A_247, %and3A_295] : memref<80x64xi32, #tpu.memory_space<vmem>>[vector<16xi32>, vector<16xi32>], vector<16xi32>,
          %gather3A_297 = tpu.vector_load_idx %arg15[%add3A_247, %and3A_295] : memref<80x64xi32, #tpu.memory_space<vmem>>[vector<16xi32>, vector<16xi32>], vector<16xi32>,
          %bitcast3A_298 = vector.bitcast %gather3A_296 : vector<16xi32> to vector<32xbf16>
          %bitcast3A_299 = vector.bitcast %gather3A_297 : vector<16xi32> to vector<32xbf16>
          %mul3A_300 = arith.mulf %bitcast3A_298, %bitcast3A_299 : vector<32xbf16>
          %bitcast3A_301 = vector.bitcast %mul3A_300 : vector<32xbf16> to vector<16xi32>
          %and3A_302 = arith.andi %bitcast3A_301, %broadcast_in_dim3A_192 : vector<16xi32>
          %bitcast3A_303 = vector.bitcast %and3A_302 : vector<16xi32> to vector<16xf32>
          %shift_left3A_304 = arith.constant 16 : i32
          %shift_left3A_305 = vector.broadcast %shift_left3A_304 : i32 to vector<16xi32>
          %shift_left3A_306 = arith.shli %bitcast3A_301, %shift_left3A_305 : vector<16xi32>
          %bitcast3A_307 = vector.bitcast %shift_left3A_306 : vector<16xi32> to vector<16xf32>
          %add3A_308 = arith.addf %add3A_285, %bitcast3A_303 : vector<16xf32>
          %add3A_309 = arith.addf %add3A_286, %bitcast3A_307 : vector<16xf32>
          %mul3A_310 = arith.constant 16 : i32
          %mul3A_311 = arith.muli %scan3A_265, %mul3A_310 : i32
          %add3A_312 = arith.constant 2 : i32
          %add3A_313 = arith.addi %mul3A_311, %add3A_312 : i32
          %add3A_314 = vector.broadcast %add3A_313 : i32 to vector<16xi32>
          %add3A_315 = arith.addi %iota3A, %add3A_314 : vector<16xi32>
          %and3A_316 = arith.constant 63 : i32
          %and3A_317 = vector.broadcast %and3A_316 : i32 to vector<16xi32>
          %and3A_318 = arith.andi %add3A_315, %and3A_317 : vector<16xi32>
          %gather3A_319 = tpu.vector_load_idx %arg11[%add3A_247, %and3A_318] : memref<80x64xi32, #tpu.memory_space<vmem>>[vector<16xi32>, vector<16xi32>], vector<16xi32>,
          %gather3A_320 = tpu.vector_load_idx %arg15[%add3A_247, %and3A_318] : memref<80x64xi32, #tpu.memory_space<vmem>>[vector<16xi32>, vector<16xi32>], vector<16xi32>,
          %bitcast3A_321 = vector.bitcast %gather3A_319 : vector<16xi32> to vector<32xbf16>
          %bitcast3A_322 = vector.bitcast %gather3A_320 : vector<16xi32> to vector<32xbf16>
          %mul3A_323 = arith.mulf %bitcast3A_321, %bitcast3A_322 : vector<32xbf16>
          %bitcast3A_324 = vector.bitcast %mul3A_323 : vector<32xbf16> to vector<16xi32>
          %and3A_325 = arith.andi %bitcast3A_324, %broadcast_in_dim3A_192 : vector<16xi32>
          %bitcast3A_326 = vector.bitcast %and3A_325 : vector<16xi32> to vector<16xf32>
          %shift_left3A_327 = arith.constant 16 : i32
          %shift_left3A_328 = vector.broadcast %shift_left3A_327 : i32 to vector<16xi32>
          %shift_left3A_329 = arith.shli %bitcast3A_324, %shift_left3A_328 : vector<16xi32>
          %bitcast3A_330 = vector.bitcast %shift_left3A_329 : vector<16xi32> to vector<16xf32>
          %add3A_331 = arith.addf %add3A_308, %bitcast3A_326 : vector<16xf32>
          %add3A_332 = arith.addf %add3A_309, %bitcast3A_330 : vector<16xf32>
          %mul3A_333 = arith.constant 16 : i32
          %mul3A_334 = arith.muli %scan3A_265, %mul3A_333 : i32
          %add3A_335 = arith.constant 3 : i32
          %add3A_336 = arith.addi %mul3A_334, %add3A_335 : i32
          %add3A_337 = vector.broadcast %add3A_336 : i32 to vector<16xi32>
          %add3A_338 = arith.addi %iota3A, %add3A_337 : vector<16xi32>
          %and3A_339 = arith.constant 63 : i32
          %and3A_340 = vector.broadcast %and3A_339 : i32 to vector<16xi32>
          %and3A_341 = arith.andi %add3A_338, %and3A_340 : vector<16xi32>
          %gather3A_342 = tpu.vector_load_idx %arg11[%add3A_247, %and3A_341] : memref<80x64xi32, #tpu.memory_space<vmem>>[vector<16xi32>, vector<16xi32>], vector<16xi32>,
          %gather3A_343 = tpu.vector_load_idx %arg15[%add3A_247, %and3A_341] : memref<80x64xi32, #tpu.memory_space<vmem>>[vector<16xi32>, vector<16xi32>], vector<16xi32>,
          %bitcast3A_344 = vector.bitcast %gather3A_342 : vector<16xi32> to vector<32xbf16>
          %bitcast3A_345 = vector.bitcast %gather3A_343 : vector<16xi32> to vector<32xbf16>
          %mul3A_346 = arith.mulf %bitcast3A_344, %bitcast3A_345 : vector<32xbf16>
          %bitcast3A_347 = vector.bitcast %mul3A_346 : vector<32xbf16> to vector<16xi32>
          %and3A_348 = arith.andi %bitcast3A_347, %broadcast_in_dim3A_192 : vector<16xi32>
          %bitcast3A_349 = vector.bitcast %and3A_348 : vector<16xi32> to vector<16xf32>
          %shift_left3A_350 = arith.constant 16 : i32
          %shift_left3A_351 = vector.broadcast %shift_left3A_350 : i32 to vector<16xi32>
          %shift_left3A_352 = arith.shli %bitcast3A_347, %shift_left3A_351 : vector<16xi32>
          %bitcast3A_353 = vector.bitcast %shift_left3A_352 : vector<16xi32> to vector<16xf32>
          %add3A_354 = arith.addf %add3A_331, %bitcast3A_349 : vector<16xf32>
          %add3A_355 = arith.addf %add3A_332, %bitcast3A_353 : vector<16xf32>
          %mul3A_356 = arith.constant 16 : i32
          %mul3A_357 = arith.muli %scan3A_265, %mul3A_356 : i32
          %add3A_358 = arith.constant 4 : i32
          %add3A_359 = arith.addi %mul3A_357, %add3A_358 : i32
          %add3A_360 = vector.broadcast %add3A_359 : i32 to vector<16xi32>
          %add3A_361 = arith.addi %iota3A, %add3A_360 : vector<16xi32>
          %and3A_362 = arith.constant 63 : i32
          %and3A_363 = vector.broadcast %and3A_362 : i32 to vector<16xi32>
          %and3A_364 = arith.andi %add3A_361, %and3A_363 : vector<16xi32>
          %gather3A_365 = tpu.vector_load_idx %arg11[%add3A_247, %and3A_364] : memref<80x64xi32, #tpu.memory_space<vmem>>[vector<16xi32>, vector<16xi32>], vector<16xi32>,
          %gather3A_366 = tpu.vector_load_idx %arg15[%add3A_247, %and3A_364] : memref<80x64xi32, #tpu.memory_space<vmem>>[vector<16xi32>, vector<16xi32>], vector<16xi32>,
          %bitcast3A_367 = vector.bitcast %gather3A_365 : vector<16xi32> to vector<32xbf16>
          %bitcast3A_368 = vector.bitcast %gather3A_366 : vector<16xi32> to vector<32xbf16>
          %mul3A_369 = arith.mulf %bitcast3A_367, %bitcast3A_368 : vector<32xbf16>
          %bitcast3A_370 = vector.bitcast %mul3A_369 : vector<32xbf16> to vector<16xi32>
          %and3A_371 = arith.andi %bitcast3A_370, %broadcast_in_dim3A_192 : vector<16xi32>
          %bitcast3A_372 = vector.bitcast %and3A_371 : vector<16xi32> to vector<16xf32>
          %shift_left3A_373 = arith.constant 16 : i32
          %shift_left3A_374 = vector.broadcast %shift_left3A_373 : i32 to vector<16xi32>
          %shift_left3A_375 = arith.shli %bitcast3A_370, %shift_left3A_374 : vector<16xi32>
          %bitcast3A_376 = vector.bitcast %shift_left3A_375 : vector<16xi32> to vector<16xf32>
          %add3A_377 = arith.addf %add3A_354, %bitcast3A_372 : vector<16xf32>
          %add3A_378 = arith.addf %add3A_355, %bitcast3A_376 : vector<16xf32>
          %mul3A_379 = arith.constant 16 : i32
          %mul3A_380 = arith.muli %scan3A_265, %mul3A_379 : i32
          %add3A_381 = arith.constant 5 : i32
          %add3A_382 = arith.addi %mul3A_380, %add3A_381 : i32
          %add3A_383 = vector.broadcast %add3A_382 : i32 to vector<16xi32>
          %add3A_384 = arith.addi %iota3A, %add3A_383 : vector<16xi32>
          %and3A_385 = arith.constant 63 : i32
          %and3A_386 = vector.broadcast %and3A_385 : i32 to vector<16xi32>
          %and3A_387 = arith.andi %add3A_384, %and3A_386 : vector<16xi32>
          %gather3A_388 = tpu.vector_load_idx %arg11[%add3A_247, %and3A_387] : memref<80x64xi32, #tpu.memory_space<vmem>>[vector<16xi32>, vector<16xi32>], vector<16xi32>,
          %gather3A_389 = tpu.vector_load_idx %arg15[%add3A_247, %and3A_387] : memref<80x64xi32, #tpu.memory_space<vmem>>[vector<16xi32>, vector<16xi32>], vector<16xi32>,
          %bitcast3A_390 = vector.bitcast %gather3A_388 : vector<16xi32> to vector<32xbf16>
          %bitcast3A_391 = vector.bitcast %gather3A_389 : vector<16xi32> to vector<32xbf16>
          %mul3A_392 = arith.mulf %bitcast3A_390, %bitcast3A_391 : vector<32xbf16>
          %bitcast3A_393 = vector.bitcast %mul3A_392 : vector<32xbf16> to vector<16xi32>
          %and3A_394 = arith.andi %bitcast3A_393, %broadcast_in_dim3A_192 : vector<16xi32>
          %bitcast3A_395 = vector.bitcast %and3A_394 : vector<16xi32> to vector<16xf32>
          %shift_left3A_396 = arith.constant 16 : i32
          %shift_left3A_397 = vector.broadcast %shift_left3A_396 : i32 to vector<16xi32>
          %shift_left3A_398 = arith.shli %bitcast3A_393, %shift_left3A_397 : vector<16xi32>
          %bitcast3A_399 = vector.bitcast %shift_left3A_398 : vector<16xi32> to vector<16xf32>
          %add3A_400 = arith.addf %add3A_377, %bitcast3A_395 : vector<16xf32>
          %add3A_401 = arith.addf %add3A_378, %bitcast3A_399 : vector<16xf32>
          %mul3A_402 = arith.constant 16 : i32
          %mul3A_403 = arith.muli %scan3A_265, %mul3A_402 : i32
          %add3A_404 = arith.constant 6 : i32
          %add3A_405 = arith.addi %mul3A_403, %add3A_404 : i32
          %add3A_406 = vector.broadcast %add3A_405 : i32 to vector<16xi32>
          %add3A_407 = arith.addi %iota3A, %add3A_406 : vector<16xi32>
          %and3A_408 = arith.constant 63 : i32
          %and3A_409 = vector.broadcast %and3A_408 : i32 to vector<16xi32>
          %and3A_410 = arith.andi %add3A_407, %and3A_409 : vector<16xi32>
          %gather3A_411 = tpu.vector_load_idx %arg11[%add3A_247, %and3A_410] : memref<80x64xi32, #tpu.memory_space<vmem>>[vector<16xi32>, vector<16xi32>], vector<16xi32>,
          %gather3A_412 = tpu.vector_load_idx %arg15[%add3A_247, %and3A_410] : memref<80x64xi32, #tpu.memory_space<vmem>>[vector<16xi32>, vector<16xi32>], vector<16xi32>,
          %bitcast3A_413 = vector.bitcast %gather3A_411 : vector<16xi32> to vector<32xbf16>
          %bitcast3A_414 = vector.bitcast %gather3A_412 : vector<16xi32> to vector<32xbf16>
          %mul3A_415 = arith.mulf %bitcast3A_413, %bitcast3A_414 : vector<32xbf16>
          %bitcast3A_416 = vector.bitcast %mul3A_415 : vector<32xbf16> to vector<16xi32>
          %and3A_417 = arith.andi %bitcast3A_416, %broadcast_in_dim3A_192 : vector<16xi32>
          %bitcast3A_418 = vector.bitcast %and3A_417 : vector<16xi32> to vector<16xf32>
          %shift_left3A_419 = arith.constant 16 : i32
          %shift_left3A_420 = vector.broadcast %shift_left3A_419 : i32 to vector<16xi32>
          %shift_left3A_421 = arith.shli %bitcast3A_416, %shift_left3A_420 : vector<16xi32>
          %bitcast3A_422 = vector.bitcast %shift_left3A_421 : vector<16xi32> to vector<16xf32>
          %add3A_423 = arith.addf %add3A_400, %bitcast3A_418 : vector<16xf32>
          %add3A_424 = arith.addf %add3A_401, %bitcast3A_422 : vector<16xf32>
          %mul3A_425 = arith.constant 16 : i32
          %mul3A_426 = arith.muli %scan3A_265, %mul3A_425 : i32
          %add3A_427 = arith.constant 7 : i32
          %add3A_428 = arith.addi %mul3A_426, %add3A_427 : i32
          %add3A_429 = vector.broadcast %add3A_428 : i32 to vector<16xi32>
          %add3A_430 = arith.addi %iota3A, %add3A_429 : vector<16xi32>
          %and3A_431 = arith.constant 63 : i32
          %and3A_432 = vector.broadcast %and3A_431 : i32 to vector<16xi32>
          %and3A_433 = arith.andi %add3A_430, %and3A_432 : vector<16xi32>
          %gather3A_434 = tpu.vector_load_idx %arg11[%add3A_247, %and3A_433] : memref<80x64xi32, #tpu.memory_space<vmem>>[vector<16xi32>, vector<16xi32>], vector<16xi32>,
          %gather3A_435 = tpu.vector_load_idx %arg15[%add3A_247, %and3A_433] : memref<80x64xi32, #tpu.memory_space<vmem>>[vector<16xi32>, vector<16xi32>], vector<16xi32>,
          %bitcast3A_436 = vector.bitcast %gather3A_434 : vector<16xi32> to vector<32xbf16>
          %bitcast3A_437 = vector.bitcast %gather3A_435 : vector<16xi32> to vector<32xbf16>
          %mul3A_438 = arith.mulf %bitcast3A_436, %bitcast3A_437 : vector<32xbf16>
          %bitcast3A_439 = vector.bitcast %mul3A_438 : vector<32xbf16> to vector<16xi32>
          %and3A_440 = arith.andi %bitcast3A_439, %broadcast_in_dim3A_192 : vector<16xi32>
          %bitcast3A_441 = vector.bitcast %and3A_440 : vector<16xi32> to vector<16xf32>
          %shift_left3A_442 = arith.constant 16 : i32
          %shift_left3A_443 = vector.broadcast %shift_left3A_442 : i32 to vector<16xi32>
          %shift_left3A_444 = arith.shli %bitcast3A_439, %shift_left3A_443 : vector<16xi32>
          %bitcast3A_445 = vector.bitcast %shift_left3A_444 : vector<16xi32> to vector<16xf32>
          %add3A_446 = arith.addf %add3A_423, %bitcast3A_441 : vector<16xf32>
          %add3A_447 = arith.addf %add3A_424, %bitcast3A_445 : vector<16xf32>
          %mul3A_448 = arith.constant 16 : i32
          %mul3A_449 = arith.muli %scan3A_265, %mul3A_448 : i32
          %add3A_450 = arith.constant 8 : i32
          %add3A_451 = arith.addi %mul3A_449, %add3A_450 : i32
          %add3A_452 = vector.broadcast %add3A_451 : i32 to vector<16xi32>
          %add3A_453 = arith.addi %iota3A, %add3A_452 : vector<16xi32>
          %and3A_454 = arith.constant 63 : i32
          %and3A_455 = vector.broadcast %and3A_454 : i32 to vector<16xi32>
          %and3A_456 = arith.andi %add3A_453, %and3A_455 : vector<16xi32>
          %gather3A_457 = tpu.vector_load_idx %arg11[%add3A_247, %and3A_456] : memref<80x64xi32, #tpu.memory_space<vmem>>[vector<16xi32>, vector<16xi32>], vector<16xi32>,
          %gather3A_458 = tpu.vector_load_idx %arg15[%add3A_247, %and3A_456] : memref<80x64xi32, #tpu.memory_space<vmem>>[vector<16xi32>, vector<16xi32>], vector<16xi32>,
          %bitcast3A_459 = vector.bitcast %gather3A_457 : vector<16xi32> to vector<32xbf16>
          %bitcast3A_460 = vector.bitcast %gather3A_458 : vector<16xi32> to vector<32xbf16>
          %mul3A_461 = arith.mulf %bitcast3A_459, %bitcast3A_460 : vector<32xbf16>
          %bitcast3A_462 = vector.bitcast %mul3A_461 : vector<32xbf16> to vector<16xi32>
          %and3A_463 = arith.andi %bitcast3A_462, %broadcast_in_dim3A_192 : vector<16xi32>
          %bitcast3A_464 = vector.bitcast %and3A_463 : vector<16xi32> to vector<16xf32>
          %shift_left3A_465 = arith.constant 16 : i32
          %shift_left3A_466 = vector.broadcast %shift_left3A_465 : i32 to vector<16xi32>
          %shift_left3A_467 = arith.shli %bitcast3A_462, %shift_left3A_466 : vector<16xi32>
          %bitcast3A_468 = vector.bitcast %shift_left3A_467 : vector<16xi32> to vector<16xf32>
          %add3A_469 = arith.addf %add3A_446, %bitcast3A_464 : vector<16xf32>
          %add3A_470 = arith.addf %add3A_447, %bitcast3A_468 : vector<16xf32>
          %mul3A_471 = arith.constant 16 : i32
          %mul3A_472 = arith.muli %scan3A_265, %mul3A_471 : i32
          %add3A_473 = arith.constant 9 : i32
          %add3A_474 = arith.addi %mul3A_472, %add3A_473 : i32
          %add3A_475 = vector.broadcast %add3A_474 : i32 to vector<16xi32>
          %add3A_476 = arith.addi %iota3A, %add3A_475 : vector<16xi32>
          %and3A_477 = arith.constant 63 : i32
          %and3A_478 = vector.broadcast %and3A_477 : i32 to vector<16xi32>
          %and3A_479 = arith.andi %add3A_476, %and3A_478 : vector<16xi32>
          %gather3A_480 = tpu.vector_load_idx %arg11[%add3A_247, %and3A_479] : memref<80x64xi32, #tpu.memory_space<vmem>>[vector<16xi32>, vector<16xi32>], vector<16xi32>,
          %gather3A_481 = tpu.vector_load_idx %arg15[%add3A_247, %and3A_479] : memref<80x64xi32, #tpu.memory_space<vmem>>[vector<16xi32>, vector<16xi32>], vector<16xi32>,
          %bitcast3A_482 = vector.bitcast %gather3A_480 : vector<16xi32> to vector<32xbf16>
          %bitcast3A_483 = vector.bitcast %gather3A_481 : vector<16xi32> to vector<32xbf16>
          %mul3A_484 = arith.mulf %bitcast3A_482, %bitcast3A_483 : vector<32xbf16>
          %bitcast3A_485 = vector.bitcast %mul3A_484 : vector<32xbf16> to vector<16xi32>
          %and3A_486 = arith.andi %bitcast3A_485, %broadcast_in_dim3A_192 : vector<16xi32>
          %bitcast3A_487 = vector.bitcast %and3A_486 : vector<16xi32> to vector<16xf32>
          %shift_left3A_488 = arith.constant 16 : i32
          %shift_left3A_489 = vector.broadcast %shift_left3A_488 : i32 to vector<16xi32>
          %shift_left3A_490 = arith.shli %bitcast3A_485, %shift_left3A_489 : vector<16xi32>
          %bitcast3A_491 = vector.bitcast %shift_left3A_490 : vector<16xi32> to vector<16xf32>
          %add3A_492 = arith.addf %add3A_469, %bitcast3A_487 : vector<16xf32>
          %add3A_493 = arith.addf %add3A_470, %bitcast3A_491 : vector<16xf32>
          %mul3A_494 = arith.constant 16 : i32
          %mul3A_495 = arith.muli %scan3A_265, %mul3A_494 : i32
          %add3A_496 = arith.constant 10 : i32
          %add3A_497 = arith.addi %mul3A_495, %add3A_496 : i32
          %add3A_498 = vector.broadcast %add3A_497 : i32 to vector<16xi32>
          %add3A_499 = arith.addi %iota3A, %add3A_498 : vector<16xi32>
          %and3A_500 = arith.constant 63 : i32
          %and3A_501 = vector.broadcast %and3A_500 : i32 to vector<16xi32>
          %and3A_502 = arith.andi %add3A_499, %and3A_501 : vector<16xi32>
          %gather3A_503 = tpu.vector_load_idx %arg11[%add3A_247, %and3A_502] : memref<80x64xi32, #tpu.memory_space<vmem>>[vector<16xi32>, vector<16xi32>], vector<16xi32>,
          %gather3A_504 = tpu.vector_load_idx %arg15[%add3A_247, %and3A_502] : memref<80x64xi32, #tpu.memory_space<vmem>>[vector<16xi32>, vector<16xi32>], vector<16xi32>,
          %bitcast3A_505 = vector.bitcast %gather3A_503 : vector<16xi32> to vector<32xbf16>
          %bitcast3A_506 = vector.bitcast %gather3A_504 : vector<16xi32> to vector<32xbf16>
          %mul3A_507 = arith.mulf %bitcast3A_505, %bitcast3A_506 : vector<32xbf16>
          %bitcast3A_508 = vector.bitcast %mul3A_507 : vector<32xbf16> to vector<16xi32>
          %and3A_509 = arith.andi %bitcast3A_508, %broadcast_in_dim3A_192 : vector<16xi32>
          %bitcast3A_510 = vector.bitcast %and3A_509 : vector<16xi32> to vector<16xf32>
          %shift_left3A_511 = arith.constant 16 : i32
          %shift_left3A_512 = vector.broadcast %shift_left3A_511 : i32 to vector<16xi32>
          %shift_left3A_513 = arith.shli %bitcast3A_508, %shift_left3A_512 : vector<16xi32>
          %bitcast3A_514 = vector.bitcast %shift_left3A_513 : vector<16xi32> to vector<16xf32>
          %add3A_515 = arith.addf %add3A_492, %bitcast3A_510 : vector<16xf32>
          %add3A_516 = arith.addf %add3A_493, %bitcast3A_514 : vector<16xf32>
          %mul3A_517 = arith.constant 16 : i32
          %mul3A_518 = arith.muli %scan3A_265, %mul3A_517 : i32
          %add3A_519 = arith.constant 11 : i32
          %add3A_520 = arith.addi %mul3A_518, %add3A_519 : i32
          %add3A_521 = vector.broadcast %add3A_520 : i32 to vector<16xi32>
          %add3A_522 = arith.addi %iota3A, %add3A_521 : vector<16xi32>
          %and3A_523 = arith.constant 63 : i32
          %and3A_524 = vector.broadcast %and3A_523 : i32 to vector<16xi32>
          %and3A_525 = arith.andi %add3A_522, %and3A_524 : vector<16xi32>
          %gather3A_526 = tpu.vector_load_idx %arg11[%add3A_247, %and3A_525] : memref<80x64xi32, #tpu.memory_space<vmem>>[vector<16xi32>, vector<16xi32>], vector<16xi32>,
          %gather3A_527 = tpu.vector_load_idx %arg15[%add3A_247, %and3A_525] : memref<80x64xi32, #tpu.memory_space<vmem>>[vector<16xi32>, vector<16xi32>], vector<16xi32>,
          %bitcast3A_528 = vector.bitcast %gather3A_526 : vector<16xi32> to vector<32xbf16>
          %bitcast3A_529 = vector.bitcast %gather3A_527 : vector<16xi32> to vector<32xbf16>
          %mul3A_530 = arith.mulf %bitcast3A_528, %bitcast3A_529 : vector<32xbf16>
          %bitcast3A_531 = vector.bitcast %mul3A_530 : vector<32xbf16> to vector<16xi32>
          %and3A_532 = arith.andi %bitcast3A_531, %broadcast_in_dim3A_192 : vector<16xi32>
          %bitcast3A_533 = vector.bitcast %and3A_532 : vector<16xi32> to vector<16xf32>
          %shift_left3A_534 = arith.constant 16 : i32
          %shift_left3A_535 = vector.broadcast %shift_left3A_534 : i32 to vector<16xi32>
          %shift_left3A_536 = arith.shli %bitcast3A_531, %shift_left3A_535 : vector<16xi32>
          %bitcast3A_537 = vector.bitcast %shift_left3A_536 : vector<16xi32> to vector<16xf32>
          %add3A_538 = arith.addf %add3A_515, %bitcast3A_533 : vector<16xf32>
          %add3A_539 = arith.addf %add3A_516, %bitcast3A_537 : vector<16xf32>
          %mul3A_540 = arith.constant 16 : i32
          %mul3A_541 = arith.muli %scan3A_265, %mul3A_540 : i32
          %add3A_542 = arith.constant 12 : i32
          %add3A_543 = arith.addi %mul3A_541, %add3A_542 : i32
          %add3A_544 = vector.broadcast %add3A_543 : i32 to vector<16xi32>
          %add3A_545 = arith.addi %iota3A, %add3A_544 : vector<16xi32>
          %and3A_546 = arith.constant 63 : i32
          %and3A_547 = vector.broadcast %and3A_546 : i32 to vector<16xi32>
          %and3A_548 = arith.andi %add3A_545, %and3A_547 : vector<16xi32>
          %gather3A_549 = tpu.vector_load_idx %arg11[%add3A_247, %and3A_548] : memref<80x64xi32, #tpu.memory_space<vmem>>[vector<16xi32>, vector<16xi32>], vector<16xi32>,
          %gather3A_550 = tpu.vector_load_idx %arg15[%add3A_247, %and3A_548] : memref<80x64xi32, #tpu.memory_space<vmem>>[vector<16xi32>, vector<16xi32>], vector<16xi32>,
          %bitcast3A_551 = vector.bitcast %gather3A_549 : vector<16xi32> to vector<32xbf16>
          %bitcast3A_552 = vector.bitcast %gather3A_550 : vector<16xi32> to vector<32xbf16>
          %mul3A_553 = arith.mulf %bitcast3A_551, %bitcast3A_552 : vector<32xbf16>
          %bitcast3A_554 = vector.bitcast %mul3A_553 : vector<32xbf16> to vector<16xi32>
          %and3A_555 = arith.andi %bitcast3A_554, %broadcast_in_dim3A_192 : vector<16xi32>
          %bitcast3A_556 = vector.bitcast %and3A_555 : vector<16xi32> to vector<16xf32>
          %shift_left3A_557 = arith.constant 16 : i32
          %shift_left3A_558 = vector.broadcast %shift_left3A_557 : i32 to vector<16xi32>
          %shift_left3A_559 = arith.shli %bitcast3A_554, %shift_left3A_558 : vector<16xi32>
          %bitcast3A_560 = vector.bitcast %shift_left3A_559 : vector<16xi32> to vector<16xf32>
          %add3A_561 = arith.addf %add3A_538, %bitcast3A_556 : vector<16xf32>
          %add3A_562 = arith.addf %add3A_539, %bitcast3A_560 : vector<16xf32>
          %mul3A_563 = arith.constant 16 : i32
          %mul3A_564 = arith.muli %scan3A_265, %mul3A_563 : i32
          %add3A_565 = arith.constant 13 : i32
          %add3A_566 = arith.addi %mul3A_564, %add3A_565 : i32
          %add3A_567 = vector.broadcast %add3A_566 : i32 to vector<16xi32>
          %add3A_568 = arith.addi %iota3A, %add3A_567 : vector<16xi32>
          %and3A_569 = arith.constant 63 : i32
          %and3A_570 = vector.broadcast %and3A_569 : i32 to vector<16xi32>
          %and3A_571 = arith.andi %add3A_568, %and3A_570 : vector<16xi32>
          %gather3A_572 = tpu.vector_load_idx %arg11[%add3A_247, %and3A_571] : memref<80x64xi32, #tpu.memory_space<vmem>>[vector<16xi32>, vector<16xi32>], vector<16xi32>,
          %gather3A_573 = tpu.vector_load_idx %arg15[%add3A_247, %and3A_571] : memref<80x64xi32, #tpu.memory_space<vmem>>[vector<16xi32>, vector<16xi32>], vector<16xi32>,
          %bitcast3A_574 = vector.bitcast %gather3A_572 : vector<16xi32> to vector<32xbf16>
          %bitcast3A_575 = vector.bitcast %gather3A_573 : vector<16xi32> to vector<32xbf16>
          %mul3A_576 = arith.mulf %bitcast3A_574, %bitcast3A_575 : vector<32xbf16>
          %bitcast3A_577 = vector.bitcast %mul3A_576 : vector<32xbf16> to vector<16xi32>
          %and3A_578 = arith.andi %bitcast3A_577, %broadcast_in_dim3A_192 : vector<16xi32>
          %bitcast3A_579 = vector.bitcast %and3A_578 : vector<16xi32> to vector<16xf32>
          %shift_left3A_580 = arith.constant 16 : i32
          %shift_left3A_581 = vector.broadcast %shift_left3A_580 : i32 to vector<16xi32>
          %shift_left3A_582 = arith.shli %bitcast3A_577, %shift_left3A_581 : vector<16xi32>
          %bitcast3A_583 = vector.bitcast %shift_left3A_582 : vector<16xi32> to vector<16xf32>
          %add3A_584 = arith.addf %add3A_561, %bitcast3A_579 : vector<16xf32>
          %add3A_585 = arith.addf %add3A_562, %bitcast3A_583 : vector<16xf32>
          %mul3A_586 = arith.constant 16 : i32
          %mul3A_587 = arith.muli %scan3A_265, %mul3A_586 : i32
          %add3A_588 = arith.constant 14 : i32
          %add3A_589 = arith.addi %mul3A_587, %add3A_588 : i32
          %add3A_590 = vector.broadcast %add3A_589 : i32 to vector<16xi32>
          %add3A_591 = arith.addi %iota3A, %add3A_590 : vector<16xi32>
          %and3A_592 = arith.constant 63 : i32
          %and3A_593 = vector.broadcast %and3A_592 : i32 to vector<16xi32>
          %and3A_594 = arith.andi %add3A_591, %and3A_593 : vector<16xi32>
          %gather3A_595 = tpu.vector_load_idx %arg11[%add3A_247, %and3A_594] : memref<80x64xi32, #tpu.memory_space<vmem>>[vector<16xi32>, vector<16xi32>], vector<16xi32>,
          %gather3A_596 = tpu.vector_load_idx %arg15[%add3A_247, %and3A_594] : memref<80x64xi32, #tpu.memory_space<vmem>>[vector<16xi32>, vector<16xi32>], vector<16xi32>,
          %bitcast3A_597 = vector.bitcast %gather3A_595 : vector<16xi32> to vector<32xbf16>
          %bitcast3A_598 = vector.bitcast %gather3A_596 : vector<16xi32> to vector<32xbf16>
          %mul3A_599 = arith.mulf %bitcast3A_597, %bitcast3A_598 : vector<32xbf16>
          %bitcast3A_600 = vector.bitcast %mul3A_599 : vector<32xbf16> to vector<16xi32>
          %and3A_601 = arith.andi %bitcast3A_600, %broadcast_in_dim3A_192 : vector<16xi32>
          %bitcast3A_602 = vector.bitcast %and3A_601 : vector<16xi32> to vector<16xf32>
          %shift_left3A_603 = arith.constant 16 : i32
          %shift_left3A_604 = vector.broadcast %shift_left3A_603 : i32 to vector<16xi32>
          %shift_left3A_605 = arith.shli %bitcast3A_600, %shift_left3A_604 : vector<16xi32>
          %bitcast3A_606 = vector.bitcast %shift_left3A_605 : vector<16xi32> to vector<16xf32>
          %add3A_607 = arith.addf %add3A_584, %bitcast3A_602 : vector<16xf32>
          %add3A_608 = arith.addf %add3A_585, %bitcast3A_606 : vector<16xf32>
          %mul3A_609 = arith.constant 16 : i32
          %mul3A_610 = arith.muli %scan3A_265, %mul3A_609 : i32
          %add3A_611 = arith.constant 15 : i32
          %add3A_612 = arith.addi %mul3A_610, %add3A_611 : i32
          %add3A_613 = vector.broadcast %add3A_612 : i32 to vector<16xi32>
          %add3A_614 = arith.addi %iota3A, %add3A_613 : vector<16xi32>
          %and3A_615 = arith.constant 63 : i32
          %and3A_616 = vector.broadcast %and3A_615 : i32 to vector<16xi32>
          %and3A_617 = arith.andi %add3A_614, %and3A_616 : vector<16xi32>
          %gather3A_618 = tpu.vector_load_idx %arg11[%add3A_247, %and3A_617] : memref<80x64xi32, #tpu.memory_space<vmem>>[vector<16xi32>, vector<16xi32>], vector<16xi32>,
          %gather3A_619 = tpu.vector_load_idx %arg15[%add3A_247, %and3A_617] : memref<80x64xi32, #tpu.memory_space<vmem>>[vector<16xi32>, vector<16xi32>], vector<16xi32>,
          %bitcast3A_620 = vector.bitcast %gather3A_618 : vector<16xi32> to vector<32xbf16>
          %bitcast3A_621 = vector.bitcast %gather3A_619 : vector<16xi32> to vector<32xbf16>
          %mul3A_622 = arith.mulf %bitcast3A_620, %bitcast3A_621 : vector<32xbf16>
          %bitcast3A_623 = vector.bitcast %mul3A_622 : vector<32xbf16> to vector<16xi32>
          %and3A_624 = arith.andi %bitcast3A_623, %broadcast_in_dim3A_192 : vector<16xi32>
          %bitcast3A_625 = vector.bitcast %and3A_624 : vector<16xi32> to vector<16xf32>
          %shift_left3A_626 = arith.constant 16 : i32
          %shift_left3A_627 = vector.broadcast %shift_left3A_626 : i32 to vector<16xi32>
          %shift_left3A_628 = arith.shli %bitcast3A_623, %shift_left3A_627 : vector<16xi32>
          %bitcast3A_629 = vector.bitcast %shift_left3A_628 : vector<16xi32> to vector<16xf32>
          %add3A_630 = arith.addf %add3A_607, %bitcast3A_625 : vector<16xf32>
          %add3A_631 = arith.addf %add3A_608, %bitcast3A_629 : vector<16xf32>
          scf.yield %add3A_630, %add3A_631 : vector<16xf32>, vector<16xf32>
        }
        %scan3A_255 = arith.constant 4 : i32
        %add3A_256 = arith.addf %scan3A_254#0, %scan3A_254#1 : vector<16xf32>
        %neg3A = arith.constant 0.000000e+00 : f32
        %neg3A_257 = vector.broadcast %neg3A : f32 to vector<16xf32>
        %neg3A_258 = arith.subf %neg3A_257, %add3A_256 : vector<16xf32>
        %exp3A = math.exp %neg3A_258 : vector<16xf32>
        %add3A_259 = arith.constant 1.000000e+00 : f32
        %add3A_260 = vector.broadcast %add3A_259 : f32 to vector<16xf32>
        %add3A_261 = arith.addf %add3A_260, %exp3A : vector<16xf32>
        %div3A = arith.constant 1.000000e+00 : f32
        %div3A_262 = vector.broadcast %div3A : f32 to vector<16xf32>
        %div3A_263 = arith.divf %div3A_262, %add3A_261 : vector<16xf32>
        %swap3A = arith.index_cast %mul3A_245 : i32 to index
        %swap3A_264 = tpu.vector_load %arg19[%swap3A] {strides = array<i32>} : memref<80xf32, #tpu.memory_space<vmem>>, vector<16xf32>,
        tpu.vector_store %arg19[%swap3A], %div3A_263 {strides = array<i32>} : memref<80xf32, #tpu.memory_space<vmem>>, vector<16xf32>,
      }
      %scan3A_198 = arith.constant 5 : i32
      %mul3A_199 = arith.constant 80 : i32
      %mul3A_200 = arith.muli %add3A_166, %mul3A_199 : i32
      %add3A_201 = arith.addi %mul3A_2, %mul3A_200 : i32
      %dma_start3A_202 = tpu.memref_slice %arg5[%add3A_201] : memref<320000xf32, #tpu.memory_space<hbm>> -> memref<80xf32, #tpu.memory_space<hbm>>
      %dma_start3A_203 = tpu.memref_slice %arg5[%add3A_201] : memref<320000xf32, #tpu.memory_space<hbm>> -> memref<80xf32, #tpu.memory_space<hbm>>
      tpu.enqueue_dma source(%arg19 : memref<80xf32, #tpu.memory_space<vmem>>) target(%dma_start3A_203 : memref<80xf32, #tpu.memory_space<hbm>>) target_semaphore(%arg31 : memref<!tpu.dma_semaphore, #tpu.memory_space<semaphore_mem>>)
      %add3A_204 = arith.constant 3 : i32
      %add3A_205 = arith.addi %mul3A_91, %add3A_204 : i32
      %add3A_206 = arith.constant 4 : i32
      %add3A_207 = arith.addi %add3A_205, %add3A_206 : i32
      %sub3A_208 = arith.constant 1 : i32
      %sub3A_209 = arith.subi %add3A_207, %sub3A_208 : i32
      %le3A_210 = arith.constant 124 : i32
      %le3A_211 = arith.cmpi sle, %sub3A_209, %le3A_210 : i32
      %convert_element_type3A_212 = arith.extui %le3A_211 : i1 to i32
      %cond3A_213 = arith.constant 0 : i32
      %cond3A_214 = arith.cmpi ne, %convert_element_type3A_212, %cond3A_213 : i32
      scf.if %cond3A_214 {
        %add3A_243 = arith.constant 4 : i32
        %add3A_244 = arith.addi %add3A_205, %add3A_243 : i32
        %sub3A_245 = arith.constant 1 : i32
        %sub3A_246 = arith.subi %add3A_244, %sub3A_245 : i32
        %mul3A_247 = arith.constant 80 : i32
        %mul3A_248 = arith.muli %sub3A_246, %mul3A_247 : i32
        %dma_start3A_249 = tpu.memref_slice %arg6[%mul3A_248] : memref<10000xi32, #tpu.memory_space<vmem>> -> memref<80xi32, #tpu.memory_space<vmem>>
        %dma_start3A_250 = arith.constant 0 : i32
        %dma_start3A_251 = arith.constant 0 : i32
        %dma_start3A_252 = tpu.memref_slice %arg8[%dma_start3A_250, %dma_start3A_251] : memref<10000x64xi32, #tpu.memory_space<vmem_shared>> -> memref<10000x64xi32, #tpu.memory_space<vmem_shared>>
        tpu.enqueue_indirect_dma source(%dma_start3A_252 : memref<10000x64xi32, #tpu.memory_space<vmem_shared>>) target(%arg11 : memref<80x64xi32, #tpu.memory_space<vmem>>) offsets(%dma_start3A_249 : memref<80xi32, #tpu.memory_space<vmem>>) semaphore(%arg23 : memref<!tpu.dma_semaphore, #tpu.memory_space<semaphore_mem>>)
        %dma_start3A_253 = tpu.memref_slice %arg7[%mul3A_248] : memref<10000xi32, #tpu.memory_space<vmem>> -> memref<80xi32, #tpu.memory_space<vmem>>
        %dma_start3A_254 = arith.constant 0 : i32
        %dma_start3A_255 = arith.constant 0 : i32
        %dma_start3A_256 = tpu.memref_slice %arg8[%dma_start3A_254, %dma_start3A_255] : memref<10000x64xi32, #tpu.memory_space<vmem_shared>> -> memref<10000x64xi32, #tpu.memory_space<vmem_shared>>
        tpu.enqueue_indirect_dma source(%dma_start3A_256 : memref<10000x64xi32, #tpu.memory_space<vmem_shared>>) target(%arg15 : memref<80x64xi32, #tpu.memory_space<vmem>>) offsets(%dma_start3A_253 : memref<80xi32, #tpu.memory_space<vmem>>) semaphore(%arg27 : memref<!tpu.dma_semaphore, #tpu.memory_space<semaphore_mem>>)
      } else {
      }
      %dma_wait3A_215 = arith.constant 0 : i32
      %dma_wait3A_216 = tpu.memref_slice %arg6[%dma_wait3A_215] : memref<10000xi32, #tpu.memory_space<vmem>> -> memref<80xi32, #tpu.memory_space<vmem>>
      %dma_wait3A_217 = arith.constant 0 : i32
      %dma_wait3A_218 = arith.constant 0 : i32
      %dma_wait3A_219 = tpu.memref_slice %arg8[%dma_wait3A_217, %dma_wait3A_218] : memref<10000x64xi32, #tpu.memory_space<vmem_shared>> -> memref<10000x64xi32, #tpu.memory_space<vmem_shared>>
      tpu.wait_indirect_dma semaphore(%arg24 : memref<!tpu.dma_semaphore, #tpu.memory_space<semaphore_mem>>) src(%dma_wait3A_219 : memref<10000x64xi32, #tpu.memory_space<vmem_shared>>) dst(%arg12 : memref<80x64xi32, #tpu.memory_space<vmem>>)
      %dma_wait3A_220 = arith.constant 0 : i32
      %dma_wait3A_221 = tpu.memref_slice %arg7[%dma_wait3A_220] : memref<10000xi32, #tpu.memory_space<vmem>> -> memref<80xi32, #tpu.memory_space<vmem>>
      %dma_wait3A_222 = arith.constant 0 : i32
      %dma_wait3A_223 = arith.constant 0 : i32
      %dma_wait3A_224 = tpu.memref_slice %arg8[%dma_wait3A_222, %dma_wait3A_223] : memref<10000x64xi32, #tpu.memory_space<vmem_shared>> -> memref<10000x64xi32, #tpu.memory_space<vmem_shared>>
      tpu.wait_indirect_dma semaphore(%arg28 : memref<!tpu.dma_semaphore, #tpu.memory_space<semaphore_mem>>) src(%dma_wait3A_224 : memref<10000x64xi32, #tpu.memory_space<vmem_shared>>) dst(%arg16 : memref<80x64xi32, #tpu.memory_space<vmem>>)
      %ge3A_225 = arith.constant 4 : i32
      %ge3A_226 = arith.cmpi sge, %add3A_205, %ge3A_225 : i32
      %convert_element_type3A_227 = arith.extui %ge3A_226 : i1 to i32
      %cond3A_228 = arith.constant 0 : i32
      %cond3A_229 = arith.cmpi ne, %convert_element_type3A_227, %cond3A_228 : i32
      scf.if %cond3A_229 {
        %sub3A_243 = arith.constant 4 : i32
        %sub3A_244 = arith.subi %add3A_205, %sub3A_243 : i32
        %mul3A_245 = arith.constant 80 : i32
        %mul3A_246 = arith.muli %sub3A_244, %mul3A_245 : i32
        %add3A_247 = arith.addi %mul3A_2, %mul3A_246 : i32
        %dma_wait3A_248 = tpu.memref_slice %arg5[%add3A_247] : memref<320000xf32, #tpu.memory_space<hbm>> -> memref<80xf32, #tpu.memory_space<hbm>>
        %dma_wait3A_249 = tpu.memref_slice %arg5[%add3A_247] : memref<320000xf32, #tpu.memory_space<hbm>> -> memref<80xf32, #tpu.memory_space<hbm>>
        tpu.wait_dma2 semaphore(%arg32 : memref<!tpu.dma_semaphore, #tpu.memory_space<semaphore_mem>>) src(%arg20 : memref<80xf32, #tpu.memory_space<vmem>>) dst(%dma_wait3A_249 : memref<80xf32, #tpu.memory_space<hbm>>)
      } else {
      }
      %broadcast_in_dim3A_230 = arith.constant -65536 : i32
      %broadcast_in_dim3A_231 = vector.broadcast %broadcast_in_dim3A_230 : i32 to vector<16xi32>
      %scan3A_232 = arith.constant 0 : i32
      %scan3A_233 = arith.constant 0 : i32
      %scan3A_234 = arith.constant 5 : i32
      %scan3A_235 = arith.addi %scan3A_233, %scan3A_234 : i32
      %scan3A_236 = arith.constant 1 : i32
      scf.for %scan3A_243 = %scan3A_233 to %scan3A_235 step %scan3A_236  : i32 {
        %mul3A_244 = arith.constant 16 : i32
        %mul3A_245 = arith.muli %scan3A_243, %mul3A_244 : i32
        %add3A_246 = vector.broadcast %mul3A_245 : i32 to vector<16xi32>
        %add3A_247 = arith.addi %add3A_246, %iota3A : vector<16xi32>
        %broadcast_in_dim3A_248 = arith.constant 0.000000e+00 : f32
        %broadcast_in_dim3A_249 = vector.broadcast %broadcast_in_dim3A_248 : f32 to vector<16xf32>
        %scan3A_250 = arith.constant 0 : i32
        %scan3A_251 = arith.constant 4 : i32
        %scan3A_252 = arith.addi %scan3A_250, %scan3A_251 : i32
        %scan3A_253 = arith.constant 1 : i32
        %scan3A_254:2 = scf.for %scan3A_265 = %scan3A_250 to %scan3A_252 step %scan3A_253 iter_args(%scan3A_266 = %broadcast_in_dim3A_249, %scan3A_267 = %broadcast_in_dim3A_249) -> (vector<16xf32>, vector<16xf32>)  : i32 {
          %mul3A_268 = arith.constant 16 : i32
          %mul3A_269 = arith.muli %scan3A_265, %mul3A_268 : i32
          %add3A_270 = arith.constant 0 : i32
          %add3A_271 = arith.addi %mul3A_269, %add3A_270 : i32
          %add3A_272 = vector.broadcast %add3A_271 : i32 to vector<16xi32>
          %add3A_273 = arith.addi %iota3A, %add3A_272 : vector<16xi32>
          %and3A = arith.constant 63 : i32
          %and3A_274 = vector.broadcast %and3A : i32 to vector<16xi32>
          %and3A_275 = arith.andi %add3A_273, %and3A_274 : vector<16xi32>
          %gather3A = tpu.vector_load_idx %arg12[%add3A_247, %and3A_275] : memref<80x64xi32, #tpu.memory_space<vmem>>[vector<16xi32>, vector<16xi32>], vector<16xi32>,
          %gather3A_276 = tpu.vector_load_idx %arg16[%add3A_247, %and3A_275] : memref<80x64xi32, #tpu.memory_space<vmem>>[vector<16xi32>, vector<16xi32>], vector<16xi32>,
          %bitcast3A = vector.bitcast %gather3A : vector<16xi32> to vector<32xbf16>
          %bitcast3A_277 = vector.bitcast %gather3A_276 : vector<16xi32> to vector<32xbf16>
          %mul3A_278 = arith.mulf %bitcast3A, %bitcast3A_277 : vector<32xbf16>
          %bitcast3A_279 = vector.bitcast %mul3A_278 : vector<32xbf16> to vector<16xi32>
          %and3A_280 = arith.andi %bitcast3A_279, %broadcast_in_dim3A_231 : vector<16xi32>
          %bitcast3A_281 = vector.bitcast %and3A_280 : vector<16xi32> to vector<16xf32>
          %shift_left3A = arith.constant 16 : i32
          %shift_left3A_282 = vector.broadcast %shift_left3A : i32 to vector<16xi32>
          %shift_left3A_283 = arith.shli %bitcast3A_279, %shift_left3A_282 : vector<16xi32>
          %bitcast3A_284 = vector.bitcast %shift_left3A_283 : vector<16xi32> to vector<16xf32>
          %add3A_285 = arith.addf %scan3A_266, %bitcast3A_281 : vector<16xf32>
          %add3A_286 = arith.addf %scan3A_267, %bitcast3A_284 : vector<16xf32>
          %mul3A_287 = arith.constant 16 : i32
          %mul3A_288 = arith.muli %scan3A_265, %mul3A_287 : i32
          %add3A_289 = arith.constant 1 : i32
          %add3A_290 = arith.addi %mul3A_288, %add3A_289 : i32
          %add3A_291 = vector.broadcast %add3A_290 : i32 to vector<16xi32>
          %add3A_292 = arith.addi %iota3A, %add3A_291 : vector<16xi32>
          %and3A_293 = arith.constant 63 : i32
          %and3A_294 = vector.broadcast %and3A_293 : i32 to vector<16xi32>
          %and3A_295 = arith.andi %add3A_292, %and3A_294 : vector<16xi32>
          %gather3A_296 = tpu.vector_load_idx %arg12[%add3A_247, %and3A_295] : memref<80x64xi32, #tpu.memory_space<vmem>>[vector<16xi32>, vector<16xi32>], vector<16xi32>,
          %gather3A_297 = tpu.vector_load_idx %arg16[%add3A_247, %and3A_295] : memref<80x64xi32, #tpu.memory_space<vmem>>[vector<16xi32>, vector<16xi32>], vector<16xi32>,
          %bitcast3A_298 = vector.bitcast %gather3A_296 : vector<16xi32> to vector<32xbf16>
          %bitcast3A_299 = vector.bitcast %gather3A_297 : vector<16xi32> to vector<32xbf16>
          %mul3A_300 = arith.mulf %bitcast3A_298, %bitcast3A_299 : vector<32xbf16>
          %bitcast3A_301 = vector.bitcast %mul3A_300 : vector<32xbf16> to vector<16xi32>
          %and3A_302 = arith.andi %bitcast3A_301, %broadcast_in_dim3A_231 : vector<16xi32>
          %bitcast3A_303 = vector.bitcast %and3A_302 : vector<16xi32> to vector<16xf32>
          %shift_left3A_304 = arith.constant 16 : i32
          %shift_left3A_305 = vector.broadcast %shift_left3A_304 : i32 to vector<16xi32>
          %shift_left3A_306 = arith.shli %bitcast3A_301, %shift_left3A_305 : vector<16xi32>
          %bitcast3A_307 = vector.bitcast %shift_left3A_306 : vector<16xi32> to vector<16xf32>
          %add3A_308 = arith.addf %add3A_285, %bitcast3A_303 : vector<16xf32>
          %add3A_309 = arith.addf %add3A_286, %bitcast3A_307 : vector<16xf32>
          %mul3A_310 = arith.constant 16 : i32
          %mul3A_311 = arith.muli %scan3A_265, %mul3A_310 : i32
          %add3A_312 = arith.constant 2 : i32
          %add3A_313 = arith.addi %mul3A_311, %add3A_312 : i32
          %add3A_314 = vector.broadcast %add3A_313 : i32 to vector<16xi32>
          %add3A_315 = arith.addi %iota3A, %add3A_314 : vector<16xi32>
          %and3A_316 = arith.constant 63 : i32
          %and3A_317 = vector.broadcast %and3A_316 : i32 to vector<16xi32>
          %and3A_318 = arith.andi %add3A_315, %and3A_317 : vector<16xi32>
          %gather3A_319 = tpu.vector_load_idx %arg12[%add3A_247, %and3A_318] : memref<80x64xi32, #tpu.memory_space<vmem>>[vector<16xi32>, vector<16xi32>], vector<16xi32>,
          %gather3A_320 = tpu.vector_load_idx %arg16[%add3A_247, %and3A_318] : memref<80x64xi32, #tpu.memory_space<vmem>>[vector<16xi32>, vector<16xi32>], vector<16xi32>,
          %bitcast3A_321 = vector.bitcast %gather3A_319 : vector<16xi32> to vector<32xbf16>
          %bitcast3A_322 = vector.bitcast %gather3A_320 : vector<16xi32> to vector<32xbf16>
          %mul3A_323 = arith.mulf %bitcast3A_321, %bitcast3A_322 : vector<32xbf16>
          %bitcast3A_324 = vector.bitcast %mul3A_323 : vector<32xbf16> to vector<16xi32>
          %and3A_325 = arith.andi %bitcast3A_324, %broadcast_in_dim3A_231 : vector<16xi32>
          %bitcast3A_326 = vector.bitcast %and3A_325 : vector<16xi32> to vector<16xf32>
          %shift_left3A_327 = arith.constant 16 : i32
          %shift_left3A_328 = vector.broadcast %shift_left3A_327 : i32 to vector<16xi32>
          %shift_left3A_329 = arith.shli %bitcast3A_324, %shift_left3A_328 : vector<16xi32>
          %bitcast3A_330 = vector.bitcast %shift_left3A_329 : vector<16xi32> to vector<16xf32>
          %add3A_331 = arith.addf %add3A_308, %bitcast3A_326 : vector<16xf32>
          %add3A_332 = arith.addf %add3A_309, %bitcast3A_330 : vector<16xf32>
          %mul3A_333 = arith.constant 16 : i32
          %mul3A_334 = arith.muli %scan3A_265, %mul3A_333 : i32
          %add3A_335 = arith.constant 3 : i32
          %add3A_336 = arith.addi %mul3A_334, %add3A_335 : i32
          %add3A_337 = vector.broadcast %add3A_336 : i32 to vector<16xi32>
          %add3A_338 = arith.addi %iota3A, %add3A_337 : vector<16xi32>
          %and3A_339 = arith.constant 63 : i32
          %and3A_340 = vector.broadcast %and3A_339 : i32 to vector<16xi32>
          %and3A_341 = arith.andi %add3A_338, %and3A_340 : vector<16xi32>
          %gather3A_342 = tpu.vector_load_idx %arg12[%add3A_247, %and3A_341] : memref<80x64xi32, #tpu.memory_space<vmem>>[vector<16xi32>, vector<16xi32>], vector<16xi32>,
          %gather3A_343 = tpu.vector_load_idx %arg16[%add3A_247, %and3A_341] : memref<80x64xi32, #tpu.memory_space<vmem>>[vector<16xi32>, vector<16xi32>], vector<16xi32>,
          %bitcast3A_344 = vector.bitcast %gather3A_342 : vector<16xi32> to vector<32xbf16>
          %bitcast3A_345 = vector.bitcast %gather3A_343 : vector<16xi32> to vector<32xbf16>
          %mul3A_346 = arith.mulf %bitcast3A_344, %bitcast3A_345 : vector<32xbf16>
          %bitcast3A_347 = vector.bitcast %mul3A_346 : vector<32xbf16> to vector<16xi32>
          %and3A_348 = arith.andi %bitcast3A_347, %broadcast_in_dim3A_231 : vector<16xi32>
          %bitcast3A_349 = vector.bitcast %and3A_348 : vector<16xi32> to vector<16xf32>
          %shift_left3A_350 = arith.constant 16 : i32
          %shift_left3A_351 = vector.broadcast %shift_left3A_350 : i32 to vector<16xi32>
          %shift_left3A_352 = arith.shli %bitcast3A_347, %shift_left3A_351 : vector<16xi32>
          %bitcast3A_353 = vector.bitcast %shift_left3A_352 : vector<16xi32> to vector<16xf32>
          %add3A_354 = arith.addf %add3A_331, %bitcast3A_349 : vector<16xf32>
          %add3A_355 = arith.addf %add3A_332, %bitcast3A_353 : vector<16xf32>
          %mul3A_356 = arith.constant 16 : i32
          %mul3A_357 = arith.muli %scan3A_265, %mul3A_356 : i32
          %add3A_358 = arith.constant 4 : i32
          %add3A_359 = arith.addi %mul3A_357, %add3A_358 : i32
          %add3A_360 = vector.broadcast %add3A_359 : i32 to vector<16xi32>
          %add3A_361 = arith.addi %iota3A, %add3A_360 : vector<16xi32>
          %and3A_362 = arith.constant 63 : i32
          %and3A_363 = vector.broadcast %and3A_362 : i32 to vector<16xi32>
          %and3A_364 = arith.andi %add3A_361, %and3A_363 : vector<16xi32>
          %gather3A_365 = tpu.vector_load_idx %arg12[%add3A_247, %and3A_364] : memref<80x64xi32, #tpu.memory_space<vmem>>[vector<16xi32>, vector<16xi32>], vector<16xi32>,
          %gather3A_366 = tpu.vector_load_idx %arg16[%add3A_247, %and3A_364] : memref<80x64xi32, #tpu.memory_space<vmem>>[vector<16xi32>, vector<16xi32>], vector<16xi32>,
          %bitcast3A_367 = vector.bitcast %gather3A_365 : vector<16xi32> to vector<32xbf16>
          %bitcast3A_368 = vector.bitcast %gather3A_366 : vector<16xi32> to vector<32xbf16>
          %mul3A_369 = arith.mulf %bitcast3A_367, %bitcast3A_368 : vector<32xbf16>
          %bitcast3A_370 = vector.bitcast %mul3A_369 : vector<32xbf16> to vector<16xi32>
          %and3A_371 = arith.andi %bitcast3A_370, %broadcast_in_dim3A_231 : vector<16xi32>
          %bitcast3A_372 = vector.bitcast %and3A_371 : vector<16xi32> to vector<16xf32>
          %shift_left3A_373 = arith.constant 16 : i32
          %shift_left3A_374 = vector.broadcast %shift_left3A_373 : i32 to vector<16xi32>
          %shift_left3A_375 = arith.shli %bitcast3A_370, %shift_left3A_374 : vector<16xi32>
          %bitcast3A_376 = vector.bitcast %shift_left3A_375 : vector<16xi32> to vector<16xf32>
          %add3A_377 = arith.addf %add3A_354, %bitcast3A_372 : vector<16xf32>
          %add3A_378 = arith.addf %add3A_355, %bitcast3A_376 : vector<16xf32>
          %mul3A_379 = arith.constant 16 : i32
          %mul3A_380 = arith.muli %scan3A_265, %mul3A_379 : i32
          %add3A_381 = arith.constant 5 : i32
          %add3A_382 = arith.addi %mul3A_380, %add3A_381 : i32
          %add3A_383 = vector.broadcast %add3A_382 : i32 to vector<16xi32>
          %add3A_384 = arith.addi %iota3A, %add3A_383 : vector<16xi32>
          %and3A_385 = arith.constant 63 : i32
          %and3A_386 = vector.broadcast %and3A_385 : i32 to vector<16xi32>
          %and3A_387 = arith.andi %add3A_384, %and3A_386 : vector<16xi32>
          %gather3A_388 = tpu.vector_load_idx %arg12[%add3A_247, %and3A_387] : memref<80x64xi32, #tpu.memory_space<vmem>>[vector<16xi32>, vector<16xi32>], vector<16xi32>,
          %gather3A_389 = tpu.vector_load_idx %arg16[%add3A_247, %and3A_387] : memref<80x64xi32, #tpu.memory_space<vmem>>[vector<16xi32>, vector<16xi32>], vector<16xi32>,
          %bitcast3A_390 = vector.bitcast %gather3A_388 : vector<16xi32> to vector<32xbf16>
          %bitcast3A_391 = vector.bitcast %gather3A_389 : vector<16xi32> to vector<32xbf16>
          %mul3A_392 = arith.mulf %bitcast3A_390, %bitcast3A_391 : vector<32xbf16>
          %bitcast3A_393 = vector.bitcast %mul3A_392 : vector<32xbf16> to vector<16xi32>
          %and3A_394 = arith.andi %bitcast3A_393, %broadcast_in_dim3A_231 : vector<16xi32>
          %bitcast3A_395 = vector.bitcast %and3A_394 : vector<16xi32> to vector<16xf32>
          %shift_left3A_396 = arith.constant 16 : i32
          %shift_left3A_397 = vector.broadcast %shift_left3A_396 : i32 to vector<16xi32>
          %shift_left3A_398 = arith.shli %bitcast3A_393, %shift_left3A_397 : vector<16xi32>
          %bitcast3A_399 = vector.bitcast %shift_left3A_398 : vector<16xi32> to vector<16xf32>
          %add3A_400 = arith.addf %add3A_377, %bitcast3A_395 : vector<16xf32>
          %add3A_401 = arith.addf %add3A_378, %bitcast3A_399 : vector<16xf32>
          %mul3A_402 = arith.constant 16 : i32
          %mul3A_403 = arith.muli %scan3A_265, %mul3A_402 : i32
          %add3A_404 = arith.constant 6 : i32
          %add3A_405 = arith.addi %mul3A_403, %add3A_404 : i32
          %add3A_406 = vector.broadcast %add3A_405 : i32 to vector<16xi32>
          %add3A_407 = arith.addi %iota3A, %add3A_406 : vector<16xi32>
          %and3A_408 = arith.constant 63 : i32
          %and3A_409 = vector.broadcast %and3A_408 : i32 to vector<16xi32>
          %and3A_410 = arith.andi %add3A_407, %and3A_409 : vector<16xi32>
          %gather3A_411 = tpu.vector_load_idx %arg12[%add3A_247, %and3A_410] : memref<80x64xi32, #tpu.memory_space<vmem>>[vector<16xi32>, vector<16xi32>], vector<16xi32>,
          %gather3A_412 = tpu.vector_load_idx %arg16[%add3A_247, %and3A_410] : memref<80x64xi32, #tpu.memory_space<vmem>>[vector<16xi32>, vector<16xi32>], vector<16xi32>,
          %bitcast3A_413 = vector.bitcast %gather3A_411 : vector<16xi32> to vector<32xbf16>
          %bitcast3A_414 = vector.bitcast %gather3A_412 : vector<16xi32> to vector<32xbf16>
          %mul3A_415 = arith.mulf %bitcast3A_413, %bitcast3A_414 : vector<32xbf16>
          %bitcast3A_416 = vector.bitcast %mul3A_415 : vector<32xbf16> to vector<16xi32>
          %and3A_417 = arith.andi %bitcast3A_416, %broadcast_in_dim3A_231 : vector<16xi32>
          %bitcast3A_418 = vector.bitcast %and3A_417 : vector<16xi32> to vector<16xf32>
          %shift_left3A_419 = arith.constant 16 : i32
          %shift_left3A_420 = vector.broadcast %shift_left3A_419 : i32 to vector<16xi32>
          %shift_left3A_421 = arith.shli %bitcast3A_416, %shift_left3A_420 : vector<16xi32>
          %bitcast3A_422 = vector.bitcast %shift_left3A_421 : vector<16xi32> to vector<16xf32>
          %add3A_423 = arith.addf %add3A_400, %bitcast3A_418 : vector<16xf32>
          %add3A_424 = arith.addf %add3A_401, %bitcast3A_422 : vector<16xf32>
          %mul3A_425 = arith.constant 16 : i32
          %mul3A_426 = arith.muli %scan3A_265, %mul3A_425 : i32
          %add3A_427 = arith.constant 7 : i32
          %add3A_428 = arith.addi %mul3A_426, %add3A_427 : i32
          %add3A_429 = vector.broadcast %add3A_428 : i32 to vector<16xi32>
          %add3A_430 = arith.addi %iota3A, %add3A_429 : vector<16xi32>
          %and3A_431 = arith.constant 63 : i32
          %and3A_432 = vector.broadcast %and3A_431 : i32 to vector<16xi32>
          %and3A_433 = arith.andi %add3A_430, %and3A_432 : vector<16xi32>
          %gather3A_434 = tpu.vector_load_idx %arg12[%add3A_247, %and3A_433] : memref<80x64xi32, #tpu.memory_space<vmem>>[vector<16xi32>, vector<16xi32>], vector<16xi32>,
          %gather3A_435 = tpu.vector_load_idx %arg16[%add3A_247, %and3A_433] : memref<80x64xi32, #tpu.memory_space<vmem>>[vector<16xi32>, vector<16xi32>], vector<16xi32>,
          %bitcast3A_436 = vector.bitcast %gather3A_434 : vector<16xi32> to vector<32xbf16>
          %bitcast3A_437 = vector.bitcast %gather3A_435 : vector<16xi32> to vector<32xbf16>
          %mul3A_438 = arith.mulf %bitcast3A_436, %bitcast3A_437 : vector<32xbf16>
          %bitcast3A_439 = vector.bitcast %mul3A_438 : vector<32xbf16> to vector<16xi32>
          %and3A_440 = arith.andi %bitcast3A_439, %broadcast_in_dim3A_231 : vector<16xi32>
          %bitcast3A_441 = vector.bitcast %and3A_440 : vector<16xi32> to vector<16xf32>
          %shift_left3A_442 = arith.constant 16 : i32
          %shift_left3A_443 = vector.broadcast %shift_left3A_442 : i32 to vector<16xi32>
          %shift_left3A_444 = arith.shli %bitcast3A_439, %shift_left3A_443 : vector<16xi32>
          %bitcast3A_445 = vector.bitcast %shift_left3A_444 : vector<16xi32> to vector<16xf32>
          %add3A_446 = arith.addf %add3A_423, %bitcast3A_441 : vector<16xf32>
          %add3A_447 = arith.addf %add3A_424, %bitcast3A_445 : vector<16xf32>
          %mul3A_448 = arith.constant 16 : i32
          %mul3A_449 = arith.muli %scan3A_265, %mul3A_448 : i32
          %add3A_450 = arith.constant 8 : i32
          %add3A_451 = arith.addi %mul3A_449, %add3A_450 : i32
          %add3A_452 = vector.broadcast %add3A_451 : i32 to vector<16xi32>
          %add3A_453 = arith.addi %iota3A, %add3A_452 : vector<16xi32>
          %and3A_454 = arith.constant 63 : i32
          %and3A_455 = vector.broadcast %and3A_454 : i32 to vector<16xi32>
          %and3A_456 = arith.andi %add3A_453, %and3A_455 : vector<16xi32>
          %gather3A_457 = tpu.vector_load_idx %arg12[%add3A_247, %and3A_456] : memref<80x64xi32, #tpu.memory_space<vmem>>[vector<16xi32>, vector<16xi32>], vector<16xi32>,
          %gather3A_458 = tpu.vector_load_idx %arg16[%add3A_247, %and3A_456] : memref<80x64xi32, #tpu.memory_space<vmem>>[vector<16xi32>, vector<16xi32>], vector<16xi32>,
          %bitcast3A_459 = vector.bitcast %gather3A_457 : vector<16xi32> to vector<32xbf16>
          %bitcast3A_460 = vector.bitcast %gather3A_458 : vector<16xi32> to vector<32xbf16>
          %mul3A_461 = arith.mulf %bitcast3A_459, %bitcast3A_460 : vector<32xbf16>
          %bitcast3A_462 = vector.bitcast %mul3A_461 : vector<32xbf16> to vector<16xi32>
          %and3A_463 = arith.andi %bitcast3A_462, %broadcast_in_dim3A_231 : vector<16xi32>
          %bitcast3A_464 = vector.bitcast %and3A_463 : vector<16xi32> to vector<16xf32>
          %shift_left3A_465 = arith.constant 16 : i32
          %shift_left3A_466 = vector.broadcast %shift_left3A_465 : i32 to vector<16xi32>
          %shift_left3A_467 = arith.shli %bitcast3A_462, %shift_left3A_466 : vector<16xi32>
          %bitcast3A_468 = vector.bitcast %shift_left3A_467 : vector<16xi32> to vector<16xf32>
          %add3A_469 = arith.addf %add3A_446, %bitcast3A_464 : vector<16xf32>
          %add3A_470 = arith.addf %add3A_447, %bitcast3A_468 : vector<16xf32>
          %mul3A_471 = arith.constant 16 : i32
          %mul3A_472 = arith.muli %scan3A_265, %mul3A_471 : i32
          %add3A_473 = arith.constant 9 : i32
          %add3A_474 = arith.addi %mul3A_472, %add3A_473 : i32
          %add3A_475 = vector.broadcast %add3A_474 : i32 to vector<16xi32>
          %add3A_476 = arith.addi %iota3A, %add3A_475 : vector<16xi32>
          %and3A_477 = arith.constant 63 : i32
          %and3A_478 = vector.broadcast %and3A_477 : i32 to vector<16xi32>
          %and3A_479 = arith.andi %add3A_476, %and3A_478 : vector<16xi32>
          %gather3A_480 = tpu.vector_load_idx %arg12[%add3A_247, %and3A_479] : memref<80x64xi32, #tpu.memory_space<vmem>>[vector<16xi32>, vector<16xi32>], vector<16xi32>,
          %gather3A_481 = tpu.vector_load_idx %arg16[%add3A_247, %and3A_479] : memref<80x64xi32, #tpu.memory_space<vmem>>[vector<16xi32>, vector<16xi32>], vector<16xi32>,
          %bitcast3A_482 = vector.bitcast %gather3A_480 : vector<16xi32> to vector<32xbf16>
          %bitcast3A_483 = vector.bitcast %gather3A_481 : vector<16xi32> to vector<32xbf16>
          %mul3A_484 = arith.mulf %bitcast3A_482, %bitcast3A_483 : vector<32xbf16>
          %bitcast3A_485 = vector.bitcast %mul3A_484 : vector<32xbf16> to vector<16xi32>
          %and3A_486 = arith.andi %bitcast3A_485, %broadcast_in_dim3A_231 : vector<16xi32>
          %bitcast3A_487 = vector.bitcast %and3A_486 : vector<16xi32> to vector<16xf32>
          %shift_left3A_488 = arith.constant 16 : i32
          %shift_left3A_489 = vector.broadcast %shift_left3A_488 : i32 to vector<16xi32>
          %shift_left3A_490 = arith.shli %bitcast3A_485, %shift_left3A_489 : vector<16xi32>
          %bitcast3A_491 = vector.bitcast %shift_left3A_490 : vector<16xi32> to vector<16xf32>
          %add3A_492 = arith.addf %add3A_469, %bitcast3A_487 : vector<16xf32>
          %add3A_493 = arith.addf %add3A_470, %bitcast3A_491 : vector<16xf32>
          %mul3A_494 = arith.constant 16 : i32
          %mul3A_495 = arith.muli %scan3A_265, %mul3A_494 : i32
          %add3A_496 = arith.constant 10 : i32
          %add3A_497 = arith.addi %mul3A_495, %add3A_496 : i32
          %add3A_498 = vector.broadcast %add3A_497 : i32 to vector<16xi32>
          %add3A_499 = arith.addi %iota3A, %add3A_498 : vector<16xi32>
          %and3A_500 = arith.constant 63 : i32
          %and3A_501 = vector.broadcast %and3A_500 : i32 to vector<16xi32>
          %and3A_502 = arith.andi %add3A_499, %and3A_501 : vector<16xi32>
          %gather3A_503 = tpu.vector_load_idx %arg12[%add3A_247, %and3A_502] : memref<80x64xi32, #tpu.memory_space<vmem>>[vector<16xi32>, vector<16xi32>], vector<16xi32>,
          %gather3A_504 = tpu.vector_load_idx %arg16[%add3A_247, %and3A_502] : memref<80x64xi32, #tpu.memory_space<vmem>>[vector<16xi32>, vector<16xi32>], vector<16xi32>,
          %bitcast3A_505 = vector.bitcast %gather3A_503 : vector<16xi32> to vector<32xbf16>
          %bitcast3A_506 = vector.bitcast %gather3A_504 : vector<16xi32> to vector<32xbf16>
          %mul3A_507 = arith.mulf %bitcast3A_505, %bitcast3A_506 : vector<32xbf16>
          %bitcast3A_508 = vector.bitcast %mul3A_507 : vector<32xbf16> to vector<16xi32>
          %and3A_509 = arith.andi %bitcast3A_508, %broadcast_in_dim3A_231 : vector<16xi32>
          %bitcast3A_510 = vector.bitcast %and3A_509 : vector<16xi32> to vector<16xf32>
          %shift_left3A_511 = arith.constant 16 : i32
          %shift_left3A_512 = vector.broadcast %shift_left3A_511 : i32 to vector<16xi32>
          %shift_left3A_513 = arith.shli %bitcast3A_508, %shift_left3A_512 : vector<16xi32>
          %bitcast3A_514 = vector.bitcast %shift_left3A_513 : vector<16xi32> to vector<16xf32>
          %add3A_515 = arith.addf %add3A_492, %bitcast3A_510 : vector<16xf32>
          %add3A_516 = arith.addf %add3A_493, %bitcast3A_514 : vector<16xf32>
          %mul3A_517 = arith.constant 16 : i32
          %mul3A_518 = arith.muli %scan3A_265, %mul3A_517 : i32
          %add3A_519 = arith.constant 11 : i32
          %add3A_520 = arith.addi %mul3A_518, %add3A_519 : i32
          %add3A_521 = vector.broadcast %add3A_520 : i32 to vector<16xi32>
          %add3A_522 = arith.addi %iota3A, %add3A_521 : vector<16xi32>
          %and3A_523 = arith.constant 63 : i32
          %and3A_524 = vector.broadcast %and3A_523 : i32 to vector<16xi32>
          %and3A_525 = arith.andi %add3A_522, %and3A_524 : vector<16xi32>
          %gather3A_526 = tpu.vector_load_idx %arg12[%add3A_247, %and3A_525] : memref<80x64xi32, #tpu.memory_space<vmem>>[vector<16xi32>, vector<16xi32>], vector<16xi32>,
          %gather3A_527 = tpu.vector_load_idx %arg16[%add3A_247, %and3A_525] : memref<80x64xi32, #tpu.memory_space<vmem>>[vector<16xi32>, vector<16xi32>], vector<16xi32>,
          %bitcast3A_528 = vector.bitcast %gather3A_526 : vector<16xi32> to vector<32xbf16>
          %bitcast3A_529 = vector.bitcast %gather3A_527 : vector<16xi32> to vector<32xbf16>
          %mul3A_530 = arith.mulf %bitcast3A_528, %bitcast3A_529 : vector<32xbf16>
          %bitcast3A_531 = vector.bitcast %mul3A_530 : vector<32xbf16> to vector<16xi32>
          %and3A_532 = arith.andi %bitcast3A_531, %broadcast_in_dim3A_231 : vector<16xi32>
          %bitcast3A_533 = vector.bitcast %and3A_532 : vector<16xi32> to vector<16xf32>
          %shift_left3A_534 = arith.constant 16 : i32
          %shift_left3A_535 = vector.broadcast %shift_left3A_534 : i32 to vector<16xi32>
          %shift_left3A_536 = arith.shli %bitcast3A_531, %shift_left3A_535 : vector<16xi32>
          %bitcast3A_537 = vector.bitcast %shift_left3A_536 : vector<16xi32> to vector<16xf32>
          %add3A_538 = arith.addf %add3A_515, %bitcast3A_533 : vector<16xf32>
          %add3A_539 = arith.addf %add3A_516, %bitcast3A_537 : vector<16xf32>
          %mul3A_540 = arith.constant 16 : i32
          %mul3A_541 = arith.muli %scan3A_265, %mul3A_540 : i32
          %add3A_542 = arith.constant 12 : i32
          %add3A_543 = arith.addi %mul3A_541, %add3A_542 : i32
          %add3A_544 = vector.broadcast %add3A_543 : i32 to vector<16xi32>
          %add3A_545 = arith.addi %iota3A, %add3A_544 : vector<16xi32>
          %and3A_546 = arith.constant 63 : i32
          %and3A_547 = vector.broadcast %and3A_546 : i32 to vector<16xi32>
          %and3A_548 = arith.andi %add3A_545, %and3A_547 : vector<16xi32>
          %gather3A_549 = tpu.vector_load_idx %arg12[%add3A_247, %and3A_548] : memref<80x64xi32, #tpu.memory_space<vmem>>[vector<16xi32>, vector<16xi32>], vector<16xi32>,
          %gather3A_550 = tpu.vector_load_idx %arg16[%add3A_247, %and3A_548] : memref<80x64xi32, #tpu.memory_space<vmem>>[vector<16xi32>, vector<16xi32>], vector<16xi32>,
          %bitcast3A_551 = vector.bitcast %gather3A_549 : vector<16xi32> to vector<32xbf16>
          %bitcast3A_552 = vector.bitcast %gather3A_550 : vector<16xi32> to vector<32xbf16>
          %mul3A_553 = arith.mulf %bitcast3A_551, %bitcast3A_552 : vector<32xbf16>
          %bitcast3A_554 = vector.bitcast %mul3A_553 : vector<32xbf16> to vector<16xi32>
          %and3A_555 = arith.andi %bitcast3A_554, %broadcast_in_dim3A_231 : vector<16xi32>
          %bitcast3A_556 = vector.bitcast %and3A_555 : vector<16xi32> to vector<16xf32>
          %shift_left3A_557 = arith.constant 16 : i32
          %shift_left3A_558 = vector.broadcast %shift_left3A_557 : i32 to vector<16xi32>
          %shift_left3A_559 = arith.shli %bitcast3A_554, %shift_left3A_558 : vector<16xi32>
          %bitcast3A_560 = vector.bitcast %shift_left3A_559 : vector<16xi32> to vector<16xf32>
          %add3A_561 = arith.addf %add3A_538, %bitcast3A_556 : vector<16xf32>
          %add3A_562 = arith.addf %add3A_539, %bitcast3A_560 : vector<16xf32>
          %mul3A_563 = arith.constant 16 : i32
          %mul3A_564 = arith.muli %scan3A_265, %mul3A_563 : i32
          %add3A_565 = arith.constant 13 : i32
          %add3A_566 = arith.addi %mul3A_564, %add3A_565 : i32
          %add3A_567 = vector.broadcast %add3A_566 : i32 to vector<16xi32>
          %add3A_568 = arith.addi %iota3A, %add3A_567 : vector<16xi32>
          %and3A_569 = arith.constant 63 : i32
          %and3A_570 = vector.broadcast %and3A_569 : i32 to vector<16xi32>
          %and3A_571 = arith.andi %add3A_568, %and3A_570 : vector<16xi32>
          %gather3A_572 = tpu.vector_load_idx %arg12[%add3A_247, %and3A_571] : memref<80x64xi32, #tpu.memory_space<vmem>>[vector<16xi32>, vector<16xi32>], vector<16xi32>,
          %gather3A_573 = tpu.vector_load_idx %arg16[%add3A_247, %and3A_571] : memref<80x64xi32, #tpu.memory_space<vmem>>[vector<16xi32>, vector<16xi32>], vector<16xi32>,
          %bitcast3A_574 = vector.bitcast %gather3A_572 : vector<16xi32> to vector<32xbf16>
          %bitcast3A_575 = vector.bitcast %gather3A_573 : vector<16xi32> to vector<32xbf16>
          %mul3A_576 = arith.mulf %bitcast3A_574, %bitcast3A_575 : vector<32xbf16>
          %bitcast3A_577 = vector.bitcast %mul3A_576 : vector<32xbf16> to vector<16xi32>
          %and3A_578 = arith.andi %bitcast3A_577, %broadcast_in_dim3A_231 : vector<16xi32>
          %bitcast3A_579 = vector.bitcast %and3A_578 : vector<16xi32> to vector<16xf32>
          %shift_left3A_580 = arith.constant 16 : i32
          %shift_left3A_581 = vector.broadcast %shift_left3A_580 : i32 to vector<16xi32>
          %shift_left3A_582 = arith.shli %bitcast3A_577, %shift_left3A_581 : vector<16xi32>
          %bitcast3A_583 = vector.bitcast %shift_left3A_582 : vector<16xi32> to vector<16xf32>
          %add3A_584 = arith.addf %add3A_561, %bitcast3A_579 : vector<16xf32>
          %add3A_585 = arith.addf %add3A_562, %bitcast3A_583 : vector<16xf32>
          %mul3A_586 = arith.constant 16 : i32
          %mul3A_587 = arith.muli %scan3A_265, %mul3A_586 : i32
          %add3A_588 = arith.constant 14 : i32
          %add3A_589 = arith.addi %mul3A_587, %add3A_588 : i32
          %add3A_590 = vector.broadcast %add3A_589 : i32 to vector<16xi32>
          %add3A_591 = arith.addi %iota3A, %add3A_590 : vector<16xi32>
          %and3A_592 = arith.constant 63 : i32
          %and3A_593 = vector.broadcast %and3A_592 : i32 to vector<16xi32>
          %and3A_594 = arith.andi %add3A_591, %and3A_593 : vector<16xi32>
          %gather3A_595 = tpu.vector_load_idx %arg12[%add3A_247, %and3A_594] : memref<80x64xi32, #tpu.memory_space<vmem>>[vector<16xi32>, vector<16xi32>], vector<16xi32>,
          %gather3A_596 = tpu.vector_load_idx %arg16[%add3A_247, %and3A_594] : memref<80x64xi32, #tpu.memory_space<vmem>>[vector<16xi32>, vector<16xi32>], vector<16xi32>,
          %bitcast3A_597 = vector.bitcast %gather3A_595 : vector<16xi32> to vector<32xbf16>
          %bitcast3A_598 = vector.bitcast %gather3A_596 : vector<16xi32> to vector<32xbf16>
          %mul3A_599 = arith.mulf %bitcast3A_597, %bitcast3A_598 : vector<32xbf16>
          %bitcast3A_600 = vector.bitcast %mul3A_599 : vector<32xbf16> to vector<16xi32>
          %and3A_601 = arith.andi %bitcast3A_600, %broadcast_in_dim3A_231 : vector<16xi32>
          %bitcast3A_602 = vector.bitcast %and3A_601 : vector<16xi32> to vector<16xf32>
          %shift_left3A_603 = arith.constant 16 : i32
          %shift_left3A_604 = vector.broadcast %shift_left3A_603 : i32 to vector<16xi32>
          %shift_left3A_605 = arith.shli %bitcast3A_600, %shift_left3A_604 : vector<16xi32>
          %bitcast3A_606 = vector.bitcast %shift_left3A_605 : vector<16xi32> to vector<16xf32>
          %add3A_607 = arith.addf %add3A_584, %bitcast3A_602 : vector<16xf32>
          %add3A_608 = arith.addf %add3A_585, %bitcast3A_606 : vector<16xf32>
          %mul3A_609 = arith.constant 16 : i32
          %mul3A_610 = arith.muli %scan3A_265, %mul3A_609 : i32
          %add3A_611 = arith.constant 15 : i32
          %add3A_612 = arith.addi %mul3A_610, %add3A_611 : i32
          %add3A_613 = vector.broadcast %add3A_612 : i32 to vector<16xi32>
          %add3A_614 = arith.addi %iota3A, %add3A_613 : vector<16xi32>
          %and3A_615 = arith.constant 63 : i32
          %and3A_616 = vector.broadcast %and3A_615 : i32 to vector<16xi32>
          %and3A_617 = arith.andi %add3A_614, %and3A_616 : vector<16xi32>
          %gather3A_618 = tpu.vector_load_idx %arg12[%add3A_247, %and3A_617] : memref<80x64xi32, #tpu.memory_space<vmem>>[vector<16xi32>, vector<16xi32>], vector<16xi32>,
          %gather3A_619 = tpu.vector_load_idx %arg16[%add3A_247, %and3A_617] : memref<80x64xi32, #tpu.memory_space<vmem>>[vector<16xi32>, vector<16xi32>], vector<16xi32>,
          %bitcast3A_620 = vector.bitcast %gather3A_618 : vector<16xi32> to vector<32xbf16>
          %bitcast3A_621 = vector.bitcast %gather3A_619 : vector<16xi32> to vector<32xbf16>
          %mul3A_622 = arith.mulf %bitcast3A_620, %bitcast3A_621 : vector<32xbf16>
          %bitcast3A_623 = vector.bitcast %mul3A_622 : vector<32xbf16> to vector<16xi32>
          %and3A_624 = arith.andi %bitcast3A_623, %broadcast_in_dim3A_231 : vector<16xi32>
          %bitcast3A_625 = vector.bitcast %and3A_624 : vector<16xi32> to vector<16xf32>
          %shift_left3A_626 = arith.constant 16 : i32
          %shift_left3A_627 = vector.broadcast %shift_left3A_626 : i32 to vector<16xi32>
          %shift_left3A_628 = arith.shli %bitcast3A_623, %shift_left3A_627 : vector<16xi32>
          %bitcast3A_629 = vector.bitcast %shift_left3A_628 : vector<16xi32> to vector<16xf32>
          %add3A_630 = arith.addf %add3A_607, %bitcast3A_625 : vector<16xf32>
          %add3A_631 = arith.addf %add3A_608, %bitcast3A_629 : vector<16xf32>
          scf.yield %add3A_630, %add3A_631 : vector<16xf32>, vector<16xf32>
        }
        %scan3A_255 = arith.constant 4 : i32
        %add3A_256 = arith.addf %scan3A_254#0, %scan3A_254#1 : vector<16xf32>
        %neg3A = arith.constant 0.000000e+00 : f32
        %neg3A_257 = vector.broadcast %neg3A : f32 to vector<16xf32>
        %neg3A_258 = arith.subf %neg3A_257, %add3A_256 : vector<16xf32>
        %exp3A = math.exp %neg3A_258 : vector<16xf32>
        %add3A_259 = arith.constant 1.000000e+00 : f32
        %add3A_260 = vector.broadcast %add3A_259 : f32 to vector<16xf32>
        %add3A_261 = arith.addf %add3A_260, %exp3A : vector<16xf32>
        %div3A = arith.constant 1.000000e+00 : f32
        %div3A_262 = vector.broadcast %div3A : f32 to vector<16xf32>
        %div3A_263 = arith.divf %div3A_262, %add3A_261 : vector<16xf32>
        %swap3A = arith.index_cast %mul3A_245 : i32 to index
        %swap3A_264 = tpu.vector_load %arg20[%swap3A] {strides = array<i32>} : memref<80xf32, #tpu.memory_space<vmem>>, vector<16xf32>,
        tpu.vector_store %arg20[%swap3A], %div3A_263 {strides = array<i32>} : memref<80xf32, #tpu.memory_space<vmem>>, vector<16xf32>,
      }
      %scan3A_237 = arith.constant 5 : i32
      %mul3A_238 = arith.constant 80 : i32
      %mul3A_239 = arith.muli %add3A_205, %mul3A_238 : i32
      %add3A_240 = arith.addi %mul3A_2, %mul3A_239 : i32
      %dma_start3A_241 = tpu.memref_slice %arg5[%add3A_240] : memref<320000xf32, #tpu.memory_space<hbm>> -> memref<80xf32, #tpu.memory_space<hbm>>
      %dma_start3A_242 = tpu.memref_slice %arg5[%add3A_240] : memref<320000xf32, #tpu.memory_space<hbm>> -> memref<80xf32, #tpu.memory_space<hbm>>
      tpu.enqueue_dma source(%arg20 : memref<80xf32, #tpu.memory_space<vmem>>) target(%dma_start3A_242 : memref<80xf32, #tpu.memory_space<hbm>>) target_semaphore(%arg32 : memref<!tpu.dma_semaphore, #tpu.memory_space<semaphore_mem>>)
    }
    %scan3A_47 = arith.constant 31 : i32
    %dma_wait3A_48 = arith.constant 0 : i32
    %dma_wait3A_49 = tpu.memref_slice %arg6[%dma_wait3A_48] : memref<10000xi32, #tpu.memory_space<vmem>> -> memref<80xi32, #tpu.memory_space<vmem>>
    %dma_wait3A_50 = arith.constant 0 : i32
    %dma_wait3A_51 = arith.constant 0 : i32
    %dma_wait3A_52 = tpu.memref_slice %arg8[%dma_wait3A_50, %dma_wait3A_51] : memref<10000x64xi32, #tpu.memory_space<vmem_shared>> -> memref<10000x64xi32, #tpu.memory_space<vmem_shared>>
    tpu.wait_indirect_dma semaphore(%arg21 : memref<!tpu.dma_semaphore, #tpu.memory_space<semaphore_mem>>) src(%dma_wait3A_52 : memref<10000x64xi32, #tpu.memory_space<vmem_shared>>) dst(%arg9 : memref<80x64xi32, #tpu.memory_space<vmem>>)
    %dma_wait3A_53 = arith.constant 0 : i32
    %dma_wait3A_54 = tpu.memref_slice %arg7[%dma_wait3A_53] : memref<10000xi32, #tpu.memory_space<vmem>> -> memref<80xi32, #tpu.memory_space<vmem>>
    %dma_wait3A_55 = arith.constant 0 : i32
    %dma_wait3A_56 = arith.constant 0 : i32
    %dma_wait3A_57 = tpu.memref_slice %arg8[%dma_wait3A_55, %dma_wait3A_56] : memref<10000x64xi32, #tpu.memory_space<vmem_shared>> -> memref<10000x64xi32, #tpu.memory_space<vmem_shared>>
    tpu.wait_indirect_dma semaphore(%arg25 : memref<!tpu.dma_semaphore, #tpu.memory_space<semaphore_mem>>) src(%dma_wait3A_57 : memref<10000x64xi32, #tpu.memory_space<vmem_shared>>) dst(%arg13 : memref<80x64xi32, #tpu.memory_space<vmem>>)
    %add3A_58 = arith.constant 9600 : i32
    %add3A_59 = arith.addi %mul3A_2, %add3A_58 : i32
    %dma_wait3A_60 = tpu.memref_slice %arg5[%add3A_59] : memref<320000xf32, #tpu.memory_space<hbm>> -> memref<80xf32, #tpu.memory_space<hbm>>
    %dma_wait3A_61 = tpu.memref_slice %arg5[%add3A_59] : memref<320000xf32, #tpu.memory_space<hbm>> -> memref<80xf32, #tpu.memory_space<hbm>>
    tpu.wait_dma2 semaphore(%arg29 : memref<!tpu.dma_semaphore, #tpu.memory_space<semaphore_mem>>) src(%arg17 : memref<80xf32, #tpu.memory_space<vmem>>) dst(%dma_wait3A_61 : memref<80xf32, #tpu.memory_space<hbm>>)
    %broadcast_in_dim3A = arith.constant -65536 : i32
    %broadcast_in_dim3A_62 = vector.broadcast %broadcast_in_dim3A : i32 to vector<16xi32>
    %scan3A_63 = arith.constant 0 : i32
    %scan3A_64 = arith.constant 0 : i32
    %scan3A_65 = arith.constant 5 : i32
    %scan3A_66 = arith.addi %scan3A_64, %scan3A_65 : i32
    %scan3A_67 = arith.constant 1 : i32
    scf.for %scan3A_89 = %scan3A_64 to %scan3A_66 step %scan3A_67  : i32 {
      %mul3A_90 = arith.constant 16 : i32
      %mul3A_91 = arith.muli %scan3A_89, %mul3A_90 : i32
      %add3A_92 = vector.broadcast %mul3A_91 : i32 to vector<16xi32>
      %add3A_93 = arith.addi %add3A_92, %iota3A : vector<16xi32>
      %broadcast_in_dim3A_94 = arith.constant 0.000000e+00 : f32
      %broadcast_in_dim3A_95 = vector.broadcast %broadcast_in_dim3A_94 : f32 to vector<16xf32>
      %scan3A_96 = arith.constant 0 : i32
      %scan3A_97 = arith.constant 4 : i32
      %scan3A_98 = arith.addi %scan3A_96, %scan3A_97 : i32
      %scan3A_99 = arith.constant 1 : i32
      %scan3A_100:2 = scf.for %scan3A_111 = %scan3A_96 to %scan3A_98 step %scan3A_99 iter_args(%scan3A_112 = %broadcast_in_dim3A_95, %scan3A_113 = %broadcast_in_dim3A_95) -> (vector<16xf32>, vector<16xf32>)  : i32 {
        %mul3A_114 = arith.constant 16 : i32
        %mul3A_115 = arith.muli %scan3A_111, %mul3A_114 : i32
        %add3A_116 = arith.constant 0 : i32
        %add3A_117 = arith.addi %mul3A_115, %add3A_116 : i32
        %add3A_118 = vector.broadcast %add3A_117 : i32 to vector<16xi32>
        %add3A_119 = arith.addi %iota3A, %add3A_118 : vector<16xi32>
        %and3A = arith.constant 63 : i32
        %and3A_120 = vector.broadcast %and3A : i32 to vector<16xi32>
        %and3A_121 = arith.andi %add3A_119, %and3A_120 : vector<16xi32>
        %gather3A = tpu.vector_load_idx %arg9[%add3A_93, %and3A_121] : memref<80x64xi32, #tpu.memory_space<vmem>>[vector<16xi32>, vector<16xi32>], vector<16xi32>,
        %gather3A_122 = tpu.vector_load_idx %arg13[%add3A_93, %and3A_121] : memref<80x64xi32, #tpu.memory_space<vmem>>[vector<16xi32>, vector<16xi32>], vector<16xi32>,
        %bitcast3A = vector.bitcast %gather3A : vector<16xi32> to vector<32xbf16>
        %bitcast3A_123 = vector.bitcast %gather3A_122 : vector<16xi32> to vector<32xbf16>
        %mul3A_124 = arith.mulf %bitcast3A, %bitcast3A_123 : vector<32xbf16>
        %bitcast3A_125 = vector.bitcast %mul3A_124 : vector<32xbf16> to vector<16xi32>
        %and3A_126 = arith.andi %bitcast3A_125, %broadcast_in_dim3A_62 : vector<16xi32>
        %bitcast3A_127 = vector.bitcast %and3A_126 : vector<16xi32> to vector<16xf32>
        %shift_left3A = arith.constant 16 : i32
        %shift_left3A_128 = vector.broadcast %shift_left3A : i32 to vector<16xi32>
        %shift_left3A_129 = arith.shli %bitcast3A_125, %shift_left3A_128 : vector<16xi32>
        %bitcast3A_130 = vector.bitcast %shift_left3A_129 : vector<16xi32> to vector<16xf32>
        %add3A_131 = arith.addf %scan3A_112, %bitcast3A_127 : vector<16xf32>
        %add3A_132 = arith.addf %scan3A_113, %bitcast3A_130 : vector<16xf32>
        %mul3A_133 = arith.constant 16 : i32
        %mul3A_134 = arith.muli %scan3A_111, %mul3A_133 : i32
        %add3A_135 = arith.constant 1 : i32
        %add3A_136 = arith.addi %mul3A_134, %add3A_135 : i32
        %add3A_137 = vector.broadcast %add3A_136 : i32 to vector<16xi32>
        %add3A_138 = arith.addi %iota3A, %add3A_137 : vector<16xi32>
        %and3A_139 = arith.constant 63 : i32
        %and3A_140 = vector.broadcast %and3A_139 : i32 to vector<16xi32>
        %and3A_141 = arith.andi %add3A_138, %and3A_140 : vector<16xi32>
        %gather3A_142 = tpu.vector_load_idx %arg9[%add3A_93, %and3A_141] : memref<80x64xi32, #tpu.memory_space<vmem>>[vector<16xi32>, vector<16xi32>], vector<16xi32>,
        %gather3A_143 = tpu.vector_load_idx %arg13[%add3A_93, %and3A_141] : memref<80x64xi32, #tpu.memory_space<vmem>>[vector<16xi32>, vector<16xi32>], vector<16xi32>,
        %bitcast3A_144 = vector.bitcast %gather3A_142 : vector<16xi32> to vector<32xbf16>
        %bitcast3A_145 = vector.bitcast %gather3A_143 : vector<16xi32> to vector<32xbf16>
        %mul3A_146 = arith.mulf %bitcast3A_144, %bitcast3A_145 : vector<32xbf16>
        %bitcast3A_147 = vector.bitcast %mul3A_146 : vector<32xbf16> to vector<16xi32>
        %and3A_148 = arith.andi %bitcast3A_147, %broadcast_in_dim3A_62 : vector<16xi32>
        %bitcast3A_149 = vector.bitcast %and3A_148 : vector<16xi32> to vector<16xf32>
        %shift_left3A_150 = arith.constant 16 : i32
        %shift_left3A_151 = vector.broadcast %shift_left3A_150 : i32 to vector<16xi32>
        %shift_left3A_152 = arith.shli %bitcast3A_147, %shift_left3A_151 : vector<16xi32>
        %bitcast3A_153 = vector.bitcast %shift_left3A_152 : vector<16xi32> to vector<16xf32>
        %add3A_154 = arith.addf %add3A_131, %bitcast3A_149 : vector<16xf32>
        %add3A_155 = arith.addf %add3A_132, %bitcast3A_153 : vector<16xf32>
        %mul3A_156 = arith.constant 16 : i32
        %mul3A_157 = arith.muli %scan3A_111, %mul3A_156 : i32
        %add3A_158 = arith.constant 2 : i32
        %add3A_159 = arith.addi %mul3A_157, %add3A_158 : i32
        %add3A_160 = vector.broadcast %add3A_159 : i32 to vector<16xi32>
        %add3A_161 = arith.addi %iota3A, %add3A_160 : vector<16xi32>
        %and3A_162 = arith.constant 63 : i32
        %and3A_163 = vector.broadcast %and3A_162 : i32 to vector<16xi32>
        %and3A_164 = arith.andi %add3A_161, %and3A_163 : vector<16xi32>
        %gather3A_165 = tpu.vector_load_idx %arg9[%add3A_93, %and3A_164] : memref<80x64xi32, #tpu.memory_space<vmem>>[vector<16xi32>, vector<16xi32>], vector<16xi32>,
        %gather3A_166 = tpu.vector_load_idx %arg13[%add3A_93, %and3A_164] : memref<80x64xi32, #tpu.memory_space<vmem>>[vector<16xi32>, vector<16xi32>], vector<16xi32>,
        %bitcast3A_167 = vector.bitcast %gather3A_165 : vector<16xi32> to vector<32xbf16>
        %bitcast3A_168 = vector.bitcast %gather3A_166 : vector<16xi32> to vector<32xbf16>
        %mul3A_169 = arith.mulf %bitcast3A_167, %bitcast3A_168 : vector<32xbf16>
        %bitcast3A_170 = vector.bitcast %mul3A_169 : vector<32xbf16> to vector<16xi32>
        %and3A_171 = arith.andi %bitcast3A_170, %broadcast_in_dim3A_62 : vector<16xi32>
        %bitcast3A_172 = vector.bitcast %and3A_171 : vector<16xi32> to vector<16xf32>
        %shift_left3A_173 = arith.constant 16 : i32
        %shift_left3A_174 = vector.broadcast %shift_left3A_173 : i32 to vector<16xi32>
        %shift_left3A_175 = arith.shli %bitcast3A_170, %shift_left3A_174 : vector<16xi32>
        %bitcast3A_176 = vector.bitcast %shift_left3A_175 : vector<16xi32> to vector<16xf32>
        %add3A_177 = arith.addf %add3A_154, %bitcast3A_172 : vector<16xf32>
        %add3A_178 = arith.addf %add3A_155, %bitcast3A_176 : vector<16xf32>
        %mul3A_179 = arith.constant 16 : i32
        %mul3A_180 = arith.muli %scan3A_111, %mul3A_179 : i32
        %add3A_181 = arith.constant 3 : i32
        %add3A_182 = arith.addi %mul3A_180, %add3A_181 : i32
        %add3A_183 = vector.broadcast %add3A_182 : i32 to vector<16xi32>
        %add3A_184 = arith.addi %iota3A, %add3A_183 : vector<16xi32>
        %and3A_185 = arith.constant 63 : i32
        %and3A_186 = vector.broadcast %and3A_185 : i32 to vector<16xi32>
        %and3A_187 = arith.andi %add3A_184, %and3A_186 : vector<16xi32>
        %gather3A_188 = tpu.vector_load_idx %arg9[%add3A_93, %and3A_187] : memref<80x64xi32, #tpu.memory_space<vmem>>[vector<16xi32>, vector<16xi32>], vector<16xi32>,
        %gather3A_189 = tpu.vector_load_idx %arg13[%add3A_93, %and3A_187] : memref<80x64xi32, #tpu.memory_space<vmem>>[vector<16xi32>, vector<16xi32>], vector<16xi32>,
        %bitcast3A_190 = vector.bitcast %gather3A_188 : vector<16xi32> to vector<32xbf16>
        %bitcast3A_191 = vector.bitcast %gather3A_189 : vector<16xi32> to vector<32xbf16>
        %mul3A_192 = arith.mulf %bitcast3A_190, %bitcast3A_191 : vector<32xbf16>
        %bitcast3A_193 = vector.bitcast %mul3A_192 : vector<32xbf16> to vector<16xi32>
        %and3A_194 = arith.andi %bitcast3A_193, %broadcast_in_dim3A_62 : vector<16xi32>
        %bitcast3A_195 = vector.bitcast %and3A_194 : vector<16xi32> to vector<16xf32>
        %shift_left3A_196 = arith.constant 16 : i32
        %shift_left3A_197 = vector.broadcast %shift_left3A_196 : i32 to vector<16xi32>
        %shift_left3A_198 = arith.shli %bitcast3A_193, %shift_left3A_197 : vector<16xi32>
        %bitcast3A_199 = vector.bitcast %shift_left3A_198 : vector<16xi32> to vector<16xf32>
        %add3A_200 = arith.addf %add3A_177, %bitcast3A_195 : vector<16xf32>
        %add3A_201 = arith.addf %add3A_178, %bitcast3A_199 : vector<16xf32>
        %mul3A_202 = arith.constant 16 : i32
        %mul3A_203 = arith.muli %scan3A_111, %mul3A_202 : i32
        %add3A_204 = arith.constant 4 : i32
        %add3A_205 = arith.addi %mul3A_203, %add3A_204 : i32
        %add3A_206 = vector.broadcast %add3A_205 : i32 to vector<16xi32>
        %add3A_207 = arith.addi %iota3A, %add3A_206 : vector<16xi32>
        %and3A_208 = arith.constant 63 : i32
        %and3A_209 = vector.broadcast %and3A_208 : i32 to vector<16xi32>
        %and3A_210 = arith.andi %add3A_207, %and3A_209 : vector<16xi32>
        %gather3A_211 = tpu.vector_load_idx %arg9[%add3A_93, %and3A_210] : memref<80x64xi32, #tpu.memory_space<vmem>>[vector<16xi32>, vector<16xi32>], vector<16xi32>,
        %gather3A_212 = tpu.vector_load_idx %arg13[%add3A_93, %and3A_210] : memref<80x64xi32, #tpu.memory_space<vmem>>[vector<16xi32>, vector<16xi32>], vector<16xi32>,
        %bitcast3A_213 = vector.bitcast %gather3A_211 : vector<16xi32> to vector<32xbf16>
        %bitcast3A_214 = vector.bitcast %gather3A_212 : vector<16xi32> to vector<32xbf16>
        %mul3A_215 = arith.mulf %bitcast3A_213, %bitcast3A_214 : vector<32xbf16>
        %bitcast3A_216 = vector.bitcast %mul3A_215 : vector<32xbf16> to vector<16xi32>
        %and3A_217 = arith.andi %bitcast3A_216, %broadcast_in_dim3A_62 : vector<16xi32>
        %bitcast3A_218 = vector.bitcast %and3A_217 : vector<16xi32> to vector<16xf32>
        %shift_left3A_219 = arith.constant 16 : i32
        %shift_left3A_220 = vector.broadcast %shift_left3A_219 : i32 to vector<16xi32>
        %shift_left3A_221 = arith.shli %bitcast3A_216, %shift_left3A_220 : vector<16xi32>
        %bitcast3A_222 = vector.bitcast %shift_left3A_221 : vector<16xi32> to vector<16xf32>
        %add3A_223 = arith.addf %add3A_200, %bitcast3A_218 : vector<16xf32>
        %add3A_224 = arith.addf %add3A_201, %bitcast3A_222 : vector<16xf32>
        %mul3A_225 = arith.constant 16 : i32
        %mul3A_226 = arith.muli %scan3A_111, %mul3A_225 : i32
        %add3A_227 = arith.constant 5 : i32
        %add3A_228 = arith.addi %mul3A_226, %add3A_227 : i32
        %add3A_229 = vector.broadcast %add3A_228 : i32 to vector<16xi32>
        %add3A_230 = arith.addi %iota3A, %add3A_229 : vector<16xi32>
        %and3A_231 = arith.constant 63 : i32
        %and3A_232 = vector.broadcast %and3A_231 : i32 to vector<16xi32>
        %and3A_233 = arith.andi %add3A_230, %and3A_232 : vector<16xi32>
        %gather3A_234 = tpu.vector_load_idx %arg9[%add3A_93, %and3A_233] : memref<80x64xi32, #tpu.memory_space<vmem>>[vector<16xi32>, vector<16xi32>], vector<16xi32>,
        %gather3A_235 = tpu.vector_load_idx %arg13[%add3A_93, %and3A_233] : memref<80x64xi32, #tpu.memory_space<vmem>>[vector<16xi32>, vector<16xi32>], vector<16xi32>,
        %bitcast3A_236 = vector.bitcast %gather3A_234 : vector<16xi32> to vector<32xbf16>
        %bitcast3A_237 = vector.bitcast %gather3A_235 : vector<16xi32> to vector<32xbf16>
        %mul3A_238 = arith.mulf %bitcast3A_236, %bitcast3A_237 : vector<32xbf16>
        %bitcast3A_239 = vector.bitcast %mul3A_238 : vector<32xbf16> to vector<16xi32>
        %and3A_240 = arith.andi %bitcast3A_239, %broadcast_in_dim3A_62 : vector<16xi32>
        %bitcast3A_241 = vector.bitcast %and3A_240 : vector<16xi32> to vector<16xf32>
        %shift_left3A_242 = arith.constant 16 : i32
        %shift_left3A_243 = vector.broadcast %shift_left3A_242 : i32 to vector<16xi32>
        %shift_left3A_244 = arith.shli %bitcast3A_239, %shift_left3A_243 : vector<16xi32>
        %bitcast3A_245 = vector.bitcast %shift_left3A_244 : vector<16xi32> to vector<16xf32>
        %add3A_246 = arith.addf %add3A_223, %bitcast3A_241 : vector<16xf32>
        %add3A_247 = arith.addf %add3A_224, %bitcast3A_245 : vector<16xf32>
        %mul3A_248 = arith.constant 16 : i32
        %mul3A_249 = arith.muli %scan3A_111, %mul3A_248 : i32
        %add3A_250 = arith.constant 6 : i32
        %add3A_251 = arith.addi %mul3A_249, %add3A_250 : i32
        %add3A_252 = vector.broadcast %add3A_251 : i32 to vector<16xi32>
        %add3A_253 = arith.addi %iota3A, %add3A_252 : vector<16xi32>
        %and3A_254 = arith.constant 63 : i32
        %and3A_255 = vector.broadcast %and3A_254 : i32 to vector<16xi32>
        %and3A_256 = arith.andi %add3A_253, %and3A_255 : vector<16xi32>
        %gather3A_257 = tpu.vector_load_idx %arg9[%add3A_93, %and3A_256] : memref<80x64xi32, #tpu.memory_space<vmem>>[vector<16xi32>, vector<16xi32>], vector<16xi32>,
        %gather3A_258 = tpu.vector_load_idx %arg13[%add3A_93, %and3A_256] : memref<80x64xi32, #tpu.memory_space<vmem>>[vector<16xi32>, vector<16xi32>], vector<16xi32>,
        %bitcast3A_259 = vector.bitcast %gather3A_257 : vector<16xi32> to vector<32xbf16>
        %bitcast3A_260 = vector.bitcast %gather3A_258 : vector<16xi32> to vector<32xbf16>
        %mul3A_261 = arith.mulf %bitcast3A_259, %bitcast3A_260 : vector<32xbf16>
        %bitcast3A_262 = vector.bitcast %mul3A_261 : vector<32xbf16> to vector<16xi32>
        %and3A_263 = arith.andi %bitcast3A_262, %broadcast_in_dim3A_62 : vector<16xi32>
        %bitcast3A_264 = vector.bitcast %and3A_263 : vector<16xi32> to vector<16xf32>
        %shift_left3A_265 = arith.constant 16 : i32
        %shift_left3A_266 = vector.broadcast %shift_left3A_265 : i32 to vector<16xi32>
        %shift_left3A_267 = arith.shli %bitcast3A_262, %shift_left3A_266 : vector<16xi32>
        %bitcast3A_268 = vector.bitcast %shift_left3A_267 : vector<16xi32> to vector<16xf32>
        %add3A_269 = arith.addf %add3A_246, %bitcast3A_264 : vector<16xf32>
        %add3A_270 = arith.addf %add3A_247, %bitcast3A_268 : vector<16xf32>
        %mul3A_271 = arith.constant 16 : i32
        %mul3A_272 = arith.muli %scan3A_111, %mul3A_271 : i32
        %add3A_273 = arith.constant 7 : i32
        %add3A_274 = arith.addi %mul3A_272, %add3A_273 : i32
        %add3A_275 = vector.broadcast %add3A_274 : i32 to vector<16xi32>
        %add3A_276 = arith.addi %iota3A, %add3A_275 : vector<16xi32>
        %and3A_277 = arith.constant 63 : i32
        %and3A_278 = vector.broadcast %and3A_277 : i32 to vector<16xi32>
        %and3A_279 = arith.andi %add3A_276, %and3A_278 : vector<16xi32>
        %gather3A_280 = tpu.vector_load_idx %arg9[%add3A_93, %and3A_279] : memref<80x64xi32, #tpu.memory_space<vmem>>[vector<16xi32>, vector<16xi32>], vector<16xi32>,
        %gather3A_281 = tpu.vector_load_idx %arg13[%add3A_93, %and3A_279] : memref<80x64xi32, #tpu.memory_space<vmem>>[vector<16xi32>, vector<16xi32>], vector<16xi32>,
        %bitcast3A_282 = vector.bitcast %gather3A_280 : vector<16xi32> to vector<32xbf16>
        %bitcast3A_283 = vector.bitcast %gather3A_281 : vector<16xi32> to vector<32xbf16>
        %mul3A_284 = arith.mulf %bitcast3A_282, %bitcast3A_283 : vector<32xbf16>
        %bitcast3A_285 = vector.bitcast %mul3A_284 : vector<32xbf16> to vector<16xi32>
        %and3A_286 = arith.andi %bitcast3A_285, %broadcast_in_dim3A_62 : vector<16xi32>
        %bitcast3A_287 = vector.bitcast %and3A_286 : vector<16xi32> to vector<16xf32>
        %shift_left3A_288 = arith.constant 16 : i32
        %shift_left3A_289 = vector.broadcast %shift_left3A_288 : i32 to vector<16xi32>
        %shift_left3A_290 = arith.shli %bitcast3A_285, %shift_left3A_289 : vector<16xi32>
        %bitcast3A_291 = vector.bitcast %shift_left3A_290 : vector<16xi32> to vector<16xf32>
        %add3A_292 = arith.addf %add3A_269, %bitcast3A_287 : vector<16xf32>
        %add3A_293 = arith.addf %add3A_270, %bitcast3A_291 : vector<16xf32>
        %mul3A_294 = arith.constant 16 : i32
        %mul3A_295 = arith.muli %scan3A_111, %mul3A_294 : i32
        %add3A_296 = arith.constant 8 : i32
        %add3A_297 = arith.addi %mul3A_295, %add3A_296 : i32
        %add3A_298 = vector.broadcast %add3A_297 : i32 to vector<16xi32>
        %add3A_299 = arith.addi %iota3A, %add3A_298 : vector<16xi32>
        %and3A_300 = arith.constant 63 : i32
        %and3A_301 = vector.broadcast %and3A_300 : i32 to vector<16xi32>
        %and3A_302 = arith.andi %add3A_299, %and3A_301 : vector<16xi32>
        %gather3A_303 = tpu.vector_load_idx %arg9[%add3A_93, %and3A_302] : memref<80x64xi32, #tpu.memory_space<vmem>>[vector<16xi32>, vector<16xi32>], vector<16xi32>,
        %gather3A_304 = tpu.vector_load_idx %arg13[%add3A_93, %and3A_302] : memref<80x64xi32, #tpu.memory_space<vmem>>[vector<16xi32>, vector<16xi32>], vector<16xi32>,
        %bitcast3A_305 = vector.bitcast %gather3A_303 : vector<16xi32> to vector<32xbf16>
        %bitcast3A_306 = vector.bitcast %gather3A_304 : vector<16xi32> to vector<32xbf16>
        %mul3A_307 = arith.mulf %bitcast3A_305, %bitcast3A_306 : vector<32xbf16>
        %bitcast3A_308 = vector.bitcast %mul3A_307 : vector<32xbf16> to vector<16xi32>
        %and3A_309 = arith.andi %bitcast3A_308, %broadcast_in_dim3A_62 : vector<16xi32>
        %bitcast3A_310 = vector.bitcast %and3A_309 : vector<16xi32> to vector<16xf32>
        %shift_left3A_311 = arith.constant 16 : i32
        %shift_left3A_312 = vector.broadcast %shift_left3A_311 : i32 to vector<16xi32>
        %shift_left3A_313 = arith.shli %bitcast3A_308, %shift_left3A_312 : vector<16xi32>
        %bitcast3A_314 = vector.bitcast %shift_left3A_313 : vector<16xi32> to vector<16xf32>
        %add3A_315 = arith.addf %add3A_292, %bitcast3A_310 : vector<16xf32>
        %add3A_316 = arith.addf %add3A_293, %bitcast3A_314 : vector<16xf32>
        %mul3A_317 = arith.constant 16 : i32
        %mul3A_318 = arith.muli %scan3A_111, %mul3A_317 : i32
        %add3A_319 = arith.constant 9 : i32
        %add3A_320 = arith.addi %mul3A_318, %add3A_319 : i32
        %add3A_321 = vector.broadcast %add3A_320 : i32 to vector<16xi32>
        %add3A_322 = arith.addi %iota3A, %add3A_321 : vector<16xi32>
        %and3A_323 = arith.constant 63 : i32
        %and3A_324 = vector.broadcast %and3A_323 : i32 to vector<16xi32>
        %and3A_325 = arith.andi %add3A_322, %and3A_324 : vector<16xi32>
        %gather3A_326 = tpu.vector_load_idx %arg9[%add3A_93, %and3A_325] : memref<80x64xi32, #tpu.memory_space<vmem>>[vector<16xi32>, vector<16xi32>], vector<16xi32>,
        %gather3A_327 = tpu.vector_load_idx %arg13[%add3A_93, %and3A_325] : memref<80x64xi32, #tpu.memory_space<vmem>>[vector<16xi32>, vector<16xi32>], vector<16xi32>,
        %bitcast3A_328 = vector.bitcast %gather3A_326 : vector<16xi32> to vector<32xbf16>
        %bitcast3A_329 = vector.bitcast %gather3A_327 : vector<16xi32> to vector<32xbf16>
        %mul3A_330 = arith.mulf %bitcast3A_328, %bitcast3A_329 : vector<32xbf16>
        %bitcast3A_331 = vector.bitcast %mul3A_330 : vector<32xbf16> to vector<16xi32>
        %and3A_332 = arith.andi %bitcast3A_331, %broadcast_in_dim3A_62 : vector<16xi32>
        %bitcast3A_333 = vector.bitcast %and3A_332 : vector<16xi32> to vector<16xf32>
        %shift_left3A_334 = arith.constant 16 : i32
        %shift_left3A_335 = vector.broadcast %shift_left3A_334 : i32 to vector<16xi32>
        %shift_left3A_336 = arith.shli %bitcast3A_331, %shift_left3A_335 : vector<16xi32>
        %bitcast3A_337 = vector.bitcast %shift_left3A_336 : vector<16xi32> to vector<16xf32>
        %add3A_338 = arith.addf %add3A_315, %bitcast3A_333 : vector<16xf32>
        %add3A_339 = arith.addf %add3A_316, %bitcast3A_337 : vector<16xf32>
        %mul3A_340 = arith.constant 16 : i32
        %mul3A_341 = arith.muli %scan3A_111, %mul3A_340 : i32
        %add3A_342 = arith.constant 10 : i32
        %add3A_343 = arith.addi %mul3A_341, %add3A_342 : i32
        %add3A_344 = vector.broadcast %add3A_343 : i32 to vector<16xi32>
        %add3A_345 = arith.addi %iota3A, %add3A_344 : vector<16xi32>
        %and3A_346 = arith.constant 63 : i32
        %and3A_347 = vector.broadcast %and3A_346 : i32 to vector<16xi32>
        %and3A_348 = arith.andi %add3A_345, %and3A_347 : vector<16xi32>
        %gather3A_349 = tpu.vector_load_idx %arg9[%add3A_93, %and3A_348] : memref<80x64xi32, #tpu.memory_space<vmem>>[vector<16xi32>, vector<16xi32>], vector<16xi32>,
        %gather3A_350 = tpu.vector_load_idx %arg13[%add3A_93, %and3A_348] : memref<80x64xi32, #tpu.memory_space<vmem>>[vector<16xi32>, vector<16xi32>], vector<16xi32>,
        %bitcast3A_351 = vector.bitcast %gather3A_349 : vector<16xi32> to vector<32xbf16>
        %bitcast3A_352 = vector.bitcast %gather3A_350 : vector<16xi32> to vector<32xbf16>
        %mul3A_353 = arith.mulf %bitcast3A_351, %bitcast3A_352 : vector<32xbf16>
        %bitcast3A_354 = vector.bitcast %mul3A_353 : vector<32xbf16> to vector<16xi32>
        %and3A_355 = arith.andi %bitcast3A_354, %broadcast_in_dim3A_62 : vector<16xi32>
        %bitcast3A_356 = vector.bitcast %and3A_355 : vector<16xi32> to vector<16xf32>
        %shift_left3A_357 = arith.constant 16 : i32
        %shift_left3A_358 = vector.broadcast %shift_left3A_357 : i32 to vector<16xi32>
        %shift_left3A_359 = arith.shli %bitcast3A_354, %shift_left3A_358 : vector<16xi32>
        %bitcast3A_360 = vector.bitcast %shift_left3A_359 : vector<16xi32> to vector<16xf32>
        %add3A_361 = arith.addf %add3A_338, %bitcast3A_356 : vector<16xf32>
        %add3A_362 = arith.addf %add3A_339, %bitcast3A_360 : vector<16xf32>
        %mul3A_363 = arith.constant 16 : i32
        %mul3A_364 = arith.muli %scan3A_111, %mul3A_363 : i32
        %add3A_365 = arith.constant 11 : i32
        %add3A_366 = arith.addi %mul3A_364, %add3A_365 : i32
        %add3A_367 = vector.broadcast %add3A_366 : i32 to vector<16xi32>
        %add3A_368 = arith.addi %iota3A, %add3A_367 : vector<16xi32>
        %and3A_369 = arith.constant 63 : i32
        %and3A_370 = vector.broadcast %and3A_369 : i32 to vector<16xi32>
        %and3A_371 = arith.andi %add3A_368, %and3A_370 : vector<16xi32>
        %gather3A_372 = tpu.vector_load_idx %arg9[%add3A_93, %and3A_371] : memref<80x64xi32, #tpu.memory_space<vmem>>[vector<16xi32>, vector<16xi32>], vector<16xi32>,
        %gather3A_373 = tpu.vector_load_idx %arg13[%add3A_93, %and3A_371] : memref<80x64xi32, #tpu.memory_space<vmem>>[vector<16xi32>, vector<16xi32>], vector<16xi32>,
        %bitcast3A_374 = vector.bitcast %gather3A_372 : vector<16xi32> to vector<32xbf16>
        %bitcast3A_375 = vector.bitcast %gather3A_373 : vector<16xi32> to vector<32xbf16>
        %mul3A_376 = arith.mulf %bitcast3A_374, %bitcast3A_375 : vector<32xbf16>
        %bitcast3A_377 = vector.bitcast %mul3A_376 : vector<32xbf16> to vector<16xi32>
        %and3A_378 = arith.andi %bitcast3A_377, %broadcast_in_dim3A_62 : vector<16xi32>
        %bitcast3A_379 = vector.bitcast %and3A_378 : vector<16xi32> to vector<16xf32>
        %shift_left3A_380 = arith.constant 16 : i32
        %shift_left3A_381 = vector.broadcast %shift_left3A_380 : i32 to vector<16xi32>
        %shift_left3A_382 = arith.shli %bitcast3A_377, %shift_left3A_381 : vector<16xi32>
        %bitcast3A_383 = vector.bitcast %shift_left3A_382 : vector<16xi32> to vector<16xf32>
        %add3A_384 = arith.addf %add3A_361, %bitcast3A_379 : vector<16xf32>
        %add3A_385 = arith.addf %add3A_362, %bitcast3A_383 : vector<16xf32>
        %mul3A_386 = arith.constant 16 : i32
        %mul3A_387 = arith.muli %scan3A_111, %mul3A_386 : i32
        %add3A_388 = arith.constant 12 : i32
        %add3A_389 = arith.addi %mul3A_387, %add3A_388 : i32
        %add3A_390 = vector.broadcast %add3A_389 : i32 to vector<16xi32>
        %add3A_391 = arith.addi %iota3A, %add3A_390 : vector<16xi32>
        %and3A_392 = arith.constant 63 : i32
        %and3A_393 = vector.broadcast %and3A_392 : i32 to vector<16xi32>
        %and3A_394 = arith.andi %add3A_391, %and3A_393 : vector<16xi32>
        %gather3A_395 = tpu.vector_load_idx %arg9[%add3A_93, %and3A_394] : memref<80x64xi32, #tpu.memory_space<vmem>>[vector<16xi32>, vector<16xi32>], vector<16xi32>,
        %gather3A_396 = tpu.vector_load_idx %arg13[%add3A_93, %and3A_394] : memref<80x64xi32, #tpu.memory_space<vmem>>[vector<16xi32>, vector<16xi32>], vector<16xi32>,
        %bitcast3A_397 = vector.bitcast %gather3A_395 : vector<16xi32> to vector<32xbf16>
        %bitcast3A_398 = vector.bitcast %gather3A_396 : vector<16xi32> to vector<32xbf16>
        %mul3A_399 = arith.mulf %bitcast3A_397, %bitcast3A_398 : vector<32xbf16>
        %bitcast3A_400 = vector.bitcast %mul3A_399 : vector<32xbf16> to vector<16xi32>
        %and3A_401 = arith.andi %bitcast3A_400, %broadcast_in_dim3A_62 : vector<16xi32>
        %bitcast3A_402 = vector.bitcast %and3A_401 : vector<16xi32> to vector<16xf32>
        %shift_left3A_403 = arith.constant 16 : i32
        %shift_left3A_404 = vector.broadcast %shift_left3A_403 : i32 to vector<16xi32>
        %shift_left3A_405 = arith.shli %bitcast3A_400, %shift_left3A_404 : vector<16xi32>
        %bitcast3A_406 = vector.bitcast %shift_left3A_405 : vector<16xi32> to vector<16xf32>
        %add3A_407 = arith.addf %add3A_384, %bitcast3A_402 : vector<16xf32>
        %add3A_408 = arith.addf %add3A_385, %bitcast3A_406 : vector<16xf32>
        %mul3A_409 = arith.constant 16 : i32
        %mul3A_410 = arith.muli %scan3A_111, %mul3A_409 : i32
        %add3A_411 = arith.constant 13 : i32
        %add3A_412 = arith.addi %mul3A_410, %add3A_411 : i32
        %add3A_413 = vector.broadcast %add3A_412 : i32 to vector<16xi32>
        %add3A_414 = arith.addi %iota3A, %add3A_413 : vector<16xi32>
        %and3A_415 = arith.constant 63 : i32
        %and3A_416 = vector.broadcast %and3A_415 : i32 to vector<16xi32>
        %and3A_417 = arith.andi %add3A_414, %and3A_416 : vector<16xi32>
        %gather3A_418 = tpu.vector_load_idx %arg9[%add3A_93, %and3A_417] : memref<80x64xi32, #tpu.memory_space<vmem>>[vector<16xi32>, vector<16xi32>], vector<16xi32>,
        %gather3A_419 = tpu.vector_load_idx %arg13[%add3A_93, %and3A_417] : memref<80x64xi32, #tpu.memory_space<vmem>>[vector<16xi32>, vector<16xi32>], vector<16xi32>,
        %bitcast3A_420 = vector.bitcast %gather3A_418 : vector<16xi32> to vector<32xbf16>
        %bitcast3A_421 = vector.bitcast %gather3A_419 : vector<16xi32> to vector<32xbf16>
        %mul3A_422 = arith.mulf %bitcast3A_420, %bitcast3A_421 : vector<32xbf16>
        %bitcast3A_423 = vector.bitcast %mul3A_422 : vector<32xbf16> to vector<16xi32>
        %and3A_424 = arith.andi %bitcast3A_423, %broadcast_in_dim3A_62 : vector<16xi32>
        %bitcast3A_425 = vector.bitcast %and3A_424 : vector<16xi32> to vector<16xf32>
        %shift_left3A_426 = arith.constant 16 : i32
        %shift_left3A_427 = vector.broadcast %shift_left3A_426 : i32 to vector<16xi32>
        %shift_left3A_428 = arith.shli %bitcast3A_423, %shift_left3A_427 : vector<16xi32>
        %bitcast3A_429 = vector.bitcast %shift_left3A_428 : vector<16xi32> to vector<16xf32>
        %add3A_430 = arith.addf %add3A_407, %bitcast3A_425 : vector<16xf32>
        %add3A_431 = arith.addf %add3A_408, %bitcast3A_429 : vector<16xf32>
        %mul3A_432 = arith.constant 16 : i32
        %mul3A_433 = arith.muli %scan3A_111, %mul3A_432 : i32
        %add3A_434 = arith.constant 14 : i32
        %add3A_435 = arith.addi %mul3A_433, %add3A_434 : i32
        %add3A_436 = vector.broadcast %add3A_435 : i32 to vector<16xi32>
        %add3A_437 = arith.addi %iota3A, %add3A_436 : vector<16xi32>
        %and3A_438 = arith.constant 63 : i32
        %and3A_439 = vector.broadcast %and3A_438 : i32 to vector<16xi32>
        %and3A_440 = arith.andi %add3A_437, %and3A_439 : vector<16xi32>
        %gather3A_441 = tpu.vector_load_idx %arg9[%add3A_93, %and3A_440] : memref<80x64xi32, #tpu.memory_space<vmem>>[vector<16xi32>, vector<16xi32>], vector<16xi32>,
        %gather3A_442 = tpu.vector_load_idx %arg13[%add3A_93, %and3A_440] : memref<80x64xi32, #tpu.memory_space<vmem>>[vector<16xi32>, vector<16xi32>], vector<16xi32>,
        %bitcast3A_443 = vector.bitcast %gather3A_441 : vector<16xi32> to vector<32xbf16>
        %bitcast3A_444 = vector.bitcast %gather3A_442 : vector<16xi32> to vector<32xbf16>
        %mul3A_445 = arith.mulf %bitcast3A_443, %bitcast3A_444 : vector<32xbf16>
        %bitcast3A_446 = vector.bitcast %mul3A_445 : vector<32xbf16> to vector<16xi32>
        %and3A_447 = arith.andi %bitcast3A_446, %broadcast_in_dim3A_62 : vector<16xi32>
        %bitcast3A_448 = vector.bitcast %and3A_447 : vector<16xi32> to vector<16xf32>
        %shift_left3A_449 = arith.constant 16 : i32
        %shift_left3A_450 = vector.broadcast %shift_left3A_449 : i32 to vector<16xi32>
        %shift_left3A_451 = arith.shli %bitcast3A_446, %shift_left3A_450 : vector<16xi32>
        %bitcast3A_452 = vector.bitcast %shift_left3A_451 : vector<16xi32> to vector<16xf32>
        %add3A_453 = arith.addf %add3A_430, %bitcast3A_448 : vector<16xf32>
        %add3A_454 = arith.addf %add3A_431, %bitcast3A_452 : vector<16xf32>
        %mul3A_455 = arith.constant 16 : i32
        %mul3A_456 = arith.muli %scan3A_111, %mul3A_455 : i32
        %add3A_457 = arith.constant 15 : i32
        %add3A_458 = arith.addi %mul3A_456, %add3A_457 : i32
        %add3A_459 = vector.broadcast %add3A_458 : i32 to vector<16xi32>
        %add3A_460 = arith.addi %iota3A, %add3A_459 : vector<16xi32>
        %and3A_461 = arith.constant 63 : i32
        %and3A_462 = vector.broadcast %and3A_461 : i32 to vector<16xi32>
        %and3A_463 = arith.andi %add3A_460, %and3A_462 : vector<16xi32>
        %gather3A_464 = tpu.vector_load_idx %arg9[%add3A_93, %and3A_463] : memref<80x64xi32, #tpu.memory_space<vmem>>[vector<16xi32>, vector<16xi32>], vector<16xi32>,
        %gather3A_465 = tpu.vector_load_idx %arg13[%add3A_93, %and3A_463] : memref<80x64xi32, #tpu.memory_space<vmem>>[vector<16xi32>, vector<16xi32>], vector<16xi32>,
        %bitcast3A_466 = vector.bitcast %gather3A_464 : vector<16xi32> to vector<32xbf16>
        %bitcast3A_467 = vector.bitcast %gather3A_465 : vector<16xi32> to vector<32xbf16>
        %mul3A_468 = arith.mulf %bitcast3A_466, %bitcast3A_467 : vector<32xbf16>
        %bitcast3A_469 = vector.bitcast %mul3A_468 : vector<32xbf16> to vector<16xi32>
        %and3A_470 = arith.andi %bitcast3A_469, %broadcast_in_dim3A_62 : vector<16xi32>
        %bitcast3A_471 = vector.bitcast %and3A_470 : vector<16xi32> to vector<16xf32>
        %shift_left3A_472 = arith.constant 16 : i32
        %shift_left3A_473 = vector.broadcast %shift_left3A_472 : i32 to vector<16xi32>
        %shift_left3A_474 = arith.shli %bitcast3A_469, %shift_left3A_473 : vector<16xi32>
        %bitcast3A_475 = vector.bitcast %shift_left3A_474 : vector<16xi32> to vector<16xf32>
        %add3A_476 = arith.addf %add3A_453, %bitcast3A_471 : vector<16xf32>
        %add3A_477 = arith.addf %add3A_454, %bitcast3A_475 : vector<16xf32>
        scf.yield %add3A_476, %add3A_477 : vector<16xf32>, vector<16xf32>
      }
      %scan3A_101 = arith.constant 4 : i32
      %add3A_102 = arith.addf %scan3A_100#0, %scan3A_100#1 : vector<16xf32>
      %neg3A = arith.constant 0.000000e+00 : f32
      %neg3A_103 = vector.broadcast %neg3A : f32 to vector<16xf32>
      %neg3A_104 = arith.subf %neg3A_103, %add3A_102 : vector<16xf32>
      %exp3A = math.exp %neg3A_104 : vector<16xf32>
      %add3A_105 = arith.constant 1.000000e+00 : f32
      %add3A_106 = vector.broadcast %add3A_105 : f32 to vector<16xf32>
      %add3A_107 = arith.addf %add3A_106, %exp3A : vector<16xf32>
      %div3A = arith.constant 1.000000e+00 : f32
      %div3A_108 = vector.broadcast %div3A : f32 to vector<16xf32>
      %div3A_109 = arith.divf %div3A_108, %add3A_107 : vector<16xf32>
      %swap3A = arith.index_cast %mul3A_91 : i32 to index
      %swap3A_110 = tpu.vector_load %arg17[%swap3A] {strides = array<i32>} : memref<80xf32, #tpu.memory_space<vmem>>, vector<16xf32>,
      tpu.vector_store %arg17[%swap3A], %div3A_109 {strides = array<i32>} : memref<80xf32, #tpu.memory_space<vmem>>, vector<16xf32>,
    }
    %scan3A_68 = arith.constant 5 : i32
    %add3A_69 = arith.constant 9920 : i32
    %add3A_70 = arith.addi %mul3A_2, %add3A_69 : i32
    %dma_start3A_71 = tpu.memref_slice %arg5[%add3A_70] : memref<320000xf32, #tpu.memory_space<hbm>> -> memref<80xf32, #tpu.memory_space<hbm>>
    %dma_start3A_72 = tpu.memref_slice %arg5[%add3A_70] : memref<320000xf32, #tpu.memory_space<hbm>> -> memref<80xf32, #tpu.memory_space<hbm>>
    tpu.enqueue_dma source(%arg17 : memref<80xf32, #tpu.memory_space<vmem>>) target(%dma_start3A_72 : memref<80xf32, #tpu.memory_space<hbm>>) target_semaphore(%arg29 : memref<!tpu.dma_semaphore, #tpu.memory_space<semaphore_mem>>)
    %add3A_73 = arith.constant 9680 : i32
    %add3A_74 = arith.addi %mul3A_2, %add3A_73 : i32
    %dma_wait3A_75 = tpu.memref_slice %arg5[%add3A_74] : memref<320000xf32, #tpu.memory_space<hbm>> -> memref<80xf32, #tpu.memory_space<hbm>>
    %dma_wait3A_76 = tpu.memref_slice %arg5[%add3A_74] : memref<320000xf32, #tpu.memory_space<hbm>> -> memref<80xf32, #tpu.memory_space<hbm>>
    tpu.wait_dma2 semaphore(%arg30 : memref<!tpu.dma_semaphore, #tpu.memory_space<semaphore_mem>>) src(%arg18 : memref<80xf32, #tpu.memory_space<vmem>>) dst(%dma_wait3A_76 : memref<80xf32, #tpu.memory_space<hbm>>)
    %add3A_77 = arith.constant 9760 : i32
    %add3A_78 = arith.addi %mul3A_2, %add3A_77 : i32
    %dma_wait3A_79 = tpu.memref_slice %arg5[%add3A_78] : memref<320000xf32, #tpu.memory_space<hbm>> -> memref<80xf32, #tpu.memory_space<hbm>>
    %dma_wait3A_80 = tpu.memref_slice %arg5[%add3A_78] : memref<320000xf32, #tpu.memory_space<hbm>> -> memref<80xf32, #tpu.memory_space<hbm>>
    tpu.wait_dma2 semaphore(%arg31 : memref<!tpu.dma_semaphore, #tpu.memory_space<semaphore_mem>>) src(%arg19 : memref<80xf32, #tpu.memory_space<vmem>>) dst(%dma_wait3A_80 : memref<80xf32, #tpu.memory_space<hbm>>)
    %add3A_81 = arith.constant 9840 : i32
    %add3A_82 = arith.addi %mul3A_2, %add3A_81 : i32
    %dma_wait3A_83 = tpu.memref_slice %arg5[%add3A_82] : memref<320000xf32, #tpu.memory_space<hbm>> -> memref<80xf32, #tpu.memory_space<hbm>>
    %dma_wait3A_84 = tpu.memref_slice %arg5[%add3A_82] : memref<320000xf32, #tpu.memory_space<hbm>> -> memref<80xf32, #tpu.memory_space<hbm>>
    tpu.wait_dma2 semaphore(%arg32 : memref<!tpu.dma_semaphore, #tpu.memory_space<semaphore_mem>>) src(%arg20 : memref<80xf32, #tpu.memory_space<vmem>>) dst(%dma_wait3A_84 : memref<80xf32, #tpu.memory_space<hbm>>)
    %add3A_85 = arith.constant 9920 : i32
    %add3A_86 = arith.addi %mul3A_2, %add3A_85 : i32
    %dma_wait3A_87 = tpu.memref_slice %arg5[%add3A_86] : memref<320000xf32, #tpu.memory_space<hbm>> -> memref<80xf32, #tpu.memory_space<hbm>>
    %dma_wait3A_88 = tpu.memref_slice %arg5[%add3A_86] : memref<320000xf32, #tpu.memory_space<hbm>> -> memref<80xf32, #tpu.memory_space<hbm>>
    tpu.wait_dma2 semaphore(%arg29 : memref<!tpu.dma_semaphore, #tpu.memory_space<semaphore_mem>>) src(%arg17 : memref<80xf32, #tpu.memory_space<vmem>>) dst(%dma_wait3A_88 : memref<80xf32, #tpu.memory_space<hbm>>)
    return
  }
}

</mosaic_0001>

<sc_bundles>
// kernel: _edge_scores.3.cloned.1.call-start
scs
__scs_entry_jumppad:
0x0: {  	(pc) =	sbr.rel $0x88, $3  }
0x1: {  	(tag) =	ssettag $0x0;
	lr =	simm.s32 $0x1  }
0x2: {  	[smem:$0x3F9E] =	sst lr;
	_ =	strace $0xD0000000  }
0x3: {  	_ = 	snop  }
0x4: {  	_ = 	snop  }
0x5: {  	_ = 	snop  }
0x6: {  	_ = 	snop  }
0x7: {  	_ = 	snop  }
__scs_overlays_trampoline_lowered:
0x8: {  	[smem:$0x3FAD] =	sst s0  }
0x9: {  	[smem:$0x3FAE] =	sst s1  }
0xa: {  	[smem:$0x3FAF] =	sst s2  }
0xb: {  	[smem:$0x3FB0] =	sst s3  }
0xc: {  	[smem:$0x3FB1] =	sst s4  }
0xd: {  	[smem:$0x3FB2] =	sst s5  }
0xe: {  	[smem:$0x3FB3] =	sst s6  }
0xf: {  	[smem:$0x3FB4] =	sst s7  }
0x10: {  	[smem:$0x3FB5] =	sst s8  }
0x11: {  	[smem:$0x3FB6] =	sst s9;
	s0 =	simm.s32 @!p0 $0x0  }
0x12: {  	s1 =	sld [smem:$0x3F9C];
	s0 =	simm.s32 @p0 $0x1  }
0x13: {  	[smem:$0x3FB7] =	sst s0;
	s0 =	simm.s32 @!p1 $0x0  }
0x14: {  	s2 =	sld [smem:$0x3F9B];
	s0 =	simm.s32 @p1 $0x1  }
0x15: {  	[smem:$0x3FB8] =	sst s0;
	s0 =	simm.s32 @!p2 $0x0  }
0x16: {  	s3 =	sld [smem:$0x3FDB];
	s0 =	simm.s32 @p2 $0x1  }
0x17: {  	s4 =	simm.s32 $0x1BF5;
	[smem:$0x3FBA] =	sst s0  }
0x18: {  	s0 =	sld [smem:$0x3F9D];
	_ =	swait.ge [sflag:s4], $0x0  }
0x19: {  	s7 =	sld [smem:$0x3F9E]  }
0x1a: {  	s8 =	sadd.s32 $0xFFFFE003, lr  }
0x1b: {  	s9 =	sadd.s32 $0xFFFFFEF7, lr;
	s5 =	simm.s32 $0xFFFFFFFF;
	p2 =	slt.u32 s8, $0xFFFFF086  }
0x1c: {  	p1 =	slt.u32 s9, $0xF7A;
	s5 =	simm.s32 @!p2 $0x0  }
0x1d: {  	s5 =	simm.s32 @p1 $0x1;
	p0 =	seq.s32 s7, s2  }
0x1e: {  	s7 =	smul.u32 @!p0 $0xF7A, s2;
	p2 =	seq.s32 @!p0 s5, $0x0  }
0x1f: {  	s9 =	smul.u32 $0xF7A, s1;
	s8 =	simm.s32 @!p0 $0x1BF5;
	p2 =	por !p2, p0  }
0x20: {  	[sflag:s8] =	ssyncset.s32 @!p0 $0xFFFFF086;
	s6 =	sadd.s32 @!p0 s3, s7;
	s7 =	simm.s32 @!p0 $0x108  }
0x21: {  	s3 =	sadd.s32 s3, s9;
	s6 =	sadd.s32 @!p0 $0x88, s6;
	s7 =	simm.s32 @p2 $0x1082  }
0x22: {  	[simem:s7], [sflag:s8] =	dma.local @!p0 [hbm:s6], $0xF7A  }
0x23: {  	s9 =	sor.u32 $0xD0000000, s2;
	s6 =	simm.s32 $0x108;
	_ =	swait.ge @!p0 [sflag:s8], $0x0  }
0x24: {  	s3 =	sadd.s32 $0x88, s3;
	s6 =	simm.s32 @!p1 $0x1082;
	[sflag:s4] =	ssyncset.s32 $0xFFFFF086  }
0x25: {  	[simem:s6], [sflag:s4] =	dma.local [hbm:s3], $0xF7A  }
0x26: {  	[smem:$0x3F9E] =	sst s1;
	(tag) =	ssettag s2;
	_ =	strace s9  }
0x27: {  	s1 =	sld [smem:$0x3FAE]  }
0x28: {  	s2 =	sld [smem:$0x3FAF]  }
0x29: {  	s4 =	sld [smem:$0x3FB1]  }
0x2a: {  	p0 =	seq.s32 s5, $0x0;
	s5 =	sld [smem:$0x3FB2]  }
0x2b: {  	s6 =	sld [smem:$0x3FB3]  }
0x2c: {  	s7 =	sld [smem:$0x3FB4]  }
0x2d: {  	s3 =	simm.s32 $0x108;
	s8 =	sld [smem:$0x3FB5]  }
0x2e: {  	s3 =	simm.s32 @!p0 $0x1082;
	s9 =	sld [smem:$0x3FB6]  }
0x2f: {  	lr =	sadd.s32 s0, s3;
	s0 =	sld [smem:$0x3FAD]  }
0x30: {  	s3 =	sld [smem:$0x3FB0]  }
0x31: {  	[smem:$0x3FB9] =	sst s10  }
0x32: {  	s10 =	sld [smem:$0x3FB7];
	_ =	sdelay $0x3  }
0x33: {  	p0 =	seq.s32 s10, $0x1;
	s10 =	sld [smem:$0x3FB9];
	_ =	sdelay $0x3  }
0x34: {  	[smem:$0x3FB9] =	sst s10  }
0x35: {  	s10 =	sld [smem:$0x3FB8];
	_ =	sdelay $0x3  }
0x36: {  	p1 =	seq.s32 s10, $0x1;
	s10 =	sld [smem:$0x3FB9];
	_ =	sdelay $0x3  }
0x37: {  	[smem:$0x3FB9] =	sst s10  }
0x38: {  	s10 =	sld [smem:$0x3FBA]  }
0x39: {  	_ = 	snop;
	(pc) =	sbr.ind lr, $3  }
0x3a: {  	_ = 	snop  }
0x3b: {  	_ = 	snop  }
0x3c: {  	p2 =	seq.s32 s10, $0x1;
	s10 =	sld [smem:$0x3FB9]  }
0x3d: {  	_ =	shalt  }
0x3e: {  	_ =	shalt  }
0x3f: {  	_ =	shalt  }
0x40: {  	_ =	shalt  }
0x41: {  	_ =	shalt  }
0x42: {  	_ =	shalt  }
0x43: {  	_ =	shalt  }
0x44: {  	_ =	shalt  }
0x45: {  	_ =	shalt  }
0x46: {  	_ =	shalt  }
0x47: {  	_ =	shalt  }
0x48: {  	_ =	shalt  }
0x49: {  	_ =	shalt  }
0x4a: {  	_ =	shalt  }
0x4b: {  	_ =	shalt  }
0x4c: {  	_ =	shalt  }
0x4d: {  	_ =	shalt  }
0x4e: {  	_ =	shalt  }
0x4f: {  	_ =	shalt  }
0x50: {  	_ =	shalt  }
0x51: {  	_ =	shalt  }
0x52: {  	_ =	shalt  }
0x53: {  	_ =	shalt  }
0x54: {  	_ =	shalt  }
0x55: {  	_ =	shalt  }
0x56: {  	_ =	shalt  }
0x57: {  	_ =	shalt  }
0x58: {  	_ =	shalt  }
0x59: {  	_ =	shalt  }
0x5a: {  	_ =	shalt  }
0x5b: {  	_ =	shalt  }
0x5c: {  	_ =	shalt  }
0x5d: {  	_ =	shalt  }
0x5e: {  	_ =	shalt  }
0x5f: {  	_ =	shalt  }
0x60: {  	_ =	shalt  }
0x61: {  	_ =	shalt  }
0x62: {  	_ =	shalt  }
0x63: {  	_ =	shalt  }
0x64: {  	_ =	shalt  }
0x65: {  	_ =	shalt  }
0x66: {  	_ =	shalt  }
0x67: {  	_ =	shalt  }
0x68: {  	_ =	shalt  }
0x69: {  	_ =	shalt  }
0x6a: {  	_ =	shalt  }
0x6b: {  	_ =	shalt  }
0x6c: {  	_ =	shalt  }
0x6d: {  	_ =	shalt  }
0x6e: {  	_ =	shalt  }
0x6f: {  	_ =	shalt  }
0x70: {  	_ =	shalt  }
0x71: {  	_ =	shalt  }
0x72: {  	_ =	shalt  }
0x73: {  	_ =	shalt  }
0x74: {  	_ =	shalt  }
0x75: {  	_ =	shalt  }
0x76: {  	_ =	shalt  }
0x77: {  	_ =	shalt  }
0x78: {  	_ =	shalt  }
0x79: {  	_ =	shalt  }
0x7a: {  	_ =	shalt  }
0x7b: {  	_ =	shalt  }
0x7c: {  	_ =	shalt  }
0x7d: {  	_ =	shalt  }
0x7e: {  	_ =	shalt  }
0x7f: {  	_ =	shalt  }
0x80: {  	_ =	shalt  }
0x81: {  	_ =	shalt  }
0x82: {  	_ =	shalt  }
0x83: {  	_ =	shalt  }
0x84: {  	_ =	shalt  }
0x85: {  	_ =	shalt  }
0x86: {  	_ =	shalt  }
0x87: {  	_ =	shalt  }
.Lfunc_end0:
.L_simem_size_0:
called_computation_lowered:
.L_overlay_start_0:
0x88: {  	s2 =	sld [smem:$0x3FD9]  }
0x89: {  	s3 =	sld [smem:$0x3FFE];
	_ =	sdelay $0x1  }
0x8a: {  	s1 =	srdreg.scid  }
0x8b: {  	s0 =	sand.u32 $0x1, s1  }
0x8c: {  	s17 =	sshll.u32 s0, $0xA;
	s2 =	sadd.s32 s3, s2  }
0x8d: {  	s2 =	sadd.s32 s2, s17  }
0x8e: {  	[smem:$0x3FC5] =	sst s2  }
0x8f: {  	_ = 	snop  }
0x90: {  	s2 =	sld [smem:$0x3FC8]  }
0x91: {  	s18 =	sld [smem:$0x3FC7]  }
0x92: {  	s4 =	sld [smem:$0x3FD0];
	(tm) =	ssettm $0x1  }
0x93: {  	s5 =	sld [smem:$0x3FFB];
	_ =	sdelay $0x3  }
0x94: {  	_ =	strace s5  }
0x95: {  	s5 =	sld [smem:$0x3FFC];
	_ =	sdelay $0x3  }
0x96: {  	_ =	strace s5  }
0x97: {  	s5 =	sld [smem:$0x3FFD];
	_ =	sdelay $0x3  }
0x98: {  	_ =	strace s5  }
0x99: {  	_ =	strace $0x8FFFFFFF  }
0x9a: {  	s19 =	sld [smem:$0x3FDB];
	_ =	sdelay $0x1  }
0x9b: {  	s6 =	simm.s32 $_scs_section_size  }
0x9c: {  	s7 =	simm.s32 $_size__tile_overlayer_lowered;
	s8 =	simm.s32 $_tile_overlayer_lowered  }
0x9d: {  	s22 =	simm.s32 $0x1BFF;
	s21 =	sshll.u32 s8, $0x1;
	s5 =	sadd.s32 s6, s19  }
0x9e: {  	s9 =	simm.s32 $0x0;
	s20 =	sshll.u32 s7, $0x1;
	s7 =	sadd.s32 s21, s5  }
0x9f: {  	[timem:s9], [sflag:s22] =	dma.local [hbm:s7], s20  }
0xa0: {  	_ =	swait.ge [sflag:s22], s20  }
0xa1: {  	s6 =	ssub.s32 $0x0, s20;
	[sflag:s22] =	ssyncset.done $0x0  }
0xa2: {  	[sflag:s22] =	ssyncadd.s32 s6;
	_ =	sdelay $0x1  }
0xa3: {  	s23 =	simm.s32 $0x1B8B  }
0xa4: {  	_ =	swait.ge [sflag:s23], $0x1  }
0xa5: {  	[sflag:s23] =	ssyncset.done $0x0  }
0xa6: {  	s25 =	simm.s32 $0x1B8E;
	s24 =	sld [smem:$0x3FFE];
	[sflag:s23] =	ssyncadd.s32 $0xFFFFFFFF  }
0xa7: {  	s26 =	simm.s32 $execute0_lowered;
	[smem:$0x3FD2] =	sst s25  }
0xa8: {  	s7 =	sshll.u32 s26, $0x1;
	_ =	strace $0x80000046;
	[dreg:$0x1] =	wrdreg $0xFFFFFFFF  }
0xa9: {  	s28 =	simm.s32 $_size_execute0_lowered;
	s5 =	sadd.s32 s5, s7;
	[dreg:$0x0] =	wrdreg $0x0  }
0xaa: {  	s7 =	sshll.u32 s28, $0x1;
	[dreg:$0x2] =	wrdreg s5  }
0xab: {  	[dreg:$0x3] =	wrdreg s7  }
0xac: {  	[dreg:$0x4] =	wrdreg $0xC0  }
0xad: {  	_ =	task [dreg:s9], $0x5FFFF  }
0xae: {  	[dreg:$0x1] =	wrdreg $0xFFFFFFFF  }
0xaf: {  	[dreg:$0x0] =	wrdreg $0x60  }
0xb0: {  	[dreg:$0x2] =	wrdreg s24  }
0xb1: {  	[dreg:$0x3] =	wrdreg s2  }
0xb2: {  	[dreg:$0x4] =	wrdreg s18  }
0xb3: {  	[dreg:$0x5] =	wrdreg s4  }
0xb4: {  	[dreg:$0x6] =	wrdreg $0x4E200  }
0xb5: {  	[dreg:$0x7] =	wrdreg $0x9  }
0xb6: {  	_ =	task.clear_ibuf [dreg:s9], $0x8FFFF;
	_ =	strace $0x90000046  }
0xb7: {  	s29 =	simm.s32 $0x9;
	_ =	strace $0x80000048  }
0xb8: {  	_ =	swait.ge [sflag:s29], $0x1  }
0xb9: {  	[sflag:s29] =	ssyncadd.s32 $0xFFFFFFFF  }
0xba: {  	_ =	strace $0x90000048  }
0xbb: {  	_ =	sfence  }
0xbc: {  	s30 =	sld [smem:$0x0];
	_ =	sdelay $0x2  }
0xbd: {  	s31 =	sshll.u32 s1, $0xD;
	s1 =	sshrl.u32 s1, $0x2  }
0xbe: {  	s3 =	sand.u32 $0x4000, s31;
	s1 =	sadd.s32 s1, s30  }
0xbf: {  	s0 =	sor.u32 s3, s0;
	s1 =	sshll.u32 s1, $0x11  }
0xc0: {  	s0 =	sor.u32 s1, s0  }
0xc1: {  	s0 =	sadd.s32 $0x8F2B, s0  }
0xc2: {  	[sflag:s0] =	ssyncadd.remote.s32 $0x1  }
0xc3: {  	_ =	sfence.sel $0xFFFF  }
0xc4: {  	[dreg:$0x0] =	wrdreg $0xFFFFFFFF;
	(pc) =	sbr.abs _section_cstart, $3  }
0xc5: {  	[dreg:$0x1] =	wrdreg $0xFFFFFFFF  }
0xc6: {  	_ =	task.clear_ibuf [dreg:s9], $0x2FFFF;
	_ =	strace $0x9FFFFFFF  }
0xc7: {  	(tm) =	ssettm $0x7FFFFFFF  }
tec
execute0_lowered:
.L_overlay_start_1:
0x0: {  	(tag) =	ssettag $0x1  }
0x1: {  	s0 =	rddreg [dreg:$0x0]  }
0x2: {  	s1 =	rddreg [dreg:$0x1]  }
0x3: {  	s6 =	rddreg [dreg:$0x2]  }
0x4: {  	s2 =	rddreg [dreg:$0x3]  }
0x5: {  	s3 =	rddreg [dreg:$0x4]  }
0x6: {  	s12 =	stileid.u32;
	s4 =	srdreg.scid;
	s17 =	simm.s32 $0x1  }
0x7: {  	s29 =	simm.s32 $0x16260;
	s30 =	simm.s32 $0x12660;
	s31 =	simm.s32 $0x17660  }
0x8: {  	s28 =	simm.s32 $0x3;
	s14 =	simm.s32 $0x7;
	s7 =	sand.u32 $0x1, s4  }
0x9: {  	s5 =	sshll.u32 s12, $0x1;
	s4 =	simm.s32 $0x0;
	s8 =	smul.u32 $0x9C40, s12  }
0xa: {  	s20 =	sshll.u32 s12, $0x6;
	s5 =	sor.u32 s7, s5;
	[smem:$0x7FF] =	sst s4  }
0xb: {  	s7 =	ssub.s32 $0x2, s7;
	s21 =	sor.u32 $0x1C0D, s20;
	s20 =	simm.s32 $0xEA60  }
0xc: {  	s5 =	smul.u32 $0x2710, s5;
	_ =	strace $0x80000047;
	s9 =	sshrl.u32 s8, $0x3  }
0xd: {  	s10 =	sshrl.u32 s7, $0x1;
	s19 =	sadd.s32 s8, s3;
	[dreg:$0x9] =	wrdreg s21  }
0xe: {  	s21 =	simm.s32 $0x13A60;
	s8 =	simm.s32 $0x8;
	s0 =	sadd.s32 s9, s0  }
0xf: {  	s7 =	ssub.s32 s7, s10;
	s26 =	sshrl.u32 s19, $0x3;
	s19 =	simm.s32 $0x50  }
0x10: {  	s11 =	sshrl.u32 s5, $0x3;
	s0 =	sadd.s32 $0x400, s0;
	[dreg:$0xe] =	wrdreg s26  }
0x11: {  	s23 =	sadd.s32 $0x50, s5;
	s24 =	sadd.s32 $0xA0, s5;
	[dreg:$0x8] =	wrdreg s0  }
0x12: {  	s25 =	smax.u32 s7, $0x1;
	s26 =	simm.s32 $0x11260;
	[dreg:$0xa] =	wrdreg s23  }
0x13: {  	s7 =	simm.s32 $0x4;
	s1 =	sadd.s32 s1, s11;
	[dreg:$0xb] =	wrdreg s24  }
0x14: {  	s18 =	sadd.s32 s6, s11;
	s22 =	sadd.s32 s2, s11;
	[dreg:$0xd] =	wrdreg s25  }
0x15: {  	s24 =	simm.s32 $0x14E60;
	s23 =	simm.s32 $0x6;
	[dreg:$0x6] =	wrdreg s1  }
0x16: {  	v0 =	vlaneseq.u32;
	[dreg:$0x7] =	wrdreg s18;
	s0 =	sadd.s32 $0x4D8, s22;
	s18 =	simm.s32 $0x5  }
0x17: {  	v1 =	vmul.u32 $0x40, v0;
	v2 =	vand.u32 $0x7, v0;
	s22 =	simm.s32 $0xFE60;
	s1 =	simm.s32 $0x0;
	[dreg:$0xc] =	wrdreg s0  }
.LBB2_1:
0x18: {  	[dreg:$0xf] =	wrdreg s1  }
0x19: {  	s0 =	rddreg [dreg:$0x6]  }
0x1a: {  	s10 =	rddreg [dreg:$0x7]  }
0x1b: {  	s11 =	rddreg [dreg:$0x8]  }
0x1c: {  	s12 =	rddreg [dreg:$0x9]  }
0x1d: {  	[tilespmem:s4], [sflag:$0x1] =	stream.linear.gather [hbm4b:s0+s4], $0x2710, $0x38;
	[tilespmem:$0x18BA0] =	vst v63  }
0x1e: {  	s6 =	simm.s32 $0x2710;
	s9 =	rddreg [dreg:$0xe];
	s13 =	simm.s32 $0xD  }
0x1f: {  	[tilespmem:s6], [sflag:$0x5] =	stream.linear.gather [hbm4b:s10+s4], $0x2710, $0x38;
	[tilespmem:$0x18BA0] =	vst v63  }
0x20: {  	[spmem:s9], [sflag:s12] =	dma.local [hbm:s11], $0x1388  }
0x21: {  	_ =	swait.ge [sflag:s13], $0x1388  }
0x22: {  	[sflag:s13] =	ssyncset.done $0x0  }
0x23: {  	[sflag:s13] =	ssyncadd.s32 $0xFFFFEC78  }
0x24: {  	_ =	swait.ge [sflag:s17], $0x2710  }
0x25: {  	[sflag:s17] =	ssyncset.done $0x0  }
0x26: {  	[sflag:s17] =	ssyncadd.s32 $0xFFFFD8F0  }
0x27: {  	_ =	swait.ge [sflag:s18], $0x2710  }
0x28: {  	[sflag:s18] =	ssyncset.done $0x0  }
0x29: {  	[sflag:s18] =	ssyncadd.s32 $0xFFFFD8F0  }
0x2a: {  	[bflag:$0x0] =	sbarrier.arrive $0xFFFF  }
0x2b: {  	[tilespmem:s20], [sflag:$0x1] =	stream.indirect.gather [spmem:s3], $0x40, s4, s19, $0xb8;
	[tilespmem:$0x18BA0] =	vst v63  }
0x2c: {  	_ = 	snop  }
0x2d: {  	[tilespmem:s21], [sflag:$0x5] =	stream.indirect.gather [spmem:s3], $0x40, s6, s19, $0xb8;
	[tilespmem:$0x18BA0] =	vst v63  }
0x2e: {  	_ = 	snop  }
0x2f: {  	[tilespmem:s22], [sflag:$0x2] =	stream.indirect.gather [spmem:s3], $0x40, s19, s19, $0xb8;
	[tilespmem:$0x18BA0] =	vst v63  }
0x30: {  	s15 =	simm.s32 $0x2760  }
0x31: {  	[tilespmem:s24], [sflag:$0x6] =	stream.indirect.gather [spmem:s3], $0x40, s15, s19, $0xb8;
	[tilespmem:$0x18BA0] =	vst v63  }
0x32: {  	s16 =	simm.s32 $0xA0  }
0x33: {  	[tilespmem:s26], [sflag:$0x3] =	stream.indirect.gather [spmem:s3], $0x40, s16, s19, $0xb8;
	[tilespmem:$0x18BA0] =	vst v63  }
0x34: {  	s25 =	simm.s32 $0x27B0;
	s15 =	simm.s32 $0x0  }
0x35: {  	[tilespmem:s29], [sflag:$0x7] =	stream.indirect.gather [spmem:s3], $0x40, s25, s19, $0xb8;
	[tilespmem:$0x18BA0] =	vst v63  }
.LBB2_2:
0x36: {  	s12 =	smul.u32 $0x140, s15;
	_ =	sdelay $0x1  }
0x37: {  	s16 =	sadd.s32 $0xF0, s12  }
0x38: {  	[tilespmem:s30], [sflag:$0x4] =	stream.indirect.gather [spmem:s3], $0x40, s16, s19, $0xb8;
	[tilespmem:$0x18BA0] =	vst v63  }
0x39: {  	s6 =	sadd.s32 $0x2800, s12  }
0x3a: {  	[tilespmem:s31], [sflag:$0x8] =	stream.indirect.gather [spmem:s3], $0x40, s6, s19, $0xb8;
	[tilespmem:$0x18BA0] =	vst v63  }
0x3b: {  	_ =	swait.ge [sflag:s17], $0x1400  }
0x3c: {  	[sflag:s17] =	ssyncset.done $0x0  }
0x3d: {  	[sflag:s17] =	ssyncadd.s32 $0xFFFFEC00  }
0x3e: {  	_ =	swait.ge [sflag:s18], $0x1400  }
0x3f: {  	p0 =	seq.s32 s15, $0x0;
	[sflag:s18] =	ssyncset.done $0x0  }
0x40: {  	s6 =	simm.s32 @!p0 $0x9;
	[sflag:s18] =	ssyncadd.s32 $0xFFFFEC00  }
0x41: {  	_ =	swait.ge @!p0 [sflag:s6], $0x50  }
0x42: {  	[sflag:s6] =	ssyncset.done @!p0 $0x0  }
0x43: {  	s13 =	simm.s32 $0x0;
	[sflag:s6] =	ssyncadd.s32 @!p0 $0xFFFFFFB0  }
.LBB2_3:
0x44: {  	s25 =	sshll.u32 s13, $0x4  }
0x45: {  	s0 =	simm.s32 $0x1;
	v3 =	vmov s25  }
0x46: {  	v9 =	vadd.s32 s0, v0;
	v3 =	vshll.u32 v3, $0x6  }
0x47: {  	v9 =	vand.u32 $0x3F, v9;
	v3 =	vor.u32 v1, v3  }
0x48: {  	v9 =	vor.u32 v3, v9  }
0x49: {  	s9 =	simm.s32 $0x0;
	s1 =	simm.s32 $0x2;
	v5 =	vor.u32 v0, v3  }
0x4a: {  	s6 =	simm.s32 $0xF;
	v10 =	vadd.s32 s1, v0;
	v8 =	vor.u32 s9, v5  }
0x4b: {  	v6 =	vimm.f32 $0.0e+00;
	s10 =	simm.s32 $0xE;
	s11 =	simm.s32 $0x3;
	v7 =	vadd.s32 s6, v0;
	v10 =	vand.u32 $0x3F, v10  }
0x4c: {  	v11 =	vadd.s32 s10, v0;
	s1 =	simm.s32 $0xD;
	v12 =	vadd.s32 s11, v0;
	v10 =	vor.u32 v3, v10  }
0x4d: {  	s11 =	simm.s32 $0xC;
	v7 =	vand.u32 $0x3F, v7;
	v13 =	vadd.s32 s1, v0;
	v12 =	vand.u32 $0x3F, v12;
	s1 =	simm.s32 $0x4;
	v21 =	vld.idx.msk [tilespmem:v9+s20+$0x0], $0xffff  }
0x4e: {  	s10 =	simm.s32 $0xA;
	s6 =	simm.s32 $0x8;
	v15 =	vadd.s32 s11, v0;
	v17 =	vadd.s32 s1, v0;
	v12 =	vor.u32 v3, v12;
	v9 =	vld.idx.msk [tilespmem:v9+s21+$0x0], $0xffff  }
0x4f: {  	v18 =	vadd.s32 s10, v0;
	s11 =	simm.s32 $0x5;
	v19 =	vadd.s32 s6, v0;
	v17 =	vand.u32 $0x3F, v17;
	v16 =	vld.idx.msk [tilespmem:v8+s20+$0x0], $0xffff  }
0x50: {  	v11 =	vand.u32 $0x3F, v11;
	v22 =	vadd.s32 s11, v0;
	v17 =	vor.u32 v3, v17;
	v8 =	vld.idx.msk [tilespmem:v8+s21+$0x0], $0xffff  }
0x51: {  	s1 =	simm.s32 $0x7;
	v15 =	vand.u32 $0x3F, v15;
	v18 =	vand.u32 $0x3F, v18;
	v19 =	vand.u32 $0x38, v19;
	v25 =	vld.idx.msk [tilespmem:v10+s20+$0x0], $0xffff  }
0x52: {  	s11 =	simm.s32 $0x6;
	v4 =	vor.u32 v2, v3;
	v23 =	vadd.s32 s1, v0;
	v22 =	vand.u32 $0x3F, v22;
	v10 =	vld.idx.msk [tilespmem:v10+s21+$0x0], $0xffff  }
0x53: {  	v24 =	vadd.s32 s11, v0;
	v15 =	vor.u32 v3, v15;
	s9 =	simm.s32 $0xB;
	v22 =	vor.u32 v3, v22;
	v26 =	vld.idx.msk [tilespmem:v12+s20+$0x0], $0xffff  }
0x54: {  	v24 =	vand.u32 $0x3F, v24;
	v23 =	vand.u32 $0x3F, v23;
	v14 =	vadd.s32 s9, v0;
	s9 =	simm.s32 $0x9;
	v12 =	vld.idx.msk [tilespmem:v12+s21+$0x0], $0xffff  }
0x55: {  	v23 =	vor.u32 v3, v23;
	v20 =	vadd.s32 s9, v0;
	v49 =	vld.idx.msk [tilespmem:v17+s20+$0x0], $0xffff;
	v8 =	vmul.bf16 v8, v16  }
0x56: {  	v14 =	vand.u32 $0x3F, v14;
	v20 =	vand.u32 $0x3F, v20;
	v17 =	vld.idx.msk [tilespmem:v17+s21+$0x0], $0xffff;
	v16 =	vor.u32 v3, v24  }
0x57: {  	v9 =	vmul.bf16 v9, v21;
	v27 =	vand.u32 $0xFFFF0000, v8;
	v8 =	vshll.u32 v8, $0x10  }
0x58: {  	v61 =	vld.idx.msk [tilespmem:v15+s20+$0x0], $0xffff;
	v10 =	vmul.bf16 v10, v25;
	v50 =	vadd.f32 v27, v6;
	v6 =	vadd.f32 v8, v6  }
0x59: {  	v51 =	vld.idx.msk [tilespmem:v22+s20+$0x0], $0xffff;
	v12 =	vmul.bf16 v12, v26;
	v52 =	vand.u32 $0xFFFF0000, v9;
	v9 =	vshll.u32 v9, $0x10  }
0x5a: {  	v22 =	vld.idx.msk [tilespmem:v22+s21+$0x0], $0xffff;
	v8 =	vor.u32 v19, v4;
	v21 =	vadd.f32 v52, v50;
	v6 =	vadd.f32 v9, v6  }
0x5b: {  	v17 =	vmul.bf16 v17, v49;
	v25 =	vand.u32 $0xFFFF0000, v10;
	v10 =	vshll.u32 v10, $0x10;
	v53 =	vld.idx.msk [tilespmem:v16+s20+$0x0], $0xffff  }
0x5c: {  	v9 =	vor.u32 v3, v20;
	v16 =	vld.idx.msk [tilespmem:v16+s21+$0x0], $0xffff;
	v21 =	vadd.f32 v25, v21;
	v6 =	vadd.f32 v10, v6  }
0x5d: {  	v54 =	vld.idx.msk [tilespmem:v23+s20+$0x0], $0xffff;
	v55 =	vand.u32 $0xFFFF0000, v12;
	v12 =	vshll.u32 v12, $0x10;
	v24 =	vand.u32 $0xFFFF0000, v17  }
0x5e: {  	v23 =	vld.idx.msk [tilespmem:v23+s21+$0x0], $0xffff;
	v10 =	vor.u32 v3, v18;
	v21 =	vadd.f32 v55, v21;
	v6 =	vadd.f32 v12, v6  }
0x5f: {  	v17 =	vshll.u32 v17, $0x10;
	v19 =	vmul.bf16 v22, v51;
	v12 =	vor.u32 v3, v14;
	v14 =	vld.idx.msk [tilespmem:v8+s20+$0x0], $0xffff  }
0x60: {  	v13 =	vand.u32 $0x3F, v13;
	v8 =	vld.idx.msk [tilespmem:v8+s21+$0x0], $0xffff;
	v21 =	vadd.f32 v24, v21;
	v6 =	vadd.f32 v17, v6  }
0x61: {  	v22 =	vand.u32 $0xFFFF0000, v19;
	v19 =	vshll.u32 v19, $0x10;
	v16 =	vmul.bf16 v16, v53;
	v17 =	vld.idx.msk [tilespmem:v9+s20+$0x0], $0xffff  }
0x62: {  	v13 =	vor.u32 v3, v13;
	v9 =	vld.idx.msk [tilespmem:v9+s21+$0x0], $0xffff;
	v56 =	vadd.f32 v22, v21;
	v6 =	vadd.f32 v19, v6  }
0x63: {  	v18 =	vmul.bf16 v23, v54;
	v57 =	vld.idx.msk [tilespmem:v10+s20+$0x0], $0xffff;
	v58 =	vand.u32 $0xFFFF0000, v16;
	v16 =	vshll.u32 v16, $0x10  }
0x64: {  	v11 =	vor.u32 v3, v11;
	v10 =	vld.idx.msk [tilespmem:v10+s21+$0x0], $0xffff;
	v20 =	vadd.f32 v58, v56;
	v6 =	vadd.f32 v16, v6  }
0x65: {  	v59 =	vand.u32 $0xFFFF0000, v18;
	v18 =	vshll.u32 v18, $0x10;
	v8 =	vmul.bf16 v8, v14;
	v16 =	vld.idx.msk [tilespmem:v12+s20+$0x0], $0xffff  }
0x66: {  	v60 =	vor.u32 v3, v7;
	v12 =	vld.idx.msk [tilespmem:v12+s21+$0x0], $0xffff;
	v14 =	vadd.f32 v59, v20;
	v6 =	vadd.f32 v18, v6  }
0x67: {  	s6 =	simm.s32 $0x1F;
	v15 =	vld.idx.msk [tilespmem:v15+s21+$0x0], $0xffff;
	v7 =	vand.u32 $0xFFFF0000, v8;
	v8 =	vshll.u32 v8, $0x10;
	v9 =	vmul.bf16 v9, v17  }
0x68: {  	v17 =	vadd.s32 s6, v0;
	v7 =	vadd.f32 v7, v14;
	v8 =	vadd.f32 v8, v6  }
0x69: {  	v10 =	vmul.bf16 v10, v57;
	v62 =	vand.u32 $0xFFFF0000, v9;
	v9 =	vshll.u32 v9, $0x10;
	v14 =	vld.idx.msk [tilespmem:v13+s20+$0x0], $0xffff  }
0x6a: {  	v13 =	vld.idx.msk [tilespmem:v13+s21+$0x0], $0xffff;
	v6 =	vand.u32 $0x3F, v17;
	v17 =	vadd.f32 v62, v7;
	v8 =	vadd.f32 v9, v8  }
0x6b: {  	v63 =	vld.idx.msk [tilespmem:v11+s20+$0x0], $0xffff;
	v12 =	vmul.bf16 v12, v16;
	v9 =	vand.u32 $0xFFFF0000, v10;
	v10 =	vshll.u32 v10, $0x10  }
0x6c: {  	s1 =	simm.s32 $0x1E;
	v11 =	vld.idx.msk [tilespmem:v11+s21+$0x0], $0xffff;
	v15 =	vmul.bf16 v15, v61;
	v16 =	vadd.f32 v9, v17;
	v8 =	vadd.f32 v10, v8  }
0x6d: {  	s9 =	simm.s32 $0x12;
	v18 =	vld.idx.msk [tilespmem:v60+s21+$0x0], $0xffff;
	v7 =	vadd.s32 s1, v0;
	v10 =	vand.u32 $0xFFFF0000, v12;
	v12 =	vshll.u32 v12, $0x10  }
0x6e: {  	v17 =	vld.idx.msk [tilespmem:v60+s20+$0x0], $0xffff;
	v9 =	vadd.s32 s9, v0;
	v10 =	vadd.f32 v10, v16;
	v12 =	vadd.f32 v12, v8  }
0x6f: {  	s10 =	simm.s32 $0x10;
	v13 =	vmul.bf16 v13, v14;
	v16 =	vand.u32 $0xFFFF0000, v15;
	v15 =	vshll.u32 v15, $0x10  }
0x70: {  	v8 =	vor.u32 s10, v5;
	v14 =	vadd.f32 v16, v10;
	v12 =	vadd.f32 v15, v12  }
0x71: {  	s11 =	simm.s32 $0x11;
	v15 =	vand.u32 $0xFFFF0000, v13;
	v13 =	vshll.u32 v13, $0x10;
	v16 =	vmul.bf16 v11, v63  }
0x72: {  	v10 =	vadd.s32 s11, v0;
	v11 =	vadd.f32 v15, v14;
	v12 =	vadd.f32 v13, v12  }
0x73: {  	s9 =	simm.s32 $0x2F;
	v14 =	vand.u32 $0xFFFF0000, v16;
	v15 =	vshll.u32 v16, $0x10;
	v13 =	vmul.bf16 v18, v17  }
.LBB2_4:
0x74: {  	p1 =	sne.s32 s9, $0x3F;
	v10 =	vand.u32 $0x3F, v10;
	v11 =	vadd.f32 v14, v11;
	v12 =	vadd.f32 v15, v12  }
0x75: {  	v10 =	vor.u32 v3, v10;
	v14 =	vand.u32 $0xFFFF0000, v13;
	v13 =	vshll.u32 v13, $0x10  }
0x76: {  	v9 =	vand.u32 $0x3F, v9;
	s0 =	sadd.s32 $0xFFFFFFF4, s6;
	s10 =	sadd.s32 $0xFFFFFFFE, s6;
	v11 =	vadd.f32 v14, v11;
	v12 =	vadd.f32 v13, v12  }
0x77: {  	s11 =	sadd.s32 $0xFFFFFFFD, s6;
	v9 =	vor.u32 v3, v9;
	v13 =	vadd.s32 s0, v0;
	s0 =	sadd.s32 $0xFFFFFFFC, s6;
	v14 =	vadd.s32 s10, v0  }
0x78: {  	s1 =	sadd.s32 $0xFFFFFFFB, s6;
	v17 =	vadd.s32 s11, v0;
	s10 =	sadd.s32 $0xFFFFFFF5, s6;
	v13 =	vand.u32 $0x3F, v13;
	v16 =	vadd.s32 s0, v0;
	v15 =	vld.idx.msk [tilespmem:v8+s20+$0x0], $0xffff  }
0x79: {  	v19 =	vadd.s32 s1, v0;
	v18 =	vadd.s32 s10, v0;
	s0 =	sadd.s32 $0xFFFFFFF9, s6;
	s10 =	sadd.s32 $0xFFFFFFFA, s6;
	v13 =	vor.u32 v3, v13;
	v8 =	vld.idx.msk [tilespmem:v8+s21+$0x0], $0xffff  }
0x7a: {  	s1 =	sadd.s32 $0xFFFFFFF6, s6;
	s11 =	sadd.s32 $0xFFFFFFF8, s6;
	v18 =	vand.u32 $0x3F, v18;
	v21 =	vadd.s32 s0, v0;
	v22 =	vadd.s32 s10, v0;
	v20 =	vld.idx.msk [tilespmem:v10+s20+$0x0], $0xffff  }
0x7b: {  	v23 =	vadd.s32 s1, v0;
	v24 =	vadd.s32 s11, v0;
	s0 =	sadd.s32 $0xFFFFFFF7, s6;
	s6 =	smov.u32 s9;
	v18 =	vor.u32 v3, v18;
	v10 =	vld.idx.msk [tilespmem:v10+s21+$0x0], $0xffff  }
0x7c: {  	v7 =	vand.u32 $0x3F, v7;
	v23 =	vand.u32 $0x3F, v23;
	v26 =	vadd.s32 s0, v0;
	v25 =	vld.idx.msk [tilespmem:v9+s20+$0x0], $0xffff  }
0x7d: {  	v17 =	vand.u32 $0x3F, v17;
	v14 =	vand.u32 $0x3F, v14;
	v23 =	vor.u32 v3, v23;
	v9 =	vld.idx.msk [tilespmem:v9+s21+$0x0], $0xffff  }
0x7e: {  	v19 =	vand.u32 $0x3F, v19;
	v16 =	vand.u32 $0x3F, v16;
	v26 =	vand.u32 $0x3F, v26;
	v27 =	vld.idx.msk [tilespmem:v13+s20+$0x0], $0xffff  }
0x7f: {  	v24 =	vand.u32 $0x3F, v24;
	v8 =	vmul.bf16 v8, v15;
	v15 =	vor.u32 v3, v26;
	v13 =	vld.idx.msk [tilespmem:v13+s21+$0x0], $0xffff  }
0x80: {  	v24 =	vor.u32 v3, v24;
	v21 =	vand.u32 $0x38, v21;
	v22 =	vand.u32 $0x3F, v22;
	v26 =	vld.idx.msk [tilespmem:v18+s20+$0x0], $0xffff  }
0x81: {  	v28 =	vand.u32 $0xFFFF0000, v8;
	v8 =	vshll.u32 v8, $0x10;
	v10 =	vmul.bf16 v10, v20;
	v18 =	vld.idx.msk [tilespmem:v18+s21+$0x0], $0xffff  }
0x82: {  	v20 =	vor.u32 v21, v4;
	v11 =	vadd.f32 v28, v11;
	v8 =	vadd.f32 v8, v12;
	v12 =	vld.idx.msk [tilespmem:v23+s20+$0x0], $0xffff  }
0x83: {  	v21 =	vand.u32 $0xFFFF0000, v10;
	v10 =	vshll.u32 v10, $0x10;
	v9 =	vmul.bf16 v9, v25;
	v23 =	vld.idx.msk [tilespmem:v23+s21+$0x0], $0xffff  }
0x84: {  	v11 =	vadd.f32 v21, v11;
	v8 =	vadd.f32 v10, v8;
	v21 =	vor.u32 v3, v22;
	v10 =	vld.idx.msk [tilespmem:v15+s20+$0x0], $0xffff  }
0x85: {  	v22 =	vand.u32 $0xFFFF0000, v9;
	v9 =	vshll.u32 v9, $0x10;
	v13 =	vmul.bf16 v13, v27;
	v15 =	vld.idx.msk [tilespmem:v15+s21+$0x0], $0xffff  }
0x86: {  	v19 =	vor.u32 v3, v19;
	v11 =	vadd.f32 v22, v11;
	v8 =	vadd.f32 v9, v8;
	v9 =	vld.idx.msk [tilespmem:v24+s20+$0x0], $0xffff  }
0x87: {  	v22 =	vand.u32 $0xFFFF0000, v13;
	v13 =	vshll.u32 v13, $0x10;
	v18 =	vmul.bf16 v18, v26;
	v24 =	vld.idx.msk [tilespmem:v24+s21+$0x0], $0xffff  }
0x88: {  	v16 =	vor.u32 v3, v16;
	v11 =	vadd.f32 v22, v11;
	v8 =	vadd.f32 v13, v8;
	v13 =	vld.idx.msk [tilespmem:v20+s20+$0x0], $0xffff  }
0x89: {  	v22 =	vand.u32 $0xFFFF0000, v18;
	v18 =	vshll.u32 v18, $0x10;
	v12 =	vmul.bf16 v23, v12;
	v20 =	vld.idx.msk [tilespmem:v20+s21+$0x0], $0xffff  }
0x8a: {  	v17 =	vor.u32 v3, v17;
	v11 =	vadd.f32 v22, v11;
	v8 =	vadd.f32 v18, v8;
	v18 =	vld.idx.msk [tilespmem:v21+s20+$0x0], $0xffff  }
0x8b: {  	v22 =	vand.u32 $0xFFFF0000, v12;
	v12 =	vshll.u32 v12, $0x10;
	v10 =	vmul.bf16 v15, v10;
	v15 =	vld.idx.msk [tilespmem:v21+s21+$0x0], $0xffff  }
0x8c: {  	v14 =	vor.u32 v3, v14;
	v11 =	vadd.f32 v22, v11;
	v8 =	vadd.f32 v12, v8;
	v12 =	vld.idx.msk [tilespmem:v19+s20+$0x0], $0xffff  }
0x8d: {  	v21 =	vand.u32 $0xFFFF0000, v10;
	v10 =	vshll.u32 v10, $0x10;
	v9 =	vmul.bf16 v24, v9;
	v19 =	vld.idx.msk [tilespmem:v19+s21+$0x0], $0xffff  }
0x8e: {  	v7 =	vor.u32 v3, v7;
	v11 =	vadd.f32 v21, v11;
	v8 =	vadd.f32 v10, v8;
	v10 =	vld.idx.msk [tilespmem:v16+s20+$0x0], $0xffff  }
0x8f: {  	v21 =	vand.u32 $0xFFFF0000, v9;
	v9 =	vshll.u32 v9, $0x10;
	v13 =	vmul.bf16 v20, v13;
	v16 =	vld.idx.msk [tilespmem:v16+s21+$0x0], $0xffff  }
0x90: {  	v20 =	vor.u32 v3, v6;
	v11 =	vadd.f32 v21, v11;
	v8 =	vadd.f32 v9, v8;
	v9 =	vld.idx.msk [tilespmem:v17+s20+$0x0], $0xffff  }
0x91: {  	v6 =	vand.u32 $0xFFFF0000, v13;
	v13 =	vshll.u32 v13, $0x10;
	v15 =	vmul.bf16 v15, v18;
	v17 =	vld.idx.msk [tilespmem:v17+s21+$0x0], $0xffff  }
0x92: {  	v18 =	vadd.s32 s9, v0;
	v11 =	vadd.f32 v6, v11;
	v8 =	vadd.f32 v13, v8;
	v13 =	vld.idx.msk [tilespmem:v14+s20+$0x0], $0xffff  }
0x93: {  	v21 =	vand.u32 $0xFFFF0000, v15;
	v15 =	vshll.u32 v15, $0x10;
	v12 =	vmul.bf16 v19, v12;
	v14 =	vld.idx.msk [tilespmem:v14+s21+$0x0], $0xffff  }
0x94: {  	v6 =	vand.u32 $0x3F, v18;
	v11 =	vadd.f32 v21, v11;
	v8 =	vadd.f32 v15, v8;
	v15 =	vld.idx.msk [tilespmem:v7+s20+$0x0], $0xffff  }
0x95: {  	s0 =	sadd.s32 $0xFFFFFFFF, s9;
	v18 =	vand.u32 $0xFFFF0000, v12;
	v12 =	vshll.u32 v12, $0x10;
	v10 =	vmul.bf16 v16, v10;
	v16 =	vld.idx.msk [tilespmem:v7+s21+$0x0], $0xffff  }
0x96: {  	v7 =	vadd.s32 s0, v0;
	v11 =	vadd.f32 v18, v11;
	v8 =	vadd.f32 v12, v8;
	v18 =	vld.idx.msk [tilespmem:v20+s20+$0x0], $0xffff  }
0x97: {  	s0 =	sadd.s32 $0xFFFFFFF3, s9;
	v12 =	vand.u32 $0xFFFF0000, v10;
	v10 =	vshll.u32 v10, $0x10;
	v17 =	vmul.bf16 v17, v9;
	v19 =	vld.idx.msk [tilespmem:v20+s21+$0x0], $0xffff  }
0x98: {  	v9 =	vadd.s32 s0, v0;
	v11 =	vadd.f32 v12, v11;
	v10 =	vadd.f32 v10, v8  }
.Ltmp0:
0x99: {  	s0 =	sadd.s32 $0xFFFFFFF1, s9;
	v12 =	vand.u32 $0xFFFF0000, v17;
	v17 =	vshll.u32 v17, $0x10;
	v13 =	vmul.bf16 v14, v13;
	(pc) =	sbr.rel @p1 .LBB2_4-.Ltmp0, $4  }
0x9a: {  	v8 =	vor.u32 s0, v5;
	v11 =	vadd.f32 v12, v11;
	v12 =	vadd.f32 v17, v10  }
0x9b: {  	s0 =	sadd.s32 $0xFFFFFFF2, s9;
	v14 =	vand.u32 $0xFFFF0000, v13;
	v13 =	vshll.u32 v13, $0x10;
	v15 =	vmul.bf16 v16, v15  }
0x9c: {  	v10 =	vadd.s32 s0, v0;
	v11 =	vadd.f32 v14, v11;
	v12 =	vadd.f32 v13, v12  }
0x9d: {  	s9 =	sadd.s32 $0x10, s9;
	v14 =	vand.u32 $0xFFFF0000, v15;
	v15 =	vshll.u32 v15, $0x10;
	v13 =	vmul.bf16 v19, v18  }
0x9e: {  	v5 =	vand.u32 $0x3F, v10;
	v57 =	vadd.f32 v14, v11  }
0x9f: {  	v58 =	vadd.f32 v15, v12;
	v9 =	vand.u32 $0x3F, v9;
	v7 =	vand.u32 $0x3F, v7  }
0xa0: {  	s0 =	sadd.s32 $0xFFFFFFF4, s6;
	s1 =	sadd.s32 $0xFFFFFFFE, s6;
	v5 =	vor.u32 v3, v5;
	v59 =	vand.u32 $0xFFFF0000, v13;
	v60 =	vshll.u32 v13, $0x10  }
0xa1: {  	s11 =	sadd.s32 $0xFFFFFFFC, s6;
	s9 =	sadd.s32 $0xFFFFFFFD, s6;
	s10 =	sadd.s32 $0xFFFFFFF5, s6;
	v9 =	vor.u32 v3, v9;
	v61 =	vadd.s32 s0, v0;
	v62 =	vadd.s32 s1, v0  }
0xa2: {  	v63 =	vadd.s32 s11, v0;
	v16 =	vadd.s32 s9, v0;
	v17 =	vadd.s32 s10, v0  }
0xa3: {  	v28 =	vld.idx.msk [tilespmem:v8+s20+$0x0], $0xffff;
	s11 =	sadd.s32 $0xFFFFFFFB, s6;
	v10 =	vadd.f32 v59, v57;
	v11 =	vadd.f32 v60, v58;
	v12 =	vand.u32 $0x3F, v61  }
0xa4: {  	v29 =	vld.idx.msk [tilespmem:v8+s21+$0x0], $0xffff;
	s10 =	sadd.s32 $0xFFFFFFF9, s6;
	s9 =	sadd.s32 $0xFFFFFFFA, s6;
	v18 =	vadd.s32 s11, v0;
	v17 =	vand.u32 $0x3F, v17;
	v12 =	vor.u32 v3, v12  }
0xa5: {  	s11 =	sadd.s32 $0xFFFFFFF6, s6;
	v19 =	vadd.s32 s10, v0;
	v21 =	vadd.s32 s9, v0;
	v16 =	vand.u32 $0x3F, v16;
	v20 =	vld.idx.msk [tilespmem:v5+s20+$0x0], $0xffff  }
0xa6: {  	s10 =	sadd.s32 $0xFFFFFFF8, s6;
	v13 =	vand.u32 $0x3F, v62;
	v17 =	vor.u32 v3, v17;
	v22 =	vadd.s32 s11, v0;
	v5 =	vld.idx.msk [tilespmem:v5+s21+$0x0], $0xffff  }
0xa7: {  	v14 =	vand.u32 $0x3F, v63;
	s11 =	sadd.s32 $0xFFFFFFF7, s6;
	v23 =	vadd.s32 s10, v0;
	v22 =	vand.u32 $0x3F, v22;
	v25 =	vld.idx.msk [tilespmem:v9+s20+$0x0], $0xffff  }
0xa8: {  	v18 =	vand.u32 $0x3F, v18;
	v24 =	vadd.s32 s11, v0;
	v22 =	vor.u32 v3, v22;
	v9 =	vld.idx.msk [tilespmem:v9+s21+$0x0], $0xffff  }
0xa9: {  	v19 =	vand.u32 $0x38, v19;
	v24 =	vand.u32 $0x3F, v24;
	v8 =	vmul.bf16 v29, v28;
	v26 =	vld.idx.msk [tilespmem:v12+s20+$0x0], $0xffff  }
0xaa: {  	v33 =	vand.u32 $0x3F, v21;
	v30 =	vand.u32 $0x3F, v23;
	v31 =	vor.u32 v3, v24;
	v12 =	vld.idx.msk [tilespmem:v12+s21+$0x0], $0xffff  }
0xab: {  	v27 =	vand.u32 $0xFFFF0000, v8;
	v8 =	vshll.u32 v8, $0x10;
	v32 =	vld.idx.msk [tilespmem:v17+s20+$0x0], $0xffff;
	v5 =	vmul.bf16 v5, v20  }
0xac: {  	v15 =	vor.u32 v3, v30;
	v17 =	vld.idx.msk [tilespmem:v17+s21+$0x0], $0xffff;
	v10 =	vadd.f32 v27, v10;
	v8 =	vadd.f32 v8, v11  }
0xad: {  	v34 =	vld.idx.msk [tilespmem:v22+s20+$0x0], $0xffff;
	v9 =	vmul.bf16 v9, v25;
	v35 =	vand.u32 $0xFFFF0000, v5;
	v5 =	vshll.u32 v5, $0x10  }
0xae: {  	v4 =	vor.u32 v19, v4;
	v36 =	vld.idx.msk [tilespmem:v22+s21+$0x0], $0xffff;
	v10 =	vadd.f32 v35, v10;
	v5 =	vadd.f32 v5, v8  }
0xaf: {  	v37 =	vld.idx.msk [tilespmem:v31+s20+$0x0], $0xffff;
	v38 =	vand.u32 $0xFFFF0000, v9;
	v9 =	vshll.u32 v9, $0x10;
	v12 =	vmul.bf16 v12, v26  }
0xb0: {  	v20 =	vor.u32 v3, v33;
	v39 =	vld.idx.msk [tilespmem:v31+s21+$0x0], $0xffff;
	v10 =	vadd.f32 v38, v10;
	v5 =	vadd.f32 v9, v5  }
0xb1: {  	v40 =	vld.idx.msk [tilespmem:v15+s20+$0x0], $0xffff;
	v17 =	vmul.bf16 v17, v32;
	v41 =	vand.u32 $0xFFFF0000, v12;
	v12 =	vshll.u32 v12, $0x10  }
0xb2: {  	v18 =	vor.u32 v3, v18;
	v15 =	vld.idx.msk [tilespmem:v15+s21+$0x0], $0xffff;
	v10 =	vadd.f32 v41, v10;
	v5 =	vadd.f32 v12, v5  }
0xb3: {  	v42 =	vld.idx.msk [tilespmem:v4+s20+$0x0], $0xffff;
	v43 =	vand.u32 $0xFFFF0000, v17;
	v17 =	vshll.u32 v17, $0x10;
	v11 =	vmul.bf16 v36, v34  }
0xb4: {  	v14 =	vor.u32 v3, v14;
	v4 =	vld.idx.msk [tilespmem:v4+s21+$0x0], $0xffff;
	v10 =	vadd.f32 v43, v10;
	v5 =	vadd.f32 v17, v5  }
0xb5: {  	v44 =	vld.idx.msk [tilespmem:v20+s20+$0x0], $0xffff;
	v8 =	vmul.bf16 v39, v37;
	v19 =	vand.u32 $0xFFFF0000, v11;
	v11 =	vshll.u32 v11, $0x10  }
0xb6: {  	v16 =	vor.u32 v3, v16;
	v20 =	vld.idx.msk [tilespmem:v20+s21+$0x0], $0xffff;
	v10 =	vadd.f32 v19, v10;
	v5 =	vadd.f32 v11, v5  }
0xb7: {  	v45 =	vld.idx.msk [tilespmem:v18+s20+$0x0], $0xffff;
	v9 =	vmul.bf16 v15, v40;
	v46 =	vand.u32 $0xFFFF0000, v8;
	v8 =	vshll.u32 v8, $0x10  }
0xb8: {  	v13 =	vor.u32 v3, v13;
	v47 =	vld.idx.msk [tilespmem:v18+s21+$0x0], $0xffff;
	v10 =	vadd.f32 v46, v10;
	v5 =	vadd.f32 v8, v5  }
0xb9: {  	v48 =	vld.idx.msk [tilespmem:v14+s20+$0x0], $0xffff;
	v4 =	vmul.bf16 v4, v42;
	v49 =	vand.u32 $0xFFFF0000, v9;
	v9 =	vshll.u32 v9, $0x10  }
0xba: {  	v7 =	vor.u32 v3, v7;
	v50 =	vld.idx.msk [tilespmem:v14+s21+$0x0], $0xffff;
	v10 =	vadd.f32 v49, v10;
	v5 =	vadd.f32 v9, v5  }
0xbb: {  	v51 =	vld.idx.msk [tilespmem:v16+s20+$0x0], $0xffff;
	v52 =	vand.u32 $0xFFFF0000, v4;
	v4 =	vshll.u32 v4, $0x10;
	v17 =	vmul.bf16 v20, v44  }
0xbc: {  	v53 =	vld.idx.msk [tilespmem:v16+s21+$0x0], $0xffff;
	v3 =	vor.u32 v3, v6;
	v10 =	vadd.f32 v52, v10;
	v4 =	vadd.f32 v4, v5  }
0xbd: {  	v54 =	vld.idx.msk [tilespmem:v13+s20+$0x0], $0xffff;
	v11 =	vmul.bf16 v47, v45;
	v55 =	vand.u32 $0xFFFF0000, v17;
	v56 =	vshll.u32 v17, $0x10  }
0xbe: {  	v13 =	vld.idx.msk [tilespmem:v13+s21+$0x0], $0xffff;
	v10 =	vadd.f32 v55, v10;
	v4 =	vadd.f32 v56, v4  }
0xbf: {  	v57 =	vld.idx.msk [tilespmem:v7+s20+$0x0], $0xffff;
	v15 =	vand.u32 $0xFFFF0000, v11;
	v11 =	vshll.u32 v11, $0x10;
	v8 =	vmul.bf16 v50, v48  }
0xc0: {  	v7 =	vld.idx.msk [tilespmem:v7+s21+$0x0], $0xffff;
	v10 =	vadd.f32 v15, v10;
	v4 =	vadd.f32 v11, v4  }
0xc1: {  	v6 =	vmul.bf16 v53, v51;
	v58 =	vld.idx.msk [tilespmem:v3+s20+$0x0], $0xffff;
	v12 =	vand.u32 $0xFFFF0000, v8;
	v8 =	vshll.u32 v8, $0x10  }
0xc2: {  	v3 =	vld.idx.msk [tilespmem:v3+s21+$0x0], $0xffff;
	v59 =	vadd.f32 v12, v10;
	v4 =	vadd.f32 v8, v4  }
0xc3: {  	v60 =	vand.u32 $0xFFFF0000, v6;
	v6 =	vshll.u32 v6, $0x10;
	v5 =	vmul.bf16 v13, v54  }
0xc4: {  	v8 =	vadd.f32 v60, v59;
	v4 =	vadd.f32 v6, v4  }
0xc5: {  	v7 =	vmul.bf16 v7, v57;
	v61 =	vand.u32 $0xFFFF0000, v5;
	v5 =	vshll.u32 v5, $0x10  }
0xc6: {  	v6 =	vadd.f32 v61, v8;
	v4 =	vadd.f32 v5, v4  }
0xc7: {  	v62 =	vand.u32 $0xFFFF0000, v7;
	v7 =	vshll.u32 v7, $0x10;
	v3 =	vmul.bf16 v3, v58  }
0xc8: {  	v5 =	vadd.f32 v62, v6;
	v4 =	vadd.f32 v7, v4  }
0xc9: {  	v63 =	vand.u32 $0xFFFF0000, v3;
	v3 =	vshll.u32 v3, $0x10  }
0xca: {  	v5 =	vadd.f32 v63, v5;
	v3 =	vadd.f32 v3, v4;
	_ =	sdelay $0x1  }
0xcb: {  	v3 =	vadd.f32 v3, v5;
	_ =	sdelay $0x1  }
0xcc: {  	v3 =	vsub.f32 $0.0e+00, v3;
	_ =	sdelay $0x1  }
0xcd: {  	v3 =	vmul.f32 $1.442695020e+00, v3;
	_ =	sdelay $0x1  }
0xce: {  	(erf) = vpow2.f32 v3;
	_ =	sdelay $0x8  }
0xcf: {  	v3 =	vpop (erf)  }
0xd0: {  	v3 =	vadd.f32 $1.000000000e+00, v3;
	_ =	sdelay $0x1  }
0xd1: {  	(erf) = vrcp.f32 v3;
	_ =	sdelay $0x3  }
0xd2: {  	s13 =	sadd.s32 $0x1, s13  }
0xd3: {  	p1 =	sne.s32 s13, $0x5  }
.Ltmp1:
0xd4: {  	_ = 	snop;
	(pc) =	sbr.rel @p1 .LBB2_3-.Ltmp1, $3  }
0xd5: {  	_ =	sdelay $0x1  }
0xd6: {  	v3 =	vpop (erf)  }
0xd7: {  	[tilespmem:s25+$0x18A60] =	vst v3  }
0xd8: {  	s0 =	sadd.s32 s5, s12  }
0xd9: {  	s0 =	sshrl.u32 s0, $0x3  }
0xda: {  	s1 =	simm.s32 $0x18A60;
	s0 =	sadd.s32 s2, s0  }
0xdb: {  	[hbm4b:s0+s4] =	stream.linear.scatter [tilespmem:s1], [sflag:$0x9], $0x50, $0x38;
	[tilespmem:$0x18BA0] =	vst v63  }
0xdc: {  	s11 =	sadd.s32 $0x140, s12  }
0xdd: {  	[tilespmem:s20], [sflag:$0x1] =	stream.indirect.gather [spmem:s3], $0x40, s11, s19, $0xb8;
	[tilespmem:$0x18BA0] =	vst v63  }
0xde: {  	s13 =	sadd.s32 $0x2850, s12;
	s25 =	simm.s32 $0x2  }
0xdf: {  	[tilespmem:s21], [sflag:$0x5] =	stream.indirect.gather [spmem:s3], $0x40, s13, s19, $0xb8;
	[tilespmem:$0x18BA0] =	vst v63  }
0xe0: {  	_ =	swait.ge [sflag:s25], $0x1400  }
0xe1: {  	[sflag:s25] =	ssyncset.done $0x0  }
0xe2: {  	[sflag:s25] =	ssyncadd.s32 $0xFFFFEC00  }
0xe3: {  	_ =	swait.ge [sflag:s23], $0x1400  }
0xe4: {  	[sflag:s23] =	ssyncset.done $0x0  }
0xe5: {  	s0 =	simm.s32 @!p0 $0xA;
	[sflag:s23] =	ssyncadd.s32 $0xFFFFEC00  }
0xe6: {  	_ =	swait.ge @!p0 [sflag:s0], $0x50  }
0xe7: {  	[sflag:s0] =	ssyncset.done @!p0 $0x0  }
0xe8: {  	s13 =	simm.s32 $0x0;
	[sflag:s0] =	ssyncadd.s32 @!p0 $0xFFFFFFB0  }
.LBB2_7:
0xe9: {  	s25 =	sshll.u32 s13, $0x4  }
0xea: {  	s6 =	simm.s32 $0x1;
	v3 =	vmov s25  }
0xeb: {  	v9 =	vadd.s32 s6, v0;
	v3 =	vshll.u32 v3, $0x6  }
0xec: {  	v9 =	vand.u32 $0x3F, v9;
	v3 =	vor.u32 v1, v3  }
0xed: {  	v9 =	vor.u32 v3, v9  }
0xee: {  	s1 =	simm.s32 $0x0;
	s11 =	simm.s32 $0x2;
	v5 =	vor.u32 v0, v3  }
0xef: {  	s0 =	simm.s32 $0xF;
	v10 =	vadd.s32 s11, v0;
	v8 =	vor.u32 s1, v5  }
0xf0: {  	v6 =	vimm.f32 $0.0e+00;
	s9 =	simm.s32 $0xE;
	s10 =	simm.s32 $0x3;
	v7 =	vadd.s32 s0, v0;
	v10 =	vand.u32 $0x3F, v10  }
0xf1: {  	v11 =	vadd.s32 s9, v0;
	s11 =	simm.s32 $0xD;
	v12 =	vadd.s32 s10, v0;
	v10 =	vor.u32 v3, v10  }
0xf2: {  	s6 =	simm.s32 $0xB;
	v7 =	vand.u32 $0x3F, v7;
	v13 =	vadd.s32 s11, v0;
	v12 =	vand.u32 $0x3F, v12;
	s11 =	simm.s32 $0x4;
	v21 =	vld.idx.msk [tilespmem:v9+s22+$0x0], $0xffff  }
0xf3: {  	s10 =	simm.s32 $0xC;
	s9 =	simm.s32 $0xA;
	v14 =	vadd.s32 s6, v0;
	v17 =	vadd.s32 s11, v0;
	v12 =	vor.u32 v3, v12;
	v9 =	vld.idx.msk [tilespmem:v9+s24+$0x0], $0xffff  }
0xf4: {  	v15 =	vadd.s32 s10, v0;
	s6 =	simm.s32 $0x9;
	v18 =	vadd.s32 s9, v0;
	v17 =	vand.u32 $0x3F, v17;
	v16 =	vld.idx.msk [tilespmem:v8+s22+$0x0], $0xffff  }
0xf5: {  	s9 =	simm.s32 $0x5;
	s10 =	simm.s32 $0x7;
	v11 =	vand.u32 $0x3F, v11;
	v20 =	vadd.s32 s6, v0;
	v17 =	vor.u32 v3, v17;
	v8 =	vld.idx.msk [tilespmem:v8+s24+$0x0], $0xffff  }
0xf6: {  	v22 =	vadd.s32 s9, v0;
	v23 =	vadd.s32 s10, v0;
	v15 =	vand.u32 $0x3F, v15;
	v25 =	vld.idx.msk [tilespmem:v10+s22+$0x0], $0xffff  }
0xf7: {  	s11 =	simm.s32 $0x6;
	v18 =	vand.u32 $0x3F, v18;
	v14 =	vand.u32 $0x3F, v14;
	v4 =	vor.u32 v2, v3;
	v10 =	vld.idx.msk [tilespmem:v10+s24+$0x0], $0xffff  }
0xf8: {  	v22 =	vand.u32 $0x3F, v22;
	v24 =	vadd.s32 s11, v0;
	v15 =	vor.u32 v3, v15;
	v26 =	vld.idx.msk [tilespmem:v12+s22+$0x0], $0xffff  }
0xf9: {  	v23 =	vand.u32 $0x3F, v23;
	v20 =	vand.u32 $0x3F, v20;
	s1 =	simm.s32 $0x8;
	v22 =	vor.u32 v3, v22;
	v12 =	vld.idx.msk [tilespmem:v12+s24+$0x0], $0xffff  }
0xfa: {  	v24 =	vand.u32 $0x3F, v24;
	v19 =	vadd.s32 s1, v0;
	v49 =	vld.idx.msk [tilespmem:v17+s22+$0x0], $0xffff;
	v8 =	vmul.bf16 v8, v16  }
0xfb: {  	v23 =	vor.u32 v3, v23;
	v19 =	vand.u32 $0x38, v19;
	v17 =	vld.idx.msk [tilespmem:v17+s24+$0x0], $0xffff;
	v16 =	vor.u32 v3, v24  }
0xfc: {  	v9 =	vmul.bf16 v9, v21;
	v27 =	vand.u32 $0xFFFF0000, v8;
	v8 =	vshll.u32 v8, $0x10  }
0xfd: {  	v61 =	vld.idx.msk [tilespmem:v15+s22+$0x0], $0xffff;
	v10 =	vmul.bf16 v10, v25;
	v50 =	vadd.f32 v27, v6;
	v6 =	vadd.f32 v8, v6  }
0xfe: {  	v51 =	vld.idx.msk [tilespmem:v22+s22+$0x0], $0xffff;
	v12 =	vmul.bf16 v12, v26;
	v52 =	vand.u32 $0xFFFF0000, v9;
	v9 =	vshll.u32 v9, $0x10  }
0xff: {  	v22 =	vld.idx.msk [tilespmem:v22+s24+$0x0], $0xffff;
	v8 =	vor.u32 v19, v4;
	v21 =	vadd.f32 v52, v50;
	v6 =	vadd.f32 v9, v6  }
0x100: {  	v17 =	vmul.bf16 v17, v49;
	v25 =	vand.u32 $0xFFFF0000, v10;
	v10 =	vshll.u32 v10, $0x10;
	v53 =	vld.idx.msk [tilespmem:v16+s22+$0x0], $0xffff  }
0x101: {  	v9 =	vor.u32 v3, v20;
	v16 =	vld.idx.msk [tilespmem:v16+s24+$0x0], $0xffff;
	v21 =	vadd.f32 v25, v21;
	v6 =	vadd.f32 v10, v6  }
0x102: {  	v54 =	vld.idx.msk [tilespmem:v23+s22+$0x0], $0xffff;
	v55 =	vand.u32 $0xFFFF0000, v12;
	v12 =	vshll.u32 v12, $0x10;
	v24 =	vand.u32 $0xFFFF0000, v17  }
0x103: {  	v23 =	vld.idx.msk [tilespmem:v23+s24+$0x0], $0xffff;
	v10 =	vor.u32 v3, v18;
	v21 =	vadd.f32 v55, v21;
	v6 =	vadd.f32 v12, v6  }
0x104: {  	v17 =	vshll.u32 v17, $0x10;
	v19 =	vmul.bf16 v22, v51;
	v12 =	vor.u32 v3, v14;
	v14 =	vld.idx.msk [tilespmem:v8+s22+$0x0], $0xffff  }
0x105: {  	v13 =	vand.u32 $0x3F, v13;
	v8 =	vld.idx.msk [tilespmem:v8+s24+$0x0], $0xffff;
	v21 =	vadd.f32 v24, v21;
	v6 =	vadd.f32 v17, v6  }
0x106: {  	v22 =	vand.u32 $0xFFFF0000, v19;
	v19 =	vshll.u32 v19, $0x10;
	v16 =	vmul.bf16 v16, v53;
	v17 =	vld.idx.msk [tilespmem:v9+s22+$0x0], $0xffff  }
0x107: {  	v13 =	vor.u32 v3, v13;
	v9 =	vld.idx.msk [tilespmem:v9+s24+$0x0], $0xffff;
	v56 =	vadd.f32 v22, v21;
	v6 =	vadd.f32 v19, v6  }
0x108: {  	v18 =	vmul.bf16 v23, v54;
	v57 =	vld.idx.msk [tilespmem:v10+s22+$0x0], $0xffff;
	v58 =	vand.u32 $0xFFFF0000, v16;
	v16 =	vshll.u32 v16, $0x10  }
0x109: {  	v11 =	vor.u32 v3, v11;
	v10 =	vld.idx.msk [tilespmem:v10+s24+$0x0], $0xffff;
	v20 =	vadd.f32 v58, v56;
	v6 =	vadd.f32 v16, v6  }
0x10a: {  	v59 =	vand.u32 $0xFFFF0000, v18;
	v18 =	vshll.u32 v18, $0x10;
	v8 =	vmul.bf16 v8, v14;
	v16 =	vld.idx.msk [tilespmem:v12+s22+$0x0], $0xffff  }
0x10b: {  	v60 =	vor.u32 v3, v7;
	v12 =	vld.idx.msk [tilespmem:v12+s24+$0x0], $0xffff;
	v14 =	vadd.f32 v59, v20;
	v6 =	vadd.f32 v18, v6  }
0x10c: {  	s6 =	simm.s32 $0x1F;
	v15 =	vld.idx.msk [tilespmem:v15+s24+$0x0], $0xffff;
	v7 =	vand.u32 $0xFFFF0000, v8;
	v8 =	vshll.u32 v8, $0x10;
	v9 =	vmul.bf16 v9, v17  }
0x10d: {  	v17 =	vadd.s32 s6, v0;
	v7 =	vadd.f32 v7, v14;
	v8 =	vadd.f32 v8, v6  }
0x10e: {  	v10 =	vmul.bf16 v10, v57;
	v62 =	vand.u32 $0xFFFF0000, v9;
	v9 =	vshll.u32 v9, $0x10;
	v14 =	vld.idx.msk [tilespmem:v13+s22+$0x0], $0xffff  }
0x10f: {  	v13 =	vld.idx.msk [tilespmem:v13+s24+$0x0], $0xffff;
	v6 =	vand.u32 $0x3F, v17;
	v17 =	vadd.f32 v62, v7;
	v8 =	vadd.f32 v9, v8  }
0x110: {  	v63 =	vld.idx.msk [tilespmem:v11+s22+$0x0], $0xffff;
	v12 =	vmul.bf16 v12, v16;
	v9 =	vand.u32 $0xFFFF0000, v10;
	v10 =	vshll.u32 v10, $0x10  }
0x111: {  	s1 =	simm.s32 $0x1E;
	v11 =	vld.idx.msk [tilespmem:v11+s24+$0x0], $0xffff;
	v15 =	vmul.bf16 v15, v61;
	v16 =	vadd.f32 v9, v17;
	v8 =	vadd.f32 v10, v8  }
0x112: {  	s9 =	simm.s32 $0x12;
	v18 =	vld.idx.msk [tilespmem:v60+s24+$0x0], $0xffff;
	v7 =	vadd.s32 s1, v0;
	v10 =	vand.u32 $0xFFFF0000, v12;
	v12 =	vshll.u32 v12, $0x10  }
0x113: {  	v17 =	vld.idx.msk [tilespmem:v60+s22+$0x0], $0xffff;
	v9 =	vadd.s32 s9, v0;
	v10 =	vadd.f32 v10, v16;
	v12 =	vadd.f32 v12, v8  }
0x114: {  	s10 =	simm.s32 $0x10;
	v13 =	vmul.bf16 v13, v14;
	v16 =	vand.u32 $0xFFFF0000, v15;
	v15 =	vshll.u32 v15, $0x10  }
0x115: {  	v8 =	vor.u32 s10, v5;
	v14 =	vadd.f32 v16, v10;
	v12 =	vadd.f32 v15, v12  }
0x116: {  	s11 =	simm.s32 $0x11;
	v15 =	vand.u32 $0xFFFF0000, v13;
	v13 =	vshll.u32 v13, $0x10;
	v16 =	vmul.bf16 v11, v63  }
0x117: {  	v10 =	vadd.s32 s11, v0;
	v11 =	vadd.f32 v15, v14;
	v12 =	vadd.f32 v13, v12  }
0x118: {  	s9 =	simm.s32 $0x2F;
	v14 =	vand.u32 $0xFFFF0000, v16;
	v15 =	vshll.u32 v16, $0x10;
	v13 =	vmul.bf16 v18, v17  }
.LBB2_8:
0x119: {  	p1 =	sne.s32 s9, $0x3F;
	v10 =	vand.u32 $0x3F, v10;
	v11 =	vadd.f32 v14, v11;
	v12 =	vadd.f32 v15, v12  }
0x11a: {  	v10 =	vor.u32 v3, v10;
	v14 =	vand.u32 $0xFFFF0000, v13;
	v13 =	vshll.u32 v13, $0x10  }
0x11b: {  	v9 =	vand.u32 $0x3F, v9;
	s0 =	sadd.s32 $0xFFFFFFF4, s6;
	s1 =	sadd.s32 $0xFFFFFFFE, s6;
	v11 =	vadd.f32 v14, v11;
	v12 =	vadd.f32 v13, v12  }
0x11c: {  	s10 =	sadd.s32 $0xFFFFFFFD, s6;
	v9 =	vor.u32 v3, v9;
	v13 =	vadd.s32 s0, v0;
	s0 =	sadd.s32 $0xFFFFFFFC, s6;
	v14 =	vadd.s32 s1, v0  }
0x11d: {  	s11 =	sadd.s32 $0xFFFFFFFB, s6;
	v17 =	vadd.s32 s10, v0;
	s1 =	sadd.s32 $0xFFFFFFF5, s6;
	v13 =	vand.u32 $0x3F, v13;
	v16 =	vadd.s32 s0, v0;
	v15 =	vld.idx.msk [tilespmem:v8+s22+$0x0], $0xffff  }
0x11e: {  	v19 =	vadd.s32 s11, v0;
	v18 =	vadd.s32 s1, v0;
	s0 =	sadd.s32 $0xFFFFFFF9, s6;
	s1 =	sadd.s32 $0xFFFFFFFA, s6;
	v13 =	vor.u32 v3, v13;
	v8 =	vld.idx.msk [tilespmem:v8+s24+$0x0], $0xffff  }
0x11f: {  	s10 =	sadd.s32 $0xFFFFFFF6, s6;
	s11 =	sadd.s32 $0xFFFFFFF8, s6;
	v18 =	vand.u32 $0x3F, v18;
	v21 =	vadd.s32 s0, v0;
	v22 =	vadd.s32 s1, v0;
	v20 =	vld.idx.msk [tilespmem:v10+s22+$0x0], $0xffff  }
0x120: {  	v23 =	vadd.s32 s10, v0;
	v24 =	vadd.s32 s11, v0;
	s0 =	sadd.s32 $0xFFFFFFF7, s6;
	s6 =	smov.u32 s9;
	v18 =	vor.u32 v3, v18;
	v10 =	vld.idx.msk [tilespmem:v10+s24+$0x0], $0xffff  }
0x121: {  	v7 =	vand.u32 $0x3F, v7;
	v23 =	vand.u32 $0x3F, v23;
	v26 =	vadd.s32 s0, v0;
	v25 =	vld.idx.msk [tilespmem:v9+s22+$0x0], $0xffff  }
0x122: {  	v17 =	vand.u32 $0x3F, v17;
	v14 =	vand.u32 $0x3F, v14;
	v23 =	vor.u32 v3, v23;
	v9 =	vld.idx.msk [tilespmem:v9+s24+$0x0], $0xffff  }
0x123: {  	v19 =	vand.u32 $0x3F, v19;
	v16 =	vand.u32 $0x3F, v16;
	v26 =	vand.u32 $0x3F, v26;
	v27 =	vld.idx.msk [tilespmem:v13+s22+$0x0], $0xffff  }
0x124: {  	v24 =	vand.u32 $0x3F, v24;
	v8 =	vmul.bf16 v8, v15;
	v15 =	vor.u32 v3, v26;
	v13 =	vld.idx.msk [tilespmem:v13+s24+$0x0], $0xffff  }
0x125: {  	v24 =	vor.u32 v3, v24;
	v21 =	vand.u32 $0x38, v21;
	v22 =	vand.u32 $0x3F, v22;
	v26 =	vld.idx.msk [tilespmem:v18+s22+$0x0], $0xffff  }
0x126: {  	v28 =	vand.u32 $0xFFFF0000, v8;
	v8 =	vshll.u32 v8, $0x10;
	v10 =	vmul.bf16 v10, v20;
	v18 =	vld.idx.msk [tilespmem:v18+s24+$0x0], $0xffff  }
0x127: {  	v20 =	vor.u32 v21, v4;
	v11 =	vadd.f32 v28, v11;
	v8 =	vadd.f32 v8, v12;
	v12 =	vld.idx.msk [tilespmem:v23+s22+$0x0], $0xffff  }
0x128: {  	v21 =	vand.u32 $0xFFFF0000, v10;
	v10 =	vshll.u32 v10, $0x10;
	v9 =	vmul.bf16 v9, v25;
	v23 =	vld.idx.msk [tilespmem:v23+s24+$0x0], $0xffff  }
0x129: {  	v11 =	vadd.f32 v21, v11;
	v8 =	vadd.f32 v10, v8;
	v21 =	vor.u32 v3, v22;
	v10 =	vld.idx.msk [tilespmem:v15+s22+$0x0], $0xffff  }
0x12a: {  	v22 =	vand.u32 $0xFFFF0000, v9;
	v9 =	vshll.u32 v9, $0x10;
	v13 =	vmul.bf16 v13, v27;
	v15 =	vld.idx.msk [tilespmem:v15+s24+$0x0], $0xffff  }
0x12b: {  	v19 =	vor.u32 v3, v19;
	v11 =	vadd.f32 v22, v11;
	v8 =	vadd.f32 v9, v8;
	v9 =	vld.idx.msk [tilespmem:v24+s22+$0x0], $0xffff  }
0x12c: {  	v22 =	vand.u32 $0xFFFF0000, v13;
	v13 =	vshll.u32 v13, $0x10;
	v18 =	vmul.bf16 v18, v26;
	v24 =	vld.idx.msk [tilespmem:v24+s24+$0x0], $0xffff  }
0x12d: {  	v16 =	vor.u32 v3, v16;
	v11 =	vadd.f32 v22, v11;
	v8 =	vadd.f32 v13, v8;
	v13 =	vld.idx.msk [tilespmem:v20+s22+$0x0], $0xffff  }
0x12e: {  	v22 =	vand.u32 $0xFFFF0000, v18;
	v18 =	vshll.u32 v18, $0x10;
	v12 =	vmul.bf16 v23, v12;
	v20 =	vld.idx.msk [tilespmem:v20+s24+$0x0], $0xffff  }
0x12f: {  	v17 =	vor.u32 v3, v17;
	v11 =	vadd.f32 v22, v11;
	v8 =	vadd.f32 v18, v8;
	v18 =	vld.idx.msk [tilespmem:v21+s22+$0x0], $0xffff  }
0x130: {  	v22 =	vand.u32 $0xFFFF0000, v12;
	v12 =	vshll.u32 v12, $0x10;
	v10 =	vmul.bf16 v15, v10;
	v15 =	vld.idx.msk [tilespmem:v21+s24+$0x0], $0xffff  }
0x131: {  	v14 =	vor.u32 v3, v14;
	v11 =	vadd.f32 v22, v11;
	v8 =	vadd.f32 v12, v8;
	v12 =	vld.idx.msk [tilespmem:v19+s22+$0x0], $0xffff  }
0x132: {  	v21 =	vand.u32 $0xFFFF0000, v10;
	v10 =	vshll.u32 v10, $0x10;
	v9 =	vmul.bf16 v24, v9;
	v19 =	vld.idx.msk [tilespmem:v19+s24+$0x0], $0xffff  }
0x133: {  	v7 =	vor.u32 v3, v7;
	v11 =	vadd.f32 v21, v11;
	v8 =	vadd.f32 v10, v8;
	v10 =	vld.idx.msk [tilespmem:v16+s22+$0x0], $0xffff  }
0x134: {  	v21 =	vand.u32 $0xFFFF0000, v9;
	v9 =	vshll.u32 v9, $0x10;
	v13 =	vmul.bf16 v20, v13;
	v16 =	vld.idx.msk [tilespmem:v16+s24+$0x0], $0xffff  }
0x135: {  	v20 =	vor.u32 v3, v6;
	v11 =	vadd.f32 v21, v11;
	v8 =	vadd.f32 v9, v8;
	v9 =	vld.idx.msk [tilespmem:v17+s22+$0x0], $0xffff  }
0x136: {  	v6 =	vand.u32 $0xFFFF0000, v13;
	v13 =	vshll.u32 v13, $0x10;
	v15 =	vmul.bf16 v15, v18;
	v17 =	vld.idx.msk [tilespmem:v17+s24+$0x0], $0xffff  }
0x137: {  	v18 =	vadd.s32 s9, v0;
	v11 =	vadd.f32 v6, v11;
	v8 =	vadd.f32 v13, v8;
	v13 =	vld.idx.msk [tilespmem:v14+s22+$0x0], $0xffff  }
0x138: {  	v21 =	vand.u32 $0xFFFF0000, v15;
	v15 =	vshll.u32 v15, $0x10;
	v12 =	vmul.bf16 v19, v12;
	v14 =	vld.idx.msk [tilespmem:v14+s24+$0x0], $0xffff  }
0x139: {  	v6 =	vand.u32 $0x3F, v18;
	v11 =	vadd.f32 v21, v11;
	v8 =	vadd.f32 v15, v8;
	v15 =	vld.idx.msk [tilespmem:v7+s22+$0x0], $0xffff  }
0x13a: {  	s0 =	sadd.s32 $0xFFFFFFFF, s9;
	v18 =	vand.u32 $0xFFFF0000, v12;
	v12 =	vshll.u32 v12, $0x10;
	v10 =	vmul.bf16 v16, v10;
	v16 =	vld.idx.msk [tilespmem:v7+s24+$0x0], $0xffff  }
0x13b: {  	v7 =	vadd.s32 s0, v0;
	v11 =	vadd.f32 v18, v11;
	v8 =	vadd.f32 v12, v8;
	v18 =	vld.idx.msk [tilespmem:v20+s22+$0x0], $0xffff  }
0x13c: {  	s0 =	sadd.s32 $0xFFFFFFF3, s9;
	v12 =	vand.u32 $0xFFFF0000, v10;
	v10 =	vshll.u32 v10, $0x10;
	v17 =	vmul.bf16 v17, v9;
	v19 =	vld.idx.msk [tilespmem:v20+s24+$0x0], $0xffff  }
0x13d: {  	v9 =	vadd.s32 s0, v0;
	v11 =	vadd.f32 v12, v11;
	v10 =	vadd.f32 v10, v8  }
.Ltmp2:
0x13e: {  	s0 =	sadd.s32 $0xFFFFFFF1, s9;
	v12 =	vand.u32 $0xFFFF0000, v17;
	v17 =	vshll.u32 v17, $0x10;
	v13 =	vmul.bf16 v14, v13;
	(pc) =	sbr.rel @p1 .LBB2_8-.Ltmp2, $4  }
0x13f: {  	v8 =	vor.u32 s0, v5;
	v11 =	vadd.f32 v12, v11;
	v12 =	vadd.f32 v17, v10  }
0x140: {  	s0 =	sadd.s32 $0xFFFFFFF2, s9;
	v14 =	vand.u32 $0xFFFF0000, v13;
	v13 =	vshll.u32 v13, $0x10;
	v15 =	vmul.bf16 v16, v15  }
0x141: {  	v10 =	vadd.s32 s0, v0;
	v11 =	vadd.f32 v14, v11;
	v12 =	vadd.f32 v13, v12  }
0x142: {  	s9 =	sadd.s32 $0x10, s9;
	v14 =	vand.u32 $0xFFFF0000, v15;
	v15 =	vshll.u32 v15, $0x10;
	v13 =	vmul.bf16 v19, v18  }
0x143: {  	v5 =	vand.u32 $0x3F, v10;
	v57 =	vadd.f32 v14, v11  }
0x144: {  	v58 =	vadd.f32 v15, v12;
	v9 =	vand.u32 $0x3F, v9;
	v7 =	vand.u32 $0x3F, v7  }
0x145: {  	s0 =	sadd.s32 $0xFFFFFFF4, s6;
	s1 =	sadd.s32 $0xFFFFFFFE, s6;
	v5 =	vor.u32 v3, v5;
	v59 =	vand.u32 $0xFFFF0000, v13;
	v60 =	vshll.u32 v13, $0x10  }
0x146: {  	s11 =	sadd.s32 $0xFFFFFFFC, s6;
	s9 =	sadd.s32 $0xFFFFFFFD, s6;
	s10 =	sadd.s32 $0xFFFFFFF5, s6;
	v9 =	vor.u32 v3, v9;
	v61 =	vadd.s32 s0, v0;
	v62 =	vadd.s32 s1, v0  }
0x147: {  	v63 =	vadd.s32 s11, v0;
	v16 =	vadd.s32 s9, v0;
	v17 =	vadd.s32 s10, v0  }
0x148: {  	v28 =	vld.idx.msk [tilespmem:v8+s22+$0x0], $0xffff;
	s11 =	sadd.s32 $0xFFFFFFFB, s6;
	v10 =	vadd.f32 v59, v57;
	v11 =	vadd.f32 v60, v58;
	v12 =	vand.u32 $0x3F, v61  }
0x149: {  	v29 =	vld.idx.msk [tilespmem:v8+s24+$0x0], $0xffff;
	s10 =	sadd.s32 $0xFFFFFFF9, s6;
	s9 =	sadd.s32 $0xFFFFFFFA, s6;
	v18 =	vadd.s32 s11, v0;
	v17 =	vand.u32 $0x3F, v17;
	v12 =	vor.u32 v3, v12  }
0x14a: {  	s11 =	sadd.s32 $0xFFFFFFF6, s6;
	v19 =	vadd.s32 s10, v0;
	v21 =	vadd.s32 s9, v0;
	v16 =	vand.u32 $0x3F, v16;
	v20 =	vld.idx.msk [tilespmem:v5+s22+$0x0], $0xffff  }
0x14b: {  	s10 =	sadd.s32 $0xFFFFFFF8, s6;
	v13 =	vand.u32 $0x3F, v62;
	v17 =	vor.u32 v3, v17;
	v22 =	vadd.s32 s11, v0;
	v5 =	vld.idx.msk [tilespmem:v5+s24+$0x0], $0xffff  }
0x14c: {  	v14 =	vand.u32 $0x3F, v63;
	s11 =	sadd.s32 $0xFFFFFFF7, s6;
	v23 =	vadd.s32 s10, v0;
	v22 =	vand.u32 $0x3F, v22;
	v25 =	vld.idx.msk [tilespmem:v9+s22+$0x0], $0xffff  }
0x14d: {  	v18 =	vand.u32 $0x3F, v18;
	v24 =	vadd.s32 s11, v0;
	v22 =	vor.u32 v3, v22;
	v9 =	vld.idx.msk [tilespmem:v9+s24+$0x0], $0xffff  }
0x14e: {  	v19 =	vand.u32 $0x38, v19;
	v24 =	vand.u32 $0x3F, v24;
	v8 =	vmul.bf16 v29, v28;
	v26 =	vld.idx.msk [tilespmem:v12+s22+$0x0], $0xffff  }
0x14f: {  	v33 =	vand.u32 $0x3F, v21;
	v30 =	vand.u32 $0x3F, v23;
	v31 =	vor.u32 v3, v24;
	v12 =	vld.idx.msk [tilespmem:v12+s24+$0x0], $0xffff  }
0x150: {  	v27 =	vand.u32 $0xFFFF0000, v8;
	v8 =	vshll.u32 v8, $0x10;
	v32 =	vld.idx.msk [tilespmem:v17+s22+$0x0], $0xffff;
	v5 =	vmul.bf16 v5, v20  }
0x151: {  	v15 =	vor.u32 v3, v30;
	v17 =	vld.idx.msk [tilespmem:v17+s24+$0x0], $0xffff;
	v10 =	vadd.f32 v27, v10;
	v8 =	vadd.f32 v8, v11  }
0x152: {  	v34 =	vld.idx.msk [tilespmem:v22+s22+$0x0], $0xffff;
	v9 =	vmul.bf16 v9, v25;
	v35 =	vand.u32 $0xFFFF0000, v5;
	v5 =	vshll.u32 v5, $0x10  }
0x153: {  	v4 =	vor.u32 v19, v4;
	v36 =	vld.idx.msk [tilespmem:v22+s24+$0x0], $0xffff;
	v10 =	vadd.f32 v35, v10;
	v5 =	vadd.f32 v5, v8  }
0x154: {  	v37 =	vld.idx.msk [tilespmem:v31+s22+$0x0], $0xffff;
	v38 =	vand.u32 $0xFFFF0000, v9;
	v9 =	vshll.u32 v9, $0x10;
	v12 =	vmul.bf16 v12, v26  }
0x155: {  	v20 =	vor.u32 v3, v33;
	v39 =	vld.idx.msk [tilespmem:v31+s24+$0x0], $0xffff;
	v10 =	vadd.f32 v38, v10;
	v5 =	vadd.f32 v9, v5  }
0x156: {  	v40 =	vld.idx.msk [tilespmem:v15+s22+$0x0], $0xffff;
	v17 =	vmul.bf16 v17, v32;
	v41 =	vand.u32 $0xFFFF0000, v12;
	v12 =	vshll.u32 v12, $0x10  }
0x157: {  	v18 =	vor.u32 v3, v18;
	v15 =	vld.idx.msk [tilespmem:v15+s24+$0x0], $0xffff;
	v10 =	vadd.f32 v41, v10;
	v5 =	vadd.f32 v12, v5  }
0x158: {  	v42 =	vld.idx.msk [tilespmem:v4+s22+$0x0], $0xffff;
	v43 =	vand.u32 $0xFFFF0000, v17;
	v17 =	vshll.u32 v17, $0x10;
	v11 =	vmul.bf16 v36, v34  }
0x159: {  	v14 =	vor.u32 v3, v14;
	v4 =	vld.idx.msk [tilespmem:v4+s24+$0x0], $0xffff;
	v10 =	vadd.f32 v43, v10;
	v5 =	vadd.f32 v17, v5  }
0x15a: {  	v44 =	vld.idx.msk [tilespmem:v20+s22+$0x0], $0xffff;
	v8 =	vmul.bf16 v39, v37;
	v19 =	vand.u32 $0xFFFF0000, v11;
	v11 =	vshll.u32 v11, $0x10  }
0x15b: {  	v16 =	vor.u32 v3, v16;
	v20 =	vld.idx.msk [tilespmem:v20+s24+$0x0], $0xffff;
	v10 =	vadd.f32 v19, v10;
	v5 =	vadd.f32 v11, v5  }
0x15c: {  	v45 =	vld.idx.msk [tilespmem:v18+s22+$0x0], $0xffff;
	v9 =	vmul.bf16 v15, v40;
	v46 =	vand.u32 $0xFFFF0000, v8;
	v8 =	vshll.u32 v8, $0x10  }
0x15d: {  	v13 =	vor.u32 v3, v13;
	v47 =	vld.idx.msk [tilespmem:v18+s24+$0x0], $0xffff;
	v10 =	vadd.f32 v46, v10;
	v5 =	vadd.f32 v8, v5  }
0x15e: {  	v48 =	vld.idx.msk [tilespmem:v14+s22+$0x0], $0xffff;
	v4 =	vmul.bf16 v4, v42;
	v49 =	vand.u32 $0xFFFF0000, v9;
	v9 =	vshll.u32 v9, $0x10  }
0x15f: {  	v7 =	vor.u32 v3, v7;
	v50 =	vld.idx.msk [tilespmem:v14+s24+$0x0], $0xffff;
	v10 =	vadd.f32 v49, v10;
	v5 =	vadd.f32 v9, v5  }
0x160: {  	v51 =	vld.idx.msk [tilespmem:v16+s22+$0x0], $0xffff;
	v52 =	vand.u32 $0xFFFF0000, v4;
	v4 =	vshll.u32 v4, $0x10;
	v17 =	vmul.bf16 v20, v44  }
0x161: {  	v53 =	vld.idx.msk [tilespmem:v16+s24+$0x0], $0xffff;
	v3 =	vor.u32 v3, v6;
	v10 =	vadd.f32 v52, v10;
	v4 =	vadd.f32 v4, v5  }
0x162: {  	v54 =	vld.idx.msk [tilespmem:v13+s22+$0x0], $0xffff;
	v11 =	vmul.bf16 v47, v45;
	v55 =	vand.u32 $0xFFFF0000, v17;
	v56 =	vshll.u32 v17, $0x10  }
0x163: {  	v13 =	vld.idx.msk [tilespmem:v13+s24+$0x0], $0xffff;
	v10 =	vadd.f32 v55, v10;
	v4 =	vadd.f32 v56, v4  }
0x164: {  	v57 =	vld.idx.msk [tilespmem:v7+s22+$0x0], $0xffff;
	v15 =	vand.u32 $0xFFFF0000, v11;
	v11 =	vshll.u32 v11, $0x10;
	v8 =	vmul.bf16 v50, v48  }
0x165: {  	v7 =	vld.idx.msk [tilespmem:v7+s24+$0x0], $0xffff;
	v10 =	vadd.f32 v15, v10;
	v4 =	vadd.f32 v11, v4  }
0x166: {  	v6 =	vmul.bf16 v53, v51;
	v58 =	vld.idx.msk [tilespmem:v3+s22+$0x0], $0xffff;
	v12 =	vand.u32 $0xFFFF0000, v8;
	v8 =	vshll.u32 v8, $0x10  }
0x167: {  	v3 =	vld.idx.msk [tilespmem:v3+s24+$0x0], $0xffff;
	v59 =	vadd.f32 v12, v10;
	v4 =	vadd.f32 v8, v4  }
0x168: {  	v60 =	vand.u32 $0xFFFF0000, v6;
	v6 =	vshll.u32 v6, $0x10;
	v5 =	vmul.bf16 v13, v54  }
0x169: {  	v8 =	vadd.f32 v60, v59;
	v4 =	vadd.f32 v6, v4  }
0x16a: {  	v7 =	vmul.bf16 v7, v57;
	v61 =	vand.u32 $0xFFFF0000, v5;
	v5 =	vshll.u32 v5, $0x10  }
0x16b: {  	v6 =	vadd.f32 v61, v8;
	v4 =	vadd.f32 v5, v4  }
0x16c: {  	v62 =	vand.u32 $0xFFFF0000, v7;
	v7 =	vshll.u32 v7, $0x10;
	v3 =	vmul.bf16 v3, v58  }
0x16d: {  	v5 =	vadd.f32 v62, v6;
	v4 =	vadd.f32 v7, v4  }
0x16e: {  	v63 =	vand.u32 $0xFFFF0000, v3;
	v3 =	vshll.u32 v3, $0x10  }
0x16f: {  	v5 =	vadd.f32 v63, v5;
	v3 =	vadd.f32 v3, v4;
	_ =	sdelay $0x1  }
0x170: {  	v3 =	vadd.f32 v3, v5;
	_ =	sdelay $0x1  }
0x171: {  	v3 =	vsub.f32 $0.0e+00, v3;
	_ =	sdelay $0x1  }
0x172: {  	v3 =	vmul.f32 $1.442695020e+00, v3;
	_ =	sdelay $0x1  }
0x173: {  	(erf) = vpow2.f32 v3;
	_ =	sdelay $0x8  }
0x174: {  	v3 =	vpop (erf)  }
0x175: {  	v3 =	vadd.f32 $1.000000000e+00, v3;
	_ =	sdelay $0x1  }
0x176: {  	(erf) = vrcp.f32 v3;
	_ =	sdelay $0x3  }
0x177: {  	s13 =	sadd.s32 $0x1, s13  }
0x178: {  	p1 =	sne.s32 s13, $0x5  }
.Ltmp3:
0x179: {  	_ = 	snop;
	(pc) =	sbr.rel @p1 .LBB2_7-.Ltmp3, $3  }
0x17a: {  	_ =	sdelay $0x1  }
0x17b: {  	v3 =	vpop (erf)  }
0x17c: {  	[tilespmem:s25+$0x18AB0] =	vst v3  }
0x17d: {  	s0 =	rddreg [dreg:$0xa]  }
0x17e: {  	s0 =	sadd.s32 s12, s0  }
0x17f: {  	s0 =	sshrl.u32 s0, $0x3  }
0x180: {  	s1 =	simm.s32 $0x18AB0;
	p1 =	seq.s32 s15, $0x1E;
	s0 =	sadd.s32 s2, s0  }
0x181: {  	[hbm4b:s0+s4] =	stream.linear.scatter [tilespmem:s1], [sflag:$0xA], $0x50, $0x38;
	[tilespmem:$0x18BA0] =	vst v63  }
0x182: {  	s6 =	simm.s32 @!p1 $0xFE60;
	s0 =	sadd.s32 @!p1 $0x190, s12;
	s1 =	simm.s32 @!p1 $0x50  }
0x183: {  	[tilespmem:s6], [sflag:$0x2] =	stream.indirect.gather @!p1 [spmem:s3], $0x40, s0, s1, $0xb8;
	[tilespmem:$0x18BA0] =	vst v63  }
0x184: {  	s0 =	sadd.s32 @!p1 $0x28A0, s12;
	s6 =	simm.s32 @!p1 $0x14E60  }
0x185: {  	[tilespmem:s6], [sflag:$0x6] =	stream.indirect.gather @!p1 [spmem:s3], $0x40, s0, s1, $0xb8;
	[tilespmem:$0x18BA0] =	vst v63  }
0x186: {  	_ =	swait.ge [sflag:s28], $0x1400  }
0x187: {  	[sflag:s28] =	ssyncset.done $0x0  }
0x188: {  	[sflag:s28] =	ssyncadd.s32 $0xFFFFEC00  }
0x189: {  	_ =	swait.ge [sflag:s14], $0x1400  }
0x18a: {  	[sflag:s14] =	ssyncset.done $0x0  }
0x18b: {  	s0 =	simm.s32 @!p0 $0xB;
	[sflag:s14] =	ssyncadd.s32 $0xFFFFEC00  }
0x18c: {  	_ =	swait.ge @!p0 [sflag:s0], $0x50  }
0x18d: {  	[sflag:s0] =	ssyncset.done @!p0 $0x0  }
0x18e: {  	s13 =	simm.s32 $0x0;
	[sflag:s0] =	ssyncadd.s32 @!p0 $0xFFFFFFB0  }
.LBB2_11:
0x18f: {  	s25 =	sshll.u32 s13, $0x4  }
0x190: {  	s6 =	simm.s32 $0x1;
	v3 =	vmov s25  }
0x191: {  	v9 =	vadd.s32 s6, v0;
	v3 =	vshll.u32 v3, $0x6  }
0x192: {  	v9 =	vand.u32 $0x3F, v9;
	v3 =	vor.u32 v1, v3  }
0x193: {  	v9 =	vor.u32 v3, v9  }
0x194: {  	s1 =	simm.s32 $0x0;
	s11 =	simm.s32 $0x2;
	v5 =	vor.u32 v0, v3  }
0x195: {  	s0 =	simm.s32 $0xF;
	v10 =	vadd.s32 s11, v0;
	v8 =	vor.u32 s1, v5  }
0x196: {  	v6 =	vimm.f32 $0.0e+00;
	s9 =	simm.s32 $0xE;
	s10 =	simm.s32 $0x3;
	v7 =	vadd.s32 s0, v0;
	v10 =	vand.u32 $0x3F, v10  }
0x197: {  	v11 =	vadd.s32 s9, v0;
	s11 =	simm.s32 $0xD;
	v12 =	vadd.s32 s10, v0;
	v10 =	vor.u32 v3, v10  }
0x198: {  	s6 =	simm.s32 $0xB;
	v7 =	vand.u32 $0x3F, v7;
	v13 =	vadd.s32 s11, v0;
	v12 =	vand.u32 $0x3F, v12;
	s11 =	simm.s32 $0x4;
	v21 =	vld.idx.msk [tilespmem:v9+s26+$0x0], $0xffff  }
0x199: {  	s10 =	simm.s32 $0xC;
	s9 =	simm.s32 $0xA;
	v14 =	vadd.s32 s6, v0;
	v17 =	vadd.s32 s11, v0;
	v12 =	vor.u32 v3, v12;
	v9 =	vld.idx.msk [tilespmem:v9+s29+$0x0], $0xffff  }
0x19a: {  	v15 =	vadd.s32 s10, v0;
	s6 =	simm.s32 $0x9;
	v18 =	vadd.s32 s9, v0;
	v17 =	vand.u32 $0x3F, v17;
	v16 =	vld.idx.msk [tilespmem:v8+s26+$0x0], $0xffff  }
0x19b: {  	s9 =	simm.s32 $0x5;
	s10 =	simm.s32 $0x7;
	v11 =	vand.u32 $0x3F, v11;
	v20 =	vadd.s32 s6, v0;
	v17 =	vor.u32 v3, v17;
	v8 =	vld.idx.msk [tilespmem:v8+s29+$0x0], $0xffff  }
0x19c: {  	v22 =	vadd.s32 s9, v0;
	v23 =	vadd.s32 s10, v0;
	v15 =	vand.u32 $0x3F, v15;
	v25 =	vld.idx.msk [tilespmem:v10+s26+$0x0], $0xffff  }
0x19d: {  	s11 =	simm.s32 $0x6;
	v18 =	vand.u32 $0x3F, v18;
	v14 =	vand.u32 $0x3F, v14;
	v4 =	vor.u32 v2, v3;
	v10 =	vld.idx.msk [tilespmem:v10+s29+$0x0], $0xffff  }
0x19e: {  	v22 =	vand.u32 $0x3F, v22;
	v24 =	vadd.s32 s11, v0;
	v15 =	vor.u32 v3, v15;
	v26 =	vld.idx.msk [tilespmem:v12+s26+$0x0], $0xffff  }
0x19f: {  	v23 =	vand.u32 $0x3F, v23;
	v20 =	vand.u32 $0x3F, v20;
	s1 =	simm.s32 $0x8;
	v22 =	vor.u32 v3, v22;
	v12 =	vld.idx.msk [tilespmem:v12+s29+$0x0], $0xffff  }
0x1a0: {  	v24 =	vand.u32 $0x3F, v24;
	v19 =	vadd.s32 s1, v0;
	v49 =	vld.idx.msk [tilespmem:v17+s26+$0x0], $0xffff;
	v8 =	vmul.bf16 v8, v16  }
0x1a1: {  	v23 =	vor.u32 v3, v23;
	v19 =	vand.u32 $0x38, v19;
	v17 =	vld.idx.msk [tilespmem:v17+s29+$0x0], $0xffff;
	v16 =	vor.u32 v3, v24  }
0x1a2: {  	v9 =	vmul.bf16 v9, v21;
	v27 =	vand.u32 $0xFFFF0000, v8;
	v8 =	vshll.u32 v8, $0x10  }
0x1a3: {  	v61 =	vld.idx.msk [tilespmem:v15+s26+$0x0], $0xffff;
	v10 =	vmul.bf16 v10, v25;
	v50 =	vadd.f32 v27, v6;
	v6 =	vadd.f32 v8, v6  }
0x1a4: {  	v51 =	vld.idx.msk [tilespmem:v22+s26+$0x0], $0xffff;
	v12 =	vmul.bf16 v12, v26;
	v52 =	vand.u32 $0xFFFF0000, v9;
	v9 =	vshll.u32 v9, $0x10  }
0x1a5: {  	v22 =	vld.idx.msk [tilespmem:v22+s29+$0x0], $0xffff;
	v8 =	vor.u32 v19, v4;
	v21 =	vadd.f32 v52, v50;
	v6 =	vadd.f32 v9, v6  }
0x1a6: {  	v17 =	vmul.bf16 v17, v49;
	v25 =	vand.u32 $0xFFFF0000, v10;
	v10 =	vshll.u32 v10, $0x10;
	v53 =	vld.idx.msk [tilespmem:v16+s26+$0x0], $0xffff  }
0x1a7: {  	v9 =	vor.u32 v3, v20;
	v16 =	vld.idx.msk [tilespmem:v16+s29+$0x0], $0xffff;
	v21 =	vadd.f32 v25, v21;
	v6 =	vadd.f32 v10, v6  }
0x1a8: {  	v54 =	vld.idx.msk [tilespmem:v23+s26+$0x0], $0xffff;
	v55 =	vand.u32 $0xFFFF0000, v12;
	v12 =	vshll.u32 v12, $0x10;
	v24 =	vand.u32 $0xFFFF0000, v17  }
0x1a9: {  	v23 =	vld.idx.msk [tilespmem:v23+s29+$0x0], $0xffff;
	v10 =	vor.u32 v3, v18;
	v21 =	vadd.f32 v55, v21;
	v6 =	vadd.f32 v12, v6  }
0x1aa: {  	v17 =	vshll.u32 v17, $0x10;
	v19 =	vmul.bf16 v22, v51;
	v12 =	vor.u32 v3, v14;
	v14 =	vld.idx.msk [tilespmem:v8+s26+$0x0], $0xffff  }
0x1ab: {  	v13 =	vand.u32 $0x3F, v13;
	v8 =	vld.idx.msk [tilespmem:v8+s29+$0x0], $0xffff;
	v21 =	vadd.f32 v24, v21;
	v6 =	vadd.f32 v17, v6  }
0x1ac: {  	v22 =	vand.u32 $0xFFFF0000, v19;
	v19 =	vshll.u32 v19, $0x10;
	v16 =	vmul.bf16 v16, v53;
	v17 =	vld.idx.msk [tilespmem:v9+s26+$0x0], $0xffff  }
0x1ad: {  	v13 =	vor.u32 v3, v13;
	v9 =	vld.idx.msk [tilespmem:v9+s29+$0x0], $0xffff;
	v56 =	vadd.f32 v22, v21;
	v6 =	vadd.f32 v19, v6  }
0x1ae: {  	v18 =	vmul.bf16 v23, v54;
	v57 =	vld.idx.msk [tilespmem:v10+s26+$0x0], $0xffff;
	v58 =	vand.u32 $0xFFFF0000, v16;
	v16 =	vshll.u32 v16, $0x10  }
0x1af: {  	v11 =	vor.u32 v3, v11;
	v10 =	vld.idx.msk [tilespmem:v10+s29+$0x0], $0xffff;
	v20 =	vadd.f32 v58, v56;
	v6 =	vadd.f32 v16, v6  }
0x1b0: {  	v59 =	vand.u32 $0xFFFF0000, v18;
	v18 =	vshll.u32 v18, $0x10;
	v8 =	vmul.bf16 v8, v14;
	v16 =	vld.idx.msk [tilespmem:v12+s26+$0x0], $0xffff  }
0x1b1: {  	v60 =	vor.u32 v3, v7;
	v12 =	vld.idx.msk [tilespmem:v12+s29+$0x0], $0xffff;
	v14 =	vadd.f32 v59, v20;
	v6 =	vadd.f32 v18, v6  }
0x1b2: {  	s6 =	simm.s32 $0x1F;
	v15 =	vld.idx.msk [tilespmem:v15+s29+$0x0], $0xffff;
	v7 =	vand.u32 $0xFFFF0000, v8;
	v8 =	vshll.u32 v8, $0x10;
	v9 =	vmul.bf16 v9, v17  }
0x1b3: {  	v17 =	vadd.s32 s6, v0;
	v7 =	vadd.f32 v7, v14;
	v8 =	vadd.f32 v8, v6  }
0x1b4: {  	v10 =	vmul.bf16 v10, v57;
	v62 =	vand.u32 $0xFFFF0000, v9;
	v9 =	vshll.u32 v9, $0x10;
	v14 =	vld.idx.msk [tilespmem:v13+s26+$0x0], $0xffff  }
0x1b5: {  	v13 =	vld.idx.msk [tilespmem:v13+s29+$0x0], $0xffff;
	v6 =	vand.u32 $0x3F, v17;
	v17 =	vadd.f32 v62, v7;
	v8 =	vadd.f32 v9, v8  }
0x1b6: {  	v63 =	vld.idx.msk [tilespmem:v11+s26+$0x0], $0xffff;
	v12 =	vmul.bf16 v12, v16;
	v9 =	vand.u32 $0xFFFF0000, v10;
	v10 =	vshll.u32 v10, $0x10  }
0x1b7: {  	s1 =	simm.s32 $0x1E;
	v11 =	vld.idx.msk [tilespmem:v11+s29+$0x0], $0xffff;
	v15 =	vmul.bf16 v15, v61;
	v16 =	vadd.f32 v9, v17;
	v8 =	vadd.f32 v10, v8  }
0x1b8: {  	s9 =	simm.s32 $0x12;
	v18 =	vld.idx.msk [tilespmem:v60+s29+$0x0], $0xffff;
	v7 =	vadd.s32 s1, v0;
	v10 =	vand.u32 $0xFFFF0000, v12;
	v12 =	vshll.u32 v12, $0x10  }
0x1b9: {  	v17 =	vld.idx.msk [tilespmem:v60+s26+$0x0], $0xffff;
	v9 =	vadd.s32 s9, v0;
	v10 =	vadd.f32 v10, v16;
	v12 =	vadd.f32 v12, v8  }
0x1ba: {  	s10 =	simm.s32 $0x10;
	v13 =	vmul.bf16 v13, v14;
	v16 =	vand.u32 $0xFFFF0000, v15;
	v15 =	vshll.u32 v15, $0x10  }
0x1bb: {  	v8 =	vor.u32 s10, v5;
	v14 =	vadd.f32 v16, v10;
	v12 =	vadd.f32 v15, v12  }
0x1bc: {  	s11 =	simm.s32 $0x11;
	v15 =	vand.u32 $0xFFFF0000, v13;
	v13 =	vshll.u32 v13, $0x10;
	v16 =	vmul.bf16 v11, v63  }
0x1bd: {  	v10 =	vadd.s32 s11, v0;
	v11 =	vadd.f32 v15, v14;
	v12 =	vadd.f32 v13, v12  }
0x1be: {  	s9 =	simm.s32 $0x2F;
	v14 =	vand.u32 $0xFFFF0000, v16;
	v15 =	vshll.u32 v16, $0x10;
	v13 =	vmul.bf16 v18, v17  }
.LBB2_12:
0x1bf: {  	p2 =	sne.s32 s9, $0x3F;
	v10 =	vand.u32 $0x3F, v10;
	v11 =	vadd.f32 v14, v11;
	v12 =	vadd.f32 v15, v12  }
0x1c0: {  	v10 =	vor.u32 v3, v10;
	v14 =	vand.u32 $0xFFFF0000, v13;
	v13 =	vshll.u32 v13, $0x10  }
0x1c1: {  	v9 =	vand.u32 $0x3F, v9;
	s0 =	sadd.s32 $0xFFFFFFF4, s6;
	s1 =	sadd.s32 $0xFFFFFFFE, s6;
	v11 =	vadd.f32 v14, v11;
	v12 =	vadd.f32 v13, v12  }
0x1c2: {  	s10 =	sadd.s32 $0xFFFFFFFD, s6;
	v9 =	vor.u32 v3, v9;
	v13 =	vadd.s32 s0, v0;
	s0 =	sadd.s32 $0xFFFFFFFC, s6;
	v14 =	vadd.s32 s1, v0  }
0x1c3: {  	s11 =	sadd.s32 $0xFFFFFFFB, s6;
	v17 =	vadd.s32 s10, v0;
	s1 =	sadd.s32 $0xFFFFFFF5, s6;
	v13 =	vand.u32 $0x3F, v13;
	v16 =	vadd.s32 s0, v0;
	v15 =	vld.idx.msk [tilespmem:v8+s26+$0x0], $0xffff  }
0x1c4: {  	v19 =	vadd.s32 s11, v0;
	v18 =	vadd.s32 s1, v0;
	s0 =	sadd.s32 $0xFFFFFFF9, s6;
	s1 =	sadd.s32 $0xFFFFFFFA, s6;
	v13 =	vor.u32 v3, v13;
	v8 =	vld.idx.msk [tilespmem:v8+s29+$0x0], $0xffff  }
0x1c5: {  	s10 =	sadd.s32 $0xFFFFFFF6, s6;
	s11 =	sadd.s32 $0xFFFFFFF8, s6;
	v18 =	vand.u32 $0x3F, v18;
	v21 =	vadd.s32 s0, v0;
	v22 =	vadd.s32 s1, v0;
	v20 =	vld.idx.msk [tilespmem:v10+s26+$0x0], $0xffff  }
0x1c6: {  	v23 =	vadd.s32 s10, v0;
	v24 =	vadd.s32 s11, v0;
	s0 =	sadd.s32 $0xFFFFFFF7, s6;
	s6 =	smov.u32 s9;
	v18 =	vor.u32 v3, v18;
	v10 =	vld.idx.msk [tilespmem:v10+s29+$0x0], $0xffff  }
0x1c7: {  	v7 =	vand.u32 $0x3F, v7;
	v23 =	vand.u32 $0x3F, v23;
	v26 =	vadd.s32 s0, v0;
	v25 =	vld.idx.msk [tilespmem:v9+s26+$0x0], $0xffff  }
0x1c8: {  	v17 =	vand.u32 $0x3F, v17;
	v14 =	vand.u32 $0x3F, v14;
	v23 =	vor.u32 v3, v23;
	v9 =	vld.idx.msk [tilespmem:v9+s29+$0x0], $0xffff  }
0x1c9: {  	v19 =	vand.u32 $0x3F, v19;
	v16 =	vand.u32 $0x3F, v16;
	v26 =	vand.u32 $0x3F, v26;
	v27 =	vld.idx.msk [tilespmem:v13+s26+$0x0], $0xffff  }
0x1ca: {  	v24 =	vand.u32 $0x3F, v24;
	v8 =	vmul.bf16 v8, v15;
	v15 =	vor.u32 v3, v26;
	v13 =	vld.idx.msk [tilespmem:v13+s29+$0x0], $0xffff  }
0x1cb: {  	v24 =	vor.u32 v3, v24;
	v21 =	vand.u32 $0x38, v21;
	v22 =	vand.u32 $0x3F, v22;
	v26 =	vld.idx.msk [tilespmem:v18+s26+$0x0], $0xffff  }
0x1cc: {  	v28 =	vand.u32 $0xFFFF0000, v8;
	v8 =	vshll.u32 v8, $0x10;
	v10 =	vmul.bf16 v10, v20;
	v18 =	vld.idx.msk [tilespmem:v18+s29+$0x0], $0xffff  }
0x1cd: {  	v20 =	vor.u32 v21, v4;
	v11 =	vadd.f32 v28, v11;
	v8 =	vadd.f32 v8, v12;
	v12 =	vld.idx.msk [tilespmem:v23+s26+$0x0], $0xffff  }
0x1ce: {  	v21 =	vand.u32 $0xFFFF0000, v10;
	v10 =	vshll.u32 v10, $0x10;
	v9 =	vmul.bf16 v9, v25;
	v23 =	vld.idx.msk [tilespmem:v23+s29+$0x0], $0xffff  }
0x1cf: {  	v11 =	vadd.f32 v21, v11;
	v8 =	vadd.f32 v10, v8;
	v21 =	vor.u32 v3, v22;
	v10 =	vld.idx.msk [tilespmem:v15+s26+$0x0], $0xffff  }
0x1d0: {  	v22 =	vand.u32 $0xFFFF0000, v9;
	v9 =	vshll.u32 v9, $0x10;
	v13 =	vmul.bf16 v13, v27;
	v15 =	vld.idx.msk [tilespmem:v15+s29+$0x0], $0xffff  }
0x1d1: {  	v19 =	vor.u32 v3, v19;
	v11 =	vadd.f32 v22, v11;
	v8 =	vadd.f32 v9, v8;
	v9 =	vld.idx.msk [tilespmem:v24+s26+$0x0], $0xffff  }
0x1d2: {  	v22 =	vand.u32 $0xFFFF0000, v13;
	v13 =	vshll.u32 v13, $0x10;
	v18 =	vmul.bf16 v18, v26;
	v24 =	vld.idx.msk [tilespmem:v24+s29+$0x0], $0xffff  }
0x1d3: {  	v16 =	vor.u32 v3, v16;
	v11 =	vadd.f32 v22, v11;
	v8 =	vadd.f32 v13, v8;
	v13 =	vld.idx.msk [tilespmem:v20+s26+$0x0], $0xffff  }
0x1d4: {  	v22 =	vand.u32 $0xFFFF0000, v18;
	v18 =	vshll.u32 v18, $0x10;
	v12 =	vmul.bf16 v23, v12;
	v20 =	vld.idx.msk [tilespmem:v20+s29+$0x0], $0xffff  }
0x1d5: {  	v17 =	vor.u32 v3, v17;
	v11 =	vadd.f32 v22, v11;
	v8 =	vadd.f32 v18, v8;
	v18 =	vld.idx.msk [tilespmem:v21+s26+$0x0], $0xffff  }
0x1d6: {  	v22 =	vand.u32 $0xFFFF0000, v12;
	v12 =	vshll.u32 v12, $0x10;
	v10 =	vmul.bf16 v15, v10;
	v15 =	vld.idx.msk [tilespmem:v21+s29+$0x0], $0xffff  }
0x1d7: {  	v14 =	vor.u32 v3, v14;
	v11 =	vadd.f32 v22, v11;
	v8 =	vadd.f32 v12, v8;
	v12 =	vld.idx.msk [tilespmem:v19+s26+$0x0], $0xffff  }
0x1d8: {  	v21 =	vand.u32 $0xFFFF0000, v10;
	v10 =	vshll.u32 v10, $0x10;
	v9 =	vmul.bf16 v24, v9;
	v19 =	vld.idx.msk [tilespmem:v19+s29+$0x0], $0xffff  }
0x1d9: {  	v7 =	vor.u32 v3, v7;
	v11 =	vadd.f32 v21, v11;
	v8 =	vadd.f32 v10, v8;
	v10 =	vld.idx.msk [tilespmem:v16+s26+$0x0], $0xffff  }
0x1da: {  	v21 =	vand.u32 $0xFFFF0000, v9;
	v9 =	vshll.u32 v9, $0x10;
	v13 =	vmul.bf16 v20, v13;
	v16 =	vld.idx.msk [tilespmem:v16+s29+$0x0], $0xffff  }
0x1db: {  	v20 =	vor.u32 v3, v6;
	v11 =	vadd.f32 v21, v11;
	v8 =	vadd.f32 v9, v8;
	v9 =	vld.idx.msk [tilespmem:v17+s26+$0x0], $0xffff  }
0x1dc: {  	v6 =	vand.u32 $0xFFFF0000, v13;
	v13 =	vshll.u32 v13, $0x10;
	v15 =	vmul.bf16 v15, v18;
	v17 =	vld.idx.msk [tilespmem:v17+s29+$0x0], $0xffff  }
0x1dd: {  	v18 =	vadd.s32 s9, v0;
	v11 =	vadd.f32 v6, v11;
	v8 =	vadd.f32 v13, v8;
	v13 =	vld.idx.msk [tilespmem:v14+s26+$0x0], $0xffff  }
0x1de: {  	v21 =	vand.u32 $0xFFFF0000, v15;
	v15 =	vshll.u32 v15, $0x10;
	v12 =	vmul.bf16 v19, v12;
	v14 =	vld.idx.msk [tilespmem:v14+s29+$0x0], $0xffff  }
0x1df: {  	v6 =	vand.u32 $0x3F, v18;
	v11 =	vadd.f32 v21, v11;
	v8 =	vadd.f32 v15, v8;
	v15 =	vld.idx.msk [tilespmem:v7+s26+$0x0], $0xffff  }
0x1e0: {  	s0 =	sadd.s32 $0xFFFFFFFF, s9;
	v18 =	vand.u32 $0xFFFF0000, v12;
	v12 =	vshll.u32 v12, $0x10;
	v10 =	vmul.bf16 v16, v10;
	v16 =	vld.idx.msk [tilespmem:v7+s29+$0x0], $0xffff  }
0x1e1: {  	v7 =	vadd.s32 s0, v0;
	v11 =	vadd.f32 v18, v11;
	v8 =	vadd.f32 v12, v8;
	v18 =	vld.idx.msk [tilespmem:v20+s26+$0x0], $0xffff  }
0x1e2: {  	s0 =	sadd.s32 $0xFFFFFFF3, s9;
	v12 =	vand.u32 $0xFFFF0000, v10;
	v10 =	vshll.u32 v10, $0x10;
	v17 =	vmul.bf16 v17, v9;
	v19 =	vld.idx.msk [tilespmem:v20+s29+$0x0], $0xffff  }
0x1e3: {  	v9 =	vadd.s32 s0, v0;
	v11 =	vadd.f32 v12, v11;
	v10 =	vadd.f32 v10, v8  }
.Ltmp4:
0x1e4: {  	s0 =	sadd.s32 $0xFFFFFFF1, s9;
	v12 =	vand.u32 $0xFFFF0000, v17;
	v17 =	vshll.u32 v17, $0x10;
	v13 =	vmul.bf16 v14, v13;
	(pc) =	sbr.rel @p2 .LBB2_12-.Ltmp4, $4  }
0x1e5: {  	v8 =	vor.u32 s0, v5;
	v11 =	vadd.f32 v12, v11;
	v12 =	vadd.f32 v17, v10  }
0x1e6: {  	s0 =	sadd.s32 $0xFFFFFFF2, s9;
	v14 =	vand.u32 $0xFFFF0000, v13;
	v13 =	vshll.u32 v13, $0x10;
	v15 =	vmul.bf16 v16, v15  }
0x1e7: {  	v10 =	vadd.s32 s0, v0;
	v11 =	vadd.f32 v14, v11;
	v12 =	vadd.f32 v13, v12  }
0x1e8: {  	s9 =	sadd.s32 $0x10, s9;
	v14 =	vand.u32 $0xFFFF0000, v15;
	v15 =	vshll.u32 v15, $0x10;
	v13 =	vmul.bf16 v19, v18  }
0x1e9: {  	v5 =	vand.u32 $0x3F, v10;
	v57 =	vadd.f32 v14, v11  }
0x1ea: {  	v58 =	vadd.f32 v15, v12;
	v9 =	vand.u32 $0x3F, v9;
	v7 =	vand.u32 $0x3F, v7  }
0x1eb: {  	s0 =	sadd.s32 $0xFFFFFFF4, s6;
	s1 =	sadd.s32 $0xFFFFFFFE, s6;
	v5 =	vor.u32 v3, v5;
	v59 =	vand.u32 $0xFFFF0000, v13;
	v60 =	vshll.u32 v13, $0x10  }
0x1ec: {  	s11 =	sadd.s32 $0xFFFFFFFC, s6;
	s9 =	sadd.s32 $0xFFFFFFFD, s6;
	s10 =	sadd.s32 $0xFFFFFFF5, s6;
	v9 =	vor.u32 v3, v9;
	v61 =	vadd.s32 s0, v0;
	v62 =	vadd.s32 s1, v0  }
0x1ed: {  	v63 =	vadd.s32 s11, v0;
	v16 =	vadd.s32 s9, v0;
	v17 =	vadd.s32 s10, v0  }
0x1ee: {  	v28 =	vld.idx.msk [tilespmem:v8+s26+$0x0], $0xffff;
	s11 =	sadd.s32 $0xFFFFFFFB, s6;
	v10 =	vadd.f32 v59, v57;
	v11 =	vadd.f32 v60, v58;
	v12 =	vand.u32 $0x3F, v61  }
0x1ef: {  	v29 =	vld.idx.msk [tilespmem:v8+s29+$0x0], $0xffff;
	s10 =	sadd.s32 $0xFFFFFFF9, s6;
	s9 =	sadd.s32 $0xFFFFFFFA, s6;
	v18 =	vadd.s32 s11, v0;
	v17 =	vand.u32 $0x3F, v17;
	v12 =	vor.u32 v3, v12  }
0x1f0: {  	s11 =	sadd.s32 $0xFFFFFFF6, s6;
	v19 =	vadd.s32 s10, v0;
	v21 =	vadd.s32 s9, v0;
	v16 =	vand.u32 $0x3F, v16;
	v20 =	vld.idx.msk [tilespmem:v5+s26+$0x0], $0xffff  }
0x1f1: {  	s10 =	sadd.s32 $0xFFFFFFF8, s6;
	v13 =	vand.u32 $0x3F, v62;
	v17 =	vor.u32 v3, v17;
	v22 =	vadd.s32 s11, v0;
	v5 =	vld.idx.msk [tilespmem:v5+s29+$0x0], $0xffff  }
0x1f2: {  	v14 =	vand.u32 $0x3F, v63;
	s11 =	sadd.s32 $0xFFFFFFF7, s6;
	v23 =	vadd.s32 s10, v0;
	v22 =	vand.u32 $0x3F, v22;
	v25 =	vld.idx.msk [tilespmem:v9+s26+$0x0], $0xffff  }
0x1f3: {  	v18 =	vand.u32 $0x3F, v18;
	v24 =	vadd.s32 s11, v0;
	v22 =	vor.u32 v3, v22;
	v9 =	vld.idx.msk [tilespmem:v9+s29+$0x0], $0xffff  }
0x1f4: {  	v19 =	vand.u32 $0x38, v19;
	v24 =	vand.u32 $0x3F, v24;
	v8 =	vmul.bf16 v29, v28;
	v26 =	vld.idx.msk [tilespmem:v12+s26+$0x0], $0xffff  }
0x1f5: {  	v33 =	vand.u32 $0x3F, v21;
	v30 =	vand.u32 $0x3F, v23;
	v31 =	vor.u32 v3, v24;
	v12 =	vld.idx.msk [tilespmem:v12+s29+$0x0], $0xffff  }
0x1f6: {  	v27 =	vand.u32 $0xFFFF0000, v8;
	v8 =	vshll.u32 v8, $0x10;
	v32 =	vld.idx.msk [tilespmem:v17+s26+$0x0], $0xffff;
	v5 =	vmul.bf16 v5, v20  }
0x1f7: {  	v15 =	vor.u32 v3, v30;
	v17 =	vld.idx.msk [tilespmem:v17+s29+$0x0], $0xffff;
	v10 =	vadd.f32 v27, v10;
	v8 =	vadd.f32 v8, v11  }
0x1f8: {  	v34 =	vld.idx.msk [tilespmem:v22+s26+$0x0], $0xffff;
	v9 =	vmul.bf16 v9, v25;
	v35 =	vand.u32 $0xFFFF0000, v5;
	v5 =	vshll.u32 v5, $0x10  }
0x1f9: {  	v4 =	vor.u32 v19, v4;
	v36 =	vld.idx.msk [tilespmem:v22+s29+$0x0], $0xffff;
	v10 =	vadd.f32 v35, v10;
	v5 =	vadd.f32 v5, v8  }
0x1fa: {  	v37 =	vld.idx.msk [tilespmem:v31+s26+$0x0], $0xffff;
	v38 =	vand.u32 $0xFFFF0000, v9;
	v9 =	vshll.u32 v9, $0x10;
	v12 =	vmul.bf16 v12, v26  }
0x1fb: {  	v20 =	vor.u32 v3, v33;
	v39 =	vld.idx.msk [tilespmem:v31+s29+$0x0], $0xffff;
	v10 =	vadd.f32 v38, v10;
	v5 =	vadd.f32 v9, v5  }
0x1fc: {  	v40 =	vld.idx.msk [tilespmem:v15+s26+$0x0], $0xffff;
	v17 =	vmul.bf16 v17, v32;
	v41 =	vand.u32 $0xFFFF0000, v12;
	v12 =	vshll.u32 v12, $0x10  }
0x1fd: {  	v18 =	vor.u32 v3, v18;
	v15 =	vld.idx.msk [tilespmem:v15+s29+$0x0], $0xffff;
	v10 =	vadd.f32 v41, v10;
	v5 =	vadd.f32 v12, v5  }
0x1fe: {  	v42 =	vld.idx.msk [tilespmem:v4+s26+$0x0], $0xffff;
	v43 =	vand.u32 $0xFFFF0000, v17;
	v17 =	vshll.u32 v17, $0x10;
	v11 =	vmul.bf16 v36, v34  }
0x1ff: {  	v14 =	vor.u32 v3, v14;
	v4 =	vld.idx.msk [tilespmem:v4+s29+$0x0], $0xffff;
	v10 =	vadd.f32 v43, v10;
	v5 =	vadd.f32 v17, v5  }
0x200: {  	v44 =	vld.idx.msk [tilespmem:v20+s26+$0x0], $0xffff;
	v8 =	vmul.bf16 v39, v37;
	v19 =	vand.u32 $0xFFFF0000, v11;
	v11 =	vshll.u32 v11, $0x10  }
0x201: {  	v16 =	vor.u32 v3, v16;
	v20 =	vld.idx.msk [tilespmem:v20+s29+$0x0], $0xffff;
	v10 =	vadd.f32 v19, v10;
	v5 =	vadd.f32 v11, v5  }
0x202: {  	v45 =	vld.idx.msk [tilespmem:v18+s26+$0x0], $0xffff;
	v9 =	vmul.bf16 v15, v40;
	v46 =	vand.u32 $0xFFFF0000, v8;
	v8 =	vshll.u32 v8, $0x10  }
0x203: {  	v13 =	vor.u32 v3, v13;
	v47 =	vld.idx.msk [tilespmem:v18+s29+$0x0], $0xffff;
	v10 =	vadd.f32 v46, v10;
	v5 =	vadd.f32 v8, v5  }
0x204: {  	v48 =	vld.idx.msk [tilespmem:v14+s26+$0x0], $0xffff;
	v4 =	vmul.bf16 v4, v42;
	v49 =	vand.u32 $0xFFFF0000, v9;
	v9 =	vshll.u32 v9, $0x10  }
0x205: {  	v7 =	vor.u32 v3, v7;
	v50 =	vld.idx.msk [tilespmem:v14+s29+$0x0], $0xffff;
	v10 =	vadd.f32 v49, v10;
	v5 =	vadd.f32 v9, v5  }
0x206: {  	v51 =	vld.idx.msk [tilespmem:v16+s26+$0x0], $0xffff;
	v52 =	vand.u32 $0xFFFF0000, v4;
	v4 =	vshll.u32 v4, $0x10;
	v17 =	vmul.bf16 v20, v44  }
0x207: {  	v53 =	vld.idx.msk [tilespmem:v16+s29+$0x0], $0xffff;
	v3 =	vor.u32 v3, v6;
	v10 =	vadd.f32 v52, v10;
	v4 =	vadd.f32 v4, v5  }
0x208: {  	v54 =	vld.idx.msk [tilespmem:v13+s26+$0x0], $0xffff;
	v11 =	vmul.bf16 v47, v45;
	v55 =	vand.u32 $0xFFFF0000, v17;
	v56 =	vshll.u32 v17, $0x10  }
0x209: {  	v13 =	vld.idx.msk [tilespmem:v13+s29+$0x0], $0xffff;
	v10 =	vadd.f32 v55, v10;
	v4 =	vadd.f32 v56, v4  }
0x20a: {  	v57 =	vld.idx.msk [tilespmem:v7+s26+$0x0], $0xffff;
	v15 =	vand.u32 $0xFFFF0000, v11;
	v11 =	vshll.u32 v11, $0x10;
	v8 =	vmul.bf16 v50, v48  }
0x20b: {  	v7 =	vld.idx.msk [tilespmem:v7+s29+$0x0], $0xffff;
	v10 =	vadd.f32 v15, v10;
	v4 =	vadd.f32 v11, v4  }
0x20c: {  	v6 =	vmul.bf16 v53, v51;
	v58 =	vld.idx.msk [tilespmem:v3+s26+$0x0], $0xffff;
	v12 =	vand.u32 $0xFFFF0000, v8;
	v8 =	vshll.u32 v8, $0x10  }
0x20d: {  	v3 =	vld.idx.msk [tilespmem:v3+s29+$0x0], $0xffff;
	v59 =	vadd.f32 v12, v10;
	v4 =	vadd.f32 v8, v4  }
0x20e: {  	v60 =	vand.u32 $0xFFFF0000, v6;
	v6 =	vshll.u32 v6, $0x10;
	v5 =	vmul.bf16 v13, v54  }
0x20f: {  	v8 =	vadd.f32 v60, v59;
	v4 =	vadd.f32 v6, v4  }
0x210: {  	v7 =	vmul.bf16 v7, v57;
	v61 =	vand.u32 $0xFFFF0000, v5;
	v5 =	vshll.u32 v5, $0x10  }
0x211: {  	v6 =	vadd.f32 v61, v8;
	v4 =	vadd.f32 v5, v4  }
0x212: {  	v62 =	vand.u32 $0xFFFF0000, v7;
	v7 =	vshll.u32 v7, $0x10;
	v3 =	vmul.bf16 v3, v58  }
0x213: {  	v5 =	vadd.f32 v62, v6;
	v4 =	vadd.f32 v7, v4  }
0x214: {  	v63 =	vand.u32 $0xFFFF0000, v3;
	v3 =	vshll.u32 v3, $0x10  }
0x215: {  	v5 =	vadd.f32 v63, v5;
	v3 =	vadd.f32 v3, v4;
	_ =	sdelay $0x1  }
0x216: {  	v3 =	vadd.f32 v3, v5;
	_ =	sdelay $0x1  }
0x217: {  	v3 =	vsub.f32 $0.0e+00, v3;
	_ =	sdelay $0x1  }
0x218: {  	v3 =	vmul.f32 $1.442695020e+00, v3;
	_ =	sdelay $0x1  }
0x219: {  	(erf) = vpow2.f32 v3;
	_ =	sdelay $0x8  }
0x21a: {  	v3 =	vpop (erf)  }
0x21b: {  	v3 =	vadd.f32 $1.000000000e+00, v3;
	_ =	sdelay $0x1  }
0x21c: {  	(erf) = vrcp.f32 v3;
	_ =	sdelay $0x3  }
0x21d: {  	s13 =	sadd.s32 $0x1, s13  }
0x21e: {  	p2 =	sne.s32 s13, $0x5  }
.Ltmp5:
0x21f: {  	_ = 	snop;
	(pc) =	sbr.rel @p2 .LBB2_11-.Ltmp5, $3  }
0x220: {  	_ =	sdelay $0x1  }
0x221: {  	v3 =	vpop (erf)  }
0x222: {  	[tilespmem:s25+$0x18B00] =	vst v3  }
0x223: {  	s0 =	rddreg [dreg:$0xb]  }
0x224: {  	s0 =	sadd.s32 s12, s0  }
0x225: {  	s0 =	sshrl.u32 s0, $0x3  }
0x226: {  	s1 =	simm.s32 $0x18B00;
	s0 =	sadd.s32 s2, s0  }
0x227: {  	[hbm4b:s0+s4] =	stream.linear.scatter [tilespmem:s1], [sflag:$0xB], $0x50, $0x38;
	[tilespmem:$0x18BA0] =	vst v63  }
0x228: {  	s6 =	simm.s32 @!p1 $0x11260;
	s0 =	sadd.s32 @!p1 $0x1E0, s12;
	s1 =	simm.s32 @!p1 $0x50  }
0x229: {  	[tilespmem:s6], [sflag:$0x3] =	stream.indirect.gather @!p1 [spmem:s3], $0x40, s0, s1, $0xb8;
	[tilespmem:$0x18BA0] =	vst v63  }
0x22a: {  	s0 =	sadd.s32 @!p1 $0x28F0, s12;
	s6 =	simm.s32 @!p1 $0x16260  }
0x22b: {  	[tilespmem:s6], [sflag:$0x7] =	stream.indirect.gather @!p1 [spmem:s3], $0x40, s0, s1, $0xb8;
	[tilespmem:$0x18BA0] =	vst v63  }
0x22c: {  	_ =	swait.ge [sflag:s7], $0x1400  }
0x22d: {  	[sflag:s7] =	ssyncset.done $0x0  }
0x22e: {  	[sflag:s7] =	ssyncadd.s32 $0xFFFFEC00  }
0x22f: {  	_ =	swait.ge [sflag:s8], $0x1400  }
0x230: {  	[sflag:s8] =	ssyncset.done $0x0  }
0x231: {  	s0 =	simm.s32 @!p0 $0xC;
	[sflag:s8] =	ssyncadd.s32 $0xFFFFEC00  }
0x232: {  	_ =	swait.ge @!p0 [sflag:s0], $0x50  }
0x233: {  	[sflag:s0] =	ssyncset.done @!p0 $0x0  }
0x234: {  	s12 =	simm.s32 $0x0;
	[sflag:s0] =	ssyncadd.s32 @!p0 $0xFFFFFFB0  }
.LBB2_15:
0x235: {  	s13 =	sshll.u32 s12, $0x4  }
0x236: {  	s6 =	simm.s32 $0x1;
	v3 =	vmov s13  }
0x237: {  	v9 =	vadd.s32 s6, v0;
	v3 =	vshll.u32 v3, $0x6  }
0x238: {  	v9 =	vand.u32 $0x3F, v9;
	v3 =	vor.u32 v1, v3  }
0x239: {  	v9 =	vor.u32 v3, v9  }
0x23a: {  	s1 =	simm.s32 $0x0;
	s11 =	simm.s32 $0x2;
	v5 =	vor.u32 v0, v3  }
0x23b: {  	s0 =	simm.s32 $0xF;
	v10 =	vadd.s32 s11, v0;
	v8 =	vor.u32 s1, v5  }
0x23c: {  	v6 =	vimm.f32 $0.0e+00;
	s25 =	simm.s32 $0xE;
	v7 =	vadd.s32 s0, v0;
	s6 =	simm.s32 $0x3;
	v10 =	vand.u32 $0x3F, v10  }
0x23d: {  	s9 =	simm.s32 $0xD;
	s10 =	simm.s32 $0xB;
	v11 =	vadd.s32 s25, v0;
	v12 =	vadd.s32 s6, v0;
	v10 =	vor.u32 v3, v10  }
0x23e: {  	v13 =	vadd.s32 s9, v0;
	s25 =	simm.s32 $0x4;
	v14 =	vadd.s32 s10, v0;
	v12 =	vand.u32 $0x3F, v12;
	v21 =	vld.idx.msk [tilespmem:v9+s30+$0x0], $0xffff  }
0x23f: {  	s11 =	simm.s32 $0xC;
	s9 =	simm.s32 $0xA;
	v7 =	vand.u32 $0x3F, v7;
	v17 =	vadd.s32 s25, v0;
	v12 =	vor.u32 v3, v12;
	v9 =	vld.idx.msk [tilespmem:v9+s31+$0x0], $0xffff  }
0x240: {  	s10 =	simm.s32 $0x9;
	v15 =	vadd.s32 s11, v0;
	v18 =	vadd.s32 s9, v0;
	v17 =	vand.u32 $0x3F, v17;
	v16 =	vld.idx.msk [tilespmem:v8+s30+$0x0], $0xffff  }
0x241: {  	s6 =	simm.s32 $0x8;
	s11 =	simm.s32 $0x5;
	v20 =	vadd.s32 s10, v0;
	v11 =	vand.u32 $0x3F, v11;
	v17 =	vor.u32 v3, v17;
	v8 =	vld.idx.msk [tilespmem:v8+s31+$0x0], $0xffff  }
0x242: {  	s25 =	simm.s32 $0x7;
	v14 =	vand.u32 $0x3F, v14;
	v19 =	vadd.s32 s6, v0;
	v22 =	vadd.s32 s11, v0;
	v25 =	vld.idx.msk [tilespmem:v10+s30+$0x0], $0xffff  }
0x243: {  	v23 =	vadd.s32 s25, v0;
	v15 =	vand.u32 $0x3F, v15;
	v18 =	vand.u32 $0x3F, v18;
	v10 =	vld.idx.msk [tilespmem:v10+s31+$0x0], $0xffff  }
0x244: {  	s6 =	simm.s32 $0x6;
	v20 =	vand.u32 $0x3F, v20;
	v22 =	vand.u32 $0x3F, v22;
	v15 =	vor.u32 v3, v15;
	v26 =	vld.idx.msk [tilespmem:v12+s30+$0x0], $0xffff  }
0x245: {  	v4 =	vor.u32 v2, v3;
	v24 =	vadd.s32 s6, v0;
	v22 =	vor.u32 v3, v22;
	v12 =	vld.idx.msk [tilespmem:v12+s31+$0x0], $0xffff  }
0x246: {  	v23 =	vand.u32 $0x3F, v23;
	v24 =	vand.u32 $0x3F, v24;
	v49 =	vld.idx.msk [tilespmem:v17+s30+$0x0], $0xffff;
	v8 =	vmul.bf16 v8, v16  }
0x247: {  	v19 =	vand.u32 $0x38, v19;
	v23 =	vor.u32 v3, v23;
	v17 =	vld.idx.msk [tilespmem:v17+s31+$0x0], $0xffff;
	v16 =	vor.u32 v3, v24  }
0x248: {  	v9 =	vmul.bf16 v9, v21;
	v27 =	vand.u32 $0xFFFF0000, v8;
	v8 =	vshll.u32 v8, $0x10  }
0x249: {  	v61 =	vld.idx.msk [tilespmem:v15+s30+$0x0], $0xffff;
	v10 =	vmul.bf16 v10, v25;
	v50 =	vadd.f32 v27, v6;
	v6 =	vadd.f32 v8, v6  }
0x24a: {  	v51 =	vld.idx.msk [tilespmem:v22+s30+$0x0], $0xffff;
	v12 =	vmul.bf16 v12, v26;
	v52 =	vand.u32 $0xFFFF0000, v9;
	v9 =	vshll.u32 v9, $0x10  }
0x24b: {  	v22 =	vld.idx.msk [tilespmem:v22+s31+$0x0], $0xffff;
	v8 =	vor.u32 v19, v4;
	v21 =	vadd.f32 v52, v50;
	v6 =	vadd.f32 v9, v6  }
0x24c: {  	v17 =	vmul.bf16 v17, v49;
	v25 =	vand.u32 $0xFFFF0000, v10;
	v10 =	vshll.u32 v10, $0x10;
	v53 =	vld.idx.msk [tilespmem:v16+s30+$0x0], $0xffff  }
0x24d: {  	v9 =	vor.u32 v3, v20;
	v16 =	vld.idx.msk [tilespmem:v16+s31+$0x0], $0xffff;
	v21 =	vadd.f32 v25, v21;
	v6 =	vadd.f32 v10, v6  }
0x24e: {  	v54 =	vld.idx.msk [tilespmem:v23+s30+$0x0], $0xffff;
	v55 =	vand.u32 $0xFFFF0000, v12;
	v12 =	vshll.u32 v12, $0x10;
	v24 =	vand.u32 $0xFFFF0000, v17  }
0x24f: {  	v23 =	vld.idx.msk [tilespmem:v23+s31+$0x0], $0xffff;
	v10 =	vor.u32 v3, v18;
	v21 =	vadd.f32 v55, v21;
	v6 =	vadd.f32 v12, v6  }
0x250: {  	v17 =	vshll.u32 v17, $0x10;
	v19 =	vmul.bf16 v22, v51;
	v12 =	vor.u32 v3, v14;
	v14 =	vld.idx.msk [tilespmem:v8+s30+$0x0], $0xffff  }
0x251: {  	v13 =	vand.u32 $0x3F, v13;
	v8 =	vld.idx.msk [tilespmem:v8+s31+$0x0], $0xffff;
	v21 =	vadd.f32 v24, v21;
	v6 =	vadd.f32 v17, v6  }
0x252: {  	v22 =	vand.u32 $0xFFFF0000, v19;
	v19 =	vshll.u32 v19, $0x10;
	v16 =	vmul.bf16 v16, v53;
	v17 =	vld.idx.msk [tilespmem:v9+s30+$0x0], $0xffff  }
0x253: {  	v13 =	vor.u32 v3, v13;
	v9 =	vld.idx.msk [tilespmem:v9+s31+$0x0], $0xffff;
	v56 =	vadd.f32 v22, v21;
	v6 =	vadd.f32 v19, v6  }
0x254: {  	v18 =	vmul.bf16 v23, v54;
	v57 =	vld.idx.msk [tilespmem:v10+s30+$0x0], $0xffff;
	v58 =	vand.u32 $0xFFFF0000, v16;
	v16 =	vshll.u32 v16, $0x10  }
0x255: {  	v11 =	vor.u32 v3, v11;
	v10 =	vld.idx.msk [tilespmem:v10+s31+$0x0], $0xffff;
	v20 =	vadd.f32 v58, v56;
	v6 =	vadd.f32 v16, v6  }
0x256: {  	v59 =	vand.u32 $0xFFFF0000, v18;
	v18 =	vshll.u32 v18, $0x10;
	v8 =	vmul.bf16 v8, v14;
	v16 =	vld.idx.msk [tilespmem:v12+s30+$0x0], $0xffff  }
0x257: {  	v60 =	vor.u32 v3, v7;
	v12 =	vld.idx.msk [tilespmem:v12+s31+$0x0], $0xffff;
	v14 =	vadd.f32 v59, v20;
	v6 =	vadd.f32 v18, v6  }
0x258: {  	s6 =	simm.s32 $0x1F;
	v15 =	vld.idx.msk [tilespmem:v15+s31+$0x0], $0xffff;
	v7 =	vand.u32 $0xFFFF0000, v8;
	v8 =	vshll.u32 v8, $0x10;
	v9 =	vmul.bf16 v9, v17  }
0x259: {  	v17 =	vadd.s32 s6, v0;
	v7 =	vadd.f32 v7, v14;
	v8 =	vadd.f32 v8, v6  }
0x25a: {  	v10 =	vmul.bf16 v10, v57;
	v62 =	vand.u32 $0xFFFF0000, v9;
	v9 =	vshll.u32 v9, $0x10;
	v14 =	vld.idx.msk [tilespmem:v13+s30+$0x0], $0xffff  }
0x25b: {  	v13 =	vld.idx.msk [tilespmem:v13+s31+$0x0], $0xffff;
	v6 =	vand.u32 $0x3F, v17;
	v17 =	vadd.f32 v62, v7;
	v8 =	vadd.f32 v9, v8  }
0x25c: {  	v63 =	vld.idx.msk [tilespmem:v11+s30+$0x0], $0xffff;
	v12 =	vmul.bf16 v12, v16;
	v9 =	vand.u32 $0xFFFF0000, v10;
	v10 =	vshll.u32 v10, $0x10  }
0x25d: {  	s9 =	simm.s32 $0x1E;
	v11 =	vld.idx.msk [tilespmem:v11+s31+$0x0], $0xffff;
	v15 =	vmul.bf16 v15, v61;
	v16 =	vadd.f32 v9, v17;
	v8 =	vadd.f32 v10, v8  }
0x25e: {  	s10 =	simm.s32 $0x12;
	v18 =	vld.idx.msk [tilespmem:v60+s31+$0x0], $0xffff;
	v7 =	vadd.s32 s9, v0;
	v10 =	vand.u32 $0xFFFF0000, v12;
	v12 =	vshll.u32 v12, $0x10  }
0x25f: {  	v17 =	vld.idx.msk [tilespmem:v60+s30+$0x0], $0xffff;
	v9 =	vadd.s32 s10, v0;
	v10 =	vadd.f32 v10, v16;
	v12 =	vadd.f32 v12, v8  }
0x260: {  	s11 =	simm.s32 $0x10;
	v13 =	vmul.bf16 v13, v14;
	v16 =	vand.u32 $0xFFFF0000, v15;
	v15 =	vshll.u32 v15, $0x10  }
0x261: {  	v8 =	vor.u32 s11, v5;
	v14 =	vadd.f32 v16, v10;
	v12 =	vadd.f32 v15, v12  }
0x262: {  	s25 =	simm.s32 $0x11;
	v15 =	vand.u32 $0xFFFF0000, v13;
	v13 =	vshll.u32 v13, $0x10;
	v16 =	vmul.bf16 v11, v63  }
0x263: {  	v10 =	vadd.s32 s25, v0;
	v11 =	vadd.f32 v15, v14;
	v12 =	vadd.f32 v13, v12  }
0x264: {  	s9 =	simm.s32 $0x2F;
	v14 =	vand.u32 $0xFFFF0000, v16;
	v15 =	vshll.u32 v16, $0x10;
	v13 =	vmul.bf16 v18, v17  }
.LBB2_16:
0x265: {  	p0 =	sne.s32 s9, $0x3F;
	v10 =	vand.u32 $0x3F, v10;
	v11 =	vadd.f32 v14, v11;
	v12 =	vadd.f32 v15, v12  }
0x266: {  	v10 =	vor.u32 v3, v10;
	v14 =	vand.u32 $0xFFFF0000, v13;
	v13 =	vshll.u32 v13, $0x10  }
0x267: {  	v9 =	vand.u32 $0x3F, v9;
	s0 =	sadd.s32 $0xFFFFFFF4, s6;
	s1 =	sadd.s32 $0xFFFFFFFE, s6;
	v11 =	vadd.f32 v14, v11;
	v12 =	vadd.f32 v13, v12  }
0x268: {  	s10 =	sadd.s32 $0xFFFFFFFD, s6;
	v9 =	vor.u32 v3, v9;
	v13 =	vadd.s32 s0, v0;
	s0 =	sadd.s32 $0xFFFFFFFC, s6;
	v14 =	vadd.s32 s1, v0  }
0x269: {  	s11 =	sadd.s32 $0xFFFFFFFB, s6;
	v17 =	vadd.s32 s10, v0;
	s1 =	sadd.s32 $0xFFFFFFF5, s6;
	v13 =	vand.u32 $0x3F, v13;
	v16 =	vadd.s32 s0, v0;
	v15 =	vld.idx.msk [tilespmem:v8+s30+$0x0], $0xffff  }
0x26a: {  	v19 =	vadd.s32 s11, v0;
	v18 =	vadd.s32 s1, v0;
	s0 =	sadd.s32 $0xFFFFFFF9, s6;
	s1 =	sadd.s32 $0xFFFFFFFA, s6;
	v13 =	vor.u32 v3, v13;
	v8 =	vld.idx.msk [tilespmem:v8+s31+$0x0], $0xffff  }
0x26b: {  	s10 =	sadd.s32 $0xFFFFFFF6, s6;
	s11 =	sadd.s32 $0xFFFFFFF8, s6;
	v18 =	vand.u32 $0x3F, v18;
	v21 =	vadd.s32 s0, v0;
	v22 =	vadd.s32 s1, v0;
	v20 =	vld.idx.msk [tilespmem:v10+s30+$0x0], $0xffff  }
0x26c: {  	v23 =	vadd.s32 s10, v0;
	v24 =	vadd.s32 s11, v0;
	s0 =	sadd.s32 $0xFFFFFFF7, s6;
	s6 =	smov.u32 s9;
	v18 =	vor.u32 v3, v18;
	v10 =	vld.idx.msk [tilespmem:v10+s31+$0x0], $0xffff  }
0x26d: {  	v7 =	vand.u32 $0x3F, v7;
	v23 =	vand.u32 $0x3F, v23;
	v26 =	vadd.s32 s0, v0;
	v25 =	vld.idx.msk [tilespmem:v9+s30+$0x0], $0xffff  }
0x26e: {  	v17 =	vand.u32 $0x3F, v17;
	v14 =	vand.u32 $0x3F, v14;
	v23 =	vor.u32 v3, v23;
	v9 =	vld.idx.msk [tilespmem:v9+s31+$0x0], $0xffff  }
0x26f: {  	v19 =	vand.u32 $0x3F, v19;
	v16 =	vand.u32 $0x3F, v16;
	v26 =	vand.u32 $0x3F, v26;
	v27 =	vld.idx.msk [tilespmem:v13+s30+$0x0], $0xffff  }
0x270: {  	v24 =	vand.u32 $0x3F, v24;
	v8 =	vmul.bf16 v8, v15;
	v15 =	vor.u32 v3, v26;
	v13 =	vld.idx.msk [tilespmem:v13+s31+$0x0], $0xffff  }
0x271: {  	v24 =	vor.u32 v3, v24;
	v21 =	vand.u32 $0x38, v21;
	v22 =	vand.u32 $0x3F, v22;
	v26 =	vld.idx.msk [tilespmem:v18+s30+$0x0], $0xffff  }
0x272: {  	v28 =	vand.u32 $0xFFFF0000, v8;
	v8 =	vshll.u32 v8, $0x10;
	v10 =	vmul.bf16 v10, v20;
	v18 =	vld.idx.msk [tilespmem:v18+s31+$0x0], $0xffff  }
0x273: {  	v20 =	vor.u32 v21, v4;
	v11 =	vadd.f32 v28, v11;
	v8 =	vadd.f32 v8, v12;
	v12 =	vld.idx.msk [tilespmem:v23+s30+$0x0], $0xffff  }
0x274: {  	v21 =	vand.u32 $0xFFFF0000, v10;
	v10 =	vshll.u32 v10, $0x10;
	v9 =	vmul.bf16 v9, v25;
	v23 =	vld.idx.msk [tilespmem:v23+s31+$0x0], $0xffff  }
0x275: {  	v11 =	vadd.f32 v21, v11;
	v8 =	vadd.f32 v10, v8;
	v21 =	vor.u32 v3, v22;
	v10 =	vld.idx.msk [tilespmem:v15+s30+$0x0], $0xffff  }
0x276: {  	v22 =	vand.u32 $0xFFFF0000, v9;
	v9 =	vshll.u32 v9, $0x10;
	v13 =	vmul.bf16 v13, v27;
	v15 =	vld.idx.msk [tilespmem:v15+s31+$0x0], $0xffff  }
0x277: {  	v19 =	vor.u32 v3, v19;
	v11 =	vadd.f32 v22, v11;
	v8 =	vadd.f32 v9, v8;
	v9 =	vld.idx.msk [tilespmem:v24+s30+$0x0], $0xffff  }
0x278: {  	v22 =	vand.u32 $0xFFFF0000, v13;
	v13 =	vshll.u32 v13, $0x10;
	v18 =	vmul.bf16 v18, v26;
	v24 =	vld.idx.msk [tilespmem:v24+s31+$0x0], $0xffff  }
0x279: {  	v16 =	vor.u32 v3, v16;
	v11 =	vadd.f32 v22, v11;
	v8 =	vadd.f32 v13, v8;
	v13 =	vld.idx.msk [tilespmem:v20+s30+$0x0], $0xffff  }
0x27a: {  	v22 =	vand.u32 $0xFFFF0000, v18;
	v18 =	vshll.u32 v18, $0x10;
	v12 =	vmul.bf16 v23, v12;
	v20 =	vld.idx.msk [tilespmem:v20+s31+$0x0], $0xffff  }
0x27b: {  	v17 =	vor.u32 v3, v17;
	v11 =	vadd.f32 v22, v11;
	v8 =	vadd.f32 v18, v8;
	v18 =	vld.idx.msk [tilespmem:v21+s30+$0x0], $0xffff  }
0x27c: {  	v22 =	vand.u32 $0xFFFF0000, v12;
	v12 =	vshll.u32 v12, $0x10;
	v10 =	vmul.bf16 v15, v10;
	v15 =	vld.idx.msk [tilespmem:v21+s31+$0x0], $0xffff  }
0x27d: {  	v14 =	vor.u32 v3, v14;
	v11 =	vadd.f32 v22, v11;
	v8 =	vadd.f32 v12, v8;
	v12 =	vld.idx.msk [tilespmem:v19+s30+$0x0], $0xffff  }
0x27e: {  	v21 =	vand.u32 $0xFFFF0000, v10;
	v10 =	vshll.u32 v10, $0x10;
	v9 =	vmul.bf16 v24, v9;
	v19 =	vld.idx.msk [tilespmem:v19+s31+$0x0], $0xffff  }
0x27f: {  	v7 =	vor.u32 v3, v7;
	v11 =	vadd.f32 v21, v11;
	v8 =	vadd.f32 v10, v8;
	v10 =	vld.idx.msk [tilespmem:v16+s30+$0x0], $0xffff  }
0x280: {  	v21 =	vand.u32 $0xFFFF0000, v9;
	v9 =	vshll.u32 v9, $0x10;
	v13 =	vmul.bf16 v20, v13;
	v16 =	vld.idx.msk [tilespmem:v16+s31+$0x0], $0xffff  }
0x281: {  	v20 =	vor.u32 v3, v6;
	v11 =	vadd.f32 v21, v11;
	v8 =	vadd.f32 v9, v8;
	v9 =	vld.idx.msk [tilespmem:v17+s30+$0x0], $0xffff  }
0x282: {  	v6 =	vand.u32 $0xFFFF0000, v13;
	v13 =	vshll.u32 v13, $0x10;
	v15 =	vmul.bf16 v15, v18;
	v17 =	vld.idx.msk [tilespmem:v17+s31+$0x0], $0xffff  }
0x283: {  	v18 =	vadd.s32 s9, v0;
	v11 =	vadd.f32 v6, v11;
	v8 =	vadd.f32 v13, v8;
	v13 =	vld.idx.msk [tilespmem:v14+s30+$0x0], $0xffff  }
0x284: {  	v21 =	vand.u32 $0xFFFF0000, v15;
	v15 =	vshll.u32 v15, $0x10;
	v12 =	vmul.bf16 v19, v12;
	v14 =	vld.idx.msk [tilespmem:v14+s31+$0x0], $0xffff  }
0x285: {  	v6 =	vand.u32 $0x3F, v18;
	v11 =	vadd.f32 v21, v11;
	v8 =	vadd.f32 v15, v8;
	v15 =	vld.idx.msk [tilespmem:v7+s30+$0x0], $0xffff  }
0x286: {  	s0 =	sadd.s32 $0xFFFFFFFF, s9;
	v18 =	vand.u32 $0xFFFF0000, v12;
	v12 =	vshll.u32 v12, $0x10;
	v10 =	vmul.bf16 v16, v10;
	v16 =	vld.idx.msk [tilespmem:v7+s31+$0x0], $0xffff  }
0x287: {  	v7 =	vadd.s32 s0, v0;
	v11 =	vadd.f32 v18, v11;
	v8 =	vadd.f32 v12, v8;
	v18 =	vld.idx.msk [tilespmem:v20+s30+$0x0], $0xffff  }
0x288: {  	s0 =	sadd.s32 $0xFFFFFFF3, s9;
	v12 =	vand.u32 $0xFFFF0000, v10;
	v10 =	vshll.u32 v10, $0x10;
	v17 =	vmul.bf16 v17, v9;
	v19 =	vld.idx.msk [tilespmem:v20+s31+$0x0], $0xffff  }
0x289: {  	v9 =	vadd.s32 s0, v0;
	v11 =	vadd.f32 v12, v11;
	v10 =	vadd.f32 v10, v8  }
.Ltmp6:
0x28a: {  	s0 =	sadd.s32 $0xFFFFFFF1, s9;
	v12 =	vand.u32 $0xFFFF0000, v17;
	v17 =	vshll.u32 v17, $0x10;
	v13 =	vmul.bf16 v14, v13;
	(pc) =	sbr.rel @p0 .LBB2_16-.Ltmp6, $4  }
0x28b: {  	v8 =	vor.u32 s0, v5;
	v11 =	vadd.f32 v12, v11;
	v12 =	vadd.f32 v17, v10  }
0x28c: {  	s0 =	sadd.s32 $0xFFFFFFF2, s9;
	v14 =	vand.u32 $0xFFFF0000, v13;
	v13 =	vshll.u32 v13, $0x10;
	v15 =	vmul.bf16 v16, v15  }
0x28d: {  	v10 =	vadd.s32 s0, v0;
	v11 =	vadd.f32 v14, v11;
	v12 =	vadd.f32 v13, v12  }
0x28e: {  	s9 =	sadd.s32 $0x10, s9;
	v14 =	vand.u32 $0xFFFF0000, v15;
	v15 =	vshll.u32 v15, $0x10;
	v13 =	vmul.bf16 v19, v18  }
0x28f: {  	v5 =	vand.u32 $0x3F, v10;
	v57 =	vadd.f32 v14, v11  }
0x290: {  	v58 =	vadd.f32 v15, v12;
	v9 =	vand.u32 $0x3F, v9;
	v7 =	vand.u32 $0x3F, v7  }
0x291: {  	s0 =	sadd.s32 $0xFFFFFFF4, s6;
	s1 =	sadd.s32 $0xFFFFFFFE, s6;
	v5 =	vor.u32 v3, v5;
	v59 =	vand.u32 $0xFFFF0000, v13;
	v60 =	vshll.u32 v13, $0x10  }
0x292: {  	s11 =	sadd.s32 $0xFFFFFFFC, s6;
	s9 =	sadd.s32 $0xFFFFFFFD, s6;
	s25 =	sadd.s32 $0xFFFFFFF5, s6;
	v9 =	vor.u32 v3, v9;
	v61 =	vadd.s32 s0, v0;
	v62 =	vadd.s32 s1, v0  }
0x293: {  	s10 =	sadd.s32 $0xFFFFFFFB, s6;
	v63 =	vadd.s32 s11, v0;
	v16 =	vadd.s32 s9, v0;
	v17 =	vadd.s32 s25, v0  }
0x294: {  	v28 =	vld.idx.msk [tilespmem:v8+s30+$0x0], $0xffff;
	v18 =	vadd.s32 s10, v0;
	v10 =	vadd.f32 v59, v57;
	v12 =	vand.u32 $0x3F, v61  }
0x295: {  	v29 =	vld.idx.msk [tilespmem:v8+s31+$0x0], $0xffff;
	s11 =	sadd.s32 $0xFFFFFFF9, s6;
	s25 =	sadd.s32 $0xFFFFFFFA, s6;
	s10 =	sadd.s32 $0xFFFFFFF6, s6;
	v11 =	vadd.f32 v60, v58;
	v17 =	vand.u32 $0x3F, v17;
	v12 =	vor.u32 v3, v12  }
0x296: {  	v19 =	vadd.s32 s11, v0;
	v21 =	vadd.s32 s25, v0;
	v22 =	vadd.s32 s10, v0;
	v20 =	vld.idx.msk [tilespmem:v5+s30+$0x0], $0xffff  }
0x297: {  	v16 =	vand.u32 $0x3F, v16;
	v13 =	vand.u32 $0x3F, v62;
	v17 =	vor.u32 v3, v17;
	v5 =	vld.idx.msk [tilespmem:v5+s31+$0x0], $0xffff  }
0x298: {  	s11 =	sadd.s32 $0xFFFFFFF8, s6;
	s25 =	sadd.s32 $0xFFFFFFF7, s6;
	v18 =	vand.u32 $0x3F, v18;
	v14 =	vand.u32 $0x3F, v63;
	v22 =	vand.u32 $0x3F, v22;
	v25 =	vld.idx.msk [tilespmem:v9+s30+$0x0], $0xffff  }
0x299: {  	v23 =	vadd.s32 s11, v0;
	v24 =	vadd.s32 s25, v0;
	v22 =	vor.u32 v3, v22;
	v9 =	vld.idx.msk [tilespmem:v9+s31+$0x0], $0xffff  }
0x29a: {  	v19 =	vand.u32 $0x38, v19;
	v24 =	vand.u32 $0x3F, v24;
	v8 =	vmul.bf16 v29, v28;
	v26 =	vld.idx.msk [tilespmem:v12+s30+$0x0], $0xffff  }
0x29b: {  	v33 =	vand.u32 $0x3F, v21;
	v30 =	vand.u32 $0x3F, v23;
	v31 =	vor.u32 v3, v24;
	v12 =	vld.idx.msk [tilespmem:v12+s31+$0x0], $0xffff  }
0x29c: {  	v27 =	vand.u32 $0xFFFF0000, v8;
	v8 =	vshll.u32 v8, $0x10;
	v32 =	vld.idx.msk [tilespmem:v17+s30+$0x0], $0xffff;
	v5 =	vmul.bf16 v5, v20  }
0x29d: {  	v15 =	vor.u32 v3, v30;
	v17 =	vld.idx.msk [tilespmem:v17+s31+$0x0], $0xffff;
	v10 =	vadd.f32 v27, v10;
	v8 =	vadd.f32 v8, v11  }
0x29e: {  	v34 =	vld.idx.msk [tilespmem:v22+s30+$0x0], $0xffff;
	v9 =	vmul.bf16 v9, v25;
	v35 =	vand.u32 $0xFFFF0000, v5;
	v5 =	vshll.u32 v5, $0x10  }
0x29f: {  	v4 =	vor.u32 v19, v4;
	v36 =	vld.idx.msk [tilespmem:v22+s31+$0x0], $0xffff;
	v10 =	vadd.f32 v35, v10;
	v5 =	vadd.f32 v5, v8  }
0x2a0: {  	v37 =	vld.idx.msk [tilespmem:v31+s30+$0x0], $0xffff;
	v38 =	vand.u32 $0xFFFF0000, v9;
	v9 =	vshll.u32 v9, $0x10;
	v12 =	vmul.bf16 v12, v26  }
0x2a1: {  	v39 =	vld.idx.msk [tilespmem:v31+s31+$0x0], $0xffff;
	v20 =	vor.u32 v3, v33;
	v10 =	vadd.f32 v38, v10;
	v5 =	vadd.f32 v9, v5  }
0x2a2: {  	v40 =	vld.idx.msk [tilespmem:v15+s30+$0x0], $0xffff;
	v17 =	vmul.bf16 v17, v32;
	v41 =	vand.u32 $0xFFFF0000, v12;
	v12 =	vshll.u32 v12, $0x10  }
0x2a3: {  	v18 =	vor.u32 v3, v18;
	v15 =	vld.idx.msk [tilespmem:v15+s31+$0x0], $0xffff;
	v10 =	vadd.f32 v41, v10;
	v5 =	vadd.f32 v12, v5  }
0x2a4: {  	v42 =	vld.idx.msk [tilespmem:v4+s30+$0x0], $0xffff;
	v11 =	vmul.bf16 v36, v34;
	v43 =	vand.u32 $0xFFFF0000, v17;
	v17 =	vshll.u32 v17, $0x10  }
0x2a5: {  	v14 =	vor.u32 v3, v14;
	v4 =	vld.idx.msk [tilespmem:v4+s31+$0x0], $0xffff;
	v10 =	vadd.f32 v43, v10;
	v5 =	vadd.f32 v17, v5  }
0x2a6: {  	v8 =	vmul.bf16 v39, v37;
	v44 =	vld.idx.msk [tilespmem:v20+s30+$0x0], $0xffff;
	v19 =	vand.u32 $0xFFFF0000, v11;
	v11 =	vshll.u32 v11, $0x10  }
0x2a7: {  	v16 =	vor.u32 v3, v16;
	v20 =	vld.idx.msk [tilespmem:v20+s31+$0x0], $0xffff;
	v10 =	vadd.f32 v19, v10;
	v5 =	vadd.f32 v11, v5  }
0x2a8: {  	v45 =	vld.idx.msk [tilespmem:v18+s30+$0x0], $0xffff;
	v9 =	vmul.bf16 v15, v40;
	v46 =	vand.u32 $0xFFFF0000, v8;
	v8 =	vshll.u32 v8, $0x10  }
0x2a9: {  	v13 =	vor.u32 v3, v13;
	v47 =	vld.idx.msk [tilespmem:v18+s31+$0x0], $0xffff;
	v10 =	vadd.f32 v46, v10;
	v5 =	vadd.f32 v8, v5  }
0x2aa: {  	v48 =	vld.idx.msk [tilespmem:v14+s30+$0x0], $0xffff;
	v4 =	vmul.bf16 v4, v42;
	v49 =	vand.u32 $0xFFFF0000, v9;
	v9 =	vshll.u32 v9, $0x10  }
0x2ab: {  	v7 =	vor.u32 v3, v7;
	v50 =	vld.idx.msk [tilespmem:v14+s31+$0x0], $0xffff;
	v10 =	vadd.f32 v49, v10;
	v5 =	vadd.f32 v9, v5  }
0x2ac: {  	v51 =	vld.idx.msk [tilespmem:v16+s30+$0x0], $0xffff;
	v52 =	vand.u32 $0xFFFF0000, v4;
	v4 =	vshll.u32 v4, $0x10;
	v17 =	vmul.bf16 v20, v44  }
0x2ad: {  	v53 =	vld.idx.msk [tilespmem:v16+s31+$0x0], $0xffff;
	v3 =	vor.u32 v3, v6;
	v10 =	vadd.f32 v52, v10;
	v4 =	vadd.f32 v4, v5  }
0x2ae: {  	v54 =	vld.idx.msk [tilespmem:v13+s30+$0x0], $0xffff;
	v11 =	vmul.bf16 v47, v45;
	v55 =	vand.u32 $0xFFFF0000, v17;
	v56 =	vshll.u32 v17, $0x10  }
0x2af: {  	v13 =	vld.idx.msk [tilespmem:v13+s31+$0x0], $0xffff;
	v10 =	vadd.f32 v55, v10;
	v4 =	vadd.f32 v56, v4  }
0x2b0: {  	v57 =	vld.idx.msk [tilespmem:v7+s30+$0x0], $0xffff;
	v15 =	vand.u32 $0xFFFF0000, v11;
	v11 =	vshll.u32 v11, $0x10;
	v8 =	vmul.bf16 v50, v48  }
0x2b1: {  	v7 =	vld.idx.msk [tilespmem:v7+s31+$0x0], $0xffff;
	v10 =	vadd.f32 v15, v10;
	v4 =	vadd.f32 v11, v4  }
0x2b2: {  	v6 =	vmul.bf16 v53, v51;
	v58 =	vld.idx.msk [tilespmem:v3+s30+$0x0], $0xffff;
	v12 =	vand.u32 $0xFFFF0000, v8;
	v8 =	vshll.u32 v8, $0x10  }
0x2b3: {  	v3 =	vld.idx.msk [tilespmem:v3+s31+$0x0], $0xffff;
	v59 =	vadd.f32 v12, v10;
	v4 =	vadd.f32 v8, v4  }
0x2b4: {  	v60 =	vand.u32 $0xFFFF0000, v6;
	v6 =	vshll.u32 v6, $0x10;
	v5 =	vmul.bf16 v13, v54  }
0x2b5: {  	v8 =	vadd.f32 v60, v59;
	v4 =	vadd.f32 v6, v4  }
0x2b6: {  	v7 =	vmul.bf16 v7, v57;
	v61 =	vand.u32 $0xFFFF0000, v5;
	v5 =	vshll.u32 v5, $0x10  }
0x2b7: {  	v6 =	vadd.f32 v61, v8;
	v4 =	vadd.f32 v5, v4  }
0x2b8: {  	v62 =	vand.u32 $0xFFFF0000, v7;
	v7 =	vshll.u32 v7, $0x10;
	v3 =	vmul.bf16 v3, v58  }
0x2b9: {  	v5 =	vadd.f32 v62, v6;
	v4 =	vadd.f32 v7, v4  }
0x2ba: {  	v63 =	vand.u32 $0xFFFF0000, v3;
	v3 =	vshll.u32 v3, $0x10  }
0x2bb: {  	v5 =	vadd.f32 v63, v5;
	v3 =	vadd.f32 v3, v4;
	_ =	sdelay $0x1  }
0x2bc: {  	v3 =	vadd.f32 v3, v5;
	_ =	sdelay $0x1  }
0x2bd: {  	v3 =	vsub.f32 $0.0e+00, v3;
	_ =	sdelay $0x1  }
0x2be: {  	v3 =	vmul.f32 $1.442695020e+00, v3;
	_ =	sdelay $0x1  }
0x2bf: {  	(erf) = vpow2.f32 v3;
	_ =	sdelay $0x8  }
0x2c0: {  	v3 =	vpop (erf)  }
0x2c1: {  	v3 =	vadd.f32 $1.000000000e+00, v3;
	_ =	sdelay $0x1  }
0x2c2: {  	(erf) = vrcp.f32 v3;
	_ =	sdelay $0x3  }
0x2c3: {  	s12 =	sadd.s32 $0x1, s12  }
0x2c4: {  	p0 =	sne.s32 s12, $0x5  }
.Ltmp7:
0x2c5: {  	_ = 	snop;
	(pc) =	sbr.rel @p0 .LBB2_15-.Ltmp7, $3  }
0x2c6: {  	_ =	sdelay $0x1  }
0x2c7: {  	v3 =	vpop (erf)  }
0x2c8: {  	[tilespmem:s13+$0x18B50] =	vst v3  }
0x2c9: {  	s15 =	sadd.s32 $0x1, s15  }
0x2ca: {  	p0 =	sne.s32 s15, $0x1F  }
.Ltmp8:
0x2cb: {  	_ = 	snop;
	(pc) =	sbr.rel @p0 .LBB2_2-.Ltmp8, $4  }
0x2cc: {  	s0 =	sadd.s32 s5, s16  }
0x2cd: {  	s0 =	sshrl.u32 s0, $0x3  }
0x2ce: {  	s1 =	simm.s32 $0x18B50;
	s0 =	sadd.s32 s2, s0  }
0x2cf: {  	[hbm4b:s0+s4] =	stream.linear.scatter [tilespmem:s1], [sflag:$0xC], $0x50, $0x38;
	[tilespmem:$0x18BA0] =	vst v63  }
0x2d0: {  	_ =	swait.ge [sflag:s17], $0x1400  }
0x2d1: {  	[sflag:s17] =	ssyncset.done $0x0  }
0x2d2: {  	[sflag:s17] =	ssyncadd.s32 $0xFFFFEC00  }
0x2d3: {  	_ =	swait.ge [sflag:s18], $0x1400  }
0x2d4: {  	[sflag:s18] =	ssyncset.done $0x0  }
0x2d5: {  	s15 =	simm.s32 $0x9;
	[sflag:s18] =	ssyncadd.s32 $0xFFFFEC00  }
0x2d6: {  	_ =	swait.ge [sflag:s15], $0x50  }
0x2d7: {  	[sflag:s15] =	ssyncset.done $0x0  }
0x2d8: {  	s12 =	simm.s32 $0x0;
	[sflag:s15] =	ssyncadd.s32 $0xFFFFFFB0  }
.LBB2_20:
0x2d9: {  	s13 =	sshll.u32 s12, $0x4  }
0x2da: {  	s6 =	simm.s32 $0x1;
	v3 =	vmov s13  }
0x2db: {  	v9 =	vadd.s32 s6, v0;
	v3 =	vshll.u32 v3, $0x6  }
0x2dc: {  	v9 =	vand.u32 $0x3F, v9;
	v3 =	vor.u32 v1, v3  }
0x2dd: {  	v9 =	vor.u32 v3, v9  }
0x2de: {  	s1 =	simm.s32 $0x0;
	s25 =	simm.s32 $0x2;
	v5 =	vor.u32 v0, v3  }
0x2df: {  	s0 =	simm.s32 $0xF;
	v10 =	vadd.s32 s25, v0;
	v8 =	vor.u32 s1, v5  }
0x2e0: {  	v6 =	vimm.f32 $0.0e+00;
	s9 =	simm.s32 $0x3;
	s10 =	simm.s32 $0xD;
	v7 =	vadd.s32 s0, v0;
	v10 =	vand.u32 $0x3F, v10  }
0x2e1: {  	s11 =	simm.s32 $0xB;
	s16 =	simm.s32 $0xC;
	v12 =	vadd.s32 s9, v0;
	v13 =	vadd.s32 s10, v0;
	v10 =	vor.u32 v3, v10  }
0x2e2: {  	s25 =	simm.s32 $0x4;
	v14 =	vadd.s32 s11, v0;
	v15 =	vadd.s32 s16, v0;
	v12 =	vand.u32 $0x3F, v12;
	v21 =	vld.idx.msk [tilespmem:v9+s20+$0x0], $0xffff  }
0x2e3: {  	s6 =	simm.s32 $0xE;
	s9 =	simm.s32 $0xA;
	v7 =	vand.u32 $0x3F, v7;
	v17 =	vadd.s32 s25, v0;
	v12 =	vor.u32 v3, v12;
	v9 =	vld.idx.msk [tilespmem:v9+s21+$0x0], $0xffff  }
0x2e4: {  	s10 =	simm.s32 $0x8;
	s11 =	simm.s32 $0x9;
	v11 =	vadd.s32 s6, v0;
	v18 =	vadd.s32 s9, v0;
	v17 =	vand.u32 $0x3F, v17;
	v16 =	vld.idx.msk [tilespmem:v8+s20+$0x0], $0xffff  }
0x2e5: {  	s16 =	simm.s32 $0x5;
	v19 =	vadd.s32 s10, v0;
	v20 =	vadd.s32 s11, v0;
	v17 =	vor.u32 v3, v17;
	v8 =	vld.idx.msk [tilespmem:v8+s21+$0x0], $0xffff  }
0x2e6: {  	s25 =	simm.s32 $0x7;
	v22 =	vadd.s32 s16, v0;
	v15 =	vand.u32 $0x3F, v15;
	v13 =	vand.u32 $0x3F, v13;
	v25 =	vld.idx.msk [tilespmem:v10+s20+$0x0], $0xffff  }
0x2e7: {  	s6 =	simm.s32 $0x6;
	v14 =	vand.u32 $0x3F, v14;
	v23 =	vadd.s32 s25, v0;
	v22 =	vand.u32 $0x3F, v22;
	v10 =	vld.idx.msk [tilespmem:v10+s21+$0x0], $0xffff  }
0x2e8: {  	v24 =	vadd.s32 s6, v0;
	v18 =	vand.u32 $0x3F, v18;
	v22 =	vor.u32 v3, v22;
	v26 =	vld.idx.msk [tilespmem:v12+s20+$0x0], $0xffff  }
0x2e9: {  	v19 =	vand.u32 $0x38, v19;
	v20 =	vand.u32 $0x3F, v20;
	v24 =	vand.u32 $0x3F, v24;
	v12 =	vld.idx.msk [tilespmem:v12+s21+$0x0], $0xffff  }
0x2ea: {  	v23 =	vand.u32 $0x3F, v23;
	v15 =	vor.u32 v3, v15;
	v49 =	vld.idx.msk [tilespmem:v17+s20+$0x0], $0xffff;
	v8 =	vmul.bf16 v8, v16  }
0x2eb: {  	v4 =	vor.u32 v2, v3;
	v23 =	vor.u32 v3, v23;
	v17 =	vld.idx.msk [tilespmem:v17+s21+$0x0], $0xffff;
	v16 =	vor.u32 v3, v24  }
0x2ec: {  	v9 =	vmul.bf16 v9, v21;
	v27 =	vand.u32 $0xFFFF0000, v8;
	v8 =	vshll.u32 v8, $0x10  }
0x2ed: {  	v51 =	vld.idx.msk [tilespmem:v22+s20+$0x0], $0xffff;
	v10 =	vmul.bf16 v10, v25;
	v50 =	vadd.f32 v27, v6;
	v6 =	vadd.f32 v8, v6  }
0x2ee: {  	v22 =	vld.idx.msk [tilespmem:v22+s21+$0x0], $0xffff;
	v12 =	vmul.bf16 v12, v26;
	v52 =	vand.u32 $0xFFFF0000, v9;
	v9 =	vshll.u32 v9, $0x10  }
0x2ef: {  	v61 =	vld.idx.msk [tilespmem:v15+s20+$0x0], $0xffff;
	v8 =	vor.u32 v19, v4;
	v21 =	vadd.f32 v52, v50;
	v6 =	vadd.f32 v9, v6  }
0x2f0: {  	v17 =	vmul.bf16 v17, v49;
	v25 =	vand.u32 $0xFFFF0000, v10;
	v10 =	vshll.u32 v10, $0x10;
	v53 =	vld.idx.msk [tilespmem:v16+s20+$0x0], $0xffff  }
0x2f1: {  	v9 =	vor.u32 v3, v20;
	v16 =	vld.idx.msk [tilespmem:v16+s21+$0x0], $0xffff;
	v21 =	vadd.f32 v25, v21;
	v6 =	vadd.f32 v10, v6  }
0x2f2: {  	v54 =	vld.idx.msk [tilespmem:v23+s20+$0x0], $0xffff;
	v55 =	vand.u32 $0xFFFF0000, v12;
	v12 =	vshll.u32 v12, $0x10;
	v24 =	vand.u32 $0xFFFF0000, v17  }
0x2f3: {  	v23 =	vld.idx.msk [tilespmem:v23+s21+$0x0], $0xffff;
	v10 =	vor.u32 v3, v18;
	v21 =	vadd.f32 v55, v21;
	v6 =	vadd.f32 v12, v6  }
0x2f4: {  	v17 =	vshll.u32 v17, $0x10;
	v19 =	vmul.bf16 v22, v51;
	v12 =	vor.u32 v3, v14;
	v14 =	vld.idx.msk [tilespmem:v8+s20+$0x0], $0xffff  }
0x2f5: {  	v11 =	vand.u32 $0x3F, v11;
	v8 =	vld.idx.msk [tilespmem:v8+s21+$0x0], $0xffff;
	v21 =	vadd.f32 v24, v21;
	v6 =	vadd.f32 v17, v6  }
0x2f6: {  	v22 =	vand.u32 $0xFFFF0000, v19;
	v19 =	vshll.u32 v19, $0x10;
	v16 =	vmul.bf16 v16, v53;
	v17 =	vld.idx.msk [tilespmem:v9+s20+$0x0], $0xffff  }
0x2f7: {  	v13 =	vor.u32 v3, v13;
	v9 =	vld.idx.msk [tilespmem:v9+s21+$0x0], $0xffff;
	v56 =	vadd.f32 v22, v21;
	v6 =	vadd.f32 v19, v6  }
0x2f8: {  	v18 =	vmul.bf16 v23, v54;
	v57 =	vld.idx.msk [tilespmem:v10+s20+$0x0], $0xffff;
	v58 =	vand.u32 $0xFFFF0000, v16;
	v16 =	vshll.u32 v16, $0x10  }
0x2f9: {  	v11 =	vor.u32 v3, v11;
	v10 =	vld.idx.msk [tilespmem:v10+s21+$0x0], $0xffff;
	v20 =	vadd.f32 v58, v56;
	v6 =	vadd.f32 v16, v6  }
0x2fa: {  	v59 =	vand.u32 $0xFFFF0000, v18;
	v18 =	vshll.u32 v18, $0x10;
	v8 =	vmul.bf16 v8, v14;
	v16 =	vld.idx.msk [tilespmem:v12+s20+$0x0], $0xffff  }
0x2fb: {  	v60 =	vor.u32 v3, v7;
	v12 =	vld.idx.msk [tilespmem:v12+s21+$0x0], $0xffff;
	v14 =	vadd.f32 v59, v20;
	v6 =	vadd.f32 v18, v6  }
0x2fc: {  	s6 =	simm.s32 $0x1F;
	v15 =	vld.idx.msk [tilespmem:v15+s21+$0x0], $0xffff;
	v7 =	vand.u32 $0xFFFF0000, v8;
	v8 =	vshll.u32 v8, $0x10;
	v9 =	vmul.bf16 v9, v17  }
0x2fd: {  	v17 =	vadd.s32 s6, v0;
	v7 =	vadd.f32 v7, v14;
	v8 =	vadd.f32 v8, v6  }
0x2fe: {  	v10 =	vmul.bf16 v10, v57;
	v62 =	vand.u32 $0xFFFF0000, v9;
	v9 =	vshll.u32 v9, $0x10;
	v14 =	vld.idx.msk [tilespmem:v13+s20+$0x0], $0xffff  }
0x2ff: {  	v13 =	vld.idx.msk [tilespmem:v13+s21+$0x0], $0xffff;
	v6 =	vand.u32 $0x3F, v17;
	v17 =	vadd.f32 v62, v7;
	v8 =	vadd.f32 v9, v8  }
0x300: {  	v63 =	vld.idx.msk [tilespmem:v11+s20+$0x0], $0xffff;
	v12 =	vmul.bf16 v12, v16;
	v9 =	vand.u32 $0xFFFF0000, v10;
	v10 =	vshll.u32 v10, $0x10  }
0x301: {  	s10 =	simm.s32 $0x1E;
	v11 =	vld.idx.msk [tilespmem:v11+s21+$0x0], $0xffff;
	v15 =	vmul.bf16 v15, v61;
	v16 =	vadd.f32 v9, v17;
	v8 =	vadd.f32 v10, v8  }
0x302: {  	s11 =	simm.s32 $0x12;
	v18 =	vld.idx.msk [tilespmem:v60+s21+$0x0], $0xffff;
	v7 =	vadd.s32 s10, v0;
	v10 =	vand.u32 $0xFFFF0000, v12;
	v12 =	vshll.u32 v12, $0x10  }
0x303: {  	v17 =	vld.idx.msk [tilespmem:v60+s20+$0x0], $0xffff;
	v9 =	vadd.s32 s11, v0;
	v10 =	vadd.f32 v10, v16;
	v12 =	vadd.f32 v12, v8  }
0x304: {  	s16 =	simm.s32 $0x10;
	v13 =	vmul.bf16 v13, v14;
	v16 =	vand.u32 $0xFFFF0000, v15;
	v15 =	vshll.u32 v15, $0x10  }
0x305: {  	v8 =	vor.u32 s16, v5;
	v14 =	vadd.f32 v16, v10;
	v12 =	vadd.f32 v15, v12  }
0x306: {  	s25 =	simm.s32 $0x11;
	v15 =	vand.u32 $0xFFFF0000, v13;
	v13 =	vshll.u32 v13, $0x10;
	v16 =	vmul.bf16 v11, v63  }
0x307: {  	v10 =	vadd.s32 s25, v0;
	v11 =	vadd.f32 v15, v14;
	v12 =	vadd.f32 v13, v12  }
0x308: {  	s9 =	simm.s32 $0x2F;
	v14 =	vand.u32 $0xFFFF0000, v16;
	v15 =	vshll.u32 v16, $0x10;
	v13 =	vmul.bf16 v18, v17  }
.LBB2_21:
0x309: {  	p0 =	sne.s32 s9, $0x3F;
	v10 =	vand.u32 $0x3F, v10;
	v11 =	vadd.f32 v14, v11;
	v12 =	vadd.f32 v15, v12  }
0x30a: {  	v10 =	vor.u32 v3, v10;
	v14 =	vand.u32 $0xFFFF0000, v13;
	v13 =	vshll.u32 v13, $0x10  }
0x30b: {  	v9 =	vand.u32 $0x3F, v9;
	s0 =	sadd.s32 $0xFFFFFFF4, s6;
	s1 =	sadd.s32 $0xFFFFFFFE, s6;
	v11 =	vadd.f32 v14, v11;
	v12 =	vadd.f32 v13, v12  }
0x30c: {  	s10 =	sadd.s32 $0xFFFFFFFD, s6;
	v9 =	vor.u32 v3, v9;
	v13 =	vadd.s32 s0, v0;
	s0 =	sadd.s32 $0xFFFFFFFC, s6;
	v14 =	vadd.s32 s1, v0  }
0x30d: {  	s11 =	sadd.s32 $0xFFFFFFFB, s6;
	v17 =	vadd.s32 s10, v0;
	s1 =	sadd.s32 $0xFFFFFFF5, s6;
	v13 =	vand.u32 $0x3F, v13;
	v16 =	vadd.s32 s0, v0;
	v15 =	vld.idx.msk [tilespmem:v8+s20+$0x0], $0xffff  }
0x30e: {  	v19 =	vadd.s32 s11, v0;
	v18 =	vadd.s32 s1, v0;
	s0 =	sadd.s32 $0xFFFFFFF9, s6;
	s1 =	sadd.s32 $0xFFFFFFFA, s6;
	v13 =	vor.u32 v3, v13;
	v8 =	vld.idx.msk [tilespmem:v8+s21+$0x0], $0xffff  }
0x30f: {  	s10 =	sadd.s32 $0xFFFFFFF6, s6;
	s11 =	sadd.s32 $0xFFFFFFF8, s6;
	v18 =	vand.u32 $0x3F, v18;
	v21 =	vadd.s32 s0, v0;
	v22 =	vadd.s32 s1, v0;
	v20 =	vld.idx.msk [tilespmem:v10+s20+$0x0], $0xffff  }
0x310: {  	v23 =	vadd.s32 s10, v0;
	v24 =	vadd.s32 s11, v0;
	s0 =	sadd.s32 $0xFFFFFFF7, s6;
	s6 =	smov.u32 s9;
	v18 =	vor.u32 v3, v18;
	v10 =	vld.idx.msk [tilespmem:v10+s21+$0x0], $0xffff  }
0x311: {  	v7 =	vand.u32 $0x3F, v7;
	v23 =	vand.u32 $0x3F, v23;
	v26 =	vadd.s32 s0, v0;
	v25 =	vld.idx.msk [tilespmem:v9+s20+$0x0], $0xffff  }
0x312: {  	v17 =	vand.u32 $0x3F, v17;
	v14 =	vand.u32 $0x3F, v14;
	v23 =	vor.u32 v3, v23;
	v9 =	vld.idx.msk [tilespmem:v9+s21+$0x0], $0xffff  }
0x313: {  	v19 =	vand.u32 $0x3F, v19;
	v16 =	vand.u32 $0x3F, v16;
	v26 =	vand.u32 $0x3F, v26;
	v27 =	vld.idx.msk [tilespmem:v13+s20+$0x0], $0xffff  }
0x314: {  	v24 =	vand.u32 $0x3F, v24;
	v8 =	vmul.bf16 v8, v15;
	v15 =	vor.u32 v3, v26;
	v13 =	vld.idx.msk [tilespmem:v13+s21+$0x0], $0xffff  }
0x315: {  	v24 =	vor.u32 v3, v24;
	v21 =	vand.u32 $0x38, v21;
	v22 =	vand.u32 $0x3F, v22;
	v26 =	vld.idx.msk [tilespmem:v18+s20+$0x0], $0xffff  }
0x316: {  	v28 =	vand.u32 $0xFFFF0000, v8;
	v8 =	vshll.u32 v8, $0x10;
	v10 =	vmul.bf16 v10, v20;
	v18 =	vld.idx.msk [tilespmem:v18+s21+$0x0], $0xffff  }
0x317: {  	v20 =	vor.u32 v21, v4;
	v11 =	vadd.f32 v28, v11;
	v8 =	vadd.f32 v8, v12;
	v12 =	vld.idx.msk [tilespmem:v23+s20+$0x0], $0xffff  }
0x318: {  	v21 =	vand.u32 $0xFFFF0000, v10;
	v10 =	vshll.u32 v10, $0x10;
	v9 =	vmul.bf16 v9, v25;
	v23 =	vld.idx.msk [tilespmem:v23+s21+$0x0], $0xffff  }
0x319: {  	v11 =	vadd.f32 v21, v11;
	v8 =	vadd.f32 v10, v8;
	v21 =	vor.u32 v3, v22;
	v10 =	vld.idx.msk [tilespmem:v15+s20+$0x0], $0xffff  }
0x31a: {  	v22 =	vand.u32 $0xFFFF0000, v9;
	v9 =	vshll.u32 v9, $0x10;
	v13 =	vmul.bf16 v13, v27;
	v15 =	vld.idx.msk [tilespmem:v15+s21+$0x0], $0xffff  }
0x31b: {  	v19 =	vor.u32 v3, v19;
	v11 =	vadd.f32 v22, v11;
	v8 =	vadd.f32 v9, v8;
	v9 =	vld.idx.msk [tilespmem:v24+s20+$0x0], $0xffff  }
0x31c: {  	v22 =	vand.u32 $0xFFFF0000, v13;
	v13 =	vshll.u32 v13, $0x10;
	v18 =	vmul.bf16 v18, v26;
	v24 =	vld.idx.msk [tilespmem:v24+s21+$0x0], $0xffff  }
0x31d: {  	v16 =	vor.u32 v3, v16;
	v11 =	vadd.f32 v22, v11;
	v8 =	vadd.f32 v13, v8;
	v13 =	vld.idx.msk [tilespmem:v20+s20+$0x0], $0xffff  }
0x31e: {  	v22 =	vand.u32 $0xFFFF0000, v18;
	v18 =	vshll.u32 v18, $0x10;
	v12 =	vmul.bf16 v23, v12;
	v20 =	vld.idx.msk [tilespmem:v20+s21+$0x0], $0xffff  }
0x31f: {  	v17 =	vor.u32 v3, v17;
	v11 =	vadd.f32 v22, v11;
	v8 =	vadd.f32 v18, v8;
	v18 =	vld.idx.msk [tilespmem:v21+s20+$0x0], $0xffff  }
0x320: {  	v22 =	vand.u32 $0xFFFF0000, v12;
	v12 =	vshll.u32 v12, $0x10;
	v10 =	vmul.bf16 v15, v10;
	v15 =	vld.idx.msk [tilespmem:v21+s21+$0x0], $0xffff  }
0x321: {  	v14 =	vor.u32 v3, v14;
	v11 =	vadd.f32 v22, v11;
	v8 =	vadd.f32 v12, v8;
	v12 =	vld.idx.msk [tilespmem:v19+s20+$0x0], $0xffff  }
0x322: {  	v21 =	vand.u32 $0xFFFF0000, v10;
	v10 =	vshll.u32 v10, $0x10;
	v9 =	vmul.bf16 v24, v9;
	v19 =	vld.idx.msk [tilespmem:v19+s21+$0x0], $0xffff  }
0x323: {  	v7 =	vor.u32 v3, v7;
	v11 =	vadd.f32 v21, v11;
	v8 =	vadd.f32 v10, v8;
	v10 =	vld.idx.msk [tilespmem:v16+s20+$0x0], $0xffff  }
0x324: {  	v21 =	vand.u32 $0xFFFF0000, v9;
	v9 =	vshll.u32 v9, $0x10;
	v13 =	vmul.bf16 v20, v13;
	v16 =	vld.idx.msk [tilespmem:v16+s21+$0x0], $0xffff  }
0x325: {  	v20 =	vor.u32 v3, v6;
	v11 =	vadd.f32 v21, v11;
	v8 =	vadd.f32 v9, v8;
	v9 =	vld.idx.msk [tilespmem:v17+s20+$0x0], $0xffff  }
0x326: {  	v6 =	vand.u32 $0xFFFF0000, v13;
	v13 =	vshll.u32 v13, $0x10;
	v15 =	vmul.bf16 v15, v18;
	v17 =	vld.idx.msk [tilespmem:v17+s21+$0x0], $0xffff  }
0x327: {  	v18 =	vadd.s32 s9, v0;
	v11 =	vadd.f32 v6, v11;
	v8 =	vadd.f32 v13, v8;
	v13 =	vld.idx.msk [tilespmem:v14+s20+$0x0], $0xffff  }
0x328: {  	v21 =	vand.u32 $0xFFFF0000, v15;
	v15 =	vshll.u32 v15, $0x10;
	v12 =	vmul.bf16 v19, v12;
	v14 =	vld.idx.msk [tilespmem:v14+s21+$0x0], $0xffff  }
0x329: {  	v6 =	vand.u32 $0x3F, v18;
	v11 =	vadd.f32 v21, v11;
	v8 =	vadd.f32 v15, v8;
	v15 =	vld.idx.msk [tilespmem:v7+s20+$0x0], $0xffff  }
0x32a: {  	s0 =	sadd.s32 $0xFFFFFFFF, s9;
	v18 =	vand.u32 $0xFFFF0000, v12;
	v12 =	vshll.u32 v12, $0x10;
	v10 =	vmul.bf16 v16, v10;
	v16 =	vld.idx.msk [tilespmem:v7+s21+$0x0], $0xffff  }
0x32b: {  	v7 =	vadd.s32 s0, v0;
	v11 =	vadd.f32 v18, v11;
	v8 =	vadd.f32 v12, v8;
	v18 =	vld.idx.msk [tilespmem:v20+s20+$0x0], $0xffff  }
0x32c: {  	s0 =	sadd.s32 $0xFFFFFFF3, s9;
	v12 =	vand.u32 $0xFFFF0000, v10;
	v10 =	vshll.u32 v10, $0x10;
	v17 =	vmul.bf16 v17, v9;
	v19 =	vld.idx.msk [tilespmem:v20+s21+$0x0], $0xffff  }
0x32d: {  	v9 =	vadd.s32 s0, v0;
	v11 =	vadd.f32 v12, v11;
	v10 =	vadd.f32 v10, v8  }
.Ltmp9:
0x32e: {  	s0 =	sadd.s32 $0xFFFFFFF1, s9;
	v12 =	vand.u32 $0xFFFF0000, v17;
	v17 =	vshll.u32 v17, $0x10;
	v13 =	vmul.bf16 v14, v13;
	(pc) =	sbr.rel @p0 .LBB2_21-.Ltmp9, $4  }
0x32f: {  	v8 =	vor.u32 s0, v5;
	v11 =	vadd.f32 v12, v11;
	v12 =	vadd.f32 v17, v10  }
0x330: {  	s0 =	sadd.s32 $0xFFFFFFF2, s9;
	v14 =	vand.u32 $0xFFFF0000, v13;
	v13 =	vshll.u32 v13, $0x10;
	v15 =	vmul.bf16 v16, v15  }
0x331: {  	v10 =	vadd.s32 s0, v0;
	v11 =	vadd.f32 v14, v11;
	v12 =	vadd.f32 v13, v12  }
0x332: {  	s9 =	sadd.s32 $0x10, s9;
	v14 =	vand.u32 $0xFFFF0000, v15;
	v15 =	vshll.u32 v15, $0x10;
	v13 =	vmul.bf16 v19, v18  }
0x333: {  	v5 =	vand.u32 $0x3F, v10;
	v57 =	vadd.f32 v14, v11  }
0x334: {  	v58 =	vadd.f32 v15, v12;
	v9 =	vand.u32 $0x3F, v9;
	v7 =	vand.u32 $0x3F, v7  }
0x335: {  	s0 =	sadd.s32 $0xFFFFFFF4, s6;
	s1 =	sadd.s32 $0xFFFFFFFE, s6;
	v5 =	vor.u32 v3, v5;
	v59 =	vand.u32 $0xFFFF0000, v13;
	v60 =	vshll.u32 v13, $0x10  }
0x336: {  	s11 =	sadd.s32 $0xFFFFFFFC, s6;
	s9 =	sadd.s32 $0xFFFFFFFD, s6;
	s16 =	sadd.s32 $0xFFFFFFF5, s6;
	v9 =	vor.u32 v3, v9;
	v61 =	vadd.s32 s0, v0;
	v62 =	vadd.s32 s1, v0  }
0x337: {  	s25 =	sadd.s32 $0xFFFFFFFB, s6;
	s10 =	sadd.s32 $0xFFFFFFFA, s6;
	v63 =	vadd.s32 s11, v0;
	v16 =	vadd.s32 s9, v0;
	v17 =	vadd.s32 s16, v0  }
0x338: {  	v28 =	vld.idx.msk [tilespmem:v8+s20+$0x0], $0xffff;
	v18 =	vadd.s32 s25, v0;
	v21 =	vadd.s32 s10, v0;
	v12 =	vand.u32 $0x3F, v61  }
0x339: {  	v29 =	vld.idx.msk [tilespmem:v8+s21+$0x0], $0xffff;
	s9 =	sadd.s32 $0xFFFFFFF9, s6;
	s11 =	sadd.s32 $0xFFFFFFF6, s6;
	v10 =	vadd.f32 v59, v57;
	v11 =	vadd.f32 v60, v58;
	v12 =	vor.u32 v3, v12  }
0x33a: {  	s16 =	sadd.s32 $0xFFFFFFF8, s6;
	s25 =	sadd.s32 $0xFFFFFFF7, s6;
	v17 =	vand.u32 $0x3F, v17;
	v19 =	vadd.s32 s9, v0;
	v22 =	vadd.s32 s11, v0;
	v20 =	vld.idx.msk [tilespmem:v5+s20+$0x0], $0xffff  }
0x33b: {  	v23 =	vadd.s32 s16, v0;
	v24 =	vadd.s32 s25, v0;
	v17 =	vor.u32 v3, v17;
	v5 =	vld.idx.msk [tilespmem:v5+s21+$0x0], $0xffff  }
0x33c: {  	v16 =	vand.u32 $0x3F, v16;
	v13 =	vand.u32 $0x3F, v62;
	v22 =	vand.u32 $0x3F, v22;
	v25 =	vld.idx.msk [tilespmem:v9+s20+$0x0], $0xffff  }
0x33d: {  	v18 =	vand.u32 $0x3F, v18;
	v14 =	vand.u32 $0x3F, v63;
	v22 =	vor.u32 v3, v22;
	v9 =	vld.idx.msk [tilespmem:v9+s21+$0x0], $0xffff  }
0x33e: {  	v33 =	vand.u32 $0x3F, v21;
	v24 =	vand.u32 $0x3F, v24;
	v8 =	vmul.bf16 v29, v28;
	v26 =	vld.idx.msk [tilespmem:v12+s20+$0x0], $0xffff  }
0x33f: {  	v30 =	vand.u32 $0x3F, v23;
	v19 =	vand.u32 $0x38, v19;
	v31 =	vor.u32 v3, v24;
	v12 =	vld.idx.msk [tilespmem:v12+s21+$0x0], $0xffff  }
0x340: {  	v27 =	vand.u32 $0xFFFF0000, v8;
	v8 =	vshll.u32 v8, $0x10;
	v32 =	vld.idx.msk [tilespmem:v17+s20+$0x0], $0xffff;
	v5 =	vmul.bf16 v5, v20  }
0x341: {  	v15 =	vor.u32 v3, v30;
	v17 =	vld.idx.msk [tilespmem:v17+s21+$0x0], $0xffff;
	v10 =	vadd.f32 v27, v10;
	v8 =	vadd.f32 v8, v11  }
0x342: {  	v34 =	vld.idx.msk [tilespmem:v22+s20+$0x0], $0xffff;
	v9 =	vmul.bf16 v9, v25;
	v35 =	vand.u32 $0xFFFF0000, v5;
	v5 =	vshll.u32 v5, $0x10  }
0x343: {  	v4 =	vor.u32 v19, v4;
	v36 =	vld.idx.msk [tilespmem:v22+s21+$0x0], $0xffff;
	v10 =	vadd.f32 v35, v10;
	v5 =	vadd.f32 v5, v8  }
0x344: {  	v37 =	vld.idx.msk [tilespmem:v31+s20+$0x0], $0xffff;
	v38 =	vand.u32 $0xFFFF0000, v9;
	v9 =	vshll.u32 v9, $0x10;
	v12 =	vmul.bf16 v12, v26  }
0x345: {  	v39 =	vld.idx.msk [tilespmem:v31+s21+$0x0], $0xffff;
	v20 =	vor.u32 v3, v33;
	v10 =	vadd.f32 v38, v10;
	v5 =	vadd.f32 v9, v5  }
0x346: {  	v40 =	vld.idx.msk [tilespmem:v15+s20+$0x0], $0xffff;
	v17 =	vmul.bf16 v17, v32;
	v41 =	vand.u32 $0xFFFF0000, v12;
	v12 =	vshll.u32 v12, $0x10  }
0x347: {  	v18 =	vor.u32 v3, v18;
	v15 =	vld.idx.msk [tilespmem:v15+s21+$0x0], $0xffff;
	v10 =	vadd.f32 v41, v10;
	v5 =	vadd.f32 v12, v5  }
0x348: {  	v42 =	vld.idx.msk [tilespmem:v4+s20+$0x0], $0xffff;
	v11 =	vmul.bf16 v36, v34;
	v43 =	vand.u32 $0xFFFF0000, v17;
	v17 =	vshll.u32 v17, $0x10  }
0x349: {  	v14 =	vor.u32 v3, v14;
	v4 =	vld.idx.msk [tilespmem:v4+s21+$0x0], $0xffff;
	v10 =	vadd.f32 v43, v10;
	v5 =	vadd.f32 v17, v5  }
0x34a: {  	v8 =	vmul.bf16 v39, v37;
	v44 =	vld.idx.msk [tilespmem:v20+s20+$0x0], $0xffff;
	v19 =	vand.u32 $0xFFFF0000, v11;
	v11 =	vshll.u32 v11, $0x10  }
0x34b: {  	v16 =	vor.u32 v3, v16;
	v20 =	vld.idx.msk [tilespmem:v20+s21+$0x0], $0xffff;
	v10 =	vadd.f32 v19, v10;
	v5 =	vadd.f32 v11, v5  }
0x34c: {  	v45 =	vld.idx.msk [tilespmem:v18+s20+$0x0], $0xffff;
	v46 =	vand.u32 $0xFFFF0000, v8;
	v8 =	vshll.u32 v8, $0x10;
	v9 =	vmul.bf16 v15, v40  }
0x34d: {  	v13 =	vor.u32 v3, v13;
	v47 =	vld.idx.msk [tilespmem:v18+s21+$0x0], $0xffff;
	v10 =	vadd.f32 v46, v10;
	v5 =	vadd.f32 v8, v5  }
0x34e: {  	v48 =	vld.idx.msk [tilespmem:v14+s20+$0x0], $0xffff;
	v4 =	vmul.bf16 v4, v42;
	v49 =	vand.u32 $0xFFFF0000, v9;
	v9 =	vshll.u32 v9, $0x10  }
0x34f: {  	v7 =	vor.u32 v3, v7;
	v50 =	vld.idx.msk [tilespmem:v14+s21+$0x0], $0xffff;
	v10 =	vadd.f32 v49, v10;
	v5 =	vadd.f32 v9, v5  }
0x350: {  	v51 =	vld.idx.msk [tilespmem:v16+s20+$0x0], $0xffff;
	v52 =	vand.u32 $0xFFFF0000, v4;
	v4 =	vshll.u32 v4, $0x10;
	v17 =	vmul.bf16 v20, v44  }
0x351: {  	v53 =	vld.idx.msk [tilespmem:v16+s21+$0x0], $0xffff;
	v3 =	vor.u32 v3, v6;
	v10 =	vadd.f32 v52, v10;
	v4 =	vadd.f32 v4, v5  }
0x352: {  	v54 =	vld.idx.msk [tilespmem:v13+s20+$0x0], $0xffff;
	v11 =	vmul.bf16 v47, v45;
	v55 =	vand.u32 $0xFFFF0000, v17;
	v56 =	vshll.u32 v17, $0x10  }
0x353: {  	v13 =	vld.idx.msk [tilespmem:v13+s21+$0x0], $0xffff;
	v10 =	vadd.f32 v55, v10;
	v4 =	vadd.f32 v56, v4  }
0x354: {  	v57 =	vld.idx.msk [tilespmem:v7+s20+$0x0], $0xffff;
	v15 =	vand.u32 $0xFFFF0000, v11;
	v11 =	vshll.u32 v11, $0x10;
	v8 =	vmul.bf16 v50, v48  }
0x355: {  	v7 =	vld.idx.msk [tilespmem:v7+s21+$0x0], $0xffff;
	v10 =	vadd.f32 v15, v10;
	v4 =	vadd.f32 v11, v4  }
0x356: {  	v6 =	vmul.bf16 v53, v51;
	v58 =	vld.idx.msk [tilespmem:v3+s20+$0x0], $0xffff;
	v12 =	vand.u32 $0xFFFF0000, v8;
	v8 =	vshll.u32 v8, $0x10  }
0x357: {  	v3 =	vld.idx.msk [tilespmem:v3+s21+$0x0], $0xffff;
	v59 =	vadd.f32 v12, v10;
	v4 =	vadd.f32 v8, v4  }
0x358: {  	v60 =	vand.u32 $0xFFFF0000, v6;
	v6 =	vshll.u32 v6, $0x10;
	v5 =	vmul.bf16 v13, v54  }
0x359: {  	v8 =	vadd.f32 v60, v59;
	v4 =	vadd.f32 v6, v4  }
0x35a: {  	v7 =	vmul.bf16 v7, v57;
	v61 =	vand.u32 $0xFFFF0000, v5;
	v5 =	vshll.u32 v5, $0x10  }
0x35b: {  	v6 =	vadd.f32 v61, v8;
	v4 =	vadd.f32 v5, v4  }
0x35c: {  	v62 =	vand.u32 $0xFFFF0000, v7;
	v7 =	vshll.u32 v7, $0x10;
	v3 =	vmul.bf16 v3, v58  }
0x35d: {  	v5 =	vadd.f32 v62, v6;
	v4 =	vadd.f32 v7, v4  }
0x35e: {  	v63 =	vand.u32 $0xFFFF0000, v3;
	v3 =	vshll.u32 v3, $0x10  }
0x35f: {  	v5 =	vadd.f32 v63, v5;
	v3 =	vadd.f32 v3, v4;
	_ =	sdelay $0x1  }
0x360: {  	v3 =	vadd.f32 v3, v5;
	_ =	sdelay $0x1  }
0x361: {  	v3 =	vsub.f32 $0.0e+00, v3;
	_ =	sdelay $0x1  }
0x362: {  	v3 =	vmul.f32 $1.442695020e+00, v3;
	_ =	sdelay $0x1  }
0x363: {  	(erf) = vpow2.f32 v3;
	_ =	sdelay $0x8  }
0x364: {  	v3 =	vpop (erf)  }
0x365: {  	v3 =	vadd.f32 $1.000000000e+00, v3;
	_ =	sdelay $0x1  }
0x366: {  	(erf) = vrcp.f32 v3;
	_ =	sdelay $0x3  }
0x367: {  	s12 =	sadd.s32 $0x1, s12  }
0x368: {  	p0 =	sne.s32 s12, $0x5  }
.Ltmp10:
0x369: {  	_ = 	snop;
	(pc) =	sbr.rel @p0 .LBB2_20-.Ltmp10, $3  }
0x36a: {  	_ =	sdelay $0x1  }
0x36b: {  	v3 =	vpop (erf)  }
0x36c: {  	[tilespmem:s13+$0x18A60] =	vst v3  }
0x36d: {  	s0 =	rddreg [dreg:$0xc];
	s1 =	simm.s32 $0x18A60;
	s11 =	simm.s32 $0xA  }
0x36e: {  	[hbm4b:s0+s4] =	stream.linear.scatter [tilespmem:s1], [sflag:$0x9], $0x50, $0x38;
	[tilespmem:$0x18BA0] =	vst v63  }
0x36f: {  	_ =	swait.ge [sflag:s11], $0x50  }
0x370: {  	[sflag:s11] =	ssyncset.done $0x0  }
0x371: {  	s12 =	simm.s32 $0xB;
	[sflag:s11] =	ssyncadd.s32 $0xFFFFFFB0  }
0x372: {  	_ =	swait.ge [sflag:s12], $0x50  }
0x373: {  	[sflag:s12] =	ssyncset.done $0x0  }
0x374: {  	s13 =	simm.s32 $0xC;
	[sflag:s12] =	ssyncadd.s32 $0xFFFFFFB0  }
0x375: {  	_ =	swait.ge [sflag:s13], $0x50  }
0x376: {  	[sflag:s13] =	ssyncset.done $0x0  }
0x377: {  	[sflag:s13] =	ssyncadd.s32 $0xFFFFFFB0  }
0x378: {  	_ =	swait.ge [sflag:s15], $0x50  }
0x379: {  	s16 =	rddreg [dreg:$0xf]  }
0x37a: {  	s25 =	rddreg [dreg:$0xd];
	s1 =	sadd.s32 $0x1, s16  }
0x37b: {  	p0 =	sne.s32 s1, s25  }
.Ltmp11:
0x37c: {  	_ = 	snop;
	(pc) =	sbr.rel @p0 .LBB2_1-.Ltmp11, $3  }
0x37d: {  	_ =	sdelay $0x1  }
0x37e: {  	[sflag:s15] =	ssyncset.done $0x0  }
0x37f: {  	[sflag:s15] =	ssyncadd.s32 $0xFFFFFFB0  }
0x380: {  	_ =	sfence.sel $0x180000  }
0x381: {  	[bflag:$0x0] =	sbarrier.arrive $0xFFFF  }
0x382: {  	_ =	strace $0x90000047  }
0x383: {  	s0 =	stileid.u32;
	[bflag:$0x2] =	sbarrier.arrive $0xFFFF  }
0x384: {  	p0 =	sne.s32 s0, $0x0;
	s0 =	rddreg [dreg:$0x5]  }
0x385: {  	s0 =	sadd.s32 @!p0 $0x100000, s0  }
0x386: {  	[sflag:s0] =	ssyncadd.tile.s32 @!p0 $0x1;
	_ =	shalt  }
.Lfunc_end2:
_tile_overlayer_lowered:
.L_overlay_start_2:
0x387: {  	(tag) =	ssettag $0x2  }
0x388: {  	s0 =	rddreg [dreg:$0x0];
	s2 =	stileid.u32  }
0x389: {  	s1 =	rddreg [dreg:$0x1];
	p0 =	sne.s32 s2, $0x0  }
0x38a: {  	s3 =	rddreg [dreg:$0x2];
	[bflag:$0x3] =	sbarrier.arrive $0xFFFF;
	s2 =	simm.s32 @!p0 $0x1C0D  }
0x38b: {  	[timem:s3], [sflag:s2] =	dma.local @!p0 [hbm:s0], s1  }
0x38c: {  	s0 =	simm.s32 @!p0 $0xD  }
0x38d: {  	_ =	swait.ge @!p0 [sflag:s0], s1  }
0x38e: {  	s1 =	ssub.s32 @!p0 $0x0, s1;
	[sflag:s0] =	ssyncset.done @!p0 $0x0  }
0x38f: {  	[sflag:s0] =	ssyncadd.s32 @!p0 s1  }
0x390: {  	[bflag:$0x3] =	sbarrier.arrive $0xFFFF  }
0x391: {  	_ =	shalt  }

</sc_bundles>
